<compile_context>
chip_gen: v7x
topology: tpu7x:2x2x1
jax: 0.10.2.dev20260603
libtpu: 0.0.44.dev20260713+nightly
codegen_flags: <defaults>
</compile_context>

<pallas_src>
import jax
import jax.numpy as jnp
from jax import lax
from jax.experimental import pallas as pl
from jax.experimental.pallas import tpu as pltpu
from jax.experimental.pallas import tpu_sc as plsc

_QB = 256
_C = 512
_L = 16
_QTC = 1792


def _nn_body(q_ref, pt_ref, out_ref):
    P = pt_ref.shape[2]
    n_chunks = P // _C
    q = q_ref[0]
    qbm2 = q.astype(jnp.bfloat16) * jnp.bfloat16(-2.0)
    q0 = q[:, 0:1]
    q1 = q[:, 1:2]
    q2 = q[:, 2:3]
    qq = q0 * q0 + q1 * q1 + q2 * q2

    def chunk_key(c):
        pt = pt_ref[0, :, pl.ds(c * _C, _C)]
        qp2 = lax.dot_general(
            qbm2, pt.astype(jnp.bfloat16),
            dimension_numbers=(((1,), (0,)), ((), ())),
            preferred_element_type=jnp.float32)
        px = pt[0:1, :]
        py = pt[1:2, :]
        pz = pt[2:3, :]
        pp = px * px + py * py + pz * pz
        return (qq + qp2) + pp

    nodes = [(chunk_key(c), c) for c in range(n_chunks)]
    while len(nodes) > 1:
        nxt = []
        for j in range(0, len(nodes), 2):
            (ka, ia), (kb, ib) = nodes[j], nodes[j + 1]
            lt = kb < ka
            k = jnp.where(lt, kb, ka)
            i = jnp.where(lt, ib, ia)
            nxt.append((k, i))
        nodes = nxt
    best, bidx = nodes[0]

    m = jnp.min(best, axis=1, keepdims=True)
    lane = lax.broadcasted_iota(jnp.int32, (_QB, _C), 1)
    full = bidx * _C + lane
    idx = jnp.min(jnp.where(best == m, full, P), axis=1)
    out_ref[0, 0, :] = idx


def _tc_nn(queries, pt):
    B, Q, _ = queries.shape
    P = pt.shape[2]
    nq = Q // _QB
    out = pl.pallas_call(
        _nn_body,
        grid=(B, nq),
        in_specs=[
            pl.BlockSpec((1, _QB, 3), lambda b, i: (b, i, 0)),
            pl.BlockSpec((1, 3, P), lambda b, i: (b, 0, 0)),
        ],
        out_specs=pl.BlockSpec((1, 1, _QB), lambda b, i: (b * nq + i, 0, 0)),
        out_shape=jax.ShapeDtypeStruct((B * nq, 1, _QB), jnp.int32),
    )(queries, pt)
    return out.reshape(B, Q)


def _make_sc_nn(qpw):
    def _sc_nn(qt_hbm, qtb_hbm, ptb_hbm, pp_hbm, best_hbm, bidx_hbm,
               q_v, qb_v, p_v, pp_v, best_v, bidx_v):
        c = lax.axis_index("c")
        s = lax.axis_index("s")
        wid = s * 2 + c
        b = wid // 4
        quarter = wid % 4
        P = ptb_hbm.shape[2]
        n_vregs = P // _L

        Qsc = qt_hbm.shape[1] // 3
        for d in range(3):
            pltpu.sync_copy(
                qt_hbm.at[b, pl.ds(d * Qsc + quarter * qpw, qpw)],
                q_v.at[pl.ds(d * qpw, qpw)])
            pltpu.sync_copy(
                qtb_hbm.at[b, pl.ds(d * Qsc + quarter * qpw, qpw)],
                qb_v.at[pl.ds(d * qpw, qpw)])
        pltpu.sync_copy(ptb_hbm.at[b], p_v)
        pltpu.sync_copy(pp_hbm.at[b], pp_v)

        def group_body(g, _):
            gq0 = q_v[pl.ds(0 * qpw + g * _L, _L)]
            gq1 = q_v[pl.ds(1 * qpw + g * _L, _L)]
            gq2 = q_v[pl.ds(2 * qpw + g * _L, _L)]
            qqv = (gq0 * gq0 + gq1 * gq1) + gq2 * gq2
            gb0 = qb_v[pl.ds(0 * qpw + g * _L, _L)]
            gb1 = qb_v[pl.ds(1 * qpw + g * _L, _L)]
            gb2 = qb_v[pl.ds(2 * qpw + g * _L, _L)]

            for j in range(_L):
                b0 = gb0[j]
                b1 = gb1[j]
                b2 = gb2[j]
                qq = qqv[j]

                def point_body(i, carry):
                    best, bidx = carry
                    px = p_v[0, pl.ds(i * _L, _L)]
                    py = p_v[1, pl.ds(i * _L, _L)]
                    pz = p_v[2, pl.ds(i * _L, _L)]
                    pp = pp_v[0, pl.ds(i * _L, _L)]
                    t = (b0 * px + b1 * py) + b2 * pz
                    key = (qq - (t + t)) + pp
                    lt = key < best
                    return (jnp.where(lt, key, best),
                            jnp.where(lt, jnp.full((_L,), i, jnp.int32), bidx))

                best0 = jnp.full((_L,), jnp.inf, jnp.float32)
                bidx0 = jnp.zeros((_L,), jnp.int32)
                best, bidx = lax.fori_loop(0, n_vregs, point_body,
                                           (best0, bidx0), unroll=4)
                best_v[pl.ds((g * _L + j) * _L, _L)] = best
                bidx_v[pl.ds((g * _L + j) * _L, _L)] = bidx
            return 0

        lax.fori_loop(0, qpw // _L, group_body, 0)
        pltpu.sync_copy(best_v, best_hbm.at[b, pl.ds(quarter * qpw * _L, qpw * _L)])
        pltpu.sync_copy(bidx_v, bidx_hbm.at[b, pl.ds(quarter * qpw * _L, qpw * _L)])

    return _sc_nn


def _finish_body(best_ref, bidx_ref, out_ref):
    best = best_ref[0]
    bidx = bidx_ref[0]
    P = 8192
    m = jnp.min(best, axis=0, keepdims=True)
    lane = lax.broadcasted_iota(jnp.int32, (16, best.shape[1]), 0)
    full = bidx * _L + lane
    idx = jnp.min(jnp.where(best == m, full, P), axis=0)
    out_ref[0, 0, :] = idx


def _sc_nn_call(qt, qtb, ptb, pp):
    B = qt.shape[0]
    Qsc = qt.shape[2]
    P = ptb.shape[2]
    qpw = Qsc // 4
    mesh = plsc.VectorSubcoreMesh(core_axis_name="c", subcore_axis_name="s")
    f = pl.kernel(
        _make_sc_nn(qpw),
        mesh=mesh,
        out_type=(
            jax.ShapeDtypeStruct((B, Qsc * _L), jnp.float32),
            jax.ShapeDtypeStruct((B, Qsc * _L), jnp.int32),
        ),
        scratch_types=[
            pltpu.VMEM((3 * qpw,), jnp.float32),
            pltpu.VMEM((3 * qpw,), jnp.float32),
            pltpu.VMEM((3, P), jnp.float32),
            pltpu.VMEM((1, P), jnp.float32),
            pltpu.VMEM((qpw * _L,), jnp.float32),
            pltpu.VMEM((qpw * _L,), jnp.int32),
        ],
    )
    best, bidx = f(qt.reshape(B, -1), qtb.reshape(B, -1), ptb, pp)
    best_t = best.reshape(B, Qsc, _L).transpose(0, 2, 1)
    bidx_t = bidx.reshape(B, Qsc, _L).transpose(0, 2, 1)
    qb = min(Qsc, 512)
    nq = Qsc // qb
    out = pl.pallas_call(
        _finish_body,
        grid=(B, nq),
        in_specs=[
            pl.BlockSpec((1, _L, qb), lambda b, i: (b, 0, i)),
            pl.BlockSpec((1, _L, qb), lambda b, i: (b, 0, i)),
        ],
        out_specs=pl.BlockSpec((1, 1, qb), lambda b, i: (b * nq + i, 0, 0)),
        out_shape=jax.ShapeDtypeStruct((B * nq, 1, qb), jnp.int32),
    )(best_t, bidx_t)
    return out.reshape(B, Qsc)


def kernel(queries, points):
    B, Q, _ = queries.shape
    P = points.shape[1]
    pt = points.transpose(0, 2, 1)

    q_sc = queries[:, _QTC:, :]
    qt = q_sc.transpose(0, 2, 1)
    qtb = lax.reduce_precision(qt, 8, 7)
    ptb = lax.reduce_precision(pt, 8, 7)
    pp = jnp.sum(points * points, axis=-1)[:, None, :]

    out_sc = _sc_nn_call(qt, qtb, ptb, pp)
    out_tc = _tc_nn(queries[:, :_QTC, :], pt)
    out = jnp.concatenate([out_tc, out_sc], axis=1)
    return out.astype(jnp.int64)

# --- scband reference (transcript-rebuilt; emitter-appended) ---
"""Pipeline reference for scband-nearest-neighbor-867583394193 (READ-ONLY COPY).

The authoritative reference and input builder live on the scoring server;
editing this copy changes nothing except your own understanding.
"""

import jax, jax.numpy as jnp
import numpy as np


def setup_inputs(seed: int = 0) -> dict:
    key = jax.random.key(seed)
    kq, kp = jax.random.split(key)
    queries = jax.random.normal(kq, (8, 2048, 3), dtype=jnp.float32)
    points = jax.random.normal(kp, (8, 8192, 3), dtype=jnp.float32)
    return {"queries": queries, "points": points}


def reference(queries, points):
    # queries: [B, Q, 3], points: [B, P, 3]
    # Brute-force nearest neighbor: argmin over squared euclidean distance.
    # ||q - p||^2 = ||q||^2 - 2 q.p + ||p||^2
    qq = jnp.sum(queries * queries, axis=-1, keepdims=True)      # [B, Q, 1]
    pp = jnp.sum(points * points, axis=-1)[:, None, :]            # [B, 1, P]
    qp = jnp.einsum('bqd,bpd->bqp', queries, points)              # [B, Q, P]
    d2 = qq - 2.0 * qp + pp                                       # [B, Q, P]
    idx = jnp.argmin(d2, axis=-1)                                 # [B, Q]
    return idx.astype(jnp.int64)

if __name__ == "__main__":
    import jax
    _d = setup_inputs()
    print(jax.jit(kernel)(*tuple(_d.values())))

</pallas_src>

<mosaic_0001>
#map = affine_map<(d0, d1) -> (0, 0)>
#map1 = affine_map<(d0, d1) -> (0, 0, 0)>
module attributes {stable_mosaic.version = 14 : i64} {
  func.func @_sc_nn(%arg0: i32, %arg1: i32, %arg2: memref<8x768xf32, #tpu.memory_space<hbm>>, %arg3: memref<8x768xf32, #tpu.memory_space<hbm>>, %arg4: memref<8x3x8192xf32, #tpu.memory_space<hbm>>, %arg5: memref<8x1x8192xf32, #tpu.memory_space<hbm>>, %arg6: memref<8x4096xf32, #tpu.memory_space<hbm>>, %arg7: memref<8x4096xi32, #tpu.memory_space<hbm>>, %arg8: memref<192xf32, #tpu.memory_space<vmem>>, %arg9: memref<192xf32, #tpu.memory_space<vmem>>, %arg10: memref<3x8192xf32, #tpu.memory_space<vmem>>, %arg11: memref<1x8192xf32, #tpu.memory_space<vmem>>, %arg12: memref<1024xf32, #tpu.memory_space<vmem>>, %arg13: memref<1024xi32, #tpu.memory_space<vmem>>) attributes {dimension_semantics = [#tpu.dimension_semantics<core_parallel>, #tpu.dimension_semantics<subcore_parallel>], iteration_bounds = array<i64: 2, 16>, scalar_prefetch = 0 : i64, scratch_operands = 6 : i64, tpu.core_type = #tpu.core_type<sc_vector_subcore>, window_params = [{transform_indices = #map}, {transform_indices = #map}, {transform_indices = #map1}, {transform_indices = #map1}, {transform_indices = #map}, {transform_indices = #map}]} {
    %mul3A = arith.constant 2 : i32
    %mul3A_0 = arith.muli %arg1, %mul3A : i32
    %add3A = arith.addi %mul3A_0, %arg0 : i32
    %jit3A = arith.constant 4 : i32
    %div3A = arith.divsi %add3A, %jit3A : i32
    %sign3A = arith.constant 0 : i32
    %sign3A_1 = arith.cmpi sgt, %add3A, %sign3A : i32
    %sign3A_2 = arith.extui %sign3A_1 : i1 to i32
    %sign3A_3 = arith.constant 0 : i32
    %sign3A_4 = arith.cmpi slt, %add3A, %sign3A_3 : i32
    %sign3A_5 = arith.extui %sign3A_4 : i1 to i32
    %sign3A_6 = arith.subi %sign3A_2, %sign3A_5 : i32
    %sign3A_7 = arith.constant 0 : i32
    %sign3A_8 = arith.cmpi sgt, %jit3A, %sign3A_7 : i32
    %sign3A_9 = arith.extui %sign3A_8 : i1 to i32
    %sign3A_10 = arith.constant 0 : i32
    %sign3A_11 = arith.cmpi slt, %jit3A, %sign3A_10 : i32
    %sign3A_12 = arith.extui %sign3A_11 : i1 to i32
    %sign3A_13 = arith.subi %sign3A_9, %sign3A_12 : i32
    %ne3A = arith.cmpi ne, %sign3A_6, %sign3A_13 : i32
    %rem3A = arith.remsi %add3A, %jit3A : i32
    %ne3A_14 = arith.constant 0 : i32
    %ne3A_15 = arith.cmpi ne, %rem3A, %ne3A_14 : i32
    %and3A = arith.andi %ne3A, %ne3A_15 : i1
    %sub3A = arith.constant 1 : i32
    %sub3A_16 = arith.subi %div3A, %sub3A : i32
    %select_n3A = arith.select %and3A, %sub3A_16, %div3A : i32
    %jit3A_17 = arith.constant 4 : i32
    %eq3A = arith.constant 0 : i32
    %eq3A_18 = arith.cmpi eq, %jit3A_17, %eq3A : i32
    %jit3A_19 = arith.constant 1 : i32
    %select_n3A_20 = arith.select %eq3A_18, %jit3A_19, %jit3A_17 : i32
    %rem3A_21 = arith.remsi %add3A, %select_n3A_20 : i32
    %ne3A_22 = arith.constant 0 : i32
    %ne3A_23 = arith.cmpi ne, %rem3A_21, %ne3A_22 : i32
    %lt3A = arith.constant 0 : i32
    %lt3A_24 = arith.cmpi slt, %rem3A_21, %lt3A : i32
    %lt3A_25 = arith.constant 0 : i32
    %lt3A_26 = arith.cmpi slt, %select_n3A_20, %lt3A_25 : i32
    %ne3A_27 = arith.xori %lt3A_24, %lt3A_26 : i1
    %and3A_28 = arith.andi %ne3A_27, %ne3A_23 : i1
    %add3A_29 = arith.addi %rem3A_21, %select_n3A_20 : i32
    %select_n3A_30 = arith.select %and3A_28, %add3A_29, %rem3A_21 : i32
    %mul3A_31 = arith.constant 64 : i32
    %mul3A_32 = arith.muli %select_n3A_30, %mul3A_31 : i32
    %add3A_33 = arith.constant 0 : i32
    %add3A_34 = arith.addi %add3A_33, %mul3A_32 : i32
    "tpu.region"() ({
      %run_scoped3A = tpu.sem_alloc : memref<!tpu.dma_semaphore, #tpu.memory_space<semaphore_mem>>
      %dma_start3A = arith.constant 0 : i32
      %dma_start3A_69 = tpu.memref_slice %arg8[%dma_start3A] : memref<192xf32, #tpu.memory_space<vmem>> -> memref<64xf32, #tpu.memory_space<vmem>>
      %dma_start3A_70 = tpu.memref_slice %arg2[%select_n3A, %add3A_34] : memref<8x768xf32, #tpu.memory_space<hbm>> -> memref<1x64xf32, #tpu.memory_space<hbm>>
      %dma_start3A_71 = tpu.memref_squeeze %dma_start3A_70 : memref<1x64xf32, #tpu.memory_space<hbm>> -> memref<64xf32, #tpu.memory_space<hbm>>
      %dma_start3A_72 = arith.constant 0 : i32
      %dma_start3A_73 = tpu.memref_slice %arg8[%dma_start3A_72] : memref<192xf32, #tpu.memory_space<vmem>> -> memref<64xf32, #tpu.memory_space<vmem>>
      %dma_start3A_74 = tpu.memref_slice %arg2[%select_n3A, %add3A_34] : memref<8x768xf32, #tpu.memory_space<hbm>> -> memref<1x64xf32, #tpu.memory_space<hbm>>
      %dma_start3A_75 = tpu.memref_squeeze %dma_start3A_74 : memref<1x64xf32, #tpu.memory_space<hbm>> -> memref<64xf32, #tpu.memory_space<hbm>>
      tpu.enqueue_dma source(%dma_start3A_75 : memref<64xf32, #tpu.memory_space<hbm>>) target(%dma_start3A_73 : memref<64xf32, #tpu.memory_space<vmem>>) target_semaphore(%run_scoped3A : memref<!tpu.dma_semaphore, #tpu.memory_space<semaphore_mem>>)
      %dma_wait3A = arith.constant 0 : i32
      %dma_wait3A_76 = tpu.memref_slice %arg8[%dma_wait3A] : memref<192xf32, #tpu.memory_space<vmem>> -> memref<64xf32, #tpu.memory_space<vmem>>
      %dma_wait3A_77 = tpu.memref_slice %arg2[%select_n3A, %add3A_34] : memref<8x768xf32, #tpu.memory_space<hbm>> -> memref<1x64xf32, #tpu.memory_space<hbm>>
      %dma_wait3A_78 = tpu.memref_squeeze %dma_wait3A_77 : memref<1x64xf32, #tpu.memory_space<hbm>> -> memref<64xf32, #tpu.memory_space<hbm>>
      %dma_wait3A_79 = arith.constant 0 : i32
      %dma_wait3A_80 = tpu.memref_slice %arg8[%dma_wait3A_79] : memref<192xf32, #tpu.memory_space<vmem>> -> memref<64xf32, #tpu.memory_space<vmem>>
      %dma_wait3A_81 = tpu.memref_slice %arg2[%select_n3A, %add3A_34] : memref<8x768xf32, #tpu.memory_space<hbm>> -> memref<1x64xf32, #tpu.memory_space<hbm>>
      %dma_wait3A_82 = tpu.memref_squeeze %dma_wait3A_81 : memref<1x64xf32, #tpu.memory_space<hbm>> -> memref<64xf32, #tpu.memory_space<hbm>>
      tpu.wait_dma2 semaphore(%run_scoped3A : memref<!tpu.dma_semaphore, #tpu.memory_space<semaphore_mem>>) src(%dma_wait3A_82 : memref<64xf32, #tpu.memory_space<hbm>>) dst(%dma_wait3A_80 : memref<64xf32, #tpu.memory_space<vmem>>)
      tpu.yield
    }) : () -> ()
    %mul3A_35 = arith.constant 64 : i32
    %mul3A_36 = arith.muli %select_n3A_30, %mul3A_35 : i32
    %add3A_37 = arith.constant 0 : i32
    %add3A_38 = arith.addi %add3A_37, %mul3A_36 : i32
    "tpu.region"() ({
      %run_scoped3A = tpu.sem_alloc : memref<!tpu.dma_semaphore, #tpu.memory_space<semaphore_mem>>
      %dma_start3A = arith.constant 0 : i32
      %dma_start3A_69 = tpu.memref_slice %arg9[%dma_start3A] : memref<192xf32, #tpu.memory_space<vmem>> -> memref<64xf32, #tpu.memory_space<vmem>>
      %dma_start3A_70 = tpu.memref_slice %arg3[%select_n3A, %add3A_38] : memref<8x768xf32, #tpu.memory_space<hbm>> -> memref<1x64xf32, #tpu.memory_space<hbm>>
      %dma_start3A_71 = tpu.memref_squeeze %dma_start3A_70 : memref<1x64xf32, #tpu.memory_space<hbm>> -> memref<64xf32, #tpu.memory_space<hbm>>
      %dma_start3A_72 = arith.constant 0 : i32
      %dma_start3A_73 = tpu.memref_slice %arg9[%dma_start3A_72] : memref<192xf32, #tpu.memory_space<vmem>> -> memref<64xf32, #tpu.memory_space<vmem>>
      %dma_start3A_74 = tpu.memref_slice %arg3[%select_n3A, %add3A_38] : memref<8x768xf32, #tpu.memory_space<hbm>> -> memref<1x64xf32, #tpu.memory_space<hbm>>
      %dma_start3A_75 = tpu.memref_squeeze %dma_start3A_74 : memref<1x64xf32, #tpu.memory_space<hbm>> -> memref<64xf32, #tpu.memory_space<hbm>>
      tpu.enqueue_dma source(%dma_start3A_75 : memref<64xf32, #tpu.memory_space<hbm>>) target(%dma_start3A_73 : memref<64xf32, #tpu.memory_space<vmem>>) target_semaphore(%run_scoped3A : memref<!tpu.dma_semaphore, #tpu.memory_space<semaphore_mem>>)
      %dma_wait3A = arith.constant 0 : i32
      %dma_wait3A_76 = tpu.memref_slice %arg9[%dma_wait3A] : memref<192xf32, #tpu.memory_space<vmem>> -> memref<64xf32, #tpu.memory_space<vmem>>
      %dma_wait3A_77 = tpu.memref_slice %arg3[%select_n3A, %add3A_38] : memref<8x768xf32, #tpu.memory_space<hbm>> -> memref<1x64xf32, #tpu.memory_space<hbm>>
      %dma_wait3A_78 = tpu.memref_squeeze %dma_wait3A_77 : memref<1x64xf32, #tpu.memory_space<hbm>> -> memref<64xf32, #tpu.memory_space<hbm>>
      %dma_wait3A_79 = arith.constant 0 : i32
      %dma_wait3A_80 = tpu.memref_slice %arg9[%dma_wait3A_79] : memref<192xf32, #tpu.memory_space<vmem>> -> memref<64xf32, #tpu.memory_space<vmem>>
      %dma_wait3A_81 = tpu.memref_slice %arg3[%select_n3A, %add3A_38] : memref<8x768xf32, #tpu.memory_space<hbm>> -> memref<1x64xf32, #tpu.memory_space<hbm>>
      %dma_wait3A_82 = tpu.memref_squeeze %dma_wait3A_81 : memref<1x64xf32, #tpu.memory_space<hbm>> -> memref<64xf32, #tpu.memory_space<hbm>>
      tpu.wait_dma2 semaphore(%run_scoped3A : memref<!tpu.dma_semaphore, #tpu.memory_space<semaphore_mem>>) src(%dma_wait3A_82 : memref<64xf32, #tpu.memory_space<hbm>>) dst(%dma_wait3A_80 : memref<64xf32, #tpu.memory_space<vmem>>)
      tpu.yield
    }) : () -> ()
    %mul3A_39 = arith.constant 64 : i32
    %mul3A_40 = arith.muli %select_n3A_30, %mul3A_39 : i32
    %add3A_41 = arith.constant 256 : i32
    %add3A_42 = arith.addi %add3A_41, %mul3A_40 : i32
    "tpu.region"() ({
      %run_scoped3A = tpu.sem_alloc : memref<!tpu.dma_semaphore, #tpu.memory_space<semaphore_mem>>
      %dma_start3A = arith.constant 64 : i32
      %dma_start3A_69 = tpu.memref_slice %arg8[%dma_start3A] : memref<192xf32, #tpu.memory_space<vmem>> -> memref<64xf32, #tpu.memory_space<vmem>>
      %dma_start3A_70 = tpu.memref_slice %arg2[%select_n3A, %add3A_42] : memref<8x768xf32, #tpu.memory_space<hbm>> -> memref<1x64xf32, #tpu.memory_space<hbm>>
      %dma_start3A_71 = tpu.memref_squeeze %dma_start3A_70 : memref<1x64xf32, #tpu.memory_space<hbm>> -> memref<64xf32, #tpu.memory_space<hbm>>
      %dma_start3A_72 = arith.constant 64 : i32
      %dma_start3A_73 = tpu.memref_slice %arg8[%dma_start3A_72] : memref<192xf32, #tpu.memory_space<vmem>> -> memref<64xf32, #tpu.memory_space<vmem>>
      %dma_start3A_74 = tpu.memref_slice %arg2[%select_n3A, %add3A_42] : memref<8x768xf32, #tpu.memory_space<hbm>> -> memref<1x64xf32, #tpu.memory_space<hbm>>
      %dma_start3A_75 = tpu.memref_squeeze %dma_start3A_74 : memref<1x64xf32, #tpu.memory_space<hbm>> -> memref<64xf32, #tpu.memory_space<hbm>>
      tpu.enqueue_dma source(%dma_start3A_75 : memref<64xf32, #tpu.memory_space<hbm>>) target(%dma_start3A_73 : memref<64xf32, #tpu.memory_space<vmem>>) target_semaphore(%run_scoped3A : memref<!tpu.dma_semaphore, #tpu.memory_space<semaphore_mem>>)
      %dma_wait3A = arith.constant 64 : i32
      %dma_wait3A_76 = tpu.memref_slice %arg8[%dma_wait3A] : memref<192xf32, #tpu.memory_space<vmem>> -> memref<64xf32, #tpu.memory_space<vmem>>
      %dma_wait3A_77 = tpu.memref_slice %arg2[%select_n3A, %add3A_42] : memref<8x768xf32, #tpu.memory_space<hbm>> -> memref<1x64xf32, #tpu.memory_space<hbm>>
      %dma_wait3A_78 = tpu.memref_squeeze %dma_wait3A_77 : memref<1x64xf32, #tpu.memory_space<hbm>> -> memref<64xf32, #tpu.memory_space<hbm>>
      %dma_wait3A_79 = arith.constant 64 : i32
      %dma_wait3A_80 = tpu.memref_slice %arg8[%dma_wait3A_79] : memref<192xf32, #tpu.memory_space<vmem>> -> memref<64xf32, #tpu.memory_space<vmem>>
      %dma_wait3A_81 = tpu.memref_slice %arg2[%select_n3A, %add3A_42] : memref<8x768xf32, #tpu.memory_space<hbm>> -> memref<1x64xf32, #tpu.memory_space<hbm>>
      %dma_wait3A_82 = tpu.memref_squeeze %dma_wait3A_81 : memref<1x64xf32, #tpu.memory_space<hbm>> -> memref<64xf32, #tpu.memory_space<hbm>>
      tpu.wait_dma2 semaphore(%run_scoped3A : memref<!tpu.dma_semaphore, #tpu.memory_space<semaphore_mem>>) src(%dma_wait3A_82 : memref<64xf32, #tpu.memory_space<hbm>>) dst(%dma_wait3A_80 : memref<64xf32, #tpu.memory_space<vmem>>)
      tpu.yield
    }) : () -> ()
    %mul3A_43 = arith.constant 64 : i32
    %mul3A_44 = arith.muli %select_n3A_30, %mul3A_43 : i32
    %add3A_45 = arith.constant 256 : i32
    %add3A_46 = arith.addi %add3A_45, %mul3A_44 : i32
    "tpu.region"() ({
      %run_scoped3A = tpu.sem_alloc : memref<!tpu.dma_semaphore, #tpu.memory_space<semaphore_mem>>
      %dma_start3A = arith.constant 64 : i32
      %dma_start3A_69 = tpu.memref_slice %arg9[%dma_start3A] : memref<192xf32, #tpu.memory_space<vmem>> -> memref<64xf32, #tpu.memory_space<vmem>>
      %dma_start3A_70 = tpu.memref_slice %arg3[%select_n3A, %add3A_46] : memref<8x768xf32, #tpu.memory_space<hbm>> -> memref<1x64xf32, #tpu.memory_space<hbm>>
      %dma_start3A_71 = tpu.memref_squeeze %dma_start3A_70 : memref<1x64xf32, #tpu.memory_space<hbm>> -> memref<64xf32, #tpu.memory_space<hbm>>
      %dma_start3A_72 = arith.constant 64 : i32
      %dma_start3A_73 = tpu.memref_slice %arg9[%dma_start3A_72] : memref<192xf32, #tpu.memory_space<vmem>> -> memref<64xf32, #tpu.memory_space<vmem>>
      %dma_start3A_74 = tpu.memref_slice %arg3[%select_n3A, %add3A_46] : memref<8x768xf32, #tpu.memory_space<hbm>> -> memref<1x64xf32, #tpu.memory_space<hbm>>
      %dma_start3A_75 = tpu.memref_squeeze %dma_start3A_74 : memref<1x64xf32, #tpu.memory_space<hbm>> -> memref<64xf32, #tpu.memory_space<hbm>>
      tpu.enqueue_dma source(%dma_start3A_75 : memref<64xf32, #tpu.memory_space<hbm>>) target(%dma_start3A_73 : memref<64xf32, #tpu.memory_space<vmem>>) target_semaphore(%run_scoped3A : memref<!tpu.dma_semaphore, #tpu.memory_space<semaphore_mem>>)
      %dma_wait3A = arith.constant 64 : i32
      %dma_wait3A_76 = tpu.memref_slice %arg9[%dma_wait3A] : memref<192xf32, #tpu.memory_space<vmem>> -> memref<64xf32, #tpu.memory_space<vmem>>
      %dma_wait3A_77 = tpu.memref_slice %arg3[%select_n3A, %add3A_46] : memref<8x768xf32, #tpu.memory_space<hbm>> -> memref<1x64xf32, #tpu.memory_space<hbm>>
      %dma_wait3A_78 = tpu.memref_squeeze %dma_wait3A_77 : memref<1x64xf32, #tpu.memory_space<hbm>> -> memref<64xf32, #tpu.memory_space<hbm>>
      %dma_wait3A_79 = arith.constant 64 : i32
      %dma_wait3A_80 = tpu.memref_slice %arg9[%dma_wait3A_79] : memref<192xf32, #tpu.memory_space<vmem>> -> memref<64xf32, #tpu.memory_space<vmem>>
      %dma_wait3A_81 = tpu.memref_slice %arg3[%select_n3A, %add3A_46] : memref<8x768xf32, #tpu.memory_space<hbm>> -> memref<1x64xf32, #tpu.memory_space<hbm>>
      %dma_wait3A_82 = tpu.memref_squeeze %dma_wait3A_81 : memref<1x64xf32, #tpu.memory_space<hbm>> -> memref<64xf32, #tpu.memory_space<hbm>>
      tpu.wait_dma2 semaphore(%run_scoped3A : memref<!tpu.dma_semaphore, #tpu.memory_space<semaphore_mem>>) src(%dma_wait3A_82 : memref<64xf32, #tpu.memory_space<hbm>>) dst(%dma_wait3A_80 : memref<64xf32, #tpu.memory_space<vmem>>)
      tpu.yield
    }) : () -> ()
    %mul3A_47 = arith.constant 64 : i32
    %mul3A_48 = arith.muli %select_n3A_30, %mul3A_47 : i32
    %add3A_49 = arith.constant 512 : i32
    %add3A_50 = arith.addi %add3A_49, %mul3A_48 : i32
    "tpu.region"() ({
      %run_scoped3A = tpu.sem_alloc : memref<!tpu.dma_semaphore, #tpu.memory_space<semaphore_mem>>
      %dma_start3A = arith.constant 128 : i32
      %dma_start3A_69 = tpu.memref_slice %arg8[%dma_start3A] : memref<192xf32, #tpu.memory_space<vmem>> -> memref<64xf32, #tpu.memory_space<vmem>>
      %dma_start3A_70 = tpu.memref_slice %arg2[%select_n3A, %add3A_50] : memref<8x768xf32, #tpu.memory_space<hbm>> -> memref<1x64xf32, #tpu.memory_space<hbm>>
      %dma_start3A_71 = tpu.memref_squeeze %dma_start3A_70 : memref<1x64xf32, #tpu.memory_space<hbm>> -> memref<64xf32, #tpu.memory_space<hbm>>
      %dma_start3A_72 = arith.constant 128 : i32
      %dma_start3A_73 = tpu.memref_slice %arg8[%dma_start3A_72] : memref<192xf32, #tpu.memory_space<vmem>> -> memref<64xf32, #tpu.memory_space<vmem>>
      %dma_start3A_74 = tpu.memref_slice %arg2[%select_n3A, %add3A_50] : memref<8x768xf32, #tpu.memory_space<hbm>> -> memref<1x64xf32, #tpu.memory_space<hbm>>
      %dma_start3A_75 = tpu.memref_squeeze %dma_start3A_74 : memref<1x64xf32, #tpu.memory_space<hbm>> -> memref<64xf32, #tpu.memory_space<hbm>>
      tpu.enqueue_dma source(%dma_start3A_75 : memref<64xf32, #tpu.memory_space<hbm>>) target(%dma_start3A_73 : memref<64xf32, #tpu.memory_space<vmem>>) target_semaphore(%run_scoped3A : memref<!tpu.dma_semaphore, #tpu.memory_space<semaphore_mem>>)
      %dma_wait3A = arith.constant 128 : i32
      %dma_wait3A_76 = tpu.memref_slice %arg8[%dma_wait3A] : memref<192xf32, #tpu.memory_space<vmem>> -> memref<64xf32, #tpu.memory_space<vmem>>
      %dma_wait3A_77 = tpu.memref_slice %arg2[%select_n3A, %add3A_50] : memref<8x768xf32, #tpu.memory_space<hbm>> -> memref<1x64xf32, #tpu.memory_space<hbm>>
      %dma_wait3A_78 = tpu.memref_squeeze %dma_wait3A_77 : memref<1x64xf32, #tpu.memory_space<hbm>> -> memref<64xf32, #tpu.memory_space<hbm>>
      %dma_wait3A_79 = arith.constant 128 : i32
      %dma_wait3A_80 = tpu.memref_slice %arg8[%dma_wait3A_79] : memref<192xf32, #tpu.memory_space<vmem>> -> memref<64xf32, #tpu.memory_space<vmem>>
      %dma_wait3A_81 = tpu.memref_slice %arg2[%select_n3A, %add3A_50] : memref<8x768xf32, #tpu.memory_space<hbm>> -> memref<1x64xf32, #tpu.memory_space<hbm>>
      %dma_wait3A_82 = tpu.memref_squeeze %dma_wait3A_81 : memref<1x64xf32, #tpu.memory_space<hbm>> -> memref<64xf32, #tpu.memory_space<hbm>>
      tpu.wait_dma2 semaphore(%run_scoped3A : memref<!tpu.dma_semaphore, #tpu.memory_space<semaphore_mem>>) src(%dma_wait3A_82 : memref<64xf32, #tpu.memory_space<hbm>>) dst(%dma_wait3A_80 : memref<64xf32, #tpu.memory_space<vmem>>)
      tpu.yield
    }) : () -> ()
    %mul3A_51 = arith.constant 64 : i32
    %mul3A_52 = arith.muli %select_n3A_30, %mul3A_51 : i32
    %add3A_53 = arith.constant 512 : i32
    %add3A_54 = arith.addi %add3A_53, %mul3A_52 : i32
    "tpu.region"() ({
      %run_scoped3A = tpu.sem_alloc : memref<!tpu.dma_semaphore, #tpu.memory_space<semaphore_mem>>
      %dma_start3A = arith.constant 128 : i32
      %dma_start3A_69 = tpu.memref_slice %arg9[%dma_start3A] : memref<192xf32, #tpu.memory_space<vmem>> -> memref<64xf32, #tpu.memory_space<vmem>>
      %dma_start3A_70 = tpu.memref_slice %arg3[%select_n3A, %add3A_54] : memref<8x768xf32, #tpu.memory_space<hbm>> -> memref<1x64xf32, #tpu.memory_space<hbm>>
      %dma_start3A_71 = tpu.memref_squeeze %dma_start3A_70 : memref<1x64xf32, #tpu.memory_space<hbm>> -> memref<64xf32, #tpu.memory_space<hbm>>
      %dma_start3A_72 = arith.constant 128 : i32
      %dma_start3A_73 = tpu.memref_slice %arg9[%dma_start3A_72] : memref<192xf32, #tpu.memory_space<vmem>> -> memref<64xf32, #tpu.memory_space<vmem>>
      %dma_start3A_74 = tpu.memref_slice %arg3[%select_n3A, %add3A_54] : memref<8x768xf32, #tpu.memory_space<hbm>> -> memref<1x64xf32, #tpu.memory_space<hbm>>
      %dma_start3A_75 = tpu.memref_squeeze %dma_start3A_74 : memref<1x64xf32, #tpu.memory_space<hbm>> -> memref<64xf32, #tpu.memory_space<hbm>>
      tpu.enqueue_dma source(%dma_start3A_75 : memref<64xf32, #tpu.memory_space<hbm>>) target(%dma_start3A_73 : memref<64xf32, #tpu.memory_space<vmem>>) target_semaphore(%run_scoped3A : memref<!tpu.dma_semaphore, #tpu.memory_space<semaphore_mem>>)
      %dma_wait3A = arith.constant 128 : i32
      %dma_wait3A_76 = tpu.memref_slice %arg9[%dma_wait3A] : memref<192xf32, #tpu.memory_space<vmem>> -> memref<64xf32, #tpu.memory_space<vmem>>
      %dma_wait3A_77 = tpu.memref_slice %arg3[%select_n3A, %add3A_54] : memref<8x768xf32, #tpu.memory_space<hbm>> -> memref<1x64xf32, #tpu.memory_space<hbm>>
      %dma_wait3A_78 = tpu.memref_squeeze %dma_wait3A_77 : memref<1x64xf32, #tpu.memory_space<hbm>> -> memref<64xf32, #tpu.memory_space<hbm>>
      %dma_wait3A_79 = arith.constant 128 : i32
      %dma_wait3A_80 = tpu.memref_slice %arg9[%dma_wait3A_79] : memref<192xf32, #tpu.memory_space<vmem>> -> memref<64xf32, #tpu.memory_space<vmem>>
      %dma_wait3A_81 = tpu.memref_slice %arg3[%select_n3A, %add3A_54] : memref<8x768xf32, #tpu.memory_space<hbm>> -> memref<1x64xf32, #tpu.memory_space<hbm>>
      %dma_wait3A_82 = tpu.memref_squeeze %dma_wait3A_81 : memref<1x64xf32, #tpu.memory_space<hbm>> -> memref<64xf32, #tpu.memory_space<hbm>>
      tpu.wait_dma2 semaphore(%run_scoped3A : memref<!tpu.dma_semaphore, #tpu.memory_space<semaphore_mem>>) src(%dma_wait3A_82 : memref<64xf32, #tpu.memory_space<hbm>>) dst(%dma_wait3A_80 : memref<64xf32, #tpu.memory_space<vmem>>)
      tpu.yield
    }) : () -> ()
    "tpu.region"() ({
      %run_scoped3A = tpu.sem_alloc : memref<!tpu.dma_semaphore, #tpu.memory_space<semaphore_mem>>
      %dma_start3A = arith.constant 0 : i32
      %dma_start3A_69 = arith.constant 0 : i32
      %dma_start3A_70 = tpu.memref_slice %arg4[%select_n3A, %dma_start3A, %dma_start3A_69] : memref<8x3x8192xf32, #tpu.memory_space<hbm>> -> memref<1x3x8192xf32, #tpu.memory_space<hbm>>
      %dma_start3A_71 = tpu.memref_squeeze %dma_start3A_70 : memref<1x3x8192xf32, #tpu.memory_space<hbm>> -> memref<3x8192xf32, #tpu.memory_space<hbm>>
      %dma_start3A_72 = arith.constant 0 : i32
      %dma_start3A_73 = arith.constant 0 : i32
      %dma_start3A_74 = tpu.memref_slice %arg4[%select_n3A, %dma_start3A_72, %dma_start3A_73] : memref<8x3x8192xf32, #tpu.memory_space<hbm>> -> memref<1x3x8192xf32, #tpu.memory_space<hbm>>
      %dma_start3A_75 = tpu.memref_squeeze %dma_start3A_74 : memref<1x3x8192xf32, #tpu.memory_space<hbm>> -> memref<3x8192xf32, #tpu.memory_space<hbm>>
      tpu.enqueue_dma source(%dma_start3A_75 : memref<3x8192xf32, #tpu.memory_space<hbm>>) target(%arg10 : memref<3x8192xf32, #tpu.memory_space<vmem>>) target_semaphore(%run_scoped3A : memref<!tpu.dma_semaphore, #tpu.memory_space<semaphore_mem>>)
      %dma_wait3A = arith.constant 0 : i32
      %dma_wait3A_76 = arith.constant 0 : i32
      %dma_wait3A_77 = tpu.memref_slice %arg4[%select_n3A, %dma_wait3A, %dma_wait3A_76] : memref<8x3x8192xf32, #tpu.memory_space<hbm>> -> memref<1x3x8192xf32, #tpu.memory_space<hbm>>
      %dma_wait3A_78 = tpu.memref_squeeze %dma_wait3A_77 : memref<1x3x8192xf32, #tpu.memory_space<hbm>> -> memref<3x8192xf32, #tpu.memory_space<hbm>>
      %dma_wait3A_79 = arith.constant 0 : i32
      %dma_wait3A_80 = arith.constant 0 : i32
      %dma_wait3A_81 = tpu.memref_slice %arg4[%select_n3A, %dma_wait3A_79, %dma_wait3A_80] : memref<8x3x8192xf32, #tpu.memory_space<hbm>> -> memref<1x3x8192xf32, #tpu.memory_space<hbm>>
      %dma_wait3A_82 = tpu.memref_squeeze %dma_wait3A_81 : memref<1x3x8192xf32, #tpu.memory_space<hbm>> -> memref<3x8192xf32, #tpu.memory_space<hbm>>
      tpu.wait_dma2 semaphore(%run_scoped3A : memref<!tpu.dma_semaphore, #tpu.memory_space<semaphore_mem>>) src(%dma_wait3A_82 : memref<3x8192xf32, #tpu.memory_space<hbm>>) dst(%arg10 : memref<3x8192xf32, #tpu.memory_space<vmem>>)
      tpu.yield
    }) : () -> ()
    "tpu.region"() ({
      %run_scoped3A = tpu.sem_alloc : memref<!tpu.dma_semaphore, #tpu.memory_space<semaphore_mem>>
      %dma_start3A = arith.constant 0 : i32
      %dma_start3A_69 = arith.constant 0 : i32
      %dma_start3A_70 = tpu.memref_slice %arg5[%select_n3A, %dma_start3A, %dma_start3A_69] : memref<8x1x8192xf32, #tpu.memory_space<hbm>> -> memref<1x1x8192xf32, #tpu.memory_space<hbm>>
      %dma_start3A_71 = tpu.memref_squeeze %dma_start3A_70 : memref<1x1x8192xf32, #tpu.memory_space<hbm>> -> memref<1x8192xf32, #tpu.memory_space<hbm>>
      %dma_start3A_72 = arith.constant 0 : i32
      %dma_start3A_73 = arith.constant 0 : i32
      %dma_start3A_74 = tpu.memref_slice %arg5[%select_n3A, %dma_start3A_72, %dma_start3A_73] : memref<8x1x8192xf32, #tpu.memory_space<hbm>> -> memref<1x1x8192xf32, #tpu.memory_space<hbm>>
      %dma_start3A_75 = tpu.memref_squeeze %dma_start3A_74 : memref<1x1x8192xf32, #tpu.memory_space<hbm>> -> memref<1x8192xf32, #tpu.memory_space<hbm>>
      tpu.enqueue_dma source(%dma_start3A_75 : memref<1x8192xf32, #tpu.memory_space<hbm>>) target(%arg11 : memref<1x8192xf32, #tpu.memory_space<vmem>>) target_semaphore(%run_scoped3A : memref<!tpu.dma_semaphore, #tpu.memory_space<semaphore_mem>>)
      %dma_wait3A = arith.constant 0 : i32
      %dma_wait3A_76 = arith.constant 0 : i32
      %dma_wait3A_77 = tpu.memref_slice %arg5[%select_n3A, %dma_wait3A, %dma_wait3A_76] : memref<8x1x8192xf32, #tpu.memory_space<hbm>> -> memref<1x1x8192xf32, #tpu.memory_space<hbm>>
      %dma_wait3A_78 = tpu.memref_squeeze %dma_wait3A_77 : memref<1x1x8192xf32, #tpu.memory_space<hbm>> -> memref<1x8192xf32, #tpu.memory_space<hbm>>
      %dma_wait3A_79 = arith.constant 0 : i32
      %dma_wait3A_80 = arith.constant 0 : i32
      %dma_wait3A_81 = tpu.memref_slice %arg5[%select_n3A, %dma_wait3A_79, %dma_wait3A_80] : memref<8x1x8192xf32, #tpu.memory_space<hbm>> -> memref<1x1x8192xf32, #tpu.memory_space<hbm>>
      %dma_wait3A_82 = tpu.memref_squeeze %dma_wait3A_81 : memref<1x1x8192xf32, #tpu.memory_space<hbm>> -> memref<1x8192xf32, #tpu.memory_space<hbm>>
      tpu.wait_dma2 semaphore(%run_scoped3A : memref<!tpu.dma_semaphore, #tpu.memory_space<semaphore_mem>>) src(%dma_wait3A_82 : memref<1x8192xf32, #tpu.memory_space<hbm>>) dst(%arg11 : memref<1x8192xf32, #tpu.memory_space<vmem>>)
      tpu.yield
    }) : () -> ()
    %scan3A = arith.constant 0 : i32
    %scan3A_55 = arith.constant 0 : i32
    %scan3A_56 = arith.constant 4 : i32
    %scan3A_57 = arith.addi %scan3A_55, %scan3A_56 : i32
    %scan3A_58 = arith.constant 1 : i32
    %scan3A_59 = scf.for %scan3A_69 = %scan3A_55 to %scan3A_57 step %scan3A_58 iter_args(%scan3A_70 = %scan3A) -> (i32)  : i32 {
      %mul3A_71 = arith.constant 16 : i32
      %mul3A_72 = arith.muli %scan3A_69, %mul3A_71 : i32
      %add3A_73 = arith.constant 0 : i32
      %add3A_74 = arith.addi %add3A_73, %mul3A_72 : i32
      %get3A = arith.index_cast %add3A_74 : i32 to index
      %get3A_75 = tpu.vector_load %arg8[%get3A] {strides = array<i32>} : memref<192xf32, #tpu.memory_space<vmem>>, vector<16xf32>,
      %get3A_76 = vector.shape_cast %get3A_75 : vector<16xf32> to vector<16xf32>
      %mul3A_77 = arith.constant 16 : i32
      %mul3A_78 = arith.muli %scan3A_69, %mul3A_77 : i32
      %add3A_79 = arith.constant 64 : i32
      %add3A_80 = arith.addi %add3A_79, %mul3A_78 : i32
      %get3A_81 = arith.index_cast %add3A_80 : i32 to index
      %get3A_82 = tpu.vector_load %arg8[%get3A_81] {strides = array<i32>} : memref<192xf32, #tpu.memory_space<vmem>>, vector<16xf32>,
      %get3A_83 = vector.shape_cast %get3A_82 : vector<16xf32> to vector<16xf32>
      %mul3A_84 = arith.constant 16 : i32
      %mul3A_85 = arith.muli %scan3A_69, %mul3A_84 : i32
      %add3A_86 = arith.constant 128 : i32
      %add3A_87 = arith.addi %add3A_86, %mul3A_85 : i32
      %get3A_88 = arith.index_cast %add3A_87 : i32 to index
      %get3A_89 = tpu.vector_load %arg8[%get3A_88] {strides = array<i32>} : memref<192xf32, #tpu.memory_space<vmem>>, vector<16xf32>,
      %get3A_90 = vector.shape_cast %get3A_89 : vector<16xf32> to vector<16xf32>
      %mul3A_91 = arith.mulf %get3A_76, %get3A_76 : vector<16xf32>
      %mul3A_92 = arith.mulf %get3A_83, %get3A_83 : vector<16xf32>
      %add3A_93 = arith.addf %mul3A_91, %mul3A_92 : vector<16xf32>
      %mul3A_94 = arith.mulf %get3A_90, %get3A_90 : vector<16xf32>
      %add3A_95 = arith.addf %add3A_93, %mul3A_94 : vector<16xf32>
      %mul3A_96 = arith.constant 16 : i32
      %mul3A_97 = arith.muli %scan3A_69, %mul3A_96 : i32
      %add3A_98 = arith.constant 0 : i32
      %add3A_99 = arith.addi %add3A_98, %mul3A_97 : i32
      %get3A_100 = arith.index_cast %add3A_99 : i32 to index
      %get3A_101 = tpu.vector_load %arg9[%get3A_100] {strides = array<i32>} : memref<192xf32, #tpu.memory_space<vmem>>, vector<16xf32>,
      %get3A_102 = vector.shape_cast %get3A_101 : vector<16xf32> to vector<16xf32>
      %mul3A_103 = arith.constant 16 : i32
      %mul3A_104 = arith.muli %scan3A_69, %mul3A_103 : i32
      %add3A_105 = arith.constant 64 : i32
      %add3A_106 = arith.addi %add3A_105, %mul3A_104 : i32
      %get3A_107 = arith.index_cast %add3A_106 : i32 to index
      %get3A_108 = tpu.vector_load %arg9[%get3A_107] {strides = array<i32>} : memref<192xf32, #tpu.memory_space<vmem>>, vector<16xf32>,
      %get3A_109 = vector.shape_cast %get3A_108 : vector<16xf32> to vector<16xf32>
      %mul3A_110 = arith.constant 16 : i32
      %mul3A_111 = arith.muli %scan3A_69, %mul3A_110 : i32
      %add3A_112 = arith.constant 128 : i32
      %add3A_113 = arith.addi %add3A_112, %mul3A_111 : i32
      %get3A_114 = arith.index_cast %add3A_113 : i32 to index
      %get3A_115 = tpu.vector_load %arg9[%get3A_114] {strides = array<i32>} : memref<192xf32, #tpu.memory_space<vmem>>, vector<16xf32>,
      %get3A_116 = vector.shape_cast %get3A_115 : vector<16xf32> to vector<16xf32>
      %slice3A = vector.extract_strided_slice %get3A_102 {offsets = [0], sizes = [1], strides = [1]} : vector<16xf32> to vector<1xf32>
      %squeeze3A = vector.extract %slice3A[0] : f32 from vector<1xf32>
      %slice3A_117 = vector.extract_strided_slice %get3A_109 {offsets = [0], sizes = [1], strides = [1]} : vector<16xf32> to vector<1xf32>
      %squeeze3A_118 = vector.extract %slice3A_117[0] : f32 from vector<1xf32>
      %slice3A_119 = vector.extract_strided_slice %get3A_116 {offsets = [0], sizes = [1], strides = [1]} : vector<16xf32> to vector<1xf32>
      %squeeze3A_120 = vector.extract %slice3A_119[0] : f32 from vector<1xf32>
      %slice3A_121 = vector.extract_strided_slice %add3A_95 {offsets = [0], sizes = [1], strides = [1]} : vector<16xf32> to vector<1xf32>
      %squeeze3A_122 = vector.extract %slice3A_121[0] : f32 from vector<1xf32>
      %broadcast_in_dim3A = arith.constant 0x7F800000 : f32
      %broadcast_in_dim3A_123 = vector.broadcast %broadcast_in_dim3A : f32 to vector<16xf32>
      %broadcast_in_dim3A_124 = arith.constant 0 : i32
      %broadcast_in_dim3A_125 = vector.broadcast %broadcast_in_dim3A_124 : i32 to vector<16xi32>
      %scan3A_126 = arith.constant 0 : i32
      %scan3A_127 = arith.constant 512 : i32
      %scan3A_128 = arith.addi %scan3A_126, %scan3A_127 : i32
      %scan3A_129 = arith.constant 4 : i32
      %scan3A_130:2 = scf.for %scan3A_722 = %scan3A_126 to %scan3A_128 step %scan3A_129 iter_args(%scan3A_723 = %broadcast_in_dim3A_123, %scan3A_724 = %broadcast_in_dim3A_125) -> (vector<16xf32>, vector<16xi32>)  : i32 {
        %mul3A_725 = arith.constant 16 : i32
        %mul3A_726 = arith.muli %scan3A_722, %mul3A_725 : i32
        %get3A_727 = arith.constant 0 : i32
        %get3A_728 = arith.index_cast %get3A_727 : i32 to index
        %get3A_729 = arith.index_cast %mul3A_726 : i32 to index
        %get3A_730 = tpu.vector_load %arg10[%get3A_728, %get3A_729] {strides = array<i32>} : memref<3x8192xf32, #tpu.memory_space<vmem>>, vector<1x16xf32>,
        %get3A_731 = vector.shape_cast %get3A_730 : vector<1x16xf32> to vector<16xf32>
        %mul3A_732 = arith.constant 16 : i32
        %mul3A_733 = arith.muli %scan3A_722, %mul3A_732 : i32
        %get3A_734 = arith.constant 1 : i32
        %get3A_735 = arith.index_cast %get3A_734 : i32 to index
        %get3A_736 = arith.index_cast %mul3A_733 : i32 to index
        %get3A_737 = tpu.vector_load %arg10[%get3A_735, %get3A_736] {strides = array<i32>} : memref<3x8192xf32, #tpu.memory_space<vmem>>, vector<1x16xf32>,
        %get3A_738 = vector.shape_cast %get3A_737 : vector<1x16xf32> to vector<16xf32>
        %mul3A_739 = arith.constant 16 : i32
        %mul3A_740 = arith.muli %scan3A_722, %mul3A_739 : i32
        %get3A_741 = arith.constant 2 : i32
        %get3A_742 = arith.index_cast %get3A_741 : i32 to index
        %get3A_743 = arith.index_cast %mul3A_740 : i32 to index
        %get3A_744 = tpu.vector_load %arg10[%get3A_742, %get3A_743] {strides = array<i32>} : memref<3x8192xf32, #tpu.memory_space<vmem>>, vector<1x16xf32>,
        %get3A_745 = vector.shape_cast %get3A_744 : vector<1x16xf32> to vector<16xf32>
        %mul3A_746 = arith.constant 16 : i32
        %mul3A_747 = arith.muli %scan3A_722, %mul3A_746 : i32
        %get3A_748 = arith.constant 0 : i32
        %get3A_749 = arith.index_cast %get3A_748 : i32 to index
        %get3A_750 = arith.index_cast %mul3A_747 : i32 to index
        %get3A_751 = tpu.vector_load %arg11[%get3A_749, %get3A_750] {strides = array<i32>} : memref<1x8192xf32, #tpu.memory_space<vmem>>, vector<1x16xf32>,
        %get3A_752 = vector.shape_cast %get3A_751 : vector<1x16xf32> to vector<16xf32>
        %mul3A_753 = vector.broadcast %squeeze3A : f32 to vector<16xf32>
        %mul3A_754 = arith.mulf %mul3A_753, %get3A_731 : vector<16xf32>
        %mul3A_755 = vector.broadcast %squeeze3A_118 : f32 to vector<16xf32>
        %mul3A_756 = arith.mulf %mul3A_755, %get3A_738 : vector<16xf32>
        %add3A_757 = arith.addf %mul3A_754, %mul3A_756 : vector<16xf32>
        %mul3A_758 = vector.broadcast %squeeze3A_120 : f32 to vector<16xf32>
        %mul3A_759 = arith.mulf %mul3A_758, %get3A_745 : vector<16xf32>
        %add3A_760 = arith.addf %add3A_757, %mul3A_759 : vector<16xf32>
        %add3A_761 = arith.addf %add3A_760, %add3A_760 : vector<16xf32>
        %sub3A_762 = vector.broadcast %squeeze3A_122 : f32 to vector<16xf32>
        %sub3A_763 = arith.subf %sub3A_762, %add3A_761 : vector<16xf32>
        %add3A_764 = arith.addf %sub3A_763, %get3A_752 : vector<16xf32>
        %lt3A_765 = arith.cmpf olt, %add3A_764, %scan3A_723 : vector<16xf32>
        %select_n3A_766 = arith.select %lt3A_765, %add3A_764, %scan3A_723 : vector<16xi1>, vector<16xf32>
        %broadcast_in_dim3A_767 = vector.broadcast %scan3A_722 : i32 to vector<16xi32>
        %select_n3A_768 = arith.select %lt3A_765, %broadcast_in_dim3A_767, %scan3A_724 : vector<16xi1>, vector<16xi32>
        %scan3A_769 = arith.constant 1 : i32
        %scan3A_770 = arith.addi %scan3A_722, %scan3A_769 : i32
        %mul3A_771 = arith.constant 16 : i32
        %mul3A_772 = arith.muli %scan3A_770, %mul3A_771 : i32
        %get3A_773 = arith.constant 0 : i32
        %get3A_774 = arith.index_cast %get3A_773 : i32 to index
        %get3A_775 = arith.index_cast %mul3A_772 : i32 to index
        %get3A_776 = tpu.vector_load %arg10[%get3A_774, %get3A_775] {strides = array<i32>} : memref<3x8192xf32, #tpu.memory_space<vmem>>, vector<1x16xf32>,
        %get3A_777 = vector.shape_cast %get3A_776 : vector<1x16xf32> to vector<16xf32>
        %mul3A_778 = arith.constant 16 : i32
        %mul3A_779 = arith.muli %scan3A_770, %mul3A_778 : i32
        %get3A_780 = arith.constant 1 : i32
        %get3A_781 = arith.index_cast %get3A_780 : i32 to index
        %get3A_782 = arith.index_cast %mul3A_779 : i32 to index
        %get3A_783 = tpu.vector_load %arg10[%get3A_781, %get3A_782] {strides = array<i32>} : memref<3x8192xf32, #tpu.memory_space<vmem>>, vector<1x16xf32>,
        %get3A_784 = vector.shape_cast %get3A_783 : vector<1x16xf32> to vector<16xf32>
        %mul3A_785 = arith.constant 16 : i32
        %mul3A_786 = arith.muli %scan3A_770, %mul3A_785 : i32
        %get3A_787 = arith.constant 2 : i32
        %get3A_788 = arith.index_cast %get3A_787 : i32 to index
        %get3A_789 = arith.index_cast %mul3A_786 : i32 to index
        %get3A_790 = tpu.vector_load %arg10[%get3A_788, %get3A_789] {strides = array<i32>} : memref<3x8192xf32, #tpu.memory_space<vmem>>, vector<1x16xf32>,
        %get3A_791 = vector.shape_cast %get3A_790 : vector<1x16xf32> to vector<16xf32>
        %mul3A_792 = arith.constant 16 : i32
        %mul3A_793 = arith.muli %scan3A_770, %mul3A_792 : i32
        %get3A_794 = arith.constant 0 : i32
        %get3A_795 = arith.index_cast %get3A_794 : i32 to index
        %get3A_796 = arith.index_cast %mul3A_793 : i32 to index
        %get3A_797 = tpu.vector_load %arg11[%get3A_795, %get3A_796] {strides = array<i32>} : memref<1x8192xf32, #tpu.memory_space<vmem>>, vector<1x16xf32>,
        %get3A_798 = vector.shape_cast %get3A_797 : vector<1x16xf32> to vector<16xf32>
        %mul3A_799 = vector.broadcast %squeeze3A : f32 to vector<16xf32>
        %mul3A_800 = arith.mulf %mul3A_799, %get3A_777 : vector<16xf32>
        %mul3A_801 = vector.broadcast %squeeze3A_118 : f32 to vector<16xf32>
        %mul3A_802 = arith.mulf %mul3A_801, %get3A_784 : vector<16xf32>
        %add3A_803 = arith.addf %mul3A_800, %mul3A_802 : vector<16xf32>
        %mul3A_804 = vector.broadcast %squeeze3A_120 : f32 to vector<16xf32>
        %mul3A_805 = arith.mulf %mul3A_804, %get3A_791 : vector<16xf32>
        %add3A_806 = arith.addf %add3A_803, %mul3A_805 : vector<16xf32>
        %add3A_807 = arith.addf %add3A_806, %add3A_806 : vector<16xf32>
        %sub3A_808 = vector.broadcast %squeeze3A_122 : f32 to vector<16xf32>
        %sub3A_809 = arith.subf %sub3A_808, %add3A_807 : vector<16xf32>
        %add3A_810 = arith.addf %sub3A_809, %get3A_798 : vector<16xf32>
        %lt3A_811 = arith.cmpf olt, %add3A_810, %select_n3A_766 : vector<16xf32>
        %select_n3A_812 = arith.select %lt3A_811, %add3A_810, %select_n3A_766 : vector<16xi1>, vector<16xf32>
        %broadcast_in_dim3A_813 = vector.broadcast %scan3A_770 : i32 to vector<16xi32>
        %select_n3A_814 = arith.select %lt3A_811, %broadcast_in_dim3A_813, %select_n3A_768 : vector<16xi1>, vector<16xi32>
        %scan3A_815 = arith.constant 2 : i32
        %scan3A_816 = arith.addi %scan3A_722, %scan3A_815 : i32
        %mul3A_817 = arith.constant 16 : i32
        %mul3A_818 = arith.muli %scan3A_816, %mul3A_817 : i32
        %get3A_819 = arith.constant 0 : i32
        %get3A_820 = arith.index_cast %get3A_819 : i32 to index
        %get3A_821 = arith.index_cast %mul3A_818 : i32 to index
        %get3A_822 = tpu.vector_load %arg10[%get3A_820, %get3A_821] {strides = array<i32>} : memref<3x8192xf32, #tpu.memory_space<vmem>>, vector<1x16xf32>,
        %get3A_823 = vector.shape_cast %get3A_822 : vector<1x16xf32> to vector<16xf32>
        %mul3A_824 = arith.constant 16 : i32
        %mul3A_825 = arith.muli %scan3A_816, %mul3A_824 : i32
        %get3A_826 = arith.constant 1 : i32
        %get3A_827 = arith.index_cast %get3A_826 : i32 to index
        %get3A_828 = arith.index_cast %mul3A_825 : i32 to index
        %get3A_829 = tpu.vector_load %arg10[%get3A_827, %get3A_828] {strides = array<i32>} : memref<3x8192xf32, #tpu.memory_space<vmem>>, vector<1x16xf32>,
        %get3A_830 = vector.shape_cast %get3A_829 : vector<1x16xf32> to vector<16xf32>
        %mul3A_831 = arith.constant 16 : i32
        %mul3A_832 = arith.muli %scan3A_816, %mul3A_831 : i32
        %get3A_833 = arith.constant 2 : i32
        %get3A_834 = arith.index_cast %get3A_833 : i32 to index
        %get3A_835 = arith.index_cast %mul3A_832 : i32 to index
        %get3A_836 = tpu.vector_load %arg10[%get3A_834, %get3A_835] {strides = array<i32>} : memref<3x8192xf32, #tpu.memory_space<vmem>>, vector<1x16xf32>,
        %get3A_837 = vector.shape_cast %get3A_836 : vector<1x16xf32> to vector<16xf32>
        %mul3A_838 = arith.constant 16 : i32
        %mul3A_839 = arith.muli %scan3A_816, %mul3A_838 : i32
        %get3A_840 = arith.constant 0 : i32
        %get3A_841 = arith.index_cast %get3A_840 : i32 to index
        %get3A_842 = arith.index_cast %mul3A_839 : i32 to index
        %get3A_843 = tpu.vector_load %arg11[%get3A_841, %get3A_842] {strides = array<i32>} : memref<1x8192xf32, #tpu.memory_space<vmem>>, vector<1x16xf32>,
        %get3A_844 = vector.shape_cast %get3A_843 : vector<1x16xf32> to vector<16xf32>
        %mul3A_845 = vector.broadcast %squeeze3A : f32 to vector<16xf32>
        %mul3A_846 = arith.mulf %mul3A_845, %get3A_823 : vector<16xf32>
        %mul3A_847 = vector.broadcast %squeeze3A_118 : f32 to vector<16xf32>
        %mul3A_848 = arith.mulf %mul3A_847, %get3A_830 : vector<16xf32>
        %add3A_849 = arith.addf %mul3A_846, %mul3A_848 : vector<16xf32>
        %mul3A_850 = vector.broadcast %squeeze3A_120 : f32 to vector<16xf32>
        %mul3A_851 = arith.mulf %mul3A_850, %get3A_837 : vector<16xf32>
        %add3A_852 = arith.addf %add3A_849, %mul3A_851 : vector<16xf32>
        %add3A_853 = arith.addf %add3A_852, %add3A_852 : vector<16xf32>
        %sub3A_854 = vector.broadcast %squeeze3A_122 : f32 to vector<16xf32>
        %sub3A_855 = arith.subf %sub3A_854, %add3A_853 : vector<16xf32>
        %add3A_856 = arith.addf %sub3A_855, %get3A_844 : vector<16xf32>
        %lt3A_857 = arith.cmpf olt, %add3A_856, %select_n3A_812 : vector<16xf32>
        %select_n3A_858 = arith.select %lt3A_857, %add3A_856, %select_n3A_812 : vector<16xi1>, vector<16xf32>
        %broadcast_in_dim3A_859 = vector.broadcast %scan3A_816 : i32 to vector<16xi32>
        %select_n3A_860 = arith.select %lt3A_857, %broadcast_in_dim3A_859, %select_n3A_814 : vector<16xi1>, vector<16xi32>
        %scan3A_861 = arith.constant 3 : i32
        %scan3A_862 = arith.addi %scan3A_722, %scan3A_861 : i32
        %mul3A_863 = arith.constant 16 : i32
        %mul3A_864 = arith.muli %scan3A_862, %mul3A_863 : i32
        %get3A_865 = arith.constant 0 : i32
        %get3A_866 = arith.index_cast %get3A_865 : i32 to index
        %get3A_867 = arith.index_cast %mul3A_864 : i32 to index
        %get3A_868 = tpu.vector_load %arg10[%get3A_866, %get3A_867] {strides = array<i32>} : memref<3x8192xf32, #tpu.memory_space<vmem>>, vector<1x16xf32>,
        %get3A_869 = vector.shape_cast %get3A_868 : vector<1x16xf32> to vector<16xf32>
        %mul3A_870 = arith.constant 16 : i32
        %mul3A_871 = arith.muli %scan3A_862, %mul3A_870 : i32
        %get3A_872 = arith.constant 1 : i32
        %get3A_873 = arith.index_cast %get3A_872 : i32 to index
        %get3A_874 = arith.index_cast %mul3A_871 : i32 to index
        %get3A_875 = tpu.vector_load %arg10[%get3A_873, %get3A_874] {strides = array<i32>} : memref<3x8192xf32, #tpu.memory_space<vmem>>, vector<1x16xf32>,
        %get3A_876 = vector.shape_cast %get3A_875 : vector<1x16xf32> to vector<16xf32>
        %mul3A_877 = arith.constant 16 : i32
        %mul3A_878 = arith.muli %scan3A_862, %mul3A_877 : i32
        %get3A_879 = arith.constant 2 : i32
        %get3A_880 = arith.index_cast %get3A_879 : i32 to index
        %get3A_881 = arith.index_cast %mul3A_878 : i32 to index
        %get3A_882 = tpu.vector_load %arg10[%get3A_880, %get3A_881] {strides = array<i32>} : memref<3x8192xf32, #tpu.memory_space<vmem>>, vector<1x16xf32>,
        %get3A_883 = vector.shape_cast %get3A_882 : vector<1x16xf32> to vector<16xf32>
        %mul3A_884 = arith.constant 16 : i32
        %mul3A_885 = arith.muli %scan3A_862, %mul3A_884 : i32
        %get3A_886 = arith.constant 0 : i32
        %get3A_887 = arith.index_cast %get3A_886 : i32 to index
        %get3A_888 = arith.index_cast %mul3A_885 : i32 to index
        %get3A_889 = tpu.vector_load %arg11[%get3A_887, %get3A_888] {strides = array<i32>} : memref<1x8192xf32, #tpu.memory_space<vmem>>, vector<1x16xf32>,
        %get3A_890 = vector.shape_cast %get3A_889 : vector<1x16xf32> to vector<16xf32>
        %mul3A_891 = vector.broadcast %squeeze3A : f32 to vector<16xf32>
        %mul3A_892 = arith.mulf %mul3A_891, %get3A_869 : vector<16xf32>
        %mul3A_893 = vector.broadcast %squeeze3A_118 : f32 to vector<16xf32>
        %mul3A_894 = arith.mulf %mul3A_893, %get3A_876 : vector<16xf32>
        %add3A_895 = arith.addf %mul3A_892, %mul3A_894 : vector<16xf32>
        %mul3A_896 = vector.broadcast %squeeze3A_120 : f32 to vector<16xf32>
        %mul3A_897 = arith.mulf %mul3A_896, %get3A_883 : vector<16xf32>
        %add3A_898 = arith.addf %add3A_895, %mul3A_897 : vector<16xf32>
        %add3A_899 = arith.addf %add3A_898, %add3A_898 : vector<16xf32>
        %sub3A_900 = vector.broadcast %squeeze3A_122 : f32 to vector<16xf32>
        %sub3A_901 = arith.subf %sub3A_900, %add3A_899 : vector<16xf32>
        %add3A_902 = arith.addf %sub3A_901, %get3A_890 : vector<16xf32>
        %lt3A_903 = arith.cmpf olt, %add3A_902, %select_n3A_858 : vector<16xf32>
        %select_n3A_904 = arith.select %lt3A_903, %add3A_902, %select_n3A_858 : vector<16xi1>, vector<16xf32>
        %broadcast_in_dim3A_905 = vector.broadcast %scan3A_862 : i32 to vector<16xi32>
        %select_n3A_906 = arith.select %lt3A_903, %broadcast_in_dim3A_905, %select_n3A_860 : vector<16xi1>, vector<16xi32>
        scf.yield %select_n3A_904, %select_n3A_906 : vector<16xf32>, vector<16xi32>
      }
      %scan3A_131 = arith.constant 512 : i32
      %mul3A_132 = arith.constant 16 : i32
      %mul3A_133 = arith.muli %scan3A_69, %mul3A_132 : i32
      %add3A_134 = arith.constant 0 : i32
      %add3A_135 = arith.addi %mul3A_133, %add3A_134 : i32
      %mul3A_136 = arith.constant 16 : i32
      %mul3A_137 = arith.muli %add3A_135, %mul3A_136 : i32
      %swap3A = arith.index_cast %mul3A_137 : i32 to index
      %swap3A_138 = tpu.vector_load %arg12[%swap3A] {strides = array<i32>} : memref<1024xf32, #tpu.memory_space<vmem>>, vector<16xf32>,
      %swap3A_139 = vector.shape_cast %swap3A_138 : vector<16xf32> to vector<16xf32>
      %swap3A_140 = vector.shape_cast %scan3A_130#0 : vector<16xf32> to vector<16xf32>
      tpu.vector_store %arg12[%swap3A], %swap3A_140 {strides = array<i32>} : memref<1024xf32, #tpu.memory_space<vmem>>, vector<16xf32>,
      %mul3A_141 = arith.constant 16 : i32
      %mul3A_142 = arith.muli %scan3A_69, %mul3A_141 : i32
      %add3A_143 = arith.constant 0 : i32
      %add3A_144 = arith.addi %mul3A_142, %add3A_143 : i32
      %mul3A_145 = arith.constant 16 : i32
      %mul3A_146 = arith.muli %add3A_144, %mul3A_145 : i32
      %swap3A_147 = arith.index_cast %mul3A_146 : i32 to index
      %swap3A_148 = tpu.vector_load %arg13[%swap3A_147] {strides = array<i32>} : memref<1024xi32, #tpu.memory_space<vmem>>, vector<16xi32>,
      %swap3A_149 = vector.shape_cast %swap3A_148 : vector<16xi32> to vector<16xi32>
      %swap3A_150 = vector.shape_cast %scan3A_130#1 : vector<16xi32> to vector<16xi32>
      tpu.vector_store %arg13[%swap3A_147], %swap3A_150 {strides = array<i32>} : memref<1024xi32, #tpu.memory_space<vmem>>, vector<16xi32>,
      %slice3A_151 = vector.extract_strided_slice %get3A_102 {offsets = [1], sizes = [1], strides = [1]} : vector<16xf32> to vector<1xf32>
      %squeeze3A_152 = vector.extract %slice3A_151[0] : f32 from vector<1xf32>
      %slice3A_153 = vector.extract_strided_slice %get3A_109 {offsets = [1], sizes = [1], strides = [1]} : vector<16xf32> to vector<1xf32>
      %squeeze3A_154 = vector.extract %slice3A_153[0] : f32 from vector<1xf32>
      %slice3A_155 = vector.extract_strided_slice %get3A_116 {offsets = [1], sizes = [1], strides = [1]} : vector<16xf32> to vector<1xf32>
      %squeeze3A_156 = vector.extract %slice3A_155[0] : f32 from vector<1xf32>
      %slice3A_157 = vector.extract_strided_slice %add3A_95 {offsets = [1], sizes = [1], strides = [1]} : vector<16xf32> to vector<1xf32>
      %squeeze3A_158 = vector.extract %slice3A_157[0] : f32 from vector<1xf32>
      %broadcast_in_dim3A_159 = arith.constant 0x7F800000 : f32
      %broadcast_in_dim3A_160 = vector.broadcast %broadcast_in_dim3A_159 : f32 to vector<16xf32>
      %broadcast_in_dim3A_161 = arith.constant 0 : i32
      %broadcast_in_dim3A_162 = vector.broadcast %broadcast_in_dim3A_161 : i32 to vector<16xi32>
      %scan3A_163 = arith.constant 0 : i32
      %scan3A_164 = arith.constant 512 : i32
      %scan3A_165 = arith.addi %scan3A_163, %scan3A_164 : i32
      %scan3A_166 = arith.constant 4 : i32
      %scan3A_167:2 = scf.for %scan3A_722 = %scan3A_163 to %scan3A_165 step %scan3A_166 iter_args(%scan3A_723 = %broadcast_in_dim3A_160, %scan3A_724 = %broadcast_in_dim3A_162) -> (vector<16xf32>, vector<16xi32>)  : i32 {
        %mul3A_725 = arith.constant 16 : i32
        %mul3A_726 = arith.muli %scan3A_722, %mul3A_725 : i32
        %get3A_727 = arith.constant 0 : i32
        %get3A_728 = arith.index_cast %get3A_727 : i32 to index
        %get3A_729 = arith.index_cast %mul3A_726 : i32 to index
        %get3A_730 = tpu.vector_load %arg10[%get3A_728, %get3A_729] {strides = array<i32>} : memref<3x8192xf32, #tpu.memory_space<vmem>>, vector<1x16xf32>,
        %get3A_731 = vector.shape_cast %get3A_730 : vector<1x16xf32> to vector<16xf32>
        %mul3A_732 = arith.constant 16 : i32
        %mul3A_733 = arith.muli %scan3A_722, %mul3A_732 : i32
        %get3A_734 = arith.constant 1 : i32
        %get3A_735 = arith.index_cast %get3A_734 : i32 to index
        %get3A_736 = arith.index_cast %mul3A_733 : i32 to index
        %get3A_737 = tpu.vector_load %arg10[%get3A_735, %get3A_736] {strides = array<i32>} : memref<3x8192xf32, #tpu.memory_space<vmem>>, vector<1x16xf32>,
        %get3A_738 = vector.shape_cast %get3A_737 : vector<1x16xf32> to vector<16xf32>
        %mul3A_739 = arith.constant 16 : i32
        %mul3A_740 = arith.muli %scan3A_722, %mul3A_739 : i32
        %get3A_741 = arith.constant 2 : i32
        %get3A_742 = arith.index_cast %get3A_741 : i32 to index
        %get3A_743 = arith.index_cast %mul3A_740 : i32 to index
        %get3A_744 = tpu.vector_load %arg10[%get3A_742, %get3A_743] {strides = array<i32>} : memref<3x8192xf32, #tpu.memory_space<vmem>>, vector<1x16xf32>,
        %get3A_745 = vector.shape_cast %get3A_744 : vector<1x16xf32> to vector<16xf32>
        %mul3A_746 = arith.constant 16 : i32
        %mul3A_747 = arith.muli %scan3A_722, %mul3A_746 : i32
        %get3A_748 = arith.constant 0 : i32
        %get3A_749 = arith.index_cast %get3A_748 : i32 to index
        %get3A_750 = arith.index_cast %mul3A_747 : i32 to index
        %get3A_751 = tpu.vector_load %arg11[%get3A_749, %get3A_750] {strides = array<i32>} : memref<1x8192xf32, #tpu.memory_space<vmem>>, vector<1x16xf32>,
        %get3A_752 = vector.shape_cast %get3A_751 : vector<1x16xf32> to vector<16xf32>
        %mul3A_753 = vector.broadcast %squeeze3A_152 : f32 to vector<16xf32>
        %mul3A_754 = arith.mulf %mul3A_753, %get3A_731 : vector<16xf32>
        %mul3A_755 = vector.broadcast %squeeze3A_154 : f32 to vector<16xf32>
        %mul3A_756 = arith.mulf %mul3A_755, %get3A_738 : vector<16xf32>
        %add3A_757 = arith.addf %mul3A_754, %mul3A_756 : vector<16xf32>
        %mul3A_758 = vector.broadcast %squeeze3A_156 : f32 to vector<16xf32>
        %mul3A_759 = arith.mulf %mul3A_758, %get3A_745 : vector<16xf32>
        %add3A_760 = arith.addf %add3A_757, %mul3A_759 : vector<16xf32>
        %add3A_761 = arith.addf %add3A_760, %add3A_760 : vector<16xf32>
        %sub3A_762 = vector.broadcast %squeeze3A_158 : f32 to vector<16xf32>
        %sub3A_763 = arith.subf %sub3A_762, %add3A_761 : vector<16xf32>
        %add3A_764 = arith.addf %sub3A_763, %get3A_752 : vector<16xf32>
        %lt3A_765 = arith.cmpf olt, %add3A_764, %scan3A_723 : vector<16xf32>
        %select_n3A_766 = arith.select %lt3A_765, %add3A_764, %scan3A_723 : vector<16xi1>, vector<16xf32>
        %broadcast_in_dim3A_767 = vector.broadcast %scan3A_722 : i32 to vector<16xi32>
        %select_n3A_768 = arith.select %lt3A_765, %broadcast_in_dim3A_767, %scan3A_724 : vector<16xi1>, vector<16xi32>
        %scan3A_769 = arith.constant 1 : i32
        %scan3A_770 = arith.addi %scan3A_722, %scan3A_769 : i32
        %mul3A_771 = arith.constant 16 : i32
        %mul3A_772 = arith.muli %scan3A_770, %mul3A_771 : i32
        %get3A_773 = arith.constant 0 : i32
        %get3A_774 = arith.index_cast %get3A_773 : i32 to index
        %get3A_775 = arith.index_cast %mul3A_772 : i32 to index
        %get3A_776 = tpu.vector_load %arg10[%get3A_774, %get3A_775] {strides = array<i32>} : memref<3x8192xf32, #tpu.memory_space<vmem>>, vector<1x16xf32>,
        %get3A_777 = vector.shape_cast %get3A_776 : vector<1x16xf32> to vector<16xf32>
        %mul3A_778 = arith.constant 16 : i32
        %mul3A_779 = arith.muli %scan3A_770, %mul3A_778 : i32
        %get3A_780 = arith.constant 1 : i32
        %get3A_781 = arith.index_cast %get3A_780 : i32 to index
        %get3A_782 = arith.index_cast %mul3A_779 : i32 to index
        %get3A_783 = tpu.vector_load %arg10[%get3A_781, %get3A_782] {strides = array<i32>} : memref<3x8192xf32, #tpu.memory_space<vmem>>, vector<1x16xf32>,
        %get3A_784 = vector.shape_cast %get3A_783 : vector<1x16xf32> to vector<16xf32>
        %mul3A_785 = arith.constant 16 : i32
        %mul3A_786 = arith.muli %scan3A_770, %mul3A_785 : i32
        %get3A_787 = arith.constant 2 : i32
        %get3A_788 = arith.index_cast %get3A_787 : i32 to index
        %get3A_789 = arith.index_cast %mul3A_786 : i32 to index
        %get3A_790 = tpu.vector_load %arg10[%get3A_788, %get3A_789] {strides = array<i32>} : memref<3x8192xf32, #tpu.memory_space<vmem>>, vector<1x16xf32>,
        %get3A_791 = vector.shape_cast %get3A_790 : vector<1x16xf32> to vector<16xf32>
        %mul3A_792 = arith.constant 16 : i32
        %mul3A_793 = arith.muli %scan3A_770, %mul3A_792 : i32
        %get3A_794 = arith.constant 0 : i32
        %get3A_795 = arith.index_cast %get3A_794 : i32 to index
        %get3A_796 = arith.index_cast %mul3A_793 : i32 to index
        %get3A_797 = tpu.vector_load %arg11[%get3A_795, %get3A_796] {strides = array<i32>} : memref<1x8192xf32, #tpu.memory_space<vmem>>, vector<1x16xf32>,
        %get3A_798 = vector.shape_cast %get3A_797 : vector<1x16xf32> to vector<16xf32>
        %mul3A_799 = vector.broadcast %squeeze3A_152 : f32 to vector<16xf32>
        %mul3A_800 = arith.mulf %mul3A_799, %get3A_777 : vector<16xf32>
        %mul3A_801 = vector.broadcast %squeeze3A_154 : f32 to vector<16xf32>
        %mul3A_802 = arith.mulf %mul3A_801, %get3A_784 : vector<16xf32>
        %add3A_803 = arith.addf %mul3A_800, %mul3A_802 : vector<16xf32>
        %mul3A_804 = vector.broadcast %squeeze3A_156 : f32 to vector<16xf32>
        %mul3A_805 = arith.mulf %mul3A_804, %get3A_791 : vector<16xf32>
        %add3A_806 = arith.addf %add3A_803, %mul3A_805 : vector<16xf32>
        %add3A_807 = arith.addf %add3A_806, %add3A_806 : vector<16xf32>
        %sub3A_808 = vector.broadcast %squeeze3A_158 : f32 to vector<16xf32>
        %sub3A_809 = arith.subf %sub3A_808, %add3A_807 : vector<16xf32>
        %add3A_810 = arith.addf %sub3A_809, %get3A_798 : vector<16xf32>
        %lt3A_811 = arith.cmpf olt, %add3A_810, %select_n3A_766 : vector<16xf32>
        %select_n3A_812 = arith.select %lt3A_811, %add3A_810, %select_n3A_766 : vector<16xi1>, vector<16xf32>
        %broadcast_in_dim3A_813 = vector.broadcast %scan3A_770 : i32 to vector<16xi32>
        %select_n3A_814 = arith.select %lt3A_811, %broadcast_in_dim3A_813, %select_n3A_768 : vector<16xi1>, vector<16xi32>
        %scan3A_815 = arith.constant 2 : i32
        %scan3A_816 = arith.addi %scan3A_722, %scan3A_815 : i32
        %mul3A_817 = arith.constant 16 : i32
        %mul3A_818 = arith.muli %scan3A_816, %mul3A_817 : i32
        %get3A_819 = arith.constant 0 : i32
        %get3A_820 = arith.index_cast %get3A_819 : i32 to index
        %get3A_821 = arith.index_cast %mul3A_818 : i32 to index
        %get3A_822 = tpu.vector_load %arg10[%get3A_820, %get3A_821] {strides = array<i32>} : memref<3x8192xf32, #tpu.memory_space<vmem>>, vector<1x16xf32>,
        %get3A_823 = vector.shape_cast %get3A_822 : vector<1x16xf32> to vector<16xf32>
        %mul3A_824 = arith.constant 16 : i32
        %mul3A_825 = arith.muli %scan3A_816, %mul3A_824 : i32
        %get3A_826 = arith.constant 1 : i32
        %get3A_827 = arith.index_cast %get3A_826 : i32 to index
        %get3A_828 = arith.index_cast %mul3A_825 : i32 to index
        %get3A_829 = tpu.vector_load %arg10[%get3A_827, %get3A_828] {strides = array<i32>} : memref<3x8192xf32, #tpu.memory_space<vmem>>, vector<1x16xf32>,
        %get3A_830 = vector.shape_cast %get3A_829 : vector<1x16xf32> to vector<16xf32>
        %mul3A_831 = arith.constant 16 : i32
        %mul3A_832 = arith.muli %scan3A_816, %mul3A_831 : i32
        %get3A_833 = arith.constant 2 : i32
        %get3A_834 = arith.index_cast %get3A_833 : i32 to index
        %get3A_835 = arith.index_cast %mul3A_832 : i32 to index
        %get3A_836 = tpu.vector_load %arg10[%get3A_834, %get3A_835] {strides = array<i32>} : memref<3x8192xf32, #tpu.memory_space<vmem>>, vector<1x16xf32>,
        %get3A_837 = vector.shape_cast %get3A_836 : vector<1x16xf32> to vector<16xf32>
        %mul3A_838 = arith.constant 16 : i32
        %mul3A_839 = arith.muli %scan3A_816, %mul3A_838 : i32
        %get3A_840 = arith.constant 0 : i32
        %get3A_841 = arith.index_cast %get3A_840 : i32 to index
        %get3A_842 = arith.index_cast %mul3A_839 : i32 to index
        %get3A_843 = tpu.vector_load %arg11[%get3A_841, %get3A_842] {strides = array<i32>} : memref<1x8192xf32, #tpu.memory_space<vmem>>, vector<1x16xf32>,
        %get3A_844 = vector.shape_cast %get3A_843 : vector<1x16xf32> to vector<16xf32>
        %mul3A_845 = vector.broadcast %squeeze3A_152 : f32 to vector<16xf32>
        %mul3A_846 = arith.mulf %mul3A_845, %get3A_823 : vector<16xf32>
        %mul3A_847 = vector.broadcast %squeeze3A_154 : f32 to vector<16xf32>
        %mul3A_848 = arith.mulf %mul3A_847, %get3A_830 : vector<16xf32>
        %add3A_849 = arith.addf %mul3A_846, %mul3A_848 : vector<16xf32>
        %mul3A_850 = vector.broadcast %squeeze3A_156 : f32 to vector<16xf32>
        %mul3A_851 = arith.mulf %mul3A_850, %get3A_837 : vector<16xf32>
        %add3A_852 = arith.addf %add3A_849, %mul3A_851 : vector<16xf32>
        %add3A_853 = arith.addf %add3A_852, %add3A_852 : vector<16xf32>
        %sub3A_854 = vector.broadcast %squeeze3A_158 : f32 to vector<16xf32>
        %sub3A_855 = arith.subf %sub3A_854, %add3A_853 : vector<16xf32>
        %add3A_856 = arith.addf %sub3A_855, %get3A_844 : vector<16xf32>
        %lt3A_857 = arith.cmpf olt, %add3A_856, %select_n3A_812 : vector<16xf32>
        %select_n3A_858 = arith.select %lt3A_857, %add3A_856, %select_n3A_812 : vector<16xi1>, vector<16xf32>
        %broadcast_in_dim3A_859 = vector.broadcast %scan3A_816 : i32 to vector<16xi32>
        %select_n3A_860 = arith.select %lt3A_857, %broadcast_in_dim3A_859, %select_n3A_814 : vector<16xi1>, vector<16xi32>
        %scan3A_861 = arith.constant 3 : i32
        %scan3A_862 = arith.addi %scan3A_722, %scan3A_861 : i32
        %mul3A_863 = arith.constant 16 : i32
        %mul3A_864 = arith.muli %scan3A_862, %mul3A_863 : i32
        %get3A_865 = arith.constant 0 : i32
        %get3A_866 = arith.index_cast %get3A_865 : i32 to index
        %get3A_867 = arith.index_cast %mul3A_864 : i32 to index
        %get3A_868 = tpu.vector_load %arg10[%get3A_866, %get3A_867] {strides = array<i32>} : memref<3x8192xf32, #tpu.memory_space<vmem>>, vector<1x16xf32>,
        %get3A_869 = vector.shape_cast %get3A_868 : vector<1x16xf32> to vector<16xf32>
        %mul3A_870 = arith.constant 16 : i32
        %mul3A_871 = arith.muli %scan3A_862, %mul3A_870 : i32
        %get3A_872 = arith.constant 1 : i32
        %get3A_873 = arith.index_cast %get3A_872 : i32 to index
        %get3A_874 = arith.index_cast %mul3A_871 : i32 to index
        %get3A_875 = tpu.vector_load %arg10[%get3A_873, %get3A_874] {strides = array<i32>} : memref<3x8192xf32, #tpu.memory_space<vmem>>, vector<1x16xf32>,
        %get3A_876 = vector.shape_cast %get3A_875 : vector<1x16xf32> to vector<16xf32>
        %mul3A_877 = arith.constant 16 : i32
        %mul3A_878 = arith.muli %scan3A_862, %mul3A_877 : i32
        %get3A_879 = arith.constant 2 : i32
        %get3A_880 = arith.index_cast %get3A_879 : i32 to index
        %get3A_881 = arith.index_cast %mul3A_878 : i32 to index
        %get3A_882 = tpu.vector_load %arg10[%get3A_880, %get3A_881] {strides = array<i32>} : memref<3x8192xf32, #tpu.memory_space<vmem>>, vector<1x16xf32>,
        %get3A_883 = vector.shape_cast %get3A_882 : vector<1x16xf32> to vector<16xf32>
        %mul3A_884 = arith.constant 16 : i32
        %mul3A_885 = arith.muli %scan3A_862, %mul3A_884 : i32
        %get3A_886 = arith.constant 0 : i32
        %get3A_887 = arith.index_cast %get3A_886 : i32 to index
        %get3A_888 = arith.index_cast %mul3A_885 : i32 to index
        %get3A_889 = tpu.vector_load %arg11[%get3A_887, %get3A_888] {strides = array<i32>} : memref<1x8192xf32, #tpu.memory_space<vmem>>, vector<1x16xf32>,
        %get3A_890 = vector.shape_cast %get3A_889 : vector<1x16xf32> to vector<16xf32>
        %mul3A_891 = vector.broadcast %squeeze3A_152 : f32 to vector<16xf32>
        %mul3A_892 = arith.mulf %mul3A_891, %get3A_869 : vector<16xf32>
        %mul3A_893 = vector.broadcast %squeeze3A_154 : f32 to vector<16xf32>
        %mul3A_894 = arith.mulf %mul3A_893, %get3A_876 : vector<16xf32>
        %add3A_895 = arith.addf %mul3A_892, %mul3A_894 : vector<16xf32>
        %mul3A_896 = vector.broadcast %squeeze3A_156 : f32 to vector<16xf32>
        %mul3A_897 = arith.mulf %mul3A_896, %get3A_883 : vector<16xf32>
        %add3A_898 = arith.addf %add3A_895, %mul3A_897 : vector<16xf32>
        %add3A_899 = arith.addf %add3A_898, %add3A_898 : vector<16xf32>
        %sub3A_900 = vector.broadcast %squeeze3A_158 : f32 to vector<16xf32>
        %sub3A_901 = arith.subf %sub3A_900, %add3A_899 : vector<16xf32>
        %add3A_902 = arith.addf %sub3A_901, %get3A_890 : vector<16xf32>
        %lt3A_903 = arith.cmpf olt, %add3A_902, %select_n3A_858 : vector<16xf32>
        %select_n3A_904 = arith.select %lt3A_903, %add3A_902, %select_n3A_858 : vector<16xi1>, vector<16xf32>
        %broadcast_in_dim3A_905 = vector.broadcast %scan3A_862 : i32 to vector<16xi32>
        %select_n3A_906 = arith.select %lt3A_903, %broadcast_in_dim3A_905, %select_n3A_860 : vector<16xi1>, vector<16xi32>
        scf.yield %select_n3A_904, %select_n3A_906 : vector<16xf32>, vector<16xi32>
      }
      %scan3A_168 = arith.constant 512 : i32
      %mul3A_169 = arith.constant 16 : i32
      %mul3A_170 = arith.muli %scan3A_69, %mul3A_169 : i32
      %add3A_171 = arith.constant 1 : i32
      %add3A_172 = arith.addi %mul3A_170, %add3A_171 : i32
      %mul3A_173 = arith.constant 16 : i32
      %mul3A_174 = arith.muli %add3A_172, %mul3A_173 : i32
      %swap3A_175 = arith.index_cast %mul3A_174 : i32 to index
      %swap3A_176 = tpu.vector_load %arg12[%swap3A_175] {strides = array<i32>} : memref<1024xf32, #tpu.memory_space<vmem>>, vector<16xf32>,
      %swap3A_177 = vector.shape_cast %swap3A_176 : vector<16xf32> to vector<16xf32>
      %swap3A_178 = vector.shape_cast %scan3A_167#0 : vector<16xf32> to vector<16xf32>
      tpu.vector_store %arg12[%swap3A_175], %swap3A_178 {strides = array<i32>} : memref<1024xf32, #tpu.memory_space<vmem>>, vector<16xf32>,
      %mul3A_179 = arith.constant 16 : i32
      %mul3A_180 = arith.muli %scan3A_69, %mul3A_179 : i32
      %add3A_181 = arith.constant 1 : i32
      %add3A_182 = arith.addi %mul3A_180, %add3A_181 : i32
      %mul3A_183 = arith.constant 16 : i32
      %mul3A_184 = arith.muli %add3A_182, %mul3A_183 : i32
      %swap3A_185 = arith.index_cast %mul3A_184 : i32 to index
      %swap3A_186 = tpu.vector_load %arg13[%swap3A_185] {strides = array<i32>} : memref<1024xi32, #tpu.memory_space<vmem>>, vector<16xi32>,
      %swap3A_187 = vector.shape_cast %swap3A_186 : vector<16xi32> to vector<16xi32>
      %swap3A_188 = vector.shape_cast %scan3A_167#1 : vector<16xi32> to vector<16xi32>
      tpu.vector_store %arg13[%swap3A_185], %swap3A_188 {strides = array<i32>} : memref<1024xi32, #tpu.memory_space<vmem>>, vector<16xi32>,
      %slice3A_189 = vector.extract_strided_slice %get3A_102 {offsets = [2], sizes = [1], strides = [1]} : vector<16xf32> to vector<1xf32>
      %squeeze3A_190 = vector.extract %slice3A_189[0] : f32 from vector<1xf32>
      %slice3A_191 = vector.extract_strided_slice %get3A_109 {offsets = [2], sizes = [1], strides = [1]} : vector<16xf32> to vector<1xf32>
      %squeeze3A_192 = vector.extract %slice3A_191[0] : f32 from vector<1xf32>
      %slice3A_193 = vector.extract_strided_slice %get3A_116 {offsets = [2], sizes = [1], strides = [1]} : vector<16xf32> to vector<1xf32>
      %squeeze3A_194 = vector.extract %slice3A_193[0] : f32 from vector<1xf32>
      %slice3A_195 = vector.extract_strided_slice %add3A_95 {offsets = [2], sizes = [1], strides = [1]} : vector<16xf32> to vector<1xf32>
      %squeeze3A_196 = vector.extract %slice3A_195[0] : f32 from vector<1xf32>
      %broadcast_in_dim3A_197 = arith.constant 0x7F800000 : f32
      %broadcast_in_dim3A_198 = vector.broadcast %broadcast_in_dim3A_197 : f32 to vector<16xf32>
      %broadcast_in_dim3A_199 = arith.constant 0 : i32
      %broadcast_in_dim3A_200 = vector.broadcast %broadcast_in_dim3A_199 : i32 to vector<16xi32>
      %scan3A_201 = arith.constant 0 : i32
      %scan3A_202 = arith.constant 512 : i32
      %scan3A_203 = arith.addi %scan3A_201, %scan3A_202 : i32
      %scan3A_204 = arith.constant 4 : i32
      %scan3A_205:2 = scf.for %scan3A_722 = %scan3A_201 to %scan3A_203 step %scan3A_204 iter_args(%scan3A_723 = %broadcast_in_dim3A_198, %scan3A_724 = %broadcast_in_dim3A_200) -> (vector<16xf32>, vector<16xi32>)  : i32 {
        %mul3A_725 = arith.constant 16 : i32
        %mul3A_726 = arith.muli %scan3A_722, %mul3A_725 : i32
        %get3A_727 = arith.constant 0 : i32
        %get3A_728 = arith.index_cast %get3A_727 : i32 to index
        %get3A_729 = arith.index_cast %mul3A_726 : i32 to index
        %get3A_730 = tpu.vector_load %arg10[%get3A_728, %get3A_729] {strides = array<i32>} : memref<3x8192xf32, #tpu.memory_space<vmem>>, vector<1x16xf32>,
        %get3A_731 = vector.shape_cast %get3A_730 : vector<1x16xf32> to vector<16xf32>
        %mul3A_732 = arith.constant 16 : i32
        %mul3A_733 = arith.muli %scan3A_722, %mul3A_732 : i32
        %get3A_734 = arith.constant 1 : i32
        %get3A_735 = arith.index_cast %get3A_734 : i32 to index
        %get3A_736 = arith.index_cast %mul3A_733 : i32 to index
        %get3A_737 = tpu.vector_load %arg10[%get3A_735, %get3A_736] {strides = array<i32>} : memref<3x8192xf32, #tpu.memory_space<vmem>>, vector<1x16xf32>,
        %get3A_738 = vector.shape_cast %get3A_737 : vector<1x16xf32> to vector<16xf32>
        %mul3A_739 = arith.constant 16 : i32
        %mul3A_740 = arith.muli %scan3A_722, %mul3A_739 : i32
        %get3A_741 = arith.constant 2 : i32
        %get3A_742 = arith.index_cast %get3A_741 : i32 to index
        %get3A_743 = arith.index_cast %mul3A_740 : i32 to index
        %get3A_744 = tpu.vector_load %arg10[%get3A_742, %get3A_743] {strides = array<i32>} : memref<3x8192xf32, #tpu.memory_space<vmem>>, vector<1x16xf32>,
        %get3A_745 = vector.shape_cast %get3A_744 : vector<1x16xf32> to vector<16xf32>
        %mul3A_746 = arith.constant 16 : i32
        %mul3A_747 = arith.muli %scan3A_722, %mul3A_746 : i32
        %get3A_748 = arith.constant 0 : i32
        %get3A_749 = arith.index_cast %get3A_748 : i32 to index
        %get3A_750 = arith.index_cast %mul3A_747 : i32 to index
        %get3A_751 = tpu.vector_load %arg11[%get3A_749, %get3A_750] {strides = array<i32>} : memref<1x8192xf32, #tpu.memory_space<vmem>>, vector<1x16xf32>,
        %get3A_752 = vector.shape_cast %get3A_751 : vector<1x16xf32> to vector<16xf32>
        %mul3A_753 = vector.broadcast %squeeze3A_190 : f32 to vector<16xf32>
        %mul3A_754 = arith.mulf %mul3A_753, %get3A_731 : vector<16xf32>
        %mul3A_755 = vector.broadcast %squeeze3A_192 : f32 to vector<16xf32>
        %mul3A_756 = arith.mulf %mul3A_755, %get3A_738 : vector<16xf32>
        %add3A_757 = arith.addf %mul3A_754, %mul3A_756 : vector<16xf32>
        %mul3A_758 = vector.broadcast %squeeze3A_194 : f32 to vector<16xf32>
        %mul3A_759 = arith.mulf %mul3A_758, %get3A_745 : vector<16xf32>
        %add3A_760 = arith.addf %add3A_757, %mul3A_759 : vector<16xf32>
        %add3A_761 = arith.addf %add3A_760, %add3A_760 : vector<16xf32>
        %sub3A_762 = vector.broadcast %squeeze3A_196 : f32 to vector<16xf32>
        %sub3A_763 = arith.subf %sub3A_762, %add3A_761 : vector<16xf32>
        %add3A_764 = arith.addf %sub3A_763, %get3A_752 : vector<16xf32>
        %lt3A_765 = arith.cmpf olt, %add3A_764, %scan3A_723 : vector<16xf32>
        %select_n3A_766 = arith.select %lt3A_765, %add3A_764, %scan3A_723 : vector<16xi1>, vector<16xf32>
        %broadcast_in_dim3A_767 = vector.broadcast %scan3A_722 : i32 to vector<16xi32>
        %select_n3A_768 = arith.select %lt3A_765, %broadcast_in_dim3A_767, %scan3A_724 : vector<16xi1>, vector<16xi32>
        %scan3A_769 = arith.constant 1 : i32
        %scan3A_770 = arith.addi %scan3A_722, %scan3A_769 : i32
        %mul3A_771 = arith.constant 16 : i32
        %mul3A_772 = arith.muli %scan3A_770, %mul3A_771 : i32
        %get3A_773 = arith.constant 0 : i32
        %get3A_774 = arith.index_cast %get3A_773 : i32 to index
        %get3A_775 = arith.index_cast %mul3A_772 : i32 to index
        %get3A_776 = tpu.vector_load %arg10[%get3A_774, %get3A_775] {strides = array<i32>} : memref<3x8192xf32, #tpu.memory_space<vmem>>, vector<1x16xf32>,
        %get3A_777 = vector.shape_cast %get3A_776 : vector<1x16xf32> to vector<16xf32>
        %mul3A_778 = arith.constant 16 : i32
        %mul3A_779 = arith.muli %scan3A_770, %mul3A_778 : i32
        %get3A_780 = arith.constant 1 : i32
        %get3A_781 = arith.index_cast %get3A_780 : i32 to index
        %get3A_782 = arith.index_cast %mul3A_779 : i32 to index
        %get3A_783 = tpu.vector_load %arg10[%get3A_781, %get3A_782] {strides = array<i32>} : memref<3x8192xf32, #tpu.memory_space<vmem>>, vector<1x16xf32>,
        %get3A_784 = vector.shape_cast %get3A_783 : vector<1x16xf32> to vector<16xf32>
        %mul3A_785 = arith.constant 16 : i32
        %mul3A_786 = arith.muli %scan3A_770, %mul3A_785 : i32
        %get3A_787 = arith.constant 2 : i32
        %get3A_788 = arith.index_cast %get3A_787 : i32 to index
        %get3A_789 = arith.index_cast %mul3A_786 : i32 to index
        %get3A_790 = tpu.vector_load %arg10[%get3A_788, %get3A_789] {strides = array<i32>} : memref<3x8192xf32, #tpu.memory_space<vmem>>, vector<1x16xf32>,
        %get3A_791 = vector.shape_cast %get3A_790 : vector<1x16xf32> to vector<16xf32>
        %mul3A_792 = arith.constant 16 : i32
        %mul3A_793 = arith.muli %scan3A_770, %mul3A_792 : i32
        %get3A_794 = arith.constant 0 : i32
        %get3A_795 = arith.index_cast %get3A_794 : i32 to index
        %get3A_796 = arith.index_cast %mul3A_793 : i32 to index
        %get3A_797 = tpu.vector_load %arg11[%get3A_795, %get3A_796] {strides = array<i32>} : memref<1x8192xf32, #tpu.memory_space<vmem>>, vector<1x16xf32>,
        %get3A_798 = vector.shape_cast %get3A_797 : vector<1x16xf32> to vector<16xf32>
        %mul3A_799 = vector.broadcast %squeeze3A_190 : f32 to vector<16xf32>
        %mul3A_800 = arith.mulf %mul3A_799, %get3A_777 : vector<16xf32>
        %mul3A_801 = vector.broadcast %squeeze3A_192 : f32 to vector<16xf32>
        %mul3A_802 = arith.mulf %mul3A_801, %get3A_784 : vector<16xf32>
        %add3A_803 = arith.addf %mul3A_800, %mul3A_802 : vector<16xf32>
        %mul3A_804 = vector.broadcast %squeeze3A_194 : f32 to vector<16xf32>
        %mul3A_805 = arith.mulf %mul3A_804, %get3A_791 : vector<16xf32>
        %add3A_806 = arith.addf %add3A_803, %mul3A_805 : vector<16xf32>
        %add3A_807 = arith.addf %add3A_806, %add3A_806 : vector<16xf32>
        %sub3A_808 = vector.broadcast %squeeze3A_196 : f32 to vector<16xf32>
        %sub3A_809 = arith.subf %sub3A_808, %add3A_807 : vector<16xf32>
        %add3A_810 = arith.addf %sub3A_809, %get3A_798 : vector<16xf32>
        %lt3A_811 = arith.cmpf olt, %add3A_810, %select_n3A_766 : vector<16xf32>
        %select_n3A_812 = arith.select %lt3A_811, %add3A_810, %select_n3A_766 : vector<16xi1>, vector<16xf32>
        %broadcast_in_dim3A_813 = vector.broadcast %scan3A_770 : i32 to vector<16xi32>
        %select_n3A_814 = arith.select %lt3A_811, %broadcast_in_dim3A_813, %select_n3A_768 : vector<16xi1>, vector<16xi32>
        %scan3A_815 = arith.constant 2 : i32
        %scan3A_816 = arith.addi %scan3A_722, %scan3A_815 : i32
        %mul3A_817 = arith.constant 16 : i32
        %mul3A_818 = arith.muli %scan3A_816, %mul3A_817 : i32
        %get3A_819 = arith.constant 0 : i32
        %get3A_820 = arith.index_cast %get3A_819 : i32 to index
        %get3A_821 = arith.index_cast %mul3A_818 : i32 to index
        %get3A_822 = tpu.vector_load %arg10[%get3A_820, %get3A_821] {strides = array<i32>} : memref<3x8192xf32, #tpu.memory_space<vmem>>, vector<1x16xf32>,
        %get3A_823 = vector.shape_cast %get3A_822 : vector<1x16xf32> to vector<16xf32>
        %mul3A_824 = arith.constant 16 : i32
        %mul3A_825 = arith.muli %scan3A_816, %mul3A_824 : i32
        %get3A_826 = arith.constant 1 : i32
        %get3A_827 = arith.index_cast %get3A_826 : i32 to index
        %get3A_828 = arith.index_cast %mul3A_825 : i32 to index
        %get3A_829 = tpu.vector_load %arg10[%get3A_827, %get3A_828] {strides = array<i32>} : memref<3x8192xf32, #tpu.memory_space<vmem>>, vector<1x16xf32>,
        %get3A_830 = vector.shape_cast %get3A_829 : vector<1x16xf32> to vector<16xf32>
        %mul3A_831 = arith.constant 16 : i32
        %mul3A_832 = arith.muli %scan3A_816, %mul3A_831 : i32
        %get3A_833 = arith.constant 2 : i32
        %get3A_834 = arith.index_cast %get3A_833 : i32 to index
        %get3A_835 = arith.index_cast %mul3A_832 : i32 to index
        %get3A_836 = tpu.vector_load %arg10[%get3A_834, %get3A_835] {strides = array<i32>} : memref<3x8192xf32, #tpu.memory_space<vmem>>, vector<1x16xf32>,
        %get3A_837 = vector.shape_cast %get3A_836 : vector<1x16xf32> to vector<16xf32>
        %mul3A_838 = arith.constant 16 : i32
        %mul3A_839 = arith.muli %scan3A_816, %mul3A_838 : i32
        %get3A_840 = arith.constant 0 : i32
        %get3A_841 = arith.index_cast %get3A_840 : i32 to index
        %get3A_842 = arith.index_cast %mul3A_839 : i32 to index
        %get3A_843 = tpu.vector_load %arg11[%get3A_841, %get3A_842] {strides = array<i32>} : memref<1x8192xf32, #tpu.memory_space<vmem>>, vector<1x16xf32>,
        %get3A_844 = vector.shape_cast %get3A_843 : vector<1x16xf32> to vector<16xf32>
        %mul3A_845 = vector.broadcast %squeeze3A_190 : f32 to vector<16xf32>
        %mul3A_846 = arith.mulf %mul3A_845, %get3A_823 : vector<16xf32>
        %mul3A_847 = vector.broadcast %squeeze3A_192 : f32 to vector<16xf32>
        %mul3A_848 = arith.mulf %mul3A_847, %get3A_830 : vector<16xf32>
        %add3A_849 = arith.addf %mul3A_846, %mul3A_848 : vector<16xf32>
        %mul3A_850 = vector.broadcast %squeeze3A_194 : f32 to vector<16xf32>
        %mul3A_851 = arith.mulf %mul3A_850, %get3A_837 : vector<16xf32>
        %add3A_852 = arith.addf %add3A_849, %mul3A_851 : vector<16xf32>
        %add3A_853 = arith.addf %add3A_852, %add3A_852 : vector<16xf32>
        %sub3A_854 = vector.broadcast %squeeze3A_196 : f32 to vector<16xf32>
        %sub3A_855 = arith.subf %sub3A_854, %add3A_853 : vector<16xf32>
        %add3A_856 = arith.addf %sub3A_855, %get3A_844 : vector<16xf32>
        %lt3A_857 = arith.cmpf olt, %add3A_856, %select_n3A_812 : vector<16xf32>
        %select_n3A_858 = arith.select %lt3A_857, %add3A_856, %select_n3A_812 : vector<16xi1>, vector<16xf32>
        %broadcast_in_dim3A_859 = vector.broadcast %scan3A_816 : i32 to vector<16xi32>
        %select_n3A_860 = arith.select %lt3A_857, %broadcast_in_dim3A_859, %select_n3A_814 : vector<16xi1>, vector<16xi32>
        %scan3A_861 = arith.constant 3 : i32
        %scan3A_862 = arith.addi %scan3A_722, %scan3A_861 : i32
        %mul3A_863 = arith.constant 16 : i32
        %mul3A_864 = arith.muli %scan3A_862, %mul3A_863 : i32
        %get3A_865 = arith.constant 0 : i32
        %get3A_866 = arith.index_cast %get3A_865 : i32 to index
        %get3A_867 = arith.index_cast %mul3A_864 : i32 to index
        %get3A_868 = tpu.vector_load %arg10[%get3A_866, %get3A_867] {strides = array<i32>} : memref<3x8192xf32, #tpu.memory_space<vmem>>, vector<1x16xf32>,
        %get3A_869 = vector.shape_cast %get3A_868 : vector<1x16xf32> to vector<16xf32>
        %mul3A_870 = arith.constant 16 : i32
        %mul3A_871 = arith.muli %scan3A_862, %mul3A_870 : i32
        %get3A_872 = arith.constant 1 : i32
        %get3A_873 = arith.index_cast %get3A_872 : i32 to index
        %get3A_874 = arith.index_cast %mul3A_871 : i32 to index
        %get3A_875 = tpu.vector_load %arg10[%get3A_873, %get3A_874] {strides = array<i32>} : memref<3x8192xf32, #tpu.memory_space<vmem>>, vector<1x16xf32>,
        %get3A_876 = vector.shape_cast %get3A_875 : vector<1x16xf32> to vector<16xf32>
        %mul3A_877 = arith.constant 16 : i32
        %mul3A_878 = arith.muli %scan3A_862, %mul3A_877 : i32
        %get3A_879 = arith.constant 2 : i32
        %get3A_880 = arith.index_cast %get3A_879 : i32 to index
        %get3A_881 = arith.index_cast %mul3A_878 : i32 to index
        %get3A_882 = tpu.vector_load %arg10[%get3A_880, %get3A_881] {strides = array<i32>} : memref<3x8192xf32, #tpu.memory_space<vmem>>, vector<1x16xf32>,
        %get3A_883 = vector.shape_cast %get3A_882 : vector<1x16xf32> to vector<16xf32>
        %mul3A_884 = arith.constant 16 : i32
        %mul3A_885 = arith.muli %scan3A_862, %mul3A_884 : i32
        %get3A_886 = arith.constant 0 : i32
        %get3A_887 = arith.index_cast %get3A_886 : i32 to index
        %get3A_888 = arith.index_cast %mul3A_885 : i32 to index
        %get3A_889 = tpu.vector_load %arg11[%get3A_887, %get3A_888] {strides = array<i32>} : memref<1x8192xf32, #tpu.memory_space<vmem>>, vector<1x16xf32>,
        %get3A_890 = vector.shape_cast %get3A_889 : vector<1x16xf32> to vector<16xf32>
        %mul3A_891 = vector.broadcast %squeeze3A_190 : f32 to vector<16xf32>
        %mul3A_892 = arith.mulf %mul3A_891, %get3A_869 : vector<16xf32>
        %mul3A_893 = vector.broadcast %squeeze3A_192 : f32 to vector<16xf32>
        %mul3A_894 = arith.mulf %mul3A_893, %get3A_876 : vector<16xf32>
        %add3A_895 = arith.addf %mul3A_892, %mul3A_894 : vector<16xf32>
        %mul3A_896 = vector.broadcast %squeeze3A_194 : f32 to vector<16xf32>
        %mul3A_897 = arith.mulf %mul3A_896, %get3A_883 : vector<16xf32>
        %add3A_898 = arith.addf %add3A_895, %mul3A_897 : vector<16xf32>
        %add3A_899 = arith.addf %add3A_898, %add3A_898 : vector<16xf32>
        %sub3A_900 = vector.broadcast %squeeze3A_196 : f32 to vector<16xf32>
        %sub3A_901 = arith.subf %sub3A_900, %add3A_899 : vector<16xf32>
        %add3A_902 = arith.addf %sub3A_901, %get3A_890 : vector<16xf32>
        %lt3A_903 = arith.cmpf olt, %add3A_902, %select_n3A_858 : vector<16xf32>
        %select_n3A_904 = arith.select %lt3A_903, %add3A_902, %select_n3A_858 : vector<16xi1>, vector<16xf32>
        %broadcast_in_dim3A_905 = vector.broadcast %scan3A_862 : i32 to vector<16xi32>
        %select_n3A_906 = arith.select %lt3A_903, %broadcast_in_dim3A_905, %select_n3A_860 : vector<16xi1>, vector<16xi32>
        scf.yield %select_n3A_904, %select_n3A_906 : vector<16xf32>, vector<16xi32>
      }
      %scan3A_206 = arith.constant 512 : i32
      %mul3A_207 = arith.constant 16 : i32
      %mul3A_208 = arith.muli %scan3A_69, %mul3A_207 : i32
      %add3A_209 = arith.constant 2 : i32
      %add3A_210 = arith.addi %mul3A_208, %add3A_209 : i32
      %mul3A_211 = arith.constant 16 : i32
      %mul3A_212 = arith.muli %add3A_210, %mul3A_211 : i32
      %swap3A_213 = arith.index_cast %mul3A_212 : i32 to index
      %swap3A_214 = tpu.vector_load %arg12[%swap3A_213] {strides = array<i32>} : memref<1024xf32, #tpu.memory_space<vmem>>, vector<16xf32>,
      %swap3A_215 = vector.shape_cast %swap3A_214 : vector<16xf32> to vector<16xf32>
      %swap3A_216 = vector.shape_cast %scan3A_205#0 : vector<16xf32> to vector<16xf32>
      tpu.vector_store %arg12[%swap3A_213], %swap3A_216 {strides = array<i32>} : memref<1024xf32, #tpu.memory_space<vmem>>, vector<16xf32>,
      %mul3A_217 = arith.constant 16 : i32
      %mul3A_218 = arith.muli %scan3A_69, %mul3A_217 : i32
      %add3A_219 = arith.constant 2 : i32
      %add3A_220 = arith.addi %mul3A_218, %add3A_219 : i32
      %mul3A_221 = arith.constant 16 : i32
      %mul3A_222 = arith.muli %add3A_220, %mul3A_221 : i32
      %swap3A_223 = arith.index_cast %mul3A_222 : i32 to index
      %swap3A_224 = tpu.vector_load %arg13[%swap3A_223] {strides = array<i32>} : memref<1024xi32, #tpu.memory_space<vmem>>, vector<16xi32>,
      %swap3A_225 = vector.shape_cast %swap3A_224 : vector<16xi32> to vector<16xi32>
      %swap3A_226 = vector.shape_cast %scan3A_205#1 : vector<16xi32> to vector<16xi32>
      tpu.vector_store %arg13[%swap3A_223], %swap3A_226 {strides = array<i32>} : memref<1024xi32, #tpu.memory_space<vmem>>, vector<16xi32>,
      %slice3A_227 = vector.extract_strided_slice %get3A_102 {offsets = [3], sizes = [1], strides = [1]} : vector<16xf32> to vector<1xf32>
      %squeeze3A_228 = vector.extract %slice3A_227[0] : f32 from vector<1xf32>
      %slice3A_229 = vector.extract_strided_slice %get3A_109 {offsets = [3], sizes = [1], strides = [1]} : vector<16xf32> to vector<1xf32>
      %squeeze3A_230 = vector.extract %slice3A_229[0] : f32 from vector<1xf32>
      %slice3A_231 = vector.extract_strided_slice %get3A_116 {offsets = [3], sizes = [1], strides = [1]} : vector<16xf32> to vector<1xf32>
      %squeeze3A_232 = vector.extract %slice3A_231[0] : f32 from vector<1xf32>
      %slice3A_233 = vector.extract_strided_slice %add3A_95 {offsets = [3], sizes = [1], strides = [1]} : vector<16xf32> to vector<1xf32>
      %squeeze3A_234 = vector.extract %slice3A_233[0] : f32 from vector<1xf32>
      %broadcast_in_dim3A_235 = arith.constant 0x7F800000 : f32
      %broadcast_in_dim3A_236 = vector.broadcast %broadcast_in_dim3A_235 : f32 to vector<16xf32>
      %broadcast_in_dim3A_237 = arith.constant 0 : i32
      %broadcast_in_dim3A_238 = vector.broadcast %broadcast_in_dim3A_237 : i32 to vector<16xi32>
      %scan3A_239 = arith.constant 0 : i32
      %scan3A_240 = arith.constant 512 : i32
      %scan3A_241 = arith.addi %scan3A_239, %scan3A_240 : i32
      %scan3A_242 = arith.constant 4 : i32
      %scan3A_243:2 = scf.for %scan3A_722 = %scan3A_239 to %scan3A_241 step %scan3A_242 iter_args(%scan3A_723 = %broadcast_in_dim3A_236, %scan3A_724 = %broadcast_in_dim3A_238) -> (vector<16xf32>, vector<16xi32>)  : i32 {
        %mul3A_725 = arith.constant 16 : i32
        %mul3A_726 = arith.muli %scan3A_722, %mul3A_725 : i32
        %get3A_727 = arith.constant 0 : i32
        %get3A_728 = arith.index_cast %get3A_727 : i32 to index
        %get3A_729 = arith.index_cast %mul3A_726 : i32 to index
        %get3A_730 = tpu.vector_load %arg10[%get3A_728, %get3A_729] {strides = array<i32>} : memref<3x8192xf32, #tpu.memory_space<vmem>>, vector<1x16xf32>,
        %get3A_731 = vector.shape_cast %get3A_730 : vector<1x16xf32> to vector<16xf32>
        %mul3A_732 = arith.constant 16 : i32
        %mul3A_733 = arith.muli %scan3A_722, %mul3A_732 : i32
        %get3A_734 = arith.constant 1 : i32
        %get3A_735 = arith.index_cast %get3A_734 : i32 to index
        %get3A_736 = arith.index_cast %mul3A_733 : i32 to index
        %get3A_737 = tpu.vector_load %arg10[%get3A_735, %get3A_736] {strides = array<i32>} : memref<3x8192xf32, #tpu.memory_space<vmem>>, vector<1x16xf32>,
        %get3A_738 = vector.shape_cast %get3A_737 : vector<1x16xf32> to vector<16xf32>
        %mul3A_739 = arith.constant 16 : i32
        %mul3A_740 = arith.muli %scan3A_722, %mul3A_739 : i32
        %get3A_741 = arith.constant 2 : i32
        %get3A_742 = arith.index_cast %get3A_741 : i32 to index
        %get3A_743 = arith.index_cast %mul3A_740 : i32 to index
        %get3A_744 = tpu.vector_load %arg10[%get3A_742, %get3A_743] {strides = array<i32>} : memref<3x8192xf32, #tpu.memory_space<vmem>>, vector<1x16xf32>,
        %get3A_745 = vector.shape_cast %get3A_744 : vector<1x16xf32> to vector<16xf32>
        %mul3A_746 = arith.constant 16 : i32
        %mul3A_747 = arith.muli %scan3A_722, %mul3A_746 : i32
        %get3A_748 = arith.constant 0 : i32
        %get3A_749 = arith.index_cast %get3A_748 : i32 to index
        %get3A_750 = arith.index_cast %mul3A_747 : i32 to index
        %get3A_751 = tpu.vector_load %arg11[%get3A_749, %get3A_750] {strides = array<i32>} : memref<1x8192xf32, #tpu.memory_space<vmem>>, vector<1x16xf32>,
        %get3A_752 = vector.shape_cast %get3A_751 : vector<1x16xf32> to vector<16xf32>
        %mul3A_753 = vector.broadcast %squeeze3A_228 : f32 to vector<16xf32>
        %mul3A_754 = arith.mulf %mul3A_753, %get3A_731 : vector<16xf32>
        %mul3A_755 = vector.broadcast %squeeze3A_230 : f32 to vector<16xf32>
        %mul3A_756 = arith.mulf %mul3A_755, %get3A_738 : vector<16xf32>
        %add3A_757 = arith.addf %mul3A_754, %mul3A_756 : vector<16xf32>
        %mul3A_758 = vector.broadcast %squeeze3A_232 : f32 to vector<16xf32>
        %mul3A_759 = arith.mulf %mul3A_758, %get3A_745 : vector<16xf32>
        %add3A_760 = arith.addf %add3A_757, %mul3A_759 : vector<16xf32>
        %add3A_761 = arith.addf %add3A_760, %add3A_760 : vector<16xf32>
        %sub3A_762 = vector.broadcast %squeeze3A_234 : f32 to vector<16xf32>
        %sub3A_763 = arith.subf %sub3A_762, %add3A_761 : vector<16xf32>
        %add3A_764 = arith.addf %sub3A_763, %get3A_752 : vector<16xf32>
        %lt3A_765 = arith.cmpf olt, %add3A_764, %scan3A_723 : vector<16xf32>
        %select_n3A_766 = arith.select %lt3A_765, %add3A_764, %scan3A_723 : vector<16xi1>, vector<16xf32>
        %broadcast_in_dim3A_767 = vector.broadcast %scan3A_722 : i32 to vector<16xi32>
        %select_n3A_768 = arith.select %lt3A_765, %broadcast_in_dim3A_767, %scan3A_724 : vector<16xi1>, vector<16xi32>
        %scan3A_769 = arith.constant 1 : i32
        %scan3A_770 = arith.addi %scan3A_722, %scan3A_769 : i32
        %mul3A_771 = arith.constant 16 : i32
        %mul3A_772 = arith.muli %scan3A_770, %mul3A_771 : i32
        %get3A_773 = arith.constant 0 : i32
        %get3A_774 = arith.index_cast %get3A_773 : i32 to index
        %get3A_775 = arith.index_cast %mul3A_772 : i32 to index
        %get3A_776 = tpu.vector_load %arg10[%get3A_774, %get3A_775] {strides = array<i32>} : memref<3x8192xf32, #tpu.memory_space<vmem>>, vector<1x16xf32>,
        %get3A_777 = vector.shape_cast %get3A_776 : vector<1x16xf32> to vector<16xf32>
        %mul3A_778 = arith.constant 16 : i32
        %mul3A_779 = arith.muli %scan3A_770, %mul3A_778 : i32
        %get3A_780 = arith.constant 1 : i32
        %get3A_781 = arith.index_cast %get3A_780 : i32 to index
        %get3A_782 = arith.index_cast %mul3A_779 : i32 to index
        %get3A_783 = tpu.vector_load %arg10[%get3A_781, %get3A_782] {strides = array<i32>} : memref<3x8192xf32, #tpu.memory_space<vmem>>, vector<1x16xf32>,
        %get3A_784 = vector.shape_cast %get3A_783 : vector<1x16xf32> to vector<16xf32>
        %mul3A_785 = arith.constant 16 : i32
        %mul3A_786 = arith.muli %scan3A_770, %mul3A_785 : i32
        %get3A_787 = arith.constant 2 : i32
        %get3A_788 = arith.index_cast %get3A_787 : i32 to index
        %get3A_789 = arith.index_cast %mul3A_786 : i32 to index
        %get3A_790 = tpu.vector_load %arg10[%get3A_788, %get3A_789] {strides = array<i32>} : memref<3x8192xf32, #tpu.memory_space<vmem>>, vector<1x16xf32>,
        %get3A_791 = vector.shape_cast %get3A_790 : vector<1x16xf32> to vector<16xf32>
        %mul3A_792 = arith.constant 16 : i32
        %mul3A_793 = arith.muli %scan3A_770, %mul3A_792 : i32
        %get3A_794 = arith.constant 0 : i32
        %get3A_795 = arith.index_cast %get3A_794 : i32 to index
        %get3A_796 = arith.index_cast %mul3A_793 : i32 to index
        %get3A_797 = tpu.vector_load %arg11[%get3A_795, %get3A_796] {strides = array<i32>} : memref<1x8192xf32, #tpu.memory_space<vmem>>, vector<1x16xf32>,
        %get3A_798 = vector.shape_cast %get3A_797 : vector<1x16xf32> to vector<16xf32>
        %mul3A_799 = vector.broadcast %squeeze3A_228 : f32 to vector<16xf32>
        %mul3A_800 = arith.mulf %mul3A_799, %get3A_777 : vector<16xf32>
        %mul3A_801 = vector.broadcast %squeeze3A_230 : f32 to vector<16xf32>
        %mul3A_802 = arith.mulf %mul3A_801, %get3A_784 : vector<16xf32>
        %add3A_803 = arith.addf %mul3A_800, %mul3A_802 : vector<16xf32>
        %mul3A_804 = vector.broadcast %squeeze3A_232 : f32 to vector<16xf32>
        %mul3A_805 = arith.mulf %mul3A_804, %get3A_791 : vector<16xf32>
        %add3A_806 = arith.addf %add3A_803, %mul3A_805 : vector<16xf32>
        %add3A_807 = arith.addf %add3A_806, %add3A_806 : vector<16xf32>
        %sub3A_808 = vector.broadcast %squeeze3A_234 : f32 to vector<16xf32>
        %sub3A_809 = arith.subf %sub3A_808, %add3A_807 : vector<16xf32>
        %add3A_810 = arith.addf %sub3A_809, %get3A_798 : vector<16xf32>
        %lt3A_811 = arith.cmpf olt, %add3A_810, %select_n3A_766 : vector<16xf32>
        %select_n3A_812 = arith.select %lt3A_811, %add3A_810, %select_n3A_766 : vector<16xi1>, vector<16xf32>
        %broadcast_in_dim3A_813 = vector.broadcast %scan3A_770 : i32 to vector<16xi32>
        %select_n3A_814 = arith.select %lt3A_811, %broadcast_in_dim3A_813, %select_n3A_768 : vector<16xi1>, vector<16xi32>
        %scan3A_815 = arith.constant 2 : i32
        %scan3A_816 = arith.addi %scan3A_722, %scan3A_815 : i32
        %mul3A_817 = arith.constant 16 : i32
        %mul3A_818 = arith.muli %scan3A_816, %mul3A_817 : i32
        %get3A_819 = arith.constant 0 : i32
        %get3A_820 = arith.index_cast %get3A_819 : i32 to index
        %get3A_821 = arith.index_cast %mul3A_818 : i32 to index
        %get3A_822 = tpu.vector_load %arg10[%get3A_820, %get3A_821] {strides = array<i32>} : memref<3x8192xf32, #tpu.memory_space<vmem>>, vector<1x16xf32>,
        %get3A_823 = vector.shape_cast %get3A_822 : vector<1x16xf32> to vector<16xf32>
        %mul3A_824 = arith.constant 16 : i32
        %mul3A_825 = arith.muli %scan3A_816, %mul3A_824 : i32
        %get3A_826 = arith.constant 1 : i32
        %get3A_827 = arith.index_cast %get3A_826 : i32 to index
        %get3A_828 = arith.index_cast %mul3A_825 : i32 to index
        %get3A_829 = tpu.vector_load %arg10[%get3A_827, %get3A_828] {strides = array<i32>} : memref<3x8192xf32, #tpu.memory_space<vmem>>, vector<1x16xf32>,
        %get3A_830 = vector.shape_cast %get3A_829 : vector<1x16xf32> to vector<16xf32>
        %mul3A_831 = arith.constant 16 : i32
        %mul3A_832 = arith.muli %scan3A_816, %mul3A_831 : i32
        %get3A_833 = arith.constant 2 : i32
        %get3A_834 = arith.index_cast %get3A_833 : i32 to index
        %get3A_835 = arith.index_cast %mul3A_832 : i32 to index
        %get3A_836 = tpu.vector_load %arg10[%get3A_834, %get3A_835] {strides = array<i32>} : memref<3x8192xf32, #tpu.memory_space<vmem>>, vector<1x16xf32>,
        %get3A_837 = vector.shape_cast %get3A_836 : vector<1x16xf32> to vector<16xf32>
        %mul3A_838 = arith.constant 16 : i32
        %mul3A_839 = arith.muli %scan3A_816, %mul3A_838 : i32
        %get3A_840 = arith.constant 0 : i32
        %get3A_841 = arith.index_cast %get3A_840 : i32 to index
        %get3A_842 = arith.index_cast %mul3A_839 : i32 to index
        %get3A_843 = tpu.vector_load %arg11[%get3A_841, %get3A_842] {strides = array<i32>} : memref<1x8192xf32, #tpu.memory_space<vmem>>, vector<1x16xf32>,
        %get3A_844 = vector.shape_cast %get3A_843 : vector<1x16xf32> to vector<16xf32>
        %mul3A_845 = vector.broadcast %squeeze3A_228 : f32 to vector<16xf32>
        %mul3A_846 = arith.mulf %mul3A_845, %get3A_823 : vector<16xf32>
        %mul3A_847 = vector.broadcast %squeeze3A_230 : f32 to vector<16xf32>
        %mul3A_848 = arith.mulf %mul3A_847, %get3A_830 : vector<16xf32>
        %add3A_849 = arith.addf %mul3A_846, %mul3A_848 : vector<16xf32>
        %mul3A_850 = vector.broadcast %squeeze3A_232 : f32 to vector<16xf32>
        %mul3A_851 = arith.mulf %mul3A_850, %get3A_837 : vector<16xf32>
        %add3A_852 = arith.addf %add3A_849, %mul3A_851 : vector<16xf32>
        %add3A_853 = arith.addf %add3A_852, %add3A_852 : vector<16xf32>
        %sub3A_854 = vector.broadcast %squeeze3A_234 : f32 to vector<16xf32>
        %sub3A_855 = arith.subf %sub3A_854, %add3A_853 : vector<16xf32>
        %add3A_856 = arith.addf %sub3A_855, %get3A_844 : vector<16xf32>
        %lt3A_857 = arith.cmpf olt, %add3A_856, %select_n3A_812 : vector<16xf32>
        %select_n3A_858 = arith.select %lt3A_857, %add3A_856, %select_n3A_812 : vector<16xi1>, vector<16xf32>
        %broadcast_in_dim3A_859 = vector.broadcast %scan3A_816 : i32 to vector<16xi32>
        %select_n3A_860 = arith.select %lt3A_857, %broadcast_in_dim3A_859, %select_n3A_814 : vector<16xi1>, vector<16xi32>
        %scan3A_861 = arith.constant 3 : i32
        %scan3A_862 = arith.addi %scan3A_722, %scan3A_861 : i32
        %mul3A_863 = arith.constant 16 : i32
        %mul3A_864 = arith.muli %scan3A_862, %mul3A_863 : i32
        %get3A_865 = arith.constant 0 : i32
        %get3A_866 = arith.index_cast %get3A_865 : i32 to index
        %get3A_867 = arith.index_cast %mul3A_864 : i32 to index
        %get3A_868 = tpu.vector_load %arg10[%get3A_866, %get3A_867] {strides = array<i32>} : memref<3x8192xf32, #tpu.memory_space<vmem>>, vector<1x16xf32>,
        %get3A_869 = vector.shape_cast %get3A_868 : vector<1x16xf32> to vector<16xf32>
        %mul3A_870 = arith.constant 16 : i32
        %mul3A_871 = arith.muli %scan3A_862, %mul3A_870 : i32
        %get3A_872 = arith.constant 1 : i32
        %get3A_873 = arith.index_cast %get3A_872 : i32 to index
        %get3A_874 = arith.index_cast %mul3A_871 : i32 to index
        %get3A_875 = tpu.vector_load %arg10[%get3A_873, %get3A_874] {strides = array<i32>} : memref<3x8192xf32, #tpu.memory_space<vmem>>, vector<1x16xf32>,
        %get3A_876 = vector.shape_cast %get3A_875 : vector<1x16xf32> to vector<16xf32>
        %mul3A_877 = arith.constant 16 : i32
        %mul3A_878 = arith.muli %scan3A_862, %mul3A_877 : i32
        %get3A_879 = arith.constant 2 : i32
        %get3A_880 = arith.index_cast %get3A_879 : i32 to index
        %get3A_881 = arith.index_cast %mul3A_878 : i32 to index
        %get3A_882 = tpu.vector_load %arg10[%get3A_880, %get3A_881] {strides = array<i32>} : memref<3x8192xf32, #tpu.memory_space<vmem>>, vector<1x16xf32>,
        %get3A_883 = vector.shape_cast %get3A_882 : vector<1x16xf32> to vector<16xf32>
        %mul3A_884 = arith.constant 16 : i32
        %mul3A_885 = arith.muli %scan3A_862, %mul3A_884 : i32
        %get3A_886 = arith.constant 0 : i32
        %get3A_887 = arith.index_cast %get3A_886 : i32 to index
        %get3A_888 = arith.index_cast %mul3A_885 : i32 to index
        %get3A_889 = tpu.vector_load %arg11[%get3A_887, %get3A_888] {strides = array<i32>} : memref<1x8192xf32, #tpu.memory_space<vmem>>, vector<1x16xf32>,
        %get3A_890 = vector.shape_cast %get3A_889 : vector<1x16xf32> to vector<16xf32>
        %mul3A_891 = vector.broadcast %squeeze3A_228 : f32 to vector<16xf32>
        %mul3A_892 = arith.mulf %mul3A_891, %get3A_869 : vector<16xf32>
        %mul3A_893 = vector.broadcast %squeeze3A_230 : f32 to vector<16xf32>
        %mul3A_894 = arith.mulf %mul3A_893, %get3A_876 : vector<16xf32>
        %add3A_895 = arith.addf %mul3A_892, %mul3A_894 : vector<16xf32>
        %mul3A_896 = vector.broadcast %squeeze3A_232 : f32 to vector<16xf32>
        %mul3A_897 = arith.mulf %mul3A_896, %get3A_883 : vector<16xf32>
        %add3A_898 = arith.addf %add3A_895, %mul3A_897 : vector<16xf32>
        %add3A_899 = arith.addf %add3A_898, %add3A_898 : vector<16xf32>
        %sub3A_900 = vector.broadcast %squeeze3A_234 : f32 to vector<16xf32>
        %sub3A_901 = arith.subf %sub3A_900, %add3A_899 : vector<16xf32>
        %add3A_902 = arith.addf %sub3A_901, %get3A_890 : vector<16xf32>
        %lt3A_903 = arith.cmpf olt, %add3A_902, %select_n3A_858 : vector<16xf32>
        %select_n3A_904 = arith.select %lt3A_903, %add3A_902, %select_n3A_858 : vector<16xi1>, vector<16xf32>
        %broadcast_in_dim3A_905 = vector.broadcast %scan3A_862 : i32 to vector<16xi32>
        %select_n3A_906 = arith.select %lt3A_903, %broadcast_in_dim3A_905, %select_n3A_860 : vector<16xi1>, vector<16xi32>
        scf.yield %select_n3A_904, %select_n3A_906 : vector<16xf32>, vector<16xi32>
      }
      %scan3A_244 = arith.constant 512 : i32
      %mul3A_245 = arith.constant 16 : i32
      %mul3A_246 = arith.muli %scan3A_69, %mul3A_245 : i32
      %add3A_247 = arith.constant 3 : i32
      %add3A_248 = arith.addi %mul3A_246, %add3A_247 : i32
      %mul3A_249 = arith.constant 16 : i32
      %mul3A_250 = arith.muli %add3A_248, %mul3A_249 : i32
      %swap3A_251 = arith.index_cast %mul3A_250 : i32 to index
      %swap3A_252 = tpu.vector_load %arg12[%swap3A_251] {strides = array<i32>} : memref<1024xf32, #tpu.memory_space<vmem>>, vector<16xf32>,
      %swap3A_253 = vector.shape_cast %swap3A_252 : vector<16xf32> to vector<16xf32>
      %swap3A_254 = vector.shape_cast %scan3A_243#0 : vector<16xf32> to vector<16xf32>
      tpu.vector_store %arg12[%swap3A_251], %swap3A_254 {strides = array<i32>} : memref<1024xf32, #tpu.memory_space<vmem>>, vector<16xf32>,
      %mul3A_255 = arith.constant 16 : i32
      %mul3A_256 = arith.muli %scan3A_69, %mul3A_255 : i32
      %add3A_257 = arith.constant 3 : i32
      %add3A_258 = arith.addi %mul3A_256, %add3A_257 : i32
      %mul3A_259 = arith.constant 16 : i32
      %mul3A_260 = arith.muli %add3A_258, %mul3A_259 : i32
      %swap3A_261 = arith.index_cast %mul3A_260 : i32 to index
      %swap3A_262 = tpu.vector_load %arg13[%swap3A_261] {strides = array<i32>} : memref<1024xi32, #tpu.memory_space<vmem>>, vector<16xi32>,
      %swap3A_263 = vector.shape_cast %swap3A_262 : vector<16xi32> to vector<16xi32>
      %swap3A_264 = vector.shape_cast %scan3A_243#1 : vector<16xi32> to vector<16xi32>
      tpu.vector_store %arg13[%swap3A_261], %swap3A_264 {strides = array<i32>} : memref<1024xi32, #tpu.memory_space<vmem>>, vector<16xi32>,
      %slice3A_265 = vector.extract_strided_slice %get3A_102 {offsets = [4], sizes = [1], strides = [1]} : vector<16xf32> to vector<1xf32>
      %squeeze3A_266 = vector.extract %slice3A_265[0] : f32 from vector<1xf32>
      %slice3A_267 = vector.extract_strided_slice %get3A_109 {offsets = [4], sizes = [1], strides = [1]} : vector<16xf32> to vector<1xf32>
      %squeeze3A_268 = vector.extract %slice3A_267[0] : f32 from vector<1xf32>
      %slice3A_269 = vector.extract_strided_slice %get3A_116 {offsets = [4], sizes = [1], strides = [1]} : vector<16xf32> to vector<1xf32>
      %squeeze3A_270 = vector.extract %slice3A_269[0] : f32 from vector<1xf32>
      %slice3A_271 = vector.extract_strided_slice %add3A_95 {offsets = [4], sizes = [1], strides = [1]} : vector<16xf32> to vector<1xf32>
      %squeeze3A_272 = vector.extract %slice3A_271[0] : f32 from vector<1xf32>
      %broadcast_in_dim3A_273 = arith.constant 0x7F800000 : f32
      %broadcast_in_dim3A_274 = vector.broadcast %broadcast_in_dim3A_273 : f32 to vector<16xf32>
      %broadcast_in_dim3A_275 = arith.constant 0 : i32
      %broadcast_in_dim3A_276 = vector.broadcast %broadcast_in_dim3A_275 : i32 to vector<16xi32>
      %scan3A_277 = arith.constant 0 : i32
      %scan3A_278 = arith.constant 512 : i32
      %scan3A_279 = arith.addi %scan3A_277, %scan3A_278 : i32
      %scan3A_280 = arith.constant 4 : i32
      %scan3A_281:2 = scf.for %scan3A_722 = %scan3A_277 to %scan3A_279 step %scan3A_280 iter_args(%scan3A_723 = %broadcast_in_dim3A_274, %scan3A_724 = %broadcast_in_dim3A_276) -> (vector<16xf32>, vector<16xi32>)  : i32 {
        %mul3A_725 = arith.constant 16 : i32
        %mul3A_726 = arith.muli %scan3A_722, %mul3A_725 : i32
        %get3A_727 = arith.constant 0 : i32
        %get3A_728 = arith.index_cast %get3A_727 : i32 to index
        %get3A_729 = arith.index_cast %mul3A_726 : i32 to index
        %get3A_730 = tpu.vector_load %arg10[%get3A_728, %get3A_729] {strides = array<i32>} : memref<3x8192xf32, #tpu.memory_space<vmem>>, vector<1x16xf32>,
        %get3A_731 = vector.shape_cast %get3A_730 : vector<1x16xf32> to vector<16xf32>
        %mul3A_732 = arith.constant 16 : i32
        %mul3A_733 = arith.muli %scan3A_722, %mul3A_732 : i32
        %get3A_734 = arith.constant 1 : i32
        %get3A_735 = arith.index_cast %get3A_734 : i32 to index
        %get3A_736 = arith.index_cast %mul3A_733 : i32 to index
        %get3A_737 = tpu.vector_load %arg10[%get3A_735, %get3A_736] {strides = array<i32>} : memref<3x8192xf32, #tpu.memory_space<vmem>>, vector<1x16xf32>,
        %get3A_738 = vector.shape_cast %get3A_737 : vector<1x16xf32> to vector<16xf32>
        %mul3A_739 = arith.constant 16 : i32
        %mul3A_740 = arith.muli %scan3A_722, %mul3A_739 : i32
        %get3A_741 = arith.constant 2 : i32
        %get3A_742 = arith.index_cast %get3A_741 : i32 to index
        %get3A_743 = arith.index_cast %mul3A_740 : i32 to index
        %get3A_744 = tpu.vector_load %arg10[%get3A_742, %get3A_743] {strides = array<i32>} : memref<3x8192xf32, #tpu.memory_space<vmem>>, vector<1x16xf32>,
        %get3A_745 = vector.shape_cast %get3A_744 : vector<1x16xf32> to vector<16xf32>
        %mul3A_746 = arith.constant 16 : i32
        %mul3A_747 = arith.muli %scan3A_722, %mul3A_746 : i32
        %get3A_748 = arith.constant 0 : i32
        %get3A_749 = arith.index_cast %get3A_748 : i32 to index
        %get3A_750 = arith.index_cast %mul3A_747 : i32 to index
        %get3A_751 = tpu.vector_load %arg11[%get3A_749, %get3A_750] {strides = array<i32>} : memref<1x8192xf32, #tpu.memory_space<vmem>>, vector<1x16xf32>,
        %get3A_752 = vector.shape_cast %get3A_751 : vector<1x16xf32> to vector<16xf32>
        %mul3A_753 = vector.broadcast %squeeze3A_266 : f32 to vector<16xf32>
        %mul3A_754 = arith.mulf %mul3A_753, %get3A_731 : vector<16xf32>
        %mul3A_755 = vector.broadcast %squeeze3A_268 : f32 to vector<16xf32>
        %mul3A_756 = arith.mulf %mul3A_755, %get3A_738 : vector<16xf32>
        %add3A_757 = arith.addf %mul3A_754, %mul3A_756 : vector<16xf32>
        %mul3A_758 = vector.broadcast %squeeze3A_270 : f32 to vector<16xf32>
        %mul3A_759 = arith.mulf %mul3A_758, %get3A_745 : vector<16xf32>
        %add3A_760 = arith.addf %add3A_757, %mul3A_759 : vector<16xf32>
        %add3A_761 = arith.addf %add3A_760, %add3A_760 : vector<16xf32>
        %sub3A_762 = vector.broadcast %squeeze3A_272 : f32 to vector<16xf32>
        %sub3A_763 = arith.subf %sub3A_762, %add3A_761 : vector<16xf32>
        %add3A_764 = arith.addf %sub3A_763, %get3A_752 : vector<16xf32>
        %lt3A_765 = arith.cmpf olt, %add3A_764, %scan3A_723 : vector<16xf32>
        %select_n3A_766 = arith.select %lt3A_765, %add3A_764, %scan3A_723 : vector<16xi1>, vector<16xf32>
        %broadcast_in_dim3A_767 = vector.broadcast %scan3A_722 : i32 to vector<16xi32>
        %select_n3A_768 = arith.select %lt3A_765, %broadcast_in_dim3A_767, %scan3A_724 : vector<16xi1>, vector<16xi32>
        %scan3A_769 = arith.constant 1 : i32
        %scan3A_770 = arith.addi %scan3A_722, %scan3A_769 : i32
        %mul3A_771 = arith.constant 16 : i32
        %mul3A_772 = arith.muli %scan3A_770, %mul3A_771 : i32
        %get3A_773 = arith.constant 0 : i32
        %get3A_774 = arith.index_cast %get3A_773 : i32 to index
        %get3A_775 = arith.index_cast %mul3A_772 : i32 to index
        %get3A_776 = tpu.vector_load %arg10[%get3A_774, %get3A_775] {strides = array<i32>} : memref<3x8192xf32, #tpu.memory_space<vmem>>, vector<1x16xf32>,
        %get3A_777 = vector.shape_cast %get3A_776 : vector<1x16xf32> to vector<16xf32>
        %mul3A_778 = arith.constant 16 : i32
        %mul3A_779 = arith.muli %scan3A_770, %mul3A_778 : i32
        %get3A_780 = arith.constant 1 : i32
        %get3A_781 = arith.index_cast %get3A_780 : i32 to index
        %get3A_782 = arith.index_cast %mul3A_779 : i32 to index
        %get3A_783 = tpu.vector_load %arg10[%get3A_781, %get3A_782] {strides = array<i32>} : memref<3x8192xf32, #tpu.memory_space<vmem>>, vector<1x16xf32>,
        %get3A_784 = vector.shape_cast %get3A_783 : vector<1x16xf32> to vector<16xf32>
        %mul3A_785 = arith.constant 16 : i32
        %mul3A_786 = arith.muli %scan3A_770, %mul3A_785 : i32
        %get3A_787 = arith.constant 2 : i32
        %get3A_788 = arith.index_cast %get3A_787 : i32 to index
        %get3A_789 = arith.index_cast %mul3A_786 : i32 to index
        %get3A_790 = tpu.vector_load %arg10[%get3A_788, %get3A_789] {strides = array<i32>} : memref<3x8192xf32, #tpu.memory_space<vmem>>, vector<1x16xf32>,
        %get3A_791 = vector.shape_cast %get3A_790 : vector<1x16xf32> to vector<16xf32>
        %mul3A_792 = arith.constant 16 : i32
        %mul3A_793 = arith.muli %scan3A_770, %mul3A_792 : i32
        %get3A_794 = arith.constant 0 : i32
        %get3A_795 = arith.index_cast %get3A_794 : i32 to index
        %get3A_796 = arith.index_cast %mul3A_793 : i32 to index
        %get3A_797 = tpu.vector_load %arg11[%get3A_795, %get3A_796] {strides = array<i32>} : memref<1x8192xf32, #tpu.memory_space<vmem>>, vector<1x16xf32>,
        %get3A_798 = vector.shape_cast %get3A_797 : vector<1x16xf32> to vector<16xf32>
        %mul3A_799 = vector.broadcast %squeeze3A_266 : f32 to vector<16xf32>
        %mul3A_800 = arith.mulf %mul3A_799, %get3A_777 : vector<16xf32>
        %mul3A_801 = vector.broadcast %squeeze3A_268 : f32 to vector<16xf32>
        %mul3A_802 = arith.mulf %mul3A_801, %get3A_784 : vector<16xf32>
        %add3A_803 = arith.addf %mul3A_800, %mul3A_802 : vector<16xf32>
        %mul3A_804 = vector.broadcast %squeeze3A_270 : f32 to vector<16xf32>
        %mul3A_805 = arith.mulf %mul3A_804, %get3A_791 : vector<16xf32>
        %add3A_806 = arith.addf %add3A_803, %mul3A_805 : vector<16xf32>
        %add3A_807 = arith.addf %add3A_806, %add3A_806 : vector<16xf32>
        %sub3A_808 = vector.broadcast %squeeze3A_272 : f32 to vector<16xf32>
        %sub3A_809 = arith.subf %sub3A_808, %add3A_807 : vector<16xf32>
        %add3A_810 = arith.addf %sub3A_809, %get3A_798 : vector<16xf32>
        %lt3A_811 = arith.cmpf olt, %add3A_810, %select_n3A_766 : vector<16xf32>
        %select_n3A_812 = arith.select %lt3A_811, %add3A_810, %select_n3A_766 : vector<16xi1>, vector<16xf32>
        %broadcast_in_dim3A_813 = vector.broadcast %scan3A_770 : i32 to vector<16xi32>
        %select_n3A_814 = arith.select %lt3A_811, %broadcast_in_dim3A_813, %select_n3A_768 : vector<16xi1>, vector<16xi32>
        %scan3A_815 = arith.constant 2 : i32
        %scan3A_816 = arith.addi %scan3A_722, %scan3A_815 : i32
        %mul3A_817 = arith.constant 16 : i32
        %mul3A_818 = arith.muli %scan3A_816, %mul3A_817 : i32
        %get3A_819 = arith.constant 0 : i32
        %get3A_820 = arith.index_cast %get3A_819 : i32 to index
        %get3A_821 = arith.index_cast %mul3A_818 : i32 to index
        %get3A_822 = tpu.vector_load %arg10[%get3A_820, %get3A_821] {strides = array<i32>} : memref<3x8192xf32, #tpu.memory_space<vmem>>, vector<1x16xf32>,
        %get3A_823 = vector.shape_cast %get3A_822 : vector<1x16xf32> to vector<16xf32>
        %mul3A_824 = arith.constant 16 : i32
        %mul3A_825 = arith.muli %scan3A_816, %mul3A_824 : i32
        %get3A_826 = arith.constant 1 : i32
        %get3A_827 = arith.index_cast %get3A_826 : i32 to index
        %get3A_828 = arith.index_cast %mul3A_825 : i32 to index
        %get3A_829 = tpu.vector_load %arg10[%get3A_827, %get3A_828] {strides = array<i32>} : memref<3x8192xf32, #tpu.memory_space<vmem>>, vector<1x16xf32>,
        %get3A_830 = vector.shape_cast %get3A_829 : vector<1x16xf32> to vector<16xf32>
        %mul3A_831 = arith.constant 16 : i32
        %mul3A_832 = arith.muli %scan3A_816, %mul3A_831 : i32
        %get3A_833 = arith.constant 2 : i32
        %get3A_834 = arith.index_cast %get3A_833 : i32 to index
        %get3A_835 = arith.index_cast %mul3A_832 : i32 to index
        %get3A_836 = tpu.vector_load %arg10[%get3A_834, %get3A_835] {strides = array<i32>} : memref<3x8192xf32, #tpu.memory_space<vmem>>, vector<1x16xf32>,
        %get3A_837 = vector.shape_cast %get3A_836 : vector<1x16xf32> to vector<16xf32>
        %mul3A_838 = arith.constant 16 : i32
        %mul3A_839 = arith.muli %scan3A_816, %mul3A_838 : i32
        %get3A_840 = arith.constant 0 : i32
        %get3A_841 = arith.index_cast %get3A_840 : i32 to index
        %get3A_842 = arith.index_cast %mul3A_839 : i32 to index
        %get3A_843 = tpu.vector_load %arg11[%get3A_841, %get3A_842] {strides = array<i32>} : memref<1x8192xf32, #tpu.memory_space<vmem>>, vector<1x16xf32>,
        %get3A_844 = vector.shape_cast %get3A_843 : vector<1x16xf32> to vector<16xf32>
        %mul3A_845 = vector.broadcast %squeeze3A_266 : f32 to vector<16xf32>
        %mul3A_846 = arith.mulf %mul3A_845, %get3A_823 : vector<16xf32>
        %mul3A_847 = vector.broadcast %squeeze3A_268 : f32 to vector<16xf32>
        %mul3A_848 = arith.mulf %mul3A_847, %get3A_830 : vector<16xf32>
        %add3A_849 = arith.addf %mul3A_846, %mul3A_848 : vector<16xf32>
        %mul3A_850 = vector.broadcast %squeeze3A_270 : f32 to vector<16xf32>
        %mul3A_851 = arith.mulf %mul3A_850, %get3A_837 : vector<16xf32>
        %add3A_852 = arith.addf %add3A_849, %mul3A_851 : vector<16xf32>
        %add3A_853 = arith.addf %add3A_852, %add3A_852 : vector<16xf32>
        %sub3A_854 = vector.broadcast %squeeze3A_272 : f32 to vector<16xf32>
        %sub3A_855 = arith.subf %sub3A_854, %add3A_853 : vector<16xf32>
        %add3A_856 = arith.addf %sub3A_855, %get3A_844 : vector<16xf32>
        %lt3A_857 = arith.cmpf olt, %add3A_856, %select_n3A_812 : vector<16xf32>
        %select_n3A_858 = arith.select %lt3A_857, %add3A_856, %select_n3A_812 : vector<16xi1>, vector<16xf32>
        %broadcast_in_dim3A_859 = vector.broadcast %scan3A_816 : i32 to vector<16xi32>
        %select_n3A_860 = arith.select %lt3A_857, %broadcast_in_dim3A_859, %select_n3A_814 : vector<16xi1>, vector<16xi32>
        %scan3A_861 = arith.constant 3 : i32
        %scan3A_862 = arith.addi %scan3A_722, %scan3A_861 : i32
        %mul3A_863 = arith.constant 16 : i32
        %mul3A_864 = arith.muli %scan3A_862, %mul3A_863 : i32
        %get3A_865 = arith.constant 0 : i32
        %get3A_866 = arith.index_cast %get3A_865 : i32 to index
        %get3A_867 = arith.index_cast %mul3A_864 : i32 to index
        %get3A_868 = tpu.vector_load %arg10[%get3A_866, %get3A_867] {strides = array<i32>} : memref<3x8192xf32, #tpu.memory_space<vmem>>, vector<1x16xf32>,
        %get3A_869 = vector.shape_cast %get3A_868 : vector<1x16xf32> to vector<16xf32>
        %mul3A_870 = arith.constant 16 : i32
        %mul3A_871 = arith.muli %scan3A_862, %mul3A_870 : i32
        %get3A_872 = arith.constant 1 : i32
        %get3A_873 = arith.index_cast %get3A_872 : i32 to index
        %get3A_874 = arith.index_cast %mul3A_871 : i32 to index
        %get3A_875 = tpu.vector_load %arg10[%get3A_873, %get3A_874] {strides = array<i32>} : memref<3x8192xf32, #tpu.memory_space<vmem>>, vector<1x16xf32>,
        %get3A_876 = vector.shape_cast %get3A_875 : vector<1x16xf32> to vector<16xf32>
        %mul3A_877 = arith.constant 16 : i32
        %mul3A_878 = arith.muli %scan3A_862, %mul3A_877 : i32
        %get3A_879 = arith.constant 2 : i32
        %get3A_880 = arith.index_cast %get3A_879 : i32 to index
        %get3A_881 = arith.index_cast %mul3A_878 : i32 to index
        %get3A_882 = tpu.vector_load %arg10[%get3A_880, %get3A_881] {strides = array<i32>} : memref<3x8192xf32, #tpu.memory_space<vmem>>, vector<1x16xf32>,
        %get3A_883 = vector.shape_cast %get3A_882 : vector<1x16xf32> to vector<16xf32>
        %mul3A_884 = arith.constant 16 : i32
        %mul3A_885 = arith.muli %scan3A_862, %mul3A_884 : i32
        %get3A_886 = arith.constant 0 : i32
        %get3A_887 = arith.index_cast %get3A_886 : i32 to index
        %get3A_888 = arith.index_cast %mul3A_885 : i32 to index
        %get3A_889 = tpu.vector_load %arg11[%get3A_887, %get3A_888] {strides = array<i32>} : memref<1x8192xf32, #tpu.memory_space<vmem>>, vector<1x16xf32>,
        %get3A_890 = vector.shape_cast %get3A_889 : vector<1x16xf32> to vector<16xf32>
        %mul3A_891 = vector.broadcast %squeeze3A_266 : f32 to vector<16xf32>
        %mul3A_892 = arith.mulf %mul3A_891, %get3A_869 : vector<16xf32>
        %mul3A_893 = vector.broadcast %squeeze3A_268 : f32 to vector<16xf32>
        %mul3A_894 = arith.mulf %mul3A_893, %get3A_876 : vector<16xf32>
        %add3A_895 = arith.addf %mul3A_892, %mul3A_894 : vector<16xf32>
        %mul3A_896 = vector.broadcast %squeeze3A_270 : f32 to vector<16xf32>
        %mul3A_897 = arith.mulf %mul3A_896, %get3A_883 : vector<16xf32>
        %add3A_898 = arith.addf %add3A_895, %mul3A_897 : vector<16xf32>
        %add3A_899 = arith.addf %add3A_898, %add3A_898 : vector<16xf32>
        %sub3A_900 = vector.broadcast %squeeze3A_272 : f32 to vector<16xf32>
        %sub3A_901 = arith.subf %sub3A_900, %add3A_899 : vector<16xf32>
        %add3A_902 = arith.addf %sub3A_901, %get3A_890 : vector<16xf32>
        %lt3A_903 = arith.cmpf olt, %add3A_902, %select_n3A_858 : vector<16xf32>
        %select_n3A_904 = arith.select %lt3A_903, %add3A_902, %select_n3A_858 : vector<16xi1>, vector<16xf32>
        %broadcast_in_dim3A_905 = vector.broadcast %scan3A_862 : i32 to vector<16xi32>
        %select_n3A_906 = arith.select %lt3A_903, %broadcast_in_dim3A_905, %select_n3A_860 : vector<16xi1>, vector<16xi32>
        scf.yield %select_n3A_904, %select_n3A_906 : vector<16xf32>, vector<16xi32>
      }
      %scan3A_282 = arith.constant 512 : i32
      %mul3A_283 = arith.constant 16 : i32
      %mul3A_284 = arith.muli %scan3A_69, %mul3A_283 : i32
      %add3A_285 = arith.constant 4 : i32
      %add3A_286 = arith.addi %mul3A_284, %add3A_285 : i32
      %mul3A_287 = arith.constant 16 : i32
      %mul3A_288 = arith.muli %add3A_286, %mul3A_287 : i32
      %swap3A_289 = arith.index_cast %mul3A_288 : i32 to index
      %swap3A_290 = tpu.vector_load %arg12[%swap3A_289] {strides = array<i32>} : memref<1024xf32, #tpu.memory_space<vmem>>, vector<16xf32>,
      %swap3A_291 = vector.shape_cast %swap3A_290 : vector<16xf32> to vector<16xf32>
      %swap3A_292 = vector.shape_cast %scan3A_281#0 : vector<16xf32> to vector<16xf32>
      tpu.vector_store %arg12[%swap3A_289], %swap3A_292 {strides = array<i32>} : memref<1024xf32, #tpu.memory_space<vmem>>, vector<16xf32>,
      %mul3A_293 = arith.constant 16 : i32
      %mul3A_294 = arith.muli %scan3A_69, %mul3A_293 : i32
      %add3A_295 = arith.constant 4 : i32
      %add3A_296 = arith.addi %mul3A_294, %add3A_295 : i32
      %mul3A_297 = arith.constant 16 : i32
      %mul3A_298 = arith.muli %add3A_296, %mul3A_297 : i32
      %swap3A_299 = arith.index_cast %mul3A_298 : i32 to index
      %swap3A_300 = tpu.vector_load %arg13[%swap3A_299] {strides = array<i32>} : memref<1024xi32, #tpu.memory_space<vmem>>, vector<16xi32>,
      %swap3A_301 = vector.shape_cast %swap3A_300 : vector<16xi32> to vector<16xi32>
      %swap3A_302 = vector.shape_cast %scan3A_281#1 : vector<16xi32> to vector<16xi32>
      tpu.vector_store %arg13[%swap3A_299], %swap3A_302 {strides = array<i32>} : memref<1024xi32, #tpu.memory_space<vmem>>, vector<16xi32>,
      %slice3A_303 = vector.extract_strided_slice %get3A_102 {offsets = [5], sizes = [1], strides = [1]} : vector<16xf32> to vector<1xf32>
      %squeeze3A_304 = vector.extract %slice3A_303[0] : f32 from vector<1xf32>
      %slice3A_305 = vector.extract_strided_slice %get3A_109 {offsets = [5], sizes = [1], strides = [1]} : vector<16xf32> to vector<1xf32>
      %squeeze3A_306 = vector.extract %slice3A_305[0] : f32 from vector<1xf32>
      %slice3A_307 = vector.extract_strided_slice %get3A_116 {offsets = [5], sizes = [1], strides = [1]} : vector<16xf32> to vector<1xf32>
      %squeeze3A_308 = vector.extract %slice3A_307[0] : f32 from vector<1xf32>
      %slice3A_309 = vector.extract_strided_slice %add3A_95 {offsets = [5], sizes = [1], strides = [1]} : vector<16xf32> to vector<1xf32>
      %squeeze3A_310 = vector.extract %slice3A_309[0] : f32 from vector<1xf32>
      %broadcast_in_dim3A_311 = arith.constant 0x7F800000 : f32
      %broadcast_in_dim3A_312 = vector.broadcast %broadcast_in_dim3A_311 : f32 to vector<16xf32>
      %broadcast_in_dim3A_313 = arith.constant 0 : i32
      %broadcast_in_dim3A_314 = vector.broadcast %broadcast_in_dim3A_313 : i32 to vector<16xi32>
      %scan3A_315 = arith.constant 0 : i32
      %scan3A_316 = arith.constant 512 : i32
      %scan3A_317 = arith.addi %scan3A_315, %scan3A_316 : i32
      %scan3A_318 = arith.constant 4 : i32
      %scan3A_319:2 = scf.for %scan3A_722 = %scan3A_315 to %scan3A_317 step %scan3A_318 iter_args(%scan3A_723 = %broadcast_in_dim3A_312, %scan3A_724 = %broadcast_in_dim3A_314) -> (vector<16xf32>, vector<16xi32>)  : i32 {
        %mul3A_725 = arith.constant 16 : i32
        %mul3A_726 = arith.muli %scan3A_722, %mul3A_725 : i32
        %get3A_727 = arith.constant 0 : i32
        %get3A_728 = arith.index_cast %get3A_727 : i32 to index
        %get3A_729 = arith.index_cast %mul3A_726 : i32 to index
        %get3A_730 = tpu.vector_load %arg10[%get3A_728, %get3A_729] {strides = array<i32>} : memref<3x8192xf32, #tpu.memory_space<vmem>>, vector<1x16xf32>,
        %get3A_731 = vector.shape_cast %get3A_730 : vector<1x16xf32> to vector<16xf32>
        %mul3A_732 = arith.constant 16 : i32
        %mul3A_733 = arith.muli %scan3A_722, %mul3A_732 : i32
        %get3A_734 = arith.constant 1 : i32
        %get3A_735 = arith.index_cast %get3A_734 : i32 to index
        %get3A_736 = arith.index_cast %mul3A_733 : i32 to index
        %get3A_737 = tpu.vector_load %arg10[%get3A_735, %get3A_736] {strides = array<i32>} : memref<3x8192xf32, #tpu.memory_space<vmem>>, vector<1x16xf32>,
        %get3A_738 = vector.shape_cast %get3A_737 : vector<1x16xf32> to vector<16xf32>
        %mul3A_739 = arith.constant 16 : i32
        %mul3A_740 = arith.muli %scan3A_722, %mul3A_739 : i32
        %get3A_741 = arith.constant 2 : i32
        %get3A_742 = arith.index_cast %get3A_741 : i32 to index
        %get3A_743 = arith.index_cast %mul3A_740 : i32 to index
        %get3A_744 = tpu.vector_load %arg10[%get3A_742, %get3A_743] {strides = array<i32>} : memref<3x8192xf32, #tpu.memory_space<vmem>>, vector<1x16xf32>,
        %get3A_745 = vector.shape_cast %get3A_744 : vector<1x16xf32> to vector<16xf32>
        %mul3A_746 = arith.constant 16 : i32
        %mul3A_747 = arith.muli %scan3A_722, %mul3A_746 : i32
        %get3A_748 = arith.constant 0 : i32
        %get3A_749 = arith.index_cast %get3A_748 : i32 to index
        %get3A_750 = arith.index_cast %mul3A_747 : i32 to index
        %get3A_751 = tpu.vector_load %arg11[%get3A_749, %get3A_750] {strides = array<i32>} : memref<1x8192xf32, #tpu.memory_space<vmem>>, vector<1x16xf32>,
        %get3A_752 = vector.shape_cast %get3A_751 : vector<1x16xf32> to vector<16xf32>
        %mul3A_753 = vector.broadcast %squeeze3A_304 : f32 to vector<16xf32>
        %mul3A_754 = arith.mulf %mul3A_753, %get3A_731 : vector<16xf32>
        %mul3A_755 = vector.broadcast %squeeze3A_306 : f32 to vector<16xf32>
        %mul3A_756 = arith.mulf %mul3A_755, %get3A_738 : vector<16xf32>
        %add3A_757 = arith.addf %mul3A_754, %mul3A_756 : vector<16xf32>
        %mul3A_758 = vector.broadcast %squeeze3A_308 : f32 to vector<16xf32>
        %mul3A_759 = arith.mulf %mul3A_758, %get3A_745 : vector<16xf32>
        %add3A_760 = arith.addf %add3A_757, %mul3A_759 : vector<16xf32>
        %add3A_761 = arith.addf %add3A_760, %add3A_760 : vector<16xf32>
        %sub3A_762 = vector.broadcast %squeeze3A_310 : f32 to vector<16xf32>
        %sub3A_763 = arith.subf %sub3A_762, %add3A_761 : vector<16xf32>
        %add3A_764 = arith.addf %sub3A_763, %get3A_752 : vector<16xf32>
        %lt3A_765 = arith.cmpf olt, %add3A_764, %scan3A_723 : vector<16xf32>
        %select_n3A_766 = arith.select %lt3A_765, %add3A_764, %scan3A_723 : vector<16xi1>, vector<16xf32>
        %broadcast_in_dim3A_767 = vector.broadcast %scan3A_722 : i32 to vector<16xi32>
        %select_n3A_768 = arith.select %lt3A_765, %broadcast_in_dim3A_767, %scan3A_724 : vector<16xi1>, vector<16xi32>
        %scan3A_769 = arith.constant 1 : i32
        %scan3A_770 = arith.addi %scan3A_722, %scan3A_769 : i32
        %mul3A_771 = arith.constant 16 : i32
        %mul3A_772 = arith.muli %scan3A_770, %mul3A_771 : i32
        %get3A_773 = arith.constant 0 : i32
        %get3A_774 = arith.index_cast %get3A_773 : i32 to index
        %get3A_775 = arith.index_cast %mul3A_772 : i32 to index
        %get3A_776 = tpu.vector_load %arg10[%get3A_774, %get3A_775] {strides = array<i32>} : memref<3x8192xf32, #tpu.memory_space<vmem>>, vector<1x16xf32>,
        %get3A_777 = vector.shape_cast %get3A_776 : vector<1x16xf32> to vector<16xf32>
        %mul3A_778 = arith.constant 16 : i32
        %mul3A_779 = arith.muli %scan3A_770, %mul3A_778 : i32
        %get3A_780 = arith.constant 1 : i32
        %get3A_781 = arith.index_cast %get3A_780 : i32 to index
        %get3A_782 = arith.index_cast %mul3A_779 : i32 to index
        %get3A_783 = tpu.vector_load %arg10[%get3A_781, %get3A_782] {strides = array<i32>} : memref<3x8192xf32, #tpu.memory_space<vmem>>, vector<1x16xf32>,
        %get3A_784 = vector.shape_cast %get3A_783 : vector<1x16xf32> to vector<16xf32>
        %mul3A_785 = arith.constant 16 : i32
        %mul3A_786 = arith.muli %scan3A_770, %mul3A_785 : i32
        %get3A_787 = arith.constant 2 : i32
        %get3A_788 = arith.index_cast %get3A_787 : i32 to index
        %get3A_789 = arith.index_cast %mul3A_786 : i32 to index
        %get3A_790 = tpu.vector_load %arg10[%get3A_788, %get3A_789] {strides = array<i32>} : memref<3x8192xf32, #tpu.memory_space<vmem>>, vector<1x16xf32>,
        %get3A_791 = vector.shape_cast %get3A_790 : vector<1x16xf32> to vector<16xf32>
        %mul3A_792 = arith.constant 16 : i32
        %mul3A_793 = arith.muli %scan3A_770, %mul3A_792 : i32
        %get3A_794 = arith.constant 0 : i32
        %get3A_795 = arith.index_cast %get3A_794 : i32 to index
        %get3A_796 = arith.index_cast %mul3A_793 : i32 to index
        %get3A_797 = tpu.vector_load %arg11[%get3A_795, %get3A_796] {strides = array<i32>} : memref<1x8192xf32, #tpu.memory_space<vmem>>, vector<1x16xf32>,
        %get3A_798 = vector.shape_cast %get3A_797 : vector<1x16xf32> to vector<16xf32>
        %mul3A_799 = vector.broadcast %squeeze3A_304 : f32 to vector<16xf32>
        %mul3A_800 = arith.mulf %mul3A_799, %get3A_777 : vector<16xf32>
        %mul3A_801 = vector.broadcast %squeeze3A_306 : f32 to vector<16xf32>
        %mul3A_802 = arith.mulf %mul3A_801, %get3A_784 : vector<16xf32>
        %add3A_803 = arith.addf %mul3A_800, %mul3A_802 : vector<16xf32>
        %mul3A_804 = vector.broadcast %squeeze3A_308 : f32 to vector<16xf32>
        %mul3A_805 = arith.mulf %mul3A_804, %get3A_791 : vector<16xf32>
        %add3A_806 = arith.addf %add3A_803, %mul3A_805 : vector<16xf32>
        %add3A_807 = arith.addf %add3A_806, %add3A_806 : vector<16xf32>
        %sub3A_808 = vector.broadcast %squeeze3A_310 : f32 to vector<16xf32>
        %sub3A_809 = arith.subf %sub3A_808, %add3A_807 : vector<16xf32>
        %add3A_810 = arith.addf %sub3A_809, %get3A_798 : vector<16xf32>
        %lt3A_811 = arith.cmpf olt, %add3A_810, %select_n3A_766 : vector<16xf32>
        %select_n3A_812 = arith.select %lt3A_811, %add3A_810, %select_n3A_766 : vector<16xi1>, vector<16xf32>
        %broadcast_in_dim3A_813 = vector.broadcast %scan3A_770 : i32 to vector<16xi32>
        %select_n3A_814 = arith.select %lt3A_811, %broadcast_in_dim3A_813, %select_n3A_768 : vector<16xi1>, vector<16xi32>
        %scan3A_815 = arith.constant 2 : i32
        %scan3A_816 = arith.addi %scan3A_722, %scan3A_815 : i32
        %mul3A_817 = arith.constant 16 : i32
        %mul3A_818 = arith.muli %scan3A_816, %mul3A_817 : i32
        %get3A_819 = arith.constant 0 : i32
        %get3A_820 = arith.index_cast %get3A_819 : i32 to index
        %get3A_821 = arith.index_cast %mul3A_818 : i32 to index
        %get3A_822 = tpu.vector_load %arg10[%get3A_820, %get3A_821] {strides = array<i32>} : memref<3x8192xf32, #tpu.memory_space<vmem>>, vector<1x16xf32>,
        %get3A_823 = vector.shape_cast %get3A_822 : vector<1x16xf32> to vector<16xf32>
        %mul3A_824 = arith.constant 16 : i32
        %mul3A_825 = arith.muli %scan3A_816, %mul3A_824 : i32
        %get3A_826 = arith.constant 1 : i32
        %get3A_827 = arith.index_cast %get3A_826 : i32 to index
        %get3A_828 = arith.index_cast %mul3A_825 : i32 to index
        %get3A_829 = tpu.vector_load %arg10[%get3A_827, %get3A_828] {strides = array<i32>} : memref<3x8192xf32, #tpu.memory_space<vmem>>, vector<1x16xf32>,
        %get3A_830 = vector.shape_cast %get3A_829 : vector<1x16xf32> to vector<16xf32>
        %mul3A_831 = arith.constant 16 : i32
        %mul3A_832 = arith.muli %scan3A_816, %mul3A_831 : i32
        %get3A_833 = arith.constant 2 : i32
        %get3A_834 = arith.index_cast %get3A_833 : i32 to index
        %get3A_835 = arith.index_cast %mul3A_832 : i32 to index
        %get3A_836 = tpu.vector_load %arg10[%get3A_834, %get3A_835] {strides = array<i32>} : memref<3x8192xf32, #tpu.memory_space<vmem>>, vector<1x16xf32>,
        %get3A_837 = vector.shape_cast %get3A_836 : vector<1x16xf32> to vector<16xf32>
        %mul3A_838 = arith.constant 16 : i32
        %mul3A_839 = arith.muli %scan3A_816, %mul3A_838 : i32
        %get3A_840 = arith.constant 0 : i32
        %get3A_841 = arith.index_cast %get3A_840 : i32 to index
        %get3A_842 = arith.index_cast %mul3A_839 : i32 to index
        %get3A_843 = tpu.vector_load %arg11[%get3A_841, %get3A_842] {strides = array<i32>} : memref<1x8192xf32, #tpu.memory_space<vmem>>, vector<1x16xf32>,
        %get3A_844 = vector.shape_cast %get3A_843 : vector<1x16xf32> to vector<16xf32>
        %mul3A_845 = vector.broadcast %squeeze3A_304 : f32 to vector<16xf32>
        %mul3A_846 = arith.mulf %mul3A_845, %get3A_823 : vector<16xf32>
        %mul3A_847 = vector.broadcast %squeeze3A_306 : f32 to vector<16xf32>
        %mul3A_848 = arith.mulf %mul3A_847, %get3A_830 : vector<16xf32>
        %add3A_849 = arith.addf %mul3A_846, %mul3A_848 : vector<16xf32>
        %mul3A_850 = vector.broadcast %squeeze3A_308 : f32 to vector<16xf32>
        %mul3A_851 = arith.mulf %mul3A_850, %get3A_837 : vector<16xf32>
        %add3A_852 = arith.addf %add3A_849, %mul3A_851 : vector<16xf32>
        %add3A_853 = arith.addf %add3A_852, %add3A_852 : vector<16xf32>
        %sub3A_854 = vector.broadcast %squeeze3A_310 : f32 to vector<16xf32>
        %sub3A_855 = arith.subf %sub3A_854, %add3A_853 : vector<16xf32>
        %add3A_856 = arith.addf %sub3A_855, %get3A_844 : vector<16xf32>
        %lt3A_857 = arith.cmpf olt, %add3A_856, %select_n3A_812 : vector<16xf32>
        %select_n3A_858 = arith.select %lt3A_857, %add3A_856, %select_n3A_812 : vector<16xi1>, vector<16xf32>
        %broadcast_in_dim3A_859 = vector.broadcast %scan3A_816 : i32 to vector<16xi32>
        %select_n3A_860 = arith.select %lt3A_857, %broadcast_in_dim3A_859, %select_n3A_814 : vector<16xi1>, vector<16xi32>
        %scan3A_861 = arith.constant 3 : i32
        %scan3A_862 = arith.addi %scan3A_722, %scan3A_861 : i32
        %mul3A_863 = arith.constant 16 : i32
        %mul3A_864 = arith.muli %scan3A_862, %mul3A_863 : i32
        %get3A_865 = arith.constant 0 : i32
        %get3A_866 = arith.index_cast %get3A_865 : i32 to index
        %get3A_867 = arith.index_cast %mul3A_864 : i32 to index
        %get3A_868 = tpu.vector_load %arg10[%get3A_866, %get3A_867] {strides = array<i32>} : memref<3x8192xf32, #tpu.memory_space<vmem>>, vector<1x16xf32>,
        %get3A_869 = vector.shape_cast %get3A_868 : vector<1x16xf32> to vector<16xf32>
        %mul3A_870 = arith.constant 16 : i32
        %mul3A_871 = arith.muli %scan3A_862, %mul3A_870 : i32
        %get3A_872 = arith.constant 1 : i32
        %get3A_873 = arith.index_cast %get3A_872 : i32 to index
        %get3A_874 = arith.index_cast %mul3A_871 : i32 to index
        %get3A_875 = tpu.vector_load %arg10[%get3A_873, %get3A_874] {strides = array<i32>} : memref<3x8192xf32, #tpu.memory_space<vmem>>, vector<1x16xf32>,
        %get3A_876 = vector.shape_cast %get3A_875 : vector<1x16xf32> to vector<16xf32>
        %mul3A_877 = arith.constant 16 : i32
        %mul3A_878 = arith.muli %scan3A_862, %mul3A_877 : i32
        %get3A_879 = arith.constant 2 : i32
        %get3A_880 = arith.index_cast %get3A_879 : i32 to index
        %get3A_881 = arith.index_cast %mul3A_878 : i32 to index
        %get3A_882 = tpu.vector_load %arg10[%get3A_880, %get3A_881] {strides = array<i32>} : memref<3x8192xf32, #tpu.memory_space<vmem>>, vector<1x16xf32>,
        %get3A_883 = vector.shape_cast %get3A_882 : vector<1x16xf32> to vector<16xf32>
        %mul3A_884 = arith.constant 16 : i32
        %mul3A_885 = arith.muli %scan3A_862, %mul3A_884 : i32
        %get3A_886 = arith.constant 0 : i32
        %get3A_887 = arith.index_cast %get3A_886 : i32 to index
        %get3A_888 = arith.index_cast %mul3A_885 : i32 to index
        %get3A_889 = tpu.vector_load %arg11[%get3A_887, %get3A_888] {strides = array<i32>} : memref<1x8192xf32, #tpu.memory_space<vmem>>, vector<1x16xf32>,
        %get3A_890 = vector.shape_cast %get3A_889 : vector<1x16xf32> to vector<16xf32>
        %mul3A_891 = vector.broadcast %squeeze3A_304 : f32 to vector<16xf32>
        %mul3A_892 = arith.mulf %mul3A_891, %get3A_869 : vector<16xf32>
        %mul3A_893 = vector.broadcast %squeeze3A_306 : f32 to vector<16xf32>
        %mul3A_894 = arith.mulf %mul3A_893, %get3A_876 : vector<16xf32>
        %add3A_895 = arith.addf %mul3A_892, %mul3A_894 : vector<16xf32>
        %mul3A_896 = vector.broadcast %squeeze3A_308 : f32 to vector<16xf32>
        %mul3A_897 = arith.mulf %mul3A_896, %get3A_883 : vector<16xf32>
        %add3A_898 = arith.addf %add3A_895, %mul3A_897 : vector<16xf32>
        %add3A_899 = arith.addf %add3A_898, %add3A_898 : vector<16xf32>
        %sub3A_900 = vector.broadcast %squeeze3A_310 : f32 to vector<16xf32>
        %sub3A_901 = arith.subf %sub3A_900, %add3A_899 : vector<16xf32>
        %add3A_902 = arith.addf %sub3A_901, %get3A_890 : vector<16xf32>
        %lt3A_903 = arith.cmpf olt, %add3A_902, %select_n3A_858 : vector<16xf32>
        %select_n3A_904 = arith.select %lt3A_903, %add3A_902, %select_n3A_858 : vector<16xi1>, vector<16xf32>
        %broadcast_in_dim3A_905 = vector.broadcast %scan3A_862 : i32 to vector<16xi32>
        %select_n3A_906 = arith.select %lt3A_903, %broadcast_in_dim3A_905, %select_n3A_860 : vector<16xi1>, vector<16xi32>
        scf.yield %select_n3A_904, %select_n3A_906 : vector<16xf32>, vector<16xi32>
      }
      %scan3A_320 = arith.constant 512 : i32
      %mul3A_321 = arith.constant 16 : i32
      %mul3A_322 = arith.muli %scan3A_69, %mul3A_321 : i32
      %add3A_323 = arith.constant 5 : i32
      %add3A_324 = arith.addi %mul3A_322, %add3A_323 : i32
      %mul3A_325 = arith.constant 16 : i32
      %mul3A_326 = arith.muli %add3A_324, %mul3A_325 : i32
      %swap3A_327 = arith.index_cast %mul3A_326 : i32 to index
      %swap3A_328 = tpu.vector_load %arg12[%swap3A_327] {strides = array<i32>} : memref<1024xf32, #tpu.memory_space<vmem>>, vector<16xf32>,
      %swap3A_329 = vector.shape_cast %swap3A_328 : vector<16xf32> to vector<16xf32>
      %swap3A_330 = vector.shape_cast %scan3A_319#0 : vector<16xf32> to vector<16xf32>
      tpu.vector_store %arg12[%swap3A_327], %swap3A_330 {strides = array<i32>} : memref<1024xf32, #tpu.memory_space<vmem>>, vector<16xf32>,
      %mul3A_331 = arith.constant 16 : i32
      %mul3A_332 = arith.muli %scan3A_69, %mul3A_331 : i32
      %add3A_333 = arith.constant 5 : i32
      %add3A_334 = arith.addi %mul3A_332, %add3A_333 : i32
      %mul3A_335 = arith.constant 16 : i32
      %mul3A_336 = arith.muli %add3A_334, %mul3A_335 : i32
      %swap3A_337 = arith.index_cast %mul3A_336 : i32 to index
      %swap3A_338 = tpu.vector_load %arg13[%swap3A_337] {strides = array<i32>} : memref<1024xi32, #tpu.memory_space<vmem>>, vector<16xi32>,
      %swap3A_339 = vector.shape_cast %swap3A_338 : vector<16xi32> to vector<16xi32>
      %swap3A_340 = vector.shape_cast %scan3A_319#1 : vector<16xi32> to vector<16xi32>
      tpu.vector_store %arg13[%swap3A_337], %swap3A_340 {strides = array<i32>} : memref<1024xi32, #tpu.memory_space<vmem>>, vector<16xi32>,
      %slice3A_341 = vector.extract_strided_slice %get3A_102 {offsets = [6], sizes = [1], strides = [1]} : vector<16xf32> to vector<1xf32>
      %squeeze3A_342 = vector.extract %slice3A_341[0] : f32 from vector<1xf32>
      %slice3A_343 = vector.extract_strided_slice %get3A_109 {offsets = [6], sizes = [1], strides = [1]} : vector<16xf32> to vector<1xf32>
      %squeeze3A_344 = vector.extract %slice3A_343[0] : f32 from vector<1xf32>
      %slice3A_345 = vector.extract_strided_slice %get3A_116 {offsets = [6], sizes = [1], strides = [1]} : vector<16xf32> to vector<1xf32>
      %squeeze3A_346 = vector.extract %slice3A_345[0] : f32 from vector<1xf32>
      %slice3A_347 = vector.extract_strided_slice %add3A_95 {offsets = [6], sizes = [1], strides = [1]} : vector<16xf32> to vector<1xf32>
      %squeeze3A_348 = vector.extract %slice3A_347[0] : f32 from vector<1xf32>
      %broadcast_in_dim3A_349 = arith.constant 0x7F800000 : f32
      %broadcast_in_dim3A_350 = vector.broadcast %broadcast_in_dim3A_349 : f32 to vector<16xf32>
      %broadcast_in_dim3A_351 = arith.constant 0 : i32
      %broadcast_in_dim3A_352 = vector.broadcast %broadcast_in_dim3A_351 : i32 to vector<16xi32>
      %scan3A_353 = arith.constant 0 : i32
      %scan3A_354 = arith.constant 512 : i32
      %scan3A_355 = arith.addi %scan3A_353, %scan3A_354 : i32
      %scan3A_356 = arith.constant 4 : i32
      %scan3A_357:2 = scf.for %scan3A_722 = %scan3A_353 to %scan3A_355 step %scan3A_356 iter_args(%scan3A_723 = %broadcast_in_dim3A_350, %scan3A_724 = %broadcast_in_dim3A_352) -> (vector<16xf32>, vector<16xi32>)  : i32 {
        %mul3A_725 = arith.constant 16 : i32
        %mul3A_726 = arith.muli %scan3A_722, %mul3A_725 : i32
        %get3A_727 = arith.constant 0 : i32
        %get3A_728 = arith.index_cast %get3A_727 : i32 to index
        %get3A_729 = arith.index_cast %mul3A_726 : i32 to index
        %get3A_730 = tpu.vector_load %arg10[%get3A_728, %get3A_729] {strides = array<i32>} : memref<3x8192xf32, #tpu.memory_space<vmem>>, vector<1x16xf32>,
        %get3A_731 = vector.shape_cast %get3A_730 : vector<1x16xf32> to vector<16xf32>
        %mul3A_732 = arith.constant 16 : i32
        %mul3A_733 = arith.muli %scan3A_722, %mul3A_732 : i32
        %get3A_734 = arith.constant 1 : i32
        %get3A_735 = arith.index_cast %get3A_734 : i32 to index
        %get3A_736 = arith.index_cast %mul3A_733 : i32 to index
        %get3A_737 = tpu.vector_load %arg10[%get3A_735, %get3A_736] {strides = array<i32>} : memref<3x8192xf32, #tpu.memory_space<vmem>>, vector<1x16xf32>,
        %get3A_738 = vector.shape_cast %get3A_737 : vector<1x16xf32> to vector<16xf32>
        %mul3A_739 = arith.constant 16 : i32
        %mul3A_740 = arith.muli %scan3A_722, %mul3A_739 : i32
        %get3A_741 = arith.constant 2 : i32
        %get3A_742 = arith.index_cast %get3A_741 : i32 to index
        %get3A_743 = arith.index_cast %mul3A_740 : i32 to index
        %get3A_744 = tpu.vector_load %arg10[%get3A_742, %get3A_743] {strides = array<i32>} : memref<3x8192xf32, #tpu.memory_space<vmem>>, vector<1x16xf32>,
        %get3A_745 = vector.shape_cast %get3A_744 : vector<1x16xf32> to vector<16xf32>
        %mul3A_746 = arith.constant 16 : i32
        %mul3A_747 = arith.muli %scan3A_722, %mul3A_746 : i32
        %get3A_748 = arith.constant 0 : i32
        %get3A_749 = arith.index_cast %get3A_748 : i32 to index
        %get3A_750 = arith.index_cast %mul3A_747 : i32 to index
        %get3A_751 = tpu.vector_load %arg11[%get3A_749, %get3A_750] {strides = array<i32>} : memref<1x8192xf32, #tpu.memory_space<vmem>>, vector<1x16xf32>,
        %get3A_752 = vector.shape_cast %get3A_751 : vector<1x16xf32> to vector<16xf32>
        %mul3A_753 = vector.broadcast %squeeze3A_342 : f32 to vector<16xf32>
        %mul3A_754 = arith.mulf %mul3A_753, %get3A_731 : vector<16xf32>
        %mul3A_755 = vector.broadcast %squeeze3A_344 : f32 to vector<16xf32>
        %mul3A_756 = arith.mulf %mul3A_755, %get3A_738 : vector<16xf32>
        %add3A_757 = arith.addf %mul3A_754, %mul3A_756 : vector<16xf32>
        %mul3A_758 = vector.broadcast %squeeze3A_346 : f32 to vector<16xf32>
        %mul3A_759 = arith.mulf %mul3A_758, %get3A_745 : vector<16xf32>
        %add3A_760 = arith.addf %add3A_757, %mul3A_759 : vector<16xf32>
        %add3A_761 = arith.addf %add3A_760, %add3A_760 : vector<16xf32>
        %sub3A_762 = vector.broadcast %squeeze3A_348 : f32 to vector<16xf32>
        %sub3A_763 = arith.subf %sub3A_762, %add3A_761 : vector<16xf32>
        %add3A_764 = arith.addf %sub3A_763, %get3A_752 : vector<16xf32>
        %lt3A_765 = arith.cmpf olt, %add3A_764, %scan3A_723 : vector<16xf32>
        %select_n3A_766 = arith.select %lt3A_765, %add3A_764, %scan3A_723 : vector<16xi1>, vector<16xf32>
        %broadcast_in_dim3A_767 = vector.broadcast %scan3A_722 : i32 to vector<16xi32>
        %select_n3A_768 = arith.select %lt3A_765, %broadcast_in_dim3A_767, %scan3A_724 : vector<16xi1>, vector<16xi32>
        %scan3A_769 = arith.constant 1 : i32
        %scan3A_770 = arith.addi %scan3A_722, %scan3A_769 : i32
        %mul3A_771 = arith.constant 16 : i32
        %mul3A_772 = arith.muli %scan3A_770, %mul3A_771 : i32
        %get3A_773 = arith.constant 0 : i32
        %get3A_774 = arith.index_cast %get3A_773 : i32 to index
        %get3A_775 = arith.index_cast %mul3A_772 : i32 to index
        %get3A_776 = tpu.vector_load %arg10[%get3A_774, %get3A_775] {strides = array<i32>} : memref<3x8192xf32, #tpu.memory_space<vmem>>, vector<1x16xf32>,
        %get3A_777 = vector.shape_cast %get3A_776 : vector<1x16xf32> to vector<16xf32>
        %mul3A_778 = arith.constant 16 : i32
        %mul3A_779 = arith.muli %scan3A_770, %mul3A_778 : i32
        %get3A_780 = arith.constant 1 : i32
        %get3A_781 = arith.index_cast %get3A_780 : i32 to index
        %get3A_782 = arith.index_cast %mul3A_779 : i32 to index
        %get3A_783 = tpu.vector_load %arg10[%get3A_781, %get3A_782] {strides = array<i32>} : memref<3x8192xf32, #tpu.memory_space<vmem>>, vector<1x16xf32>,
        %get3A_784 = vector.shape_cast %get3A_783 : vector<1x16xf32> to vector<16xf32>
        %mul3A_785 = arith.constant 16 : i32
        %mul3A_786 = arith.muli %scan3A_770, %mul3A_785 : i32
        %get3A_787 = arith.constant 2 : i32
        %get3A_788 = arith.index_cast %get3A_787 : i32 to index
        %get3A_789 = arith.index_cast %mul3A_786 : i32 to index
        %get3A_790 = tpu.vector_load %arg10[%get3A_788, %get3A_789] {strides = array<i32>} : memref<3x8192xf32, #tpu.memory_space<vmem>>, vector<1x16xf32>,
        %get3A_791 = vector.shape_cast %get3A_790 : vector<1x16xf32> to vector<16xf32>
        %mul3A_792 = arith.constant 16 : i32
        %mul3A_793 = arith.muli %scan3A_770, %mul3A_792 : i32
        %get3A_794 = arith.constant 0 : i32
        %get3A_795 = arith.index_cast %get3A_794 : i32 to index
        %get3A_796 = arith.index_cast %mul3A_793 : i32 to index
        %get3A_797 = tpu.vector_load %arg11[%get3A_795, %get3A_796] {strides = array<i32>} : memref<1x8192xf32, #tpu.memory_space<vmem>>, vector<1x16xf32>,
        %get3A_798 = vector.shape_cast %get3A_797 : vector<1x16xf32> to vector<16xf32>
        %mul3A_799 = vector.broadcast %squeeze3A_342 : f32 to vector<16xf32>
        %mul3A_800 = arith.mulf %mul3A_799, %get3A_777 : vector<16xf32>
        %mul3A_801 = vector.broadcast %squeeze3A_344 : f32 to vector<16xf32>
        %mul3A_802 = arith.mulf %mul3A_801, %get3A_784 : vector<16xf32>
        %add3A_803 = arith.addf %mul3A_800, %mul3A_802 : vector<16xf32>
        %mul3A_804 = vector.broadcast %squeeze3A_346 : f32 to vector<16xf32>
        %mul3A_805 = arith.mulf %mul3A_804, %get3A_791 : vector<16xf32>
        %add3A_806 = arith.addf %add3A_803, %mul3A_805 : vector<16xf32>
        %add3A_807 = arith.addf %add3A_806, %add3A_806 : vector<16xf32>
        %sub3A_808 = vector.broadcast %squeeze3A_348 : f32 to vector<16xf32>
        %sub3A_809 = arith.subf %sub3A_808, %add3A_807 : vector<16xf32>
        %add3A_810 = arith.addf %sub3A_809, %get3A_798 : vector<16xf32>
        %lt3A_811 = arith.cmpf olt, %add3A_810, %select_n3A_766 : vector<16xf32>
        %select_n3A_812 = arith.select %lt3A_811, %add3A_810, %select_n3A_766 : vector<16xi1>, vector<16xf32>
        %broadcast_in_dim3A_813 = vector.broadcast %scan3A_770 : i32 to vector<16xi32>
        %select_n3A_814 = arith.select %lt3A_811, %broadcast_in_dim3A_813, %select_n3A_768 : vector<16xi1>, vector<16xi32>
        %scan3A_815 = arith.constant 2 : i32
        %scan3A_816 = arith.addi %scan3A_722, %scan3A_815 : i32
        %mul3A_817 = arith.constant 16 : i32
        %mul3A_818 = arith.muli %scan3A_816, %mul3A_817 : i32
        %get3A_819 = arith.constant 0 : i32
        %get3A_820 = arith.index_cast %get3A_819 : i32 to index
        %get3A_821 = arith.index_cast %mul3A_818 : i32 to index
        %get3A_822 = tpu.vector_load %arg10[%get3A_820, %get3A_821] {strides = array<i32>} : memref<3x8192xf32, #tpu.memory_space<vmem>>, vector<1x16xf32>,
        %get3A_823 = vector.shape_cast %get3A_822 : vector<1x16xf32> to vector<16xf32>
        %mul3A_824 = arith.constant 16 : i32
        %mul3A_825 = arith.muli %scan3A_816, %mul3A_824 : i32
        %get3A_826 = arith.constant 1 : i32
        %get3A_827 = arith.index_cast %get3A_826 : i32 to index
        %get3A_828 = arith.index_cast %mul3A_825 : i32 to index
        %get3A_829 = tpu.vector_load %arg10[%get3A_827, %get3A_828] {strides = array<i32>} : memref<3x8192xf32, #tpu.memory_space<vmem>>, vector<1x16xf32>,
        %get3A_830 = vector.shape_cast %get3A_829 : vector<1x16xf32> to vector<16xf32>
        %mul3A_831 = arith.constant 16 : i32
        %mul3A_832 = arith.muli %scan3A_816, %mul3A_831 : i32
        %get3A_833 = arith.constant 2 : i32
        %get3A_834 = arith.index_cast %get3A_833 : i32 to index
        %get3A_835 = arith.index_cast %mul3A_832 : i32 to index
        %get3A_836 = tpu.vector_load %arg10[%get3A_834, %get3A_835] {strides = array<i32>} : memref<3x8192xf32, #tpu.memory_space<vmem>>, vector<1x16xf32>,
        %get3A_837 = vector.shape_cast %get3A_836 : vector<1x16xf32> to vector<16xf32>
        %mul3A_838 = arith.constant 16 : i32
        %mul3A_839 = arith.muli %scan3A_816, %mul3A_838 : i32
        %get3A_840 = arith.constant 0 : i32
        %get3A_841 = arith.index_cast %get3A_840 : i32 to index
        %get3A_842 = arith.index_cast %mul3A_839 : i32 to index
        %get3A_843 = tpu.vector_load %arg11[%get3A_841, %get3A_842] {strides = array<i32>} : memref<1x8192xf32, #tpu.memory_space<vmem>>, vector<1x16xf32>,
        %get3A_844 = vector.shape_cast %get3A_843 : vector<1x16xf32> to vector<16xf32>
        %mul3A_845 = vector.broadcast %squeeze3A_342 : f32 to vector<16xf32>
        %mul3A_846 = arith.mulf %mul3A_845, %get3A_823 : vector<16xf32>
        %mul3A_847 = vector.broadcast %squeeze3A_344 : f32 to vector<16xf32>
        %mul3A_848 = arith.mulf %mul3A_847, %get3A_830 : vector<16xf32>
        %add3A_849 = arith.addf %mul3A_846, %mul3A_848 : vector<16xf32>
        %mul3A_850 = vector.broadcast %squeeze3A_346 : f32 to vector<16xf32>
        %mul3A_851 = arith.mulf %mul3A_850, %get3A_837 : vector<16xf32>
        %add3A_852 = arith.addf %add3A_849, %mul3A_851 : vector<16xf32>
        %add3A_853 = arith.addf %add3A_852, %add3A_852 : vector<16xf32>
        %sub3A_854 = vector.broadcast %squeeze3A_348 : f32 to vector<16xf32>
        %sub3A_855 = arith.subf %sub3A_854, %add3A_853 : vector<16xf32>
        %add3A_856 = arith.addf %sub3A_855, %get3A_844 : vector<16xf32>
        %lt3A_857 = arith.cmpf olt, %add3A_856, %select_n3A_812 : vector<16xf32>
        %select_n3A_858 = arith.select %lt3A_857, %add3A_856, %select_n3A_812 : vector<16xi1>, vector<16xf32>
        %broadcast_in_dim3A_859 = vector.broadcast %scan3A_816 : i32 to vector<16xi32>
        %select_n3A_860 = arith.select %lt3A_857, %broadcast_in_dim3A_859, %select_n3A_814 : vector<16xi1>, vector<16xi32>
        %scan3A_861 = arith.constant 3 : i32
        %scan3A_862 = arith.addi %scan3A_722, %scan3A_861 : i32
        %mul3A_863 = arith.constant 16 : i32
        %mul3A_864 = arith.muli %scan3A_862, %mul3A_863 : i32
        %get3A_865 = arith.constant 0 : i32
        %get3A_866 = arith.index_cast %get3A_865 : i32 to index
        %get3A_867 = arith.index_cast %mul3A_864 : i32 to index
        %get3A_868 = tpu.vector_load %arg10[%get3A_866, %get3A_867] {strides = array<i32>} : memref<3x8192xf32, #tpu.memory_space<vmem>>, vector<1x16xf32>,
        %get3A_869 = vector.shape_cast %get3A_868 : vector<1x16xf32> to vector<16xf32>
        %mul3A_870 = arith.constant 16 : i32
        %mul3A_871 = arith.muli %scan3A_862, %mul3A_870 : i32
        %get3A_872 = arith.constant 1 : i32
        %get3A_873 = arith.index_cast %get3A_872 : i32 to index
        %get3A_874 = arith.index_cast %mul3A_871 : i32 to index
        %get3A_875 = tpu.vector_load %arg10[%get3A_873, %get3A_874] {strides = array<i32>} : memref<3x8192xf32, #tpu.memory_space<vmem>>, vector<1x16xf32>,
        %get3A_876 = vector.shape_cast %get3A_875 : vector<1x16xf32> to vector<16xf32>
        %mul3A_877 = arith.constant 16 : i32
        %mul3A_878 = arith.muli %scan3A_862, %mul3A_877 : i32
        %get3A_879 = arith.constant 2 : i32
        %get3A_880 = arith.index_cast %get3A_879 : i32 to index
        %get3A_881 = arith.index_cast %mul3A_878 : i32 to index
        %get3A_882 = tpu.vector_load %arg10[%get3A_880, %get3A_881] {strides = array<i32>} : memref<3x8192xf32, #tpu.memory_space<vmem>>, vector<1x16xf32>,
        %get3A_883 = vector.shape_cast %get3A_882 : vector<1x16xf32> to vector<16xf32>
        %mul3A_884 = arith.constant 16 : i32
        %mul3A_885 = arith.muli %scan3A_862, %mul3A_884 : i32
        %get3A_886 = arith.constant 0 : i32
        %get3A_887 = arith.index_cast %get3A_886 : i32 to index
        %get3A_888 = arith.index_cast %mul3A_885 : i32 to index
        %get3A_889 = tpu.vector_load %arg11[%get3A_887, %get3A_888] {strides = array<i32>} : memref<1x8192xf32, #tpu.memory_space<vmem>>, vector<1x16xf32>,
        %get3A_890 = vector.shape_cast %get3A_889 : vector<1x16xf32> to vector<16xf32>
        %mul3A_891 = vector.broadcast %squeeze3A_342 : f32 to vector<16xf32>
        %mul3A_892 = arith.mulf %mul3A_891, %get3A_869 : vector<16xf32>
        %mul3A_893 = vector.broadcast %squeeze3A_344 : f32 to vector<16xf32>
        %mul3A_894 = arith.mulf %mul3A_893, %get3A_876 : vector<16xf32>
        %add3A_895 = arith.addf %mul3A_892, %mul3A_894 : vector<16xf32>
        %mul3A_896 = vector.broadcast %squeeze3A_346 : f32 to vector<16xf32>
        %mul3A_897 = arith.mulf %mul3A_896, %get3A_883 : vector<16xf32>
        %add3A_898 = arith.addf %add3A_895, %mul3A_897 : vector<16xf32>
        %add3A_899 = arith.addf %add3A_898, %add3A_898 : vector<16xf32>
        %sub3A_900 = vector.broadcast %squeeze3A_348 : f32 to vector<16xf32>
        %sub3A_901 = arith.subf %sub3A_900, %add3A_899 : vector<16xf32>
        %add3A_902 = arith.addf %sub3A_901, %get3A_890 : vector<16xf32>
        %lt3A_903 = arith.cmpf olt, %add3A_902, %select_n3A_858 : vector<16xf32>
        %select_n3A_904 = arith.select %lt3A_903, %add3A_902, %select_n3A_858 : vector<16xi1>, vector<16xf32>
        %broadcast_in_dim3A_905 = vector.broadcast %scan3A_862 : i32 to vector<16xi32>
        %select_n3A_906 = arith.select %lt3A_903, %broadcast_in_dim3A_905, %select_n3A_860 : vector<16xi1>, vector<16xi32>
        scf.yield %select_n3A_904, %select_n3A_906 : vector<16xf32>, vector<16xi32>
      }
      %scan3A_358 = arith.constant 512 : i32
      %mul3A_359 = arith.constant 16 : i32
      %mul3A_360 = arith.muli %scan3A_69, %mul3A_359 : i32
      %add3A_361 = arith.constant 6 : i32
      %add3A_362 = arith.addi %mul3A_360, %add3A_361 : i32
      %mul3A_363 = arith.constant 16 : i32
      %mul3A_364 = arith.muli %add3A_362, %mul3A_363 : i32
      %swap3A_365 = arith.index_cast %mul3A_364 : i32 to index
      %swap3A_366 = tpu.vector_load %arg12[%swap3A_365] {strides = array<i32>} : memref<1024xf32, #tpu.memory_space<vmem>>, vector<16xf32>,
      %swap3A_367 = vector.shape_cast %swap3A_366 : vector<16xf32> to vector<16xf32>
      %swap3A_368 = vector.shape_cast %scan3A_357#0 : vector<16xf32> to vector<16xf32>
      tpu.vector_store %arg12[%swap3A_365], %swap3A_368 {strides = array<i32>} : memref<1024xf32, #tpu.memory_space<vmem>>, vector<16xf32>,
      %mul3A_369 = arith.constant 16 : i32
      %mul3A_370 = arith.muli %scan3A_69, %mul3A_369 : i32
      %add3A_371 = arith.constant 6 : i32
      %add3A_372 = arith.addi %mul3A_370, %add3A_371 : i32
      %mul3A_373 = arith.constant 16 : i32
      %mul3A_374 = arith.muli %add3A_372, %mul3A_373 : i32
      %swap3A_375 = arith.index_cast %mul3A_374 : i32 to index
      %swap3A_376 = tpu.vector_load %arg13[%swap3A_375] {strides = array<i32>} : memref<1024xi32, #tpu.memory_space<vmem>>, vector<16xi32>,
      %swap3A_377 = vector.shape_cast %swap3A_376 : vector<16xi32> to vector<16xi32>
      %swap3A_378 = vector.shape_cast %scan3A_357#1 : vector<16xi32> to vector<16xi32>
      tpu.vector_store %arg13[%swap3A_375], %swap3A_378 {strides = array<i32>} : memref<1024xi32, #tpu.memory_space<vmem>>, vector<16xi32>,
      %slice3A_379 = vector.extract_strided_slice %get3A_102 {offsets = [7], sizes = [1], strides = [1]} : vector<16xf32> to vector<1xf32>
      %squeeze3A_380 = vector.extract %slice3A_379[0] : f32 from vector<1xf32>
      %slice3A_381 = vector.extract_strided_slice %get3A_109 {offsets = [7], sizes = [1], strides = [1]} : vector<16xf32> to vector<1xf32>
      %squeeze3A_382 = vector.extract %slice3A_381[0] : f32 from vector<1xf32>
      %slice3A_383 = vector.extract_strided_slice %get3A_116 {offsets = [7], sizes = [1], strides = [1]} : vector<16xf32> to vector<1xf32>
      %squeeze3A_384 = vector.extract %slice3A_383[0] : f32 from vector<1xf32>
      %slice3A_385 = vector.extract_strided_slice %add3A_95 {offsets = [7], sizes = [1], strides = [1]} : vector<16xf32> to vector<1xf32>
      %squeeze3A_386 = vector.extract %slice3A_385[0] : f32 from vector<1xf32>
      %broadcast_in_dim3A_387 = arith.constant 0x7F800000 : f32
      %broadcast_in_dim3A_388 = vector.broadcast %broadcast_in_dim3A_387 : f32 to vector<16xf32>
      %broadcast_in_dim3A_389 = arith.constant 0 : i32
      %broadcast_in_dim3A_390 = vector.broadcast %broadcast_in_dim3A_389 : i32 to vector<16xi32>
      %scan3A_391 = arith.constant 0 : i32
      %scan3A_392 = arith.constant 512 : i32
      %scan3A_393 = arith.addi %scan3A_391, %scan3A_392 : i32
      %scan3A_394 = arith.constant 4 : i32
      %scan3A_395:2 = scf.for %scan3A_722 = %scan3A_391 to %scan3A_393 step %scan3A_394 iter_args(%scan3A_723 = %broadcast_in_dim3A_388, %scan3A_724 = %broadcast_in_dim3A_390) -> (vector<16xf32>, vector<16xi32>)  : i32 {
        %mul3A_725 = arith.constant 16 : i32
        %mul3A_726 = arith.muli %scan3A_722, %mul3A_725 : i32
        %get3A_727 = arith.constant 0 : i32
        %get3A_728 = arith.index_cast %get3A_727 : i32 to index
        %get3A_729 = arith.index_cast %mul3A_726 : i32 to index
        %get3A_730 = tpu.vector_load %arg10[%get3A_728, %get3A_729] {strides = array<i32>} : memref<3x8192xf32, #tpu.memory_space<vmem>>, vector<1x16xf32>,
        %get3A_731 = vector.shape_cast %get3A_730 : vector<1x16xf32> to vector<16xf32>
        %mul3A_732 = arith.constant 16 : i32
        %mul3A_733 = arith.muli %scan3A_722, %mul3A_732 : i32
        %get3A_734 = arith.constant 1 : i32
        %get3A_735 = arith.index_cast %get3A_734 : i32 to index
        %get3A_736 = arith.index_cast %mul3A_733 : i32 to index
        %get3A_737 = tpu.vector_load %arg10[%get3A_735, %get3A_736] {strides = array<i32>} : memref<3x8192xf32, #tpu.memory_space<vmem>>, vector<1x16xf32>,
        %get3A_738 = vector.shape_cast %get3A_737 : vector<1x16xf32> to vector<16xf32>
        %mul3A_739 = arith.constant 16 : i32
        %mul3A_740 = arith.muli %scan3A_722, %mul3A_739 : i32
        %get3A_741 = arith.constant 2 : i32
        %get3A_742 = arith.index_cast %get3A_741 : i32 to index
        %get3A_743 = arith.index_cast %mul3A_740 : i32 to index
        %get3A_744 = tpu.vector_load %arg10[%get3A_742, %get3A_743] {strides = array<i32>} : memref<3x8192xf32, #tpu.memory_space<vmem>>, vector<1x16xf32>,
        %get3A_745 = vector.shape_cast %get3A_744 : vector<1x16xf32> to vector<16xf32>
        %mul3A_746 = arith.constant 16 : i32
        %mul3A_747 = arith.muli %scan3A_722, %mul3A_746 : i32
        %get3A_748 = arith.constant 0 : i32
        %get3A_749 = arith.index_cast %get3A_748 : i32 to index
        %get3A_750 = arith.index_cast %mul3A_747 : i32 to index
        %get3A_751 = tpu.vector_load %arg11[%get3A_749, %get3A_750] {strides = array<i32>} : memref<1x8192xf32, #tpu.memory_space<vmem>>, vector<1x16xf32>,
        %get3A_752 = vector.shape_cast %get3A_751 : vector<1x16xf32> to vector<16xf32>
        %mul3A_753 = vector.broadcast %squeeze3A_380 : f32 to vector<16xf32>
        %mul3A_754 = arith.mulf %mul3A_753, %get3A_731 : vector<16xf32>
        %mul3A_755 = vector.broadcast %squeeze3A_382 : f32 to vector<16xf32>
        %mul3A_756 = arith.mulf %mul3A_755, %get3A_738 : vector<16xf32>
        %add3A_757 = arith.addf %mul3A_754, %mul3A_756 : vector<16xf32>
        %mul3A_758 = vector.broadcast %squeeze3A_384 : f32 to vector<16xf32>
        %mul3A_759 = arith.mulf %mul3A_758, %get3A_745 : vector<16xf32>
        %add3A_760 = arith.addf %add3A_757, %mul3A_759 : vector<16xf32>
        %add3A_761 = arith.addf %add3A_760, %add3A_760 : vector<16xf32>
        %sub3A_762 = vector.broadcast %squeeze3A_386 : f32 to vector<16xf32>
        %sub3A_763 = arith.subf %sub3A_762, %add3A_761 : vector<16xf32>
        %add3A_764 = arith.addf %sub3A_763, %get3A_752 : vector<16xf32>
        %lt3A_765 = arith.cmpf olt, %add3A_764, %scan3A_723 : vector<16xf32>
        %select_n3A_766 = arith.select %lt3A_765, %add3A_764, %scan3A_723 : vector<16xi1>, vector<16xf32>
        %broadcast_in_dim3A_767 = vector.broadcast %scan3A_722 : i32 to vector<16xi32>
        %select_n3A_768 = arith.select %lt3A_765, %broadcast_in_dim3A_767, %scan3A_724 : vector<16xi1>, vector<16xi32>
        %scan3A_769 = arith.constant 1 : i32
        %scan3A_770 = arith.addi %scan3A_722, %scan3A_769 : i32
        %mul3A_771 = arith.constant 16 : i32
        %mul3A_772 = arith.muli %scan3A_770, %mul3A_771 : i32
        %get3A_773 = arith.constant 0 : i32
        %get3A_774 = arith.index_cast %get3A_773 : i32 to index
        %get3A_775 = arith.index_cast %mul3A_772 : i32 to index
        %get3A_776 = tpu.vector_load %arg10[%get3A_774, %get3A_775] {strides = array<i32>} : memref<3x8192xf32, #tpu.memory_space<vmem>>, vector<1x16xf32>,
        %get3A_777 = vector.shape_cast %get3A_776 : vector<1x16xf32> to vector<16xf32>
        %mul3A_778 = arith.constant 16 : i32
        %mul3A_779 = arith.muli %scan3A_770, %mul3A_778 : i32
        %get3A_780 = arith.constant 1 : i32
        %get3A_781 = arith.index_cast %get3A_780 : i32 to index
        %get3A_782 = arith.index_cast %mul3A_779 : i32 to index
        %get3A_783 = tpu.vector_load %arg10[%get3A_781, %get3A_782] {strides = array<i32>} : memref<3x8192xf32, #tpu.memory_space<vmem>>, vector<1x16xf32>,
        %get3A_784 = vector.shape_cast %get3A_783 : vector<1x16xf32> to vector<16xf32>
        %mul3A_785 = arith.constant 16 : i32
        %mul3A_786 = arith.muli %scan3A_770, %mul3A_785 : i32
        %get3A_787 = arith.constant 2 : i32
        %get3A_788 = arith.index_cast %get3A_787 : i32 to index
        %get3A_789 = arith.index_cast %mul3A_786 : i32 to index
        %get3A_790 = tpu.vector_load %arg10[%get3A_788, %get3A_789] {strides = array<i32>} : memref<3x8192xf32, #tpu.memory_space<vmem>>, vector<1x16xf32>,
        %get3A_791 = vector.shape_cast %get3A_790 : vector<1x16xf32> to vector<16xf32>
        %mul3A_792 = arith.constant 16 : i32
        %mul3A_793 = arith.muli %scan3A_770, %mul3A_792 : i32
        %get3A_794 = arith.constant 0 : i32
        %get3A_795 = arith.index_cast %get3A_794 : i32 to index
        %get3A_796 = arith.index_cast %mul3A_793 : i32 to index
        %get3A_797 = tpu.vector_load %arg11[%get3A_795, %get3A_796] {strides = array<i32>} : memref<1x8192xf32, #tpu.memory_space<vmem>>, vector<1x16xf32>,
        %get3A_798 = vector.shape_cast %get3A_797 : vector<1x16xf32> to vector<16xf32>
        %mul3A_799 = vector.broadcast %squeeze3A_380 : f32 to vector<16xf32>
        %mul3A_800 = arith.mulf %mul3A_799, %get3A_777 : vector<16xf32>
        %mul3A_801 = vector.broadcast %squeeze3A_382 : f32 to vector<16xf32>
        %mul3A_802 = arith.mulf %mul3A_801, %get3A_784 : vector<16xf32>
        %add3A_803 = arith.addf %mul3A_800, %mul3A_802 : vector<16xf32>
        %mul3A_804 = vector.broadcast %squeeze3A_384 : f32 to vector<16xf32>
        %mul3A_805 = arith.mulf %mul3A_804, %get3A_791 : vector<16xf32>
        %add3A_806 = arith.addf %add3A_803, %mul3A_805 : vector<16xf32>
        %add3A_807 = arith.addf %add3A_806, %add3A_806 : vector<16xf32>
        %sub3A_808 = vector.broadcast %squeeze3A_386 : f32 to vector<16xf32>
        %sub3A_809 = arith.subf %sub3A_808, %add3A_807 : vector<16xf32>
        %add3A_810 = arith.addf %sub3A_809, %get3A_798 : vector<16xf32>
        %lt3A_811 = arith.cmpf olt, %add3A_810, %select_n3A_766 : vector<16xf32>
        %select_n3A_812 = arith.select %lt3A_811, %add3A_810, %select_n3A_766 : vector<16xi1>, vector<16xf32>
        %broadcast_in_dim3A_813 = vector.broadcast %scan3A_770 : i32 to vector<16xi32>
        %select_n3A_814 = arith.select %lt3A_811, %broadcast_in_dim3A_813, %select_n3A_768 : vector<16xi1>, vector<16xi32>
        %scan3A_815 = arith.constant 2 : i32
        %scan3A_816 = arith.addi %scan3A_722, %scan3A_815 : i32
        %mul3A_817 = arith.constant 16 : i32
        %mul3A_818 = arith.muli %scan3A_816, %mul3A_817 : i32
        %get3A_819 = arith.constant 0 : i32
        %get3A_820 = arith.index_cast %get3A_819 : i32 to index
        %get3A_821 = arith.index_cast %mul3A_818 : i32 to index
        %get3A_822 = tpu.vector_load %arg10[%get3A_820, %get3A_821] {strides = array<i32>} : memref<3x8192xf32, #tpu.memory_space<vmem>>, vector<1x16xf32>,
        %get3A_823 = vector.shape_cast %get3A_822 : vector<1x16xf32> to vector<16xf32>
        %mul3A_824 = arith.constant 16 : i32
        %mul3A_825 = arith.muli %scan3A_816, %mul3A_824 : i32
        %get3A_826 = arith.constant 1 : i32
        %get3A_827 = arith.index_cast %get3A_826 : i32 to index
        %get3A_828 = arith.index_cast %mul3A_825 : i32 to index
        %get3A_829 = tpu.vector_load %arg10[%get3A_827, %get3A_828] {strides = array<i32>} : memref<3x8192xf32, #tpu.memory_space<vmem>>, vector<1x16xf32>,
        %get3A_830 = vector.shape_cast %get3A_829 : vector<1x16xf32> to vector<16xf32>
        %mul3A_831 = arith.constant 16 : i32
        %mul3A_832 = arith.muli %scan3A_816, %mul3A_831 : i32
        %get3A_833 = arith.constant 2 : i32
        %get3A_834 = arith.index_cast %get3A_833 : i32 to index
        %get3A_835 = arith.index_cast %mul3A_832 : i32 to index
        %get3A_836 = tpu.vector_load %arg10[%get3A_834, %get3A_835] {strides = array<i32>} : memref<3x8192xf32, #tpu.memory_space<vmem>>, vector<1x16xf32>,
        %get3A_837 = vector.shape_cast %get3A_836 : vector<1x16xf32> to vector<16xf32>
        %mul3A_838 = arith.constant 16 : i32
        %mul3A_839 = arith.muli %scan3A_816, %mul3A_838 : i32
        %get3A_840 = arith.constant 0 : i32
        %get3A_841 = arith.index_cast %get3A_840 : i32 to index
        %get3A_842 = arith.index_cast %mul3A_839 : i32 to index
        %get3A_843 = tpu.vector_load %arg11[%get3A_841, %get3A_842] {strides = array<i32>} : memref<1x8192xf32, #tpu.memory_space<vmem>>, vector<1x16xf32>,
        %get3A_844 = vector.shape_cast %get3A_843 : vector<1x16xf32> to vector<16xf32>
        %mul3A_845 = vector.broadcast %squeeze3A_380 : f32 to vector<16xf32>
        %mul3A_846 = arith.mulf %mul3A_845, %get3A_823 : vector<16xf32>
        %mul3A_847 = vector.broadcast %squeeze3A_382 : f32 to vector<16xf32>
        %mul3A_848 = arith.mulf %mul3A_847, %get3A_830 : vector<16xf32>
        %add3A_849 = arith.addf %mul3A_846, %mul3A_848 : vector<16xf32>
        %mul3A_850 = vector.broadcast %squeeze3A_384 : f32 to vector<16xf32>
        %mul3A_851 = arith.mulf %mul3A_850, %get3A_837 : vector<16xf32>
        %add3A_852 = arith.addf %add3A_849, %mul3A_851 : vector<16xf32>
        %add3A_853 = arith.addf %add3A_852, %add3A_852 : vector<16xf32>
        %sub3A_854 = vector.broadcast %squeeze3A_386 : f32 to vector<16xf32>
        %sub3A_855 = arith.subf %sub3A_854, %add3A_853 : vector<16xf32>
        %add3A_856 = arith.addf %sub3A_855, %get3A_844 : vector<16xf32>
        %lt3A_857 = arith.cmpf olt, %add3A_856, %select_n3A_812 : vector<16xf32>
        %select_n3A_858 = arith.select %lt3A_857, %add3A_856, %select_n3A_812 : vector<16xi1>, vector<16xf32>
        %broadcast_in_dim3A_859 = vector.broadcast %scan3A_816 : i32 to vector<16xi32>
        %select_n3A_860 = arith.select %lt3A_857, %broadcast_in_dim3A_859, %select_n3A_814 : vector<16xi1>, vector<16xi32>
        %scan3A_861 = arith.constant 3 : i32
        %scan3A_862 = arith.addi %scan3A_722, %scan3A_861 : i32
        %mul3A_863 = arith.constant 16 : i32
        %mul3A_864 = arith.muli %scan3A_862, %mul3A_863 : i32
        %get3A_865 = arith.constant 0 : i32
        %get3A_866 = arith.index_cast %get3A_865 : i32 to index
        %get3A_867 = arith.index_cast %mul3A_864 : i32 to index
        %get3A_868 = tpu.vector_load %arg10[%get3A_866, %get3A_867] {strides = array<i32>} : memref<3x8192xf32, #tpu.memory_space<vmem>>, vector<1x16xf32>,
        %get3A_869 = vector.shape_cast %get3A_868 : vector<1x16xf32> to vector<16xf32>
        %mul3A_870 = arith.constant 16 : i32
        %mul3A_871 = arith.muli %scan3A_862, %mul3A_870 : i32
        %get3A_872 = arith.constant 1 : i32
        %get3A_873 = arith.index_cast %get3A_872 : i32 to index
        %get3A_874 = arith.index_cast %mul3A_871 : i32 to index
        %get3A_875 = tpu.vector_load %arg10[%get3A_873, %get3A_874] {strides = array<i32>} : memref<3x8192xf32, #tpu.memory_space<vmem>>, vector<1x16xf32>,
        %get3A_876 = vector.shape_cast %get3A_875 : vector<1x16xf32> to vector<16xf32>
        %mul3A_877 = arith.constant 16 : i32
        %mul3A_878 = arith.muli %scan3A_862, %mul3A_877 : i32
        %get3A_879 = arith.constant 2 : i32
        %get3A_880 = arith.index_cast %get3A_879 : i32 to index
        %get3A_881 = arith.index_cast %mul3A_878 : i32 to index
        %get3A_882 = tpu.vector_load %arg10[%get3A_880, %get3A_881] {strides = array<i32>} : memref<3x8192xf32, #tpu.memory_space<vmem>>, vector<1x16xf32>,
        %get3A_883 = vector.shape_cast %get3A_882 : vector<1x16xf32> to vector<16xf32>
        %mul3A_884 = arith.constant 16 : i32
        %mul3A_885 = arith.muli %scan3A_862, %mul3A_884 : i32
        %get3A_886 = arith.constant 0 : i32
        %get3A_887 = arith.index_cast %get3A_886 : i32 to index
        %get3A_888 = arith.index_cast %mul3A_885 : i32 to index
        %get3A_889 = tpu.vector_load %arg11[%get3A_887, %get3A_888] {strides = array<i32>} : memref<1x8192xf32, #tpu.memory_space<vmem>>, vector<1x16xf32>,
        %get3A_890 = vector.shape_cast %get3A_889 : vector<1x16xf32> to vector<16xf32>
        %mul3A_891 = vector.broadcast %squeeze3A_380 : f32 to vector<16xf32>
        %mul3A_892 = arith.mulf %mul3A_891, %get3A_869 : vector<16xf32>
        %mul3A_893 = vector.broadcast %squeeze3A_382 : f32 to vector<16xf32>
        %mul3A_894 = arith.mulf %mul3A_893, %get3A_876 : vector<16xf32>
        %add3A_895 = arith.addf %mul3A_892, %mul3A_894 : vector<16xf32>
        %mul3A_896 = vector.broadcast %squeeze3A_384 : f32 to vector<16xf32>
        %mul3A_897 = arith.mulf %mul3A_896, %get3A_883 : vector<16xf32>
        %add3A_898 = arith.addf %add3A_895, %mul3A_897 : vector<16xf32>
        %add3A_899 = arith.addf %add3A_898, %add3A_898 : vector<16xf32>
        %sub3A_900 = vector.broadcast %squeeze3A_386 : f32 to vector<16xf32>
        %sub3A_901 = arith.subf %sub3A_900, %add3A_899 : vector<16xf32>
        %add3A_902 = arith.addf %sub3A_901, %get3A_890 : vector<16xf32>
        %lt3A_903 = arith.cmpf olt, %add3A_902, %select_n3A_858 : vector<16xf32>
        %select_n3A_904 = arith.select %lt3A_903, %add3A_902, %select_n3A_858 : vector<16xi1>, vector<16xf32>
        %broadcast_in_dim3A_905 = vector.broadcast %scan3A_862 : i32 to vector<16xi32>
        %select_n3A_906 = arith.select %lt3A_903, %broadcast_in_dim3A_905, %select_n3A_860 : vector<16xi1>, vector<16xi32>
        scf.yield %select_n3A_904, %select_n3A_906 : vector<16xf32>, vector<16xi32>
      }
      %scan3A_396 = arith.constant 512 : i32
      %mul3A_397 = arith.constant 16 : i32
      %mul3A_398 = arith.muli %scan3A_69, %mul3A_397 : i32
      %add3A_399 = arith.constant 7 : i32
      %add3A_400 = arith.addi %mul3A_398, %add3A_399 : i32
      %mul3A_401 = arith.constant 16 : i32
      %mul3A_402 = arith.muli %add3A_400, %mul3A_401 : i32
      %swap3A_403 = arith.index_cast %mul3A_402 : i32 to index
      %swap3A_404 = tpu.vector_load %arg12[%swap3A_403] {strides = array<i32>} : memref<1024xf32, #tpu.memory_space<vmem>>, vector<16xf32>,
      %swap3A_405 = vector.shape_cast %swap3A_404 : vector<16xf32> to vector<16xf32>
      %swap3A_406 = vector.shape_cast %scan3A_395#0 : vector<16xf32> to vector<16xf32>
      tpu.vector_store %arg12[%swap3A_403], %swap3A_406 {strides = array<i32>} : memref<1024xf32, #tpu.memory_space<vmem>>, vector<16xf32>,
      %mul3A_407 = arith.constant 16 : i32
      %mul3A_408 = arith.muli %scan3A_69, %mul3A_407 : i32
      %add3A_409 = arith.constant 7 : i32
      %add3A_410 = arith.addi %mul3A_408, %add3A_409 : i32
      %mul3A_411 = arith.constant 16 : i32
      %mul3A_412 = arith.muli %add3A_410, %mul3A_411 : i32
      %swap3A_413 = arith.index_cast %mul3A_412 : i32 to index
      %swap3A_414 = tpu.vector_load %arg13[%swap3A_413] {strides = array<i32>} : memref<1024xi32, #tpu.memory_space<vmem>>, vector<16xi32>,
      %swap3A_415 = vector.shape_cast %swap3A_414 : vector<16xi32> to vector<16xi32>
      %swap3A_416 = vector.shape_cast %scan3A_395#1 : vector<16xi32> to vector<16xi32>
      tpu.vector_store %arg13[%swap3A_413], %swap3A_416 {strides = array<i32>} : memref<1024xi32, #tpu.memory_space<vmem>>, vector<16xi32>,
      %slice3A_417 = vector.extract_strided_slice %get3A_102 {offsets = [8], sizes = [1], strides = [1]} : vector<16xf32> to vector<1xf32>
      %squeeze3A_418 = vector.extract %slice3A_417[0] : f32 from vector<1xf32>
      %slice3A_419 = vector.extract_strided_slice %get3A_109 {offsets = [8], sizes = [1], strides = [1]} : vector<16xf32> to vector<1xf32>
      %squeeze3A_420 = vector.extract %slice3A_419[0] : f32 from vector<1xf32>
      %slice3A_421 = vector.extract_strided_slice %get3A_116 {offsets = [8], sizes = [1], strides = [1]} : vector<16xf32> to vector<1xf32>
      %squeeze3A_422 = vector.extract %slice3A_421[0] : f32 from vector<1xf32>
      %slice3A_423 = vector.extract_strided_slice %add3A_95 {offsets = [8], sizes = [1], strides = [1]} : vector<16xf32> to vector<1xf32>
      %squeeze3A_424 = vector.extract %slice3A_423[0] : f32 from vector<1xf32>
      %broadcast_in_dim3A_425 = arith.constant 0x7F800000 : f32
      %broadcast_in_dim3A_426 = vector.broadcast %broadcast_in_dim3A_425 : f32 to vector<16xf32>
      %broadcast_in_dim3A_427 = arith.constant 0 : i32
      %broadcast_in_dim3A_428 = vector.broadcast %broadcast_in_dim3A_427 : i32 to vector<16xi32>
      %scan3A_429 = arith.constant 0 : i32
      %scan3A_430 = arith.constant 512 : i32
      %scan3A_431 = arith.addi %scan3A_429, %scan3A_430 : i32
      %scan3A_432 = arith.constant 4 : i32
      %scan3A_433:2 = scf.for %scan3A_722 = %scan3A_429 to %scan3A_431 step %scan3A_432 iter_args(%scan3A_723 = %broadcast_in_dim3A_426, %scan3A_724 = %broadcast_in_dim3A_428) -> (vector<16xf32>, vector<16xi32>)  : i32 {
        %mul3A_725 = arith.constant 16 : i32
        %mul3A_726 = arith.muli %scan3A_722, %mul3A_725 : i32
        %get3A_727 = arith.constant 0 : i32
        %get3A_728 = arith.index_cast %get3A_727 : i32 to index
        %get3A_729 = arith.index_cast %mul3A_726 : i32 to index
        %get3A_730 = tpu.vector_load %arg10[%get3A_728, %get3A_729] {strides = array<i32>} : memref<3x8192xf32, #tpu.memory_space<vmem>>, vector<1x16xf32>,
        %get3A_731 = vector.shape_cast %get3A_730 : vector<1x16xf32> to vector<16xf32>
        %mul3A_732 = arith.constant 16 : i32
        %mul3A_733 = arith.muli %scan3A_722, %mul3A_732 : i32
        %get3A_734 = arith.constant 1 : i32
        %get3A_735 = arith.index_cast %get3A_734 : i32 to index
        %get3A_736 = arith.index_cast %mul3A_733 : i32 to index
        %get3A_737 = tpu.vector_load %arg10[%get3A_735, %get3A_736] {strides = array<i32>} : memref<3x8192xf32, #tpu.memory_space<vmem>>, vector<1x16xf32>,
        %get3A_738 = vector.shape_cast %get3A_737 : vector<1x16xf32> to vector<16xf32>
        %mul3A_739 = arith.constant 16 : i32
        %mul3A_740 = arith.muli %scan3A_722, %mul3A_739 : i32
        %get3A_741 = arith.constant 2 : i32
        %get3A_742 = arith.index_cast %get3A_741 : i32 to index
        %get3A_743 = arith.index_cast %mul3A_740 : i32 to index
        %get3A_744 = tpu.vector_load %arg10[%get3A_742, %get3A_743] {strides = array<i32>} : memref<3x8192xf32, #tpu.memory_space<vmem>>, vector<1x16xf32>,
        %get3A_745 = vector.shape_cast %get3A_744 : vector<1x16xf32> to vector<16xf32>
        %mul3A_746 = arith.constant 16 : i32
        %mul3A_747 = arith.muli %scan3A_722, %mul3A_746 : i32
        %get3A_748 = arith.constant 0 : i32
        %get3A_749 = arith.index_cast %get3A_748 : i32 to index
        %get3A_750 = arith.index_cast %mul3A_747 : i32 to index
        %get3A_751 = tpu.vector_load %arg11[%get3A_749, %get3A_750] {strides = array<i32>} : memref<1x8192xf32, #tpu.memory_space<vmem>>, vector<1x16xf32>,
        %get3A_752 = vector.shape_cast %get3A_751 : vector<1x16xf32> to vector<16xf32>
        %mul3A_753 = vector.broadcast %squeeze3A_418 : f32 to vector<16xf32>
        %mul3A_754 = arith.mulf %mul3A_753, %get3A_731 : vector<16xf32>
        %mul3A_755 = vector.broadcast %squeeze3A_420 : f32 to vector<16xf32>
        %mul3A_756 = arith.mulf %mul3A_755, %get3A_738 : vector<16xf32>
        %add3A_757 = arith.addf %mul3A_754, %mul3A_756 : vector<16xf32>
        %mul3A_758 = vector.broadcast %squeeze3A_422 : f32 to vector<16xf32>
        %mul3A_759 = arith.mulf %mul3A_758, %get3A_745 : vector<16xf32>
        %add3A_760 = arith.addf %add3A_757, %mul3A_759 : vector<16xf32>
        %add3A_761 = arith.addf %add3A_760, %add3A_760 : vector<16xf32>
        %sub3A_762 = vector.broadcast %squeeze3A_424 : f32 to vector<16xf32>
        %sub3A_763 = arith.subf %sub3A_762, %add3A_761 : vector<16xf32>
        %add3A_764 = arith.addf %sub3A_763, %get3A_752 : vector<16xf32>
        %lt3A_765 = arith.cmpf olt, %add3A_764, %scan3A_723 : vector<16xf32>
        %select_n3A_766 = arith.select %lt3A_765, %add3A_764, %scan3A_723 : vector<16xi1>, vector<16xf32>
        %broadcast_in_dim3A_767 = vector.broadcast %scan3A_722 : i32 to vector<16xi32>
        %select_n3A_768 = arith.select %lt3A_765, %broadcast_in_dim3A_767, %scan3A_724 : vector<16xi1>, vector<16xi32>
        %scan3A_769 = arith.constant 1 : i32
        %scan3A_770 = arith.addi %scan3A_722, %scan3A_769 : i32
        %mul3A_771 = arith.constant 16 : i32
        %mul3A_772 = arith.muli %scan3A_770, %mul3A_771 : i32
        %get3A_773 = arith.constant 0 : i32
        %get3A_774 = arith.index_cast %get3A_773 : i32 to index
        %get3A_775 = arith.index_cast %mul3A_772 : i32 to index
        %get3A_776 = tpu.vector_load %arg10[%get3A_774, %get3A_775] {strides = array<i32>} : memref<3x8192xf32, #tpu.memory_space<vmem>>, vector<1x16xf32>,
        %get3A_777 = vector.shape_cast %get3A_776 : vector<1x16xf32> to vector<16xf32>
        %mul3A_778 = arith.constant 16 : i32
        %mul3A_779 = arith.muli %scan3A_770, %mul3A_778 : i32
        %get3A_780 = arith.constant 1 : i32
        %get3A_781 = arith.index_cast %get3A_780 : i32 to index
        %get3A_782 = arith.index_cast %mul3A_779 : i32 to index
        %get3A_783 = tpu.vector_load %arg10[%get3A_781, %get3A_782] {strides = array<i32>} : memref<3x8192xf32, #tpu.memory_space<vmem>>, vector<1x16xf32>,
        %get3A_784 = vector.shape_cast %get3A_783 : vector<1x16xf32> to vector<16xf32>
        %mul3A_785 = arith.constant 16 : i32
        %mul3A_786 = arith.muli %scan3A_770, %mul3A_785 : i32
        %get3A_787 = arith.constant 2 : i32
        %get3A_788 = arith.index_cast %get3A_787 : i32 to index
        %get3A_789 = arith.index_cast %mul3A_786 : i32 to index
        %get3A_790 = tpu.vector_load %arg10[%get3A_788, %get3A_789] {strides = array<i32>} : memref<3x8192xf32, #tpu.memory_space<vmem>>, vector<1x16xf32>,
        %get3A_791 = vector.shape_cast %get3A_790 : vector<1x16xf32> to vector<16xf32>
        %mul3A_792 = arith.constant 16 : i32
        %mul3A_793 = arith.muli %scan3A_770, %mul3A_792 : i32
        %get3A_794 = arith.constant 0 : i32
        %get3A_795 = arith.index_cast %get3A_794 : i32 to index
        %get3A_796 = arith.index_cast %mul3A_793 : i32 to index
        %get3A_797 = tpu.vector_load %arg11[%get3A_795, %get3A_796] {strides = array<i32>} : memref<1x8192xf32, #tpu.memory_space<vmem>>, vector<1x16xf32>,
        %get3A_798 = vector.shape_cast %get3A_797 : vector<1x16xf32> to vector<16xf32>
        %mul3A_799 = vector.broadcast %squeeze3A_418 : f32 to vector<16xf32>
        %mul3A_800 = arith.mulf %mul3A_799, %get3A_777 : vector<16xf32>
        %mul3A_801 = vector.broadcast %squeeze3A_420 : f32 to vector<16xf32>
        %mul3A_802 = arith.mulf %mul3A_801, %get3A_784 : vector<16xf32>
        %add3A_803 = arith.addf %mul3A_800, %mul3A_802 : vector<16xf32>
        %mul3A_804 = vector.broadcast %squeeze3A_422 : f32 to vector<16xf32>
        %mul3A_805 = arith.mulf %mul3A_804, %get3A_791 : vector<16xf32>
        %add3A_806 = arith.addf %add3A_803, %mul3A_805 : vector<16xf32>
        %add3A_807 = arith.addf %add3A_806, %add3A_806 : vector<16xf32>
        %sub3A_808 = vector.broadcast %squeeze3A_424 : f32 to vector<16xf32>
        %sub3A_809 = arith.subf %sub3A_808, %add3A_807 : vector<16xf32>
        %add3A_810 = arith.addf %sub3A_809, %get3A_798 : vector<16xf32>
        %lt3A_811 = arith.cmpf olt, %add3A_810, %select_n3A_766 : vector<16xf32>
        %select_n3A_812 = arith.select %lt3A_811, %add3A_810, %select_n3A_766 : vector<16xi1>, vector<16xf32>
        %broadcast_in_dim3A_813 = vector.broadcast %scan3A_770 : i32 to vector<16xi32>
        %select_n3A_814 = arith.select %lt3A_811, %broadcast_in_dim3A_813, %select_n3A_768 : vector<16xi1>, vector<16xi32>
        %scan3A_815 = arith.constant 2 : i32
        %scan3A_816 = arith.addi %scan3A_722, %scan3A_815 : i32
        %mul3A_817 = arith.constant 16 : i32
        %mul3A_818 = arith.muli %scan3A_816, %mul3A_817 : i32
        %get3A_819 = arith.constant 0 : i32
        %get3A_820 = arith.index_cast %get3A_819 : i32 to index
        %get3A_821 = arith.index_cast %mul3A_818 : i32 to index
        %get3A_822 = tpu.vector_load %arg10[%get3A_820, %get3A_821] {strides = array<i32>} : memref<3x8192xf32, #tpu.memory_space<vmem>>, vector<1x16xf32>,
        %get3A_823 = vector.shape_cast %get3A_822 : vector<1x16xf32> to vector<16xf32>
        %mul3A_824 = arith.constant 16 : i32
        %mul3A_825 = arith.muli %scan3A_816, %mul3A_824 : i32
        %get3A_826 = arith.constant 1 : i32
        %get3A_827 = arith.index_cast %get3A_826 : i32 to index
        %get3A_828 = arith.index_cast %mul3A_825 : i32 to index
        %get3A_829 = tpu.vector_load %arg10[%get3A_827, %get3A_828] {strides = array<i32>} : memref<3x8192xf32, #tpu.memory_space<vmem>>, vector<1x16xf32>,
        %get3A_830 = vector.shape_cast %get3A_829 : vector<1x16xf32> to vector<16xf32>
        %mul3A_831 = arith.constant 16 : i32
        %mul3A_832 = arith.muli %scan3A_816, %mul3A_831 : i32
        %get3A_833 = arith.constant 2 : i32
        %get3A_834 = arith.index_cast %get3A_833 : i32 to index
        %get3A_835 = arith.index_cast %mul3A_832 : i32 to index
        %get3A_836 = tpu.vector_load %arg10[%get3A_834, %get3A_835] {strides = array<i32>} : memref<3x8192xf32, #tpu.memory_space<vmem>>, vector<1x16xf32>,
        %get3A_837 = vector.shape_cast %get3A_836 : vector<1x16xf32> to vector<16xf32>
        %mul3A_838 = arith.constant 16 : i32
        %mul3A_839 = arith.muli %scan3A_816, %mul3A_838 : i32
        %get3A_840 = arith.constant 0 : i32
        %get3A_841 = arith.index_cast %get3A_840 : i32 to index
        %get3A_842 = arith.index_cast %mul3A_839 : i32 to index
        %get3A_843 = tpu.vector_load %arg11[%get3A_841, %get3A_842] {strides = array<i32>} : memref<1x8192xf32, #tpu.memory_space<vmem>>, vector<1x16xf32>,
        %get3A_844 = vector.shape_cast %get3A_843 : vector<1x16xf32> to vector<16xf32>
        %mul3A_845 = vector.broadcast %squeeze3A_418 : f32 to vector<16xf32>
        %mul3A_846 = arith.mulf %mul3A_845, %get3A_823 : vector<16xf32>
        %mul3A_847 = vector.broadcast %squeeze3A_420 : f32 to vector<16xf32>
        %mul3A_848 = arith.mulf %mul3A_847, %get3A_830 : vector<16xf32>
        %add3A_849 = arith.addf %mul3A_846, %mul3A_848 : vector<16xf32>
        %mul3A_850 = vector.broadcast %squeeze3A_422 : f32 to vector<16xf32>
        %mul3A_851 = arith.mulf %mul3A_850, %get3A_837 : vector<16xf32>
        %add3A_852 = arith.addf %add3A_849, %mul3A_851 : vector<16xf32>
        %add3A_853 = arith.addf %add3A_852, %add3A_852 : vector<16xf32>
        %sub3A_854 = vector.broadcast %squeeze3A_424 : f32 to vector<16xf32>
        %sub3A_855 = arith.subf %sub3A_854, %add3A_853 : vector<16xf32>
        %add3A_856 = arith.addf %sub3A_855, %get3A_844 : vector<16xf32>
        %lt3A_857 = arith.cmpf olt, %add3A_856, %select_n3A_812 : vector<16xf32>
        %select_n3A_858 = arith.select %lt3A_857, %add3A_856, %select_n3A_812 : vector<16xi1>, vector<16xf32>
        %broadcast_in_dim3A_859 = vector.broadcast %scan3A_816 : i32 to vector<16xi32>
        %select_n3A_860 = arith.select %lt3A_857, %broadcast_in_dim3A_859, %select_n3A_814 : vector<16xi1>, vector<16xi32>
        %scan3A_861 = arith.constant 3 : i32
        %scan3A_862 = arith.addi %scan3A_722, %scan3A_861 : i32
        %mul3A_863 = arith.constant 16 : i32
        %mul3A_864 = arith.muli %scan3A_862, %mul3A_863 : i32
        %get3A_865 = arith.constant 0 : i32
        %get3A_866 = arith.index_cast %get3A_865 : i32 to index
        %get3A_867 = arith.index_cast %mul3A_864 : i32 to index
        %get3A_868 = tpu.vector_load %arg10[%get3A_866, %get3A_867] {strides = array<i32>} : memref<3x8192xf32, #tpu.memory_space<vmem>>, vector<1x16xf32>,
        %get3A_869 = vector.shape_cast %get3A_868 : vector<1x16xf32> to vector<16xf32>
        %mul3A_870 = arith.constant 16 : i32
        %mul3A_871 = arith.muli %scan3A_862, %mul3A_870 : i32
        %get3A_872 = arith.constant 1 : i32
        %get3A_873 = arith.index_cast %get3A_872 : i32 to index
        %get3A_874 = arith.index_cast %mul3A_871 : i32 to index
        %get3A_875 = tpu.vector_load %arg10[%get3A_873, %get3A_874] {strides = array<i32>} : memref<3x8192xf32, #tpu.memory_space<vmem>>, vector<1x16xf32>,
        %get3A_876 = vector.shape_cast %get3A_875 : vector<1x16xf32> to vector<16xf32>
        %mul3A_877 = arith.constant 16 : i32
        %mul3A_878 = arith.muli %scan3A_862, %mul3A_877 : i32
        %get3A_879 = arith.constant 2 : i32
        %get3A_880 = arith.index_cast %get3A_879 : i32 to index
        %get3A_881 = arith.index_cast %mul3A_878 : i32 to index
        %get3A_882 = tpu.vector_load %arg10[%get3A_880, %get3A_881] {strides = array<i32>} : memref<3x8192xf32, #tpu.memory_space<vmem>>, vector<1x16xf32>,
        %get3A_883 = vector.shape_cast %get3A_882 : vector<1x16xf32> to vector<16xf32>
        %mul3A_884 = arith.constant 16 : i32
        %mul3A_885 = arith.muli %scan3A_862, %mul3A_884 : i32
        %get3A_886 = arith.constant 0 : i32
        %get3A_887 = arith.index_cast %get3A_886 : i32 to index
        %get3A_888 = arith.index_cast %mul3A_885 : i32 to index
        %get3A_889 = tpu.vector_load %arg11[%get3A_887, %get3A_888] {strides = array<i32>} : memref<1x8192xf32, #tpu.memory_space<vmem>>, vector<1x16xf32>,
        %get3A_890 = vector.shape_cast %get3A_889 : vector<1x16xf32> to vector<16xf32>
        %mul3A_891 = vector.broadcast %squeeze3A_418 : f32 to vector<16xf32>
        %mul3A_892 = arith.mulf %mul3A_891, %get3A_869 : vector<16xf32>
        %mul3A_893 = vector.broadcast %squeeze3A_420 : f32 to vector<16xf32>
        %mul3A_894 = arith.mulf %mul3A_893, %get3A_876 : vector<16xf32>
        %add3A_895 = arith.addf %mul3A_892, %mul3A_894 : vector<16xf32>
        %mul3A_896 = vector.broadcast %squeeze3A_422 : f32 to vector<16xf32>
        %mul3A_897 = arith.mulf %mul3A_896, %get3A_883 : vector<16xf32>
        %add3A_898 = arith.addf %add3A_895, %mul3A_897 : vector<16xf32>
        %add3A_899 = arith.addf %add3A_898, %add3A_898 : vector<16xf32>
        %sub3A_900 = vector.broadcast %squeeze3A_424 : f32 to vector<16xf32>
        %sub3A_901 = arith.subf %sub3A_900, %add3A_899 : vector<16xf32>
        %add3A_902 = arith.addf %sub3A_901, %get3A_890 : vector<16xf32>
        %lt3A_903 = arith.cmpf olt, %add3A_902, %select_n3A_858 : vector<16xf32>
        %select_n3A_904 = arith.select %lt3A_903, %add3A_902, %select_n3A_858 : vector<16xi1>, vector<16xf32>
        %broadcast_in_dim3A_905 = vector.broadcast %scan3A_862 : i32 to vector<16xi32>
        %select_n3A_906 = arith.select %lt3A_903, %broadcast_in_dim3A_905, %select_n3A_860 : vector<16xi1>, vector<16xi32>
        scf.yield %select_n3A_904, %select_n3A_906 : vector<16xf32>, vector<16xi32>
      }
      %scan3A_434 = arith.constant 512 : i32
      %mul3A_435 = arith.constant 16 : i32
      %mul3A_436 = arith.muli %scan3A_69, %mul3A_435 : i32
      %add3A_437 = arith.constant 8 : i32
      %add3A_438 = arith.addi %mul3A_436, %add3A_437 : i32
      %mul3A_439 = arith.constant 16 : i32
      %mul3A_440 = arith.muli %add3A_438, %mul3A_439 : i32
      %swap3A_441 = arith.index_cast %mul3A_440 : i32 to index
      %swap3A_442 = tpu.vector_load %arg12[%swap3A_441] {strides = array<i32>} : memref<1024xf32, #tpu.memory_space<vmem>>, vector<16xf32>,
      %swap3A_443 = vector.shape_cast %swap3A_442 : vector<16xf32> to vector<16xf32>
      %swap3A_444 = vector.shape_cast %scan3A_433#0 : vector<16xf32> to vector<16xf32>
      tpu.vector_store %arg12[%swap3A_441], %swap3A_444 {strides = array<i32>} : memref<1024xf32, #tpu.memory_space<vmem>>, vector<16xf32>,
      %mul3A_445 = arith.constant 16 : i32
      %mul3A_446 = arith.muli %scan3A_69, %mul3A_445 : i32
      %add3A_447 = arith.constant 8 : i32
      %add3A_448 = arith.addi %mul3A_446, %add3A_447 : i32
      %mul3A_449 = arith.constant 16 : i32
      %mul3A_450 = arith.muli %add3A_448, %mul3A_449 : i32
      %swap3A_451 = arith.index_cast %mul3A_450 : i32 to index
      %swap3A_452 = tpu.vector_load %arg13[%swap3A_451] {strides = array<i32>} : memref<1024xi32, #tpu.memory_space<vmem>>, vector<16xi32>,
      %swap3A_453 = vector.shape_cast %swap3A_452 : vector<16xi32> to vector<16xi32>
      %swap3A_454 = vector.shape_cast %scan3A_433#1 : vector<16xi32> to vector<16xi32>
      tpu.vector_store %arg13[%swap3A_451], %swap3A_454 {strides = array<i32>} : memref<1024xi32, #tpu.memory_space<vmem>>, vector<16xi32>,
      %slice3A_455 = vector.extract_strided_slice %get3A_102 {offsets = [9], sizes = [1], strides = [1]} : vector<16xf32> to vector<1xf32>
      %squeeze3A_456 = vector.extract %slice3A_455[0] : f32 from vector<1xf32>
      %slice3A_457 = vector.extract_strided_slice %get3A_109 {offsets = [9], sizes = [1], strides = [1]} : vector<16xf32> to vector<1xf32>
      %squeeze3A_458 = vector.extract %slice3A_457[0] : f32 from vector<1xf32>
      %slice3A_459 = vector.extract_strided_slice %get3A_116 {offsets = [9], sizes = [1], strides = [1]} : vector<16xf32> to vector<1xf32>
      %squeeze3A_460 = vector.extract %slice3A_459[0] : f32 from vector<1xf32>
      %slice3A_461 = vector.extract_strided_slice %add3A_95 {offsets = [9], sizes = [1], strides = [1]} : vector<16xf32> to vector<1xf32>
      %squeeze3A_462 = vector.extract %slice3A_461[0] : f32 from vector<1xf32>
      %broadcast_in_dim3A_463 = arith.constant 0x7F800000 : f32
      %broadcast_in_dim3A_464 = vector.broadcast %broadcast_in_dim3A_463 : f32 to vector<16xf32>
      %broadcast_in_dim3A_465 = arith.constant 0 : i32
      %broadcast_in_dim3A_466 = vector.broadcast %broadcast_in_dim3A_465 : i32 to vector<16xi32>
      %scan3A_467 = arith.constant 0 : i32
      %scan3A_468 = arith.constant 512 : i32
      %scan3A_469 = arith.addi %scan3A_467, %scan3A_468 : i32
      %scan3A_470 = arith.constant 4 : i32
      %scan3A_471:2 = scf.for %scan3A_722 = %scan3A_467 to %scan3A_469 step %scan3A_470 iter_args(%scan3A_723 = %broadcast_in_dim3A_464, %scan3A_724 = %broadcast_in_dim3A_466) -> (vector<16xf32>, vector<16xi32>)  : i32 {
        %mul3A_725 = arith.constant 16 : i32
        %mul3A_726 = arith.muli %scan3A_722, %mul3A_725 : i32
        %get3A_727 = arith.constant 0 : i32
        %get3A_728 = arith.index_cast %get3A_727 : i32 to index
        %get3A_729 = arith.index_cast %mul3A_726 : i32 to index
        %get3A_730 = tpu.vector_load %arg10[%get3A_728, %get3A_729] {strides = array<i32>} : memref<3x8192xf32, #tpu.memory_space<vmem>>, vector<1x16xf32>,
        %get3A_731 = vector.shape_cast %get3A_730 : vector<1x16xf32> to vector<16xf32>
        %mul3A_732 = arith.constant 16 : i32
        %mul3A_733 = arith.muli %scan3A_722, %mul3A_732 : i32
        %get3A_734 = arith.constant 1 : i32
        %get3A_735 = arith.index_cast %get3A_734 : i32 to index
        %get3A_736 = arith.index_cast %mul3A_733 : i32 to index
        %get3A_737 = tpu.vector_load %arg10[%get3A_735, %get3A_736] {strides = array<i32>} : memref<3x8192xf32, #tpu.memory_space<vmem>>, vector<1x16xf32>,
        %get3A_738 = vector.shape_cast %get3A_737 : vector<1x16xf32> to vector<16xf32>
        %mul3A_739 = arith.constant 16 : i32
        %mul3A_740 = arith.muli %scan3A_722, %mul3A_739 : i32
        %get3A_741 = arith.constant 2 : i32
        %get3A_742 = arith.index_cast %get3A_741 : i32 to index
        %get3A_743 = arith.index_cast %mul3A_740 : i32 to index
        %get3A_744 = tpu.vector_load %arg10[%get3A_742, %get3A_743] {strides = array<i32>} : memref<3x8192xf32, #tpu.memory_space<vmem>>, vector<1x16xf32>,
        %get3A_745 = vector.shape_cast %get3A_744 : vector<1x16xf32> to vector<16xf32>
        %mul3A_746 = arith.constant 16 : i32
        %mul3A_747 = arith.muli %scan3A_722, %mul3A_746 : i32
        %get3A_748 = arith.constant 0 : i32
        %get3A_749 = arith.index_cast %get3A_748 : i32 to index
        %get3A_750 = arith.index_cast %mul3A_747 : i32 to index
        %get3A_751 = tpu.vector_load %arg11[%get3A_749, %get3A_750] {strides = array<i32>} : memref<1x8192xf32, #tpu.memory_space<vmem>>, vector<1x16xf32>,
        %get3A_752 = vector.shape_cast %get3A_751 : vector<1x16xf32> to vector<16xf32>
        %mul3A_753 = vector.broadcast %squeeze3A_456 : f32 to vector<16xf32>
        %mul3A_754 = arith.mulf %mul3A_753, %get3A_731 : vector<16xf32>
        %mul3A_755 = vector.broadcast %squeeze3A_458 : f32 to vector<16xf32>
        %mul3A_756 = arith.mulf %mul3A_755, %get3A_738 : vector<16xf32>
        %add3A_757 = arith.addf %mul3A_754, %mul3A_756 : vector<16xf32>
        %mul3A_758 = vector.broadcast %squeeze3A_460 : f32 to vector<16xf32>
        %mul3A_759 = arith.mulf %mul3A_758, %get3A_745 : vector<16xf32>
        %add3A_760 = arith.addf %add3A_757, %mul3A_759 : vector<16xf32>
        %add3A_761 = arith.addf %add3A_760, %add3A_760 : vector<16xf32>
        %sub3A_762 = vector.broadcast %squeeze3A_462 : f32 to vector<16xf32>
        %sub3A_763 = arith.subf %sub3A_762, %add3A_761 : vector<16xf32>
        %add3A_764 = arith.addf %sub3A_763, %get3A_752 : vector<16xf32>
        %lt3A_765 = arith.cmpf olt, %add3A_764, %scan3A_723 : vector<16xf32>
        %select_n3A_766 = arith.select %lt3A_765, %add3A_764, %scan3A_723 : vector<16xi1>, vector<16xf32>
        %broadcast_in_dim3A_767 = vector.broadcast %scan3A_722 : i32 to vector<16xi32>
        %select_n3A_768 = arith.select %lt3A_765, %broadcast_in_dim3A_767, %scan3A_724 : vector<16xi1>, vector<16xi32>
        %scan3A_769 = arith.constant 1 : i32
        %scan3A_770 = arith.addi %scan3A_722, %scan3A_769 : i32
        %mul3A_771 = arith.constant 16 : i32
        %mul3A_772 = arith.muli %scan3A_770, %mul3A_771 : i32
        %get3A_773 = arith.constant 0 : i32
        %get3A_774 = arith.index_cast %get3A_773 : i32 to index
        %get3A_775 = arith.index_cast %mul3A_772 : i32 to index
        %get3A_776 = tpu.vector_load %arg10[%get3A_774, %get3A_775] {strides = array<i32>} : memref<3x8192xf32, #tpu.memory_space<vmem>>, vector<1x16xf32>,
        %get3A_777 = vector.shape_cast %get3A_776 : vector<1x16xf32> to vector<16xf32>
        %mul3A_778 = arith.constant 16 : i32
        %mul3A_779 = arith.muli %scan3A_770, %mul3A_778 : i32
        %get3A_780 = arith.constant 1 : i32
        %get3A_781 = arith.index_cast %get3A_780 : i32 to index
        %get3A_782 = arith.index_cast %mul3A_779 : i32 to index
        %get3A_783 = tpu.vector_load %arg10[%get3A_781, %get3A_782] {strides = array<i32>} : memref<3x8192xf32, #tpu.memory_space<vmem>>, vector<1x16xf32>,
        %get3A_784 = vector.shape_cast %get3A_783 : vector<1x16xf32> to vector<16xf32>
        %mul3A_785 = arith.constant 16 : i32
        %mul3A_786 = arith.muli %scan3A_770, %mul3A_785 : i32
        %get3A_787 = arith.constant 2 : i32
        %get3A_788 = arith.index_cast %get3A_787 : i32 to index
        %get3A_789 = arith.index_cast %mul3A_786 : i32 to index
        %get3A_790 = tpu.vector_load %arg10[%get3A_788, %get3A_789] {strides = array<i32>} : memref<3x8192xf32, #tpu.memory_space<vmem>>, vector<1x16xf32>,
        %get3A_791 = vector.shape_cast %get3A_790 : vector<1x16xf32> to vector<16xf32>
        %mul3A_792 = arith.constant 16 : i32
        %mul3A_793 = arith.muli %scan3A_770, %mul3A_792 : i32
        %get3A_794 = arith.constant 0 : i32
        %get3A_795 = arith.index_cast %get3A_794 : i32 to index
        %get3A_796 = arith.index_cast %mul3A_793 : i32 to index
        %get3A_797 = tpu.vector_load %arg11[%get3A_795, %get3A_796] {strides = array<i32>} : memref<1x8192xf32, #tpu.memory_space<vmem>>, vector<1x16xf32>,
        %get3A_798 = vector.shape_cast %get3A_797 : vector<1x16xf32> to vector<16xf32>
        %mul3A_799 = vector.broadcast %squeeze3A_456 : f32 to vector<16xf32>
        %mul3A_800 = arith.mulf %mul3A_799, %get3A_777 : vector<16xf32>
        %mul3A_801 = vector.broadcast %squeeze3A_458 : f32 to vector<16xf32>
        %mul3A_802 = arith.mulf %mul3A_801, %get3A_784 : vector<16xf32>
        %add3A_803 = arith.addf %mul3A_800, %mul3A_802 : vector<16xf32>
        %mul3A_804 = vector.broadcast %squeeze3A_460 : f32 to vector<16xf32>
        %mul3A_805 = arith.mulf %mul3A_804, %get3A_791 : vector<16xf32>
        %add3A_806 = arith.addf %add3A_803, %mul3A_805 : vector<16xf32>
        %add3A_807 = arith.addf %add3A_806, %add3A_806 : vector<16xf32>
        %sub3A_808 = vector.broadcast %squeeze3A_462 : f32 to vector<16xf32>
        %sub3A_809 = arith.subf %sub3A_808, %add3A_807 : vector<16xf32>
        %add3A_810 = arith.addf %sub3A_809, %get3A_798 : vector<16xf32>
        %lt3A_811 = arith.cmpf olt, %add3A_810, %select_n3A_766 : vector<16xf32>
        %select_n3A_812 = arith.select %lt3A_811, %add3A_810, %select_n3A_766 : vector<16xi1>, vector<16xf32>
        %broadcast_in_dim3A_813 = vector.broadcast %scan3A_770 : i32 to vector<16xi32>
        %select_n3A_814 = arith.select %lt3A_811, %broadcast_in_dim3A_813, %select_n3A_768 : vector<16xi1>, vector<16xi32>
        %scan3A_815 = arith.constant 2 : i32
        %scan3A_816 = arith.addi %scan3A_722, %scan3A_815 : i32
        %mul3A_817 = arith.constant 16 : i32
        %mul3A_818 = arith.muli %scan3A_816, %mul3A_817 : i32
        %get3A_819 = arith.constant 0 : i32
        %get3A_820 = arith.index_cast %get3A_819 : i32 to index
        %get3A_821 = arith.index_cast %mul3A_818 : i32 to index
        %get3A_822 = tpu.vector_load %arg10[%get3A_820, %get3A_821] {strides = array<i32>} : memref<3x8192xf32, #tpu.memory_space<vmem>>, vector<1x16xf32>,
        %get3A_823 = vector.shape_cast %get3A_822 : vector<1x16xf32> to vector<16xf32>
        %mul3A_824 = arith.constant 16 : i32
        %mul3A_825 = arith.muli %scan3A_816, %mul3A_824 : i32
        %get3A_826 = arith.constant 1 : i32
        %get3A_827 = arith.index_cast %get3A_826 : i32 to index
        %get3A_828 = arith.index_cast %mul3A_825 : i32 to index
        %get3A_829 = tpu.vector_load %arg10[%get3A_827, %get3A_828] {strides = array<i32>} : memref<3x8192xf32, #tpu.memory_space<vmem>>, vector<1x16xf32>,
        %get3A_830 = vector.shape_cast %get3A_829 : vector<1x16xf32> to vector<16xf32>
        %mul3A_831 = arith.constant 16 : i32
        %mul3A_832 = arith.muli %scan3A_816, %mul3A_831 : i32
        %get3A_833 = arith.constant 2 : i32
        %get3A_834 = arith.index_cast %get3A_833 : i32 to index
        %get3A_835 = arith.index_cast %mul3A_832 : i32 to index
        %get3A_836 = tpu.vector_load %arg10[%get3A_834, %get3A_835] {strides = array<i32>} : memref<3x8192xf32, #tpu.memory_space<vmem>>, vector<1x16xf32>,
        %get3A_837 = vector.shape_cast %get3A_836 : vector<1x16xf32> to vector<16xf32>
        %mul3A_838 = arith.constant 16 : i32
        %mul3A_839 = arith.muli %scan3A_816, %mul3A_838 : i32
        %get3A_840 = arith.constant 0 : i32
        %get3A_841 = arith.index_cast %get3A_840 : i32 to index
        %get3A_842 = arith.index_cast %mul3A_839 : i32 to index
        %get3A_843 = tpu.vector_load %arg11[%get3A_841, %get3A_842] {strides = array<i32>} : memref<1x8192xf32, #tpu.memory_space<vmem>>, vector<1x16xf32>,
        %get3A_844 = vector.shape_cast %get3A_843 : vector<1x16xf32> to vector<16xf32>
        %mul3A_845 = vector.broadcast %squeeze3A_456 : f32 to vector<16xf32>
        %mul3A_846 = arith.mulf %mul3A_845, %get3A_823 : vector<16xf32>
        %mul3A_847 = vector.broadcast %squeeze3A_458 : f32 to vector<16xf32>
        %mul3A_848 = arith.mulf %mul3A_847, %get3A_830 : vector<16xf32>
        %add3A_849 = arith.addf %mul3A_846, %mul3A_848 : vector<16xf32>
        %mul3A_850 = vector.broadcast %squeeze3A_460 : f32 to vector<16xf32>
        %mul3A_851 = arith.mulf %mul3A_850, %get3A_837 : vector<16xf32>
        %add3A_852 = arith.addf %add3A_849, %mul3A_851 : vector<16xf32>
        %add3A_853 = arith.addf %add3A_852, %add3A_852 : vector<16xf32>
        %sub3A_854 = vector.broadcast %squeeze3A_462 : f32 to vector<16xf32>
        %sub3A_855 = arith.subf %sub3A_854, %add3A_853 : vector<16xf32>
        %add3A_856 = arith.addf %sub3A_855, %get3A_844 : vector<16xf32>
        %lt3A_857 = arith.cmpf olt, %add3A_856, %select_n3A_812 : vector<16xf32>
        %select_n3A_858 = arith.select %lt3A_857, %add3A_856, %select_n3A_812 : vector<16xi1>, vector<16xf32>
        %broadcast_in_dim3A_859 = vector.broadcast %scan3A_816 : i32 to vector<16xi32>
        %select_n3A_860 = arith.select %lt3A_857, %broadcast_in_dim3A_859, %select_n3A_814 : vector<16xi1>, vector<16xi32>
        %scan3A_861 = arith.constant 3 : i32
        %scan3A_862 = arith.addi %scan3A_722, %scan3A_861 : i32
        %mul3A_863 = arith.constant 16 : i32
        %mul3A_864 = arith.muli %scan3A_862, %mul3A_863 : i32
        %get3A_865 = arith.constant 0 : i32
        %get3A_866 = arith.index_cast %get3A_865 : i32 to index
        %get3A_867 = arith.index_cast %mul3A_864 : i32 to index
        %get3A_868 = tpu.vector_load %arg10[%get3A_866, %get3A_867] {strides = array<i32>} : memref<3x8192xf32, #tpu.memory_space<vmem>>, vector<1x16xf32>,
        %get3A_869 = vector.shape_cast %get3A_868 : vector<1x16xf32> to vector<16xf32>
        %mul3A_870 = arith.constant 16 : i32
        %mul3A_871 = arith.muli %scan3A_862, %mul3A_870 : i32
        %get3A_872 = arith.constant 1 : i32
        %get3A_873 = arith.index_cast %get3A_872 : i32 to index
        %get3A_874 = arith.index_cast %mul3A_871 : i32 to index
        %get3A_875 = tpu.vector_load %arg10[%get3A_873, %get3A_874] {strides = array<i32>} : memref<3x8192xf32, #tpu.memory_space<vmem>>, vector<1x16xf32>,
        %get3A_876 = vector.shape_cast %get3A_875 : vector<1x16xf32> to vector<16xf32>
        %mul3A_877 = arith.constant 16 : i32
        %mul3A_878 = arith.muli %scan3A_862, %mul3A_877 : i32
        %get3A_879 = arith.constant 2 : i32
        %get3A_880 = arith.index_cast %get3A_879 : i32 to index
        %get3A_881 = arith.index_cast %mul3A_878 : i32 to index
        %get3A_882 = tpu.vector_load %arg10[%get3A_880, %get3A_881] {strides = array<i32>} : memref<3x8192xf32, #tpu.memory_space<vmem>>, vector<1x16xf32>,
        %get3A_883 = vector.shape_cast %get3A_882 : vector<1x16xf32> to vector<16xf32>
        %mul3A_884 = arith.constant 16 : i32
        %mul3A_885 = arith.muli %scan3A_862, %mul3A_884 : i32
        %get3A_886 = arith.constant 0 : i32
        %get3A_887 = arith.index_cast %get3A_886 : i32 to index
        %get3A_888 = arith.index_cast %mul3A_885 : i32 to index
        %get3A_889 = tpu.vector_load %arg11[%get3A_887, %get3A_888] {strides = array<i32>} : memref<1x8192xf32, #tpu.memory_space<vmem>>, vector<1x16xf32>,
        %get3A_890 = vector.shape_cast %get3A_889 : vector<1x16xf32> to vector<16xf32>
        %mul3A_891 = vector.broadcast %squeeze3A_456 : f32 to vector<16xf32>
        %mul3A_892 = arith.mulf %mul3A_891, %get3A_869 : vector<16xf32>
        %mul3A_893 = vector.broadcast %squeeze3A_458 : f32 to vector<16xf32>
        %mul3A_894 = arith.mulf %mul3A_893, %get3A_876 : vector<16xf32>
        %add3A_895 = arith.addf %mul3A_892, %mul3A_894 : vector<16xf32>
        %mul3A_896 = vector.broadcast %squeeze3A_460 : f32 to vector<16xf32>
        %mul3A_897 = arith.mulf %mul3A_896, %get3A_883 : vector<16xf32>
        %add3A_898 = arith.addf %add3A_895, %mul3A_897 : vector<16xf32>
        %add3A_899 = arith.addf %add3A_898, %add3A_898 : vector<16xf32>
        %sub3A_900 = vector.broadcast %squeeze3A_462 : f32 to vector<16xf32>
        %sub3A_901 = arith.subf %sub3A_900, %add3A_899 : vector<16xf32>
        %add3A_902 = arith.addf %sub3A_901, %get3A_890 : vector<16xf32>
        %lt3A_903 = arith.cmpf olt, %add3A_902, %select_n3A_858 : vector<16xf32>
        %select_n3A_904 = arith.select %lt3A_903, %add3A_902, %select_n3A_858 : vector<16xi1>, vector<16xf32>
        %broadcast_in_dim3A_905 = vector.broadcast %scan3A_862 : i32 to vector<16xi32>
        %select_n3A_906 = arith.select %lt3A_903, %broadcast_in_dim3A_905, %select_n3A_860 : vector<16xi1>, vector<16xi32>
        scf.yield %select_n3A_904, %select_n3A_906 : vector<16xf32>, vector<16xi32>
      }
      %scan3A_472 = arith.constant 512 : i32
      %mul3A_473 = arith.constant 16 : i32
      %mul3A_474 = arith.muli %scan3A_69, %mul3A_473 : i32
      %add3A_475 = arith.constant 9 : i32
      %add3A_476 = arith.addi %mul3A_474, %add3A_475 : i32
      %mul3A_477 = arith.constant 16 : i32
      %mul3A_478 = arith.muli %add3A_476, %mul3A_477 : i32
      %swap3A_479 = arith.index_cast %mul3A_478 : i32 to index
      %swap3A_480 = tpu.vector_load %arg12[%swap3A_479] {strides = array<i32>} : memref<1024xf32, #tpu.memory_space<vmem>>, vector<16xf32>,
      %swap3A_481 = vector.shape_cast %swap3A_480 : vector<16xf32> to vector<16xf32>
      %swap3A_482 = vector.shape_cast %scan3A_471#0 : vector<16xf32> to vector<16xf32>
      tpu.vector_store %arg12[%swap3A_479], %swap3A_482 {strides = array<i32>} : memref<1024xf32, #tpu.memory_space<vmem>>, vector<16xf32>,
      %mul3A_483 = arith.constant 16 : i32
      %mul3A_484 = arith.muli %scan3A_69, %mul3A_483 : i32
      %add3A_485 = arith.constant 9 : i32
      %add3A_486 = arith.addi %mul3A_484, %add3A_485 : i32
      %mul3A_487 = arith.constant 16 : i32
      %mul3A_488 = arith.muli %add3A_486, %mul3A_487 : i32
      %swap3A_489 = arith.index_cast %mul3A_488 : i32 to index
      %swap3A_490 = tpu.vector_load %arg13[%swap3A_489] {strides = array<i32>} : memref<1024xi32, #tpu.memory_space<vmem>>, vector<16xi32>,
      %swap3A_491 = vector.shape_cast %swap3A_490 : vector<16xi32> to vector<16xi32>
      %swap3A_492 = vector.shape_cast %scan3A_471#1 : vector<16xi32> to vector<16xi32>
      tpu.vector_store %arg13[%swap3A_489], %swap3A_492 {strides = array<i32>} : memref<1024xi32, #tpu.memory_space<vmem>>, vector<16xi32>,
      %slice3A_493 = vector.extract_strided_slice %get3A_102 {offsets = [10], sizes = [1], strides = [1]} : vector<16xf32> to vector<1xf32>
      %squeeze3A_494 = vector.extract %slice3A_493[0] : f32 from vector<1xf32>
      %slice3A_495 = vector.extract_strided_slice %get3A_109 {offsets = [10], sizes = [1], strides = [1]} : vector<16xf32> to vector<1xf32>
      %squeeze3A_496 = vector.extract %slice3A_495[0] : f32 from vector<1xf32>
      %slice3A_497 = vector.extract_strided_slice %get3A_116 {offsets = [10], sizes = [1], strides = [1]} : vector<16xf32> to vector<1xf32>
      %squeeze3A_498 = vector.extract %slice3A_497[0] : f32 from vector<1xf32>
      %slice3A_499 = vector.extract_strided_slice %add3A_95 {offsets = [10], sizes = [1], strides = [1]} : vector<16xf32> to vector<1xf32>
      %squeeze3A_500 = vector.extract %slice3A_499[0] : f32 from vector<1xf32>
      %broadcast_in_dim3A_501 = arith.constant 0x7F800000 : f32
      %broadcast_in_dim3A_502 = vector.broadcast %broadcast_in_dim3A_501 : f32 to vector<16xf32>
      %broadcast_in_dim3A_503 = arith.constant 0 : i32
      %broadcast_in_dim3A_504 = vector.broadcast %broadcast_in_dim3A_503 : i32 to vector<16xi32>
      %scan3A_505 = arith.constant 0 : i32
      %scan3A_506 = arith.constant 512 : i32
      %scan3A_507 = arith.addi %scan3A_505, %scan3A_506 : i32
      %scan3A_508 = arith.constant 4 : i32
      %scan3A_509:2 = scf.for %scan3A_722 = %scan3A_505 to %scan3A_507 step %scan3A_508 iter_args(%scan3A_723 = %broadcast_in_dim3A_502, %scan3A_724 = %broadcast_in_dim3A_504) -> (vector<16xf32>, vector<16xi32>)  : i32 {
        %mul3A_725 = arith.constant 16 : i32
        %mul3A_726 = arith.muli %scan3A_722, %mul3A_725 : i32
        %get3A_727 = arith.constant 0 : i32
        %get3A_728 = arith.index_cast %get3A_727 : i32 to index
        %get3A_729 = arith.index_cast %mul3A_726 : i32 to index
        %get3A_730 = tpu.vector_load %arg10[%get3A_728, %get3A_729] {strides = array<i32>} : memref<3x8192xf32, #tpu.memory_space<vmem>>, vector<1x16xf32>,
        %get3A_731 = vector.shape_cast %get3A_730 : vector<1x16xf32> to vector<16xf32>
        %mul3A_732 = arith.constant 16 : i32
        %mul3A_733 = arith.muli %scan3A_722, %mul3A_732 : i32
        %get3A_734 = arith.constant 1 : i32
        %get3A_735 = arith.index_cast %get3A_734 : i32 to index
        %get3A_736 = arith.index_cast %mul3A_733 : i32 to index
        %get3A_737 = tpu.vector_load %arg10[%get3A_735, %get3A_736] {strides = array<i32>} : memref<3x8192xf32, #tpu.memory_space<vmem>>, vector<1x16xf32>,
        %get3A_738 = vector.shape_cast %get3A_737 : vector<1x16xf32> to vector<16xf32>
        %mul3A_739 = arith.constant 16 : i32
        %mul3A_740 = arith.muli %scan3A_722, %mul3A_739 : i32
        %get3A_741 = arith.constant 2 : i32
        %get3A_742 = arith.index_cast %get3A_741 : i32 to index
        %get3A_743 = arith.index_cast %mul3A_740 : i32 to index
        %get3A_744 = tpu.vector_load %arg10[%get3A_742, %get3A_743] {strides = array<i32>} : memref<3x8192xf32, #tpu.memory_space<vmem>>, vector<1x16xf32>,
        %get3A_745 = vector.shape_cast %get3A_744 : vector<1x16xf32> to vector<16xf32>
        %mul3A_746 = arith.constant 16 : i32
        %mul3A_747 = arith.muli %scan3A_722, %mul3A_746 : i32
        %get3A_748 = arith.constant 0 : i32
        %get3A_749 = arith.index_cast %get3A_748 : i32 to index
        %get3A_750 = arith.index_cast %mul3A_747 : i32 to index
        %get3A_751 = tpu.vector_load %arg11[%get3A_749, %get3A_750] {strides = array<i32>} : memref<1x8192xf32, #tpu.memory_space<vmem>>, vector<1x16xf32>,
        %get3A_752 = vector.shape_cast %get3A_751 : vector<1x16xf32> to vector<16xf32>
        %mul3A_753 = vector.broadcast %squeeze3A_494 : f32 to vector<16xf32>
        %mul3A_754 = arith.mulf %mul3A_753, %get3A_731 : vector<16xf32>
        %mul3A_755 = vector.broadcast %squeeze3A_496 : f32 to vector<16xf32>
        %mul3A_756 = arith.mulf %mul3A_755, %get3A_738 : vector<16xf32>
        %add3A_757 = arith.addf %mul3A_754, %mul3A_756 : vector<16xf32>
        %mul3A_758 = vector.broadcast %squeeze3A_498 : f32 to vector<16xf32>
        %mul3A_759 = arith.mulf %mul3A_758, %get3A_745 : vector<16xf32>
        %add3A_760 = arith.addf %add3A_757, %mul3A_759 : vector<16xf32>
        %add3A_761 = arith.addf %add3A_760, %add3A_760 : vector<16xf32>
        %sub3A_762 = vector.broadcast %squeeze3A_500 : f32 to vector<16xf32>
        %sub3A_763 = arith.subf %sub3A_762, %add3A_761 : vector<16xf32>
        %add3A_764 = arith.addf %sub3A_763, %get3A_752 : vector<16xf32>
        %lt3A_765 = arith.cmpf olt, %add3A_764, %scan3A_723 : vector<16xf32>
        %select_n3A_766 = arith.select %lt3A_765, %add3A_764, %scan3A_723 : vector<16xi1>, vector<16xf32>
        %broadcast_in_dim3A_767 = vector.broadcast %scan3A_722 : i32 to vector<16xi32>
        %select_n3A_768 = arith.select %lt3A_765, %broadcast_in_dim3A_767, %scan3A_724 : vector<16xi1>, vector<16xi32>
        %scan3A_769 = arith.constant 1 : i32
        %scan3A_770 = arith.addi %scan3A_722, %scan3A_769 : i32
        %mul3A_771 = arith.constant 16 : i32
        %mul3A_772 = arith.muli %scan3A_770, %mul3A_771 : i32
        %get3A_773 = arith.constant 0 : i32
        %get3A_774 = arith.index_cast %get3A_773 : i32 to index
        %get3A_775 = arith.index_cast %mul3A_772 : i32 to index
        %get3A_776 = tpu.vector_load %arg10[%get3A_774, %get3A_775] {strides = array<i32>} : memref<3x8192xf32, #tpu.memory_space<vmem>>, vector<1x16xf32>,
        %get3A_777 = vector.shape_cast %get3A_776 : vector<1x16xf32> to vector<16xf32>
        %mul3A_778 = arith.constant 16 : i32
        %mul3A_779 = arith.muli %scan3A_770, %mul3A_778 : i32
        %get3A_780 = arith.constant 1 : i32
        %get3A_781 = arith.index_cast %get3A_780 : i32 to index
        %get3A_782 = arith.index_cast %mul3A_779 : i32 to index
        %get3A_783 = tpu.vector_load %arg10[%get3A_781, %get3A_782] {strides = array<i32>} : memref<3x8192xf32, #tpu.memory_space<vmem>>, vector<1x16xf32>,
        %get3A_784 = vector.shape_cast %get3A_783 : vector<1x16xf32> to vector<16xf32>
        %mul3A_785 = arith.constant 16 : i32
        %mul3A_786 = arith.muli %scan3A_770, %mul3A_785 : i32
        %get3A_787 = arith.constant 2 : i32
        %get3A_788 = arith.index_cast %get3A_787 : i32 to index
        %get3A_789 = arith.index_cast %mul3A_786 : i32 to index
        %get3A_790 = tpu.vector_load %arg10[%get3A_788, %get3A_789] {strides = array<i32>} : memref<3x8192xf32, #tpu.memory_space<vmem>>, vector<1x16xf32>,
        %get3A_791 = vector.shape_cast %get3A_790 : vector<1x16xf32> to vector<16xf32>
        %mul3A_792 = arith.constant 16 : i32
        %mul3A_793 = arith.muli %scan3A_770, %mul3A_792 : i32
        %get3A_794 = arith.constant 0 : i32
        %get3A_795 = arith.index_cast %get3A_794 : i32 to index
        %get3A_796 = arith.index_cast %mul3A_793 : i32 to index
        %get3A_797 = tpu.vector_load %arg11[%get3A_795, %get3A_796] {strides = array<i32>} : memref<1x8192xf32, #tpu.memory_space<vmem>>, vector<1x16xf32>,
        %get3A_798 = vector.shape_cast %get3A_797 : vector<1x16xf32> to vector<16xf32>
        %mul3A_799 = vector.broadcast %squeeze3A_494 : f32 to vector<16xf32>
        %mul3A_800 = arith.mulf %mul3A_799, %get3A_777 : vector<16xf32>
        %mul3A_801 = vector.broadcast %squeeze3A_496 : f32 to vector<16xf32>
        %mul3A_802 = arith.mulf %mul3A_801, %get3A_784 : vector<16xf32>
        %add3A_803 = arith.addf %mul3A_800, %mul3A_802 : vector<16xf32>
        %mul3A_804 = vector.broadcast %squeeze3A_498 : f32 to vector<16xf32>
        %mul3A_805 = arith.mulf %mul3A_804, %get3A_791 : vector<16xf32>
        %add3A_806 = arith.addf %add3A_803, %mul3A_805 : vector<16xf32>
        %add3A_807 = arith.addf %add3A_806, %add3A_806 : vector<16xf32>
        %sub3A_808 = vector.broadcast %squeeze3A_500 : f32 to vector<16xf32>
        %sub3A_809 = arith.subf %sub3A_808, %add3A_807 : vector<16xf32>
        %add3A_810 = arith.addf %sub3A_809, %get3A_798 : vector<16xf32>
        %lt3A_811 = arith.cmpf olt, %add3A_810, %select_n3A_766 : vector<16xf32>
        %select_n3A_812 = arith.select %lt3A_811, %add3A_810, %select_n3A_766 : vector<16xi1>, vector<16xf32>
        %broadcast_in_dim3A_813 = vector.broadcast %scan3A_770 : i32 to vector<16xi32>
        %select_n3A_814 = arith.select %lt3A_811, %broadcast_in_dim3A_813, %select_n3A_768 : vector<16xi1>, vector<16xi32>
        %scan3A_815 = arith.constant 2 : i32
        %scan3A_816 = arith.addi %scan3A_722, %scan3A_815 : i32
        %mul3A_817 = arith.constant 16 : i32
        %mul3A_818 = arith.muli %scan3A_816, %mul3A_817 : i32
        %get3A_819 = arith.constant 0 : i32
        %get3A_820 = arith.index_cast %get3A_819 : i32 to index
        %get3A_821 = arith.index_cast %mul3A_818 : i32 to index
        %get3A_822 = tpu.vector_load %arg10[%get3A_820, %get3A_821] {strides = array<i32>} : memref<3x8192xf32, #tpu.memory_space<vmem>>, vector<1x16xf32>,
        %get3A_823 = vector.shape_cast %get3A_822 : vector<1x16xf32> to vector<16xf32>
        %mul3A_824 = arith.constant 16 : i32
        %mul3A_825 = arith.muli %scan3A_816, %mul3A_824 : i32
        %get3A_826 = arith.constant 1 : i32
        %get3A_827 = arith.index_cast %get3A_826 : i32 to index
        %get3A_828 = arith.index_cast %mul3A_825 : i32 to index
        %get3A_829 = tpu.vector_load %arg10[%get3A_827, %get3A_828] {strides = array<i32>} : memref<3x8192xf32, #tpu.memory_space<vmem>>, vector<1x16xf32>,
        %get3A_830 = vector.shape_cast %get3A_829 : vector<1x16xf32> to vector<16xf32>
        %mul3A_831 = arith.constant 16 : i32
        %mul3A_832 = arith.muli %scan3A_816, %mul3A_831 : i32
        %get3A_833 = arith.constant 2 : i32
        %get3A_834 = arith.index_cast %get3A_833 : i32 to index
        %get3A_835 = arith.index_cast %mul3A_832 : i32 to index
        %get3A_836 = tpu.vector_load %arg10[%get3A_834, %get3A_835] {strides = array<i32>} : memref<3x8192xf32, #tpu.memory_space<vmem>>, vector<1x16xf32>,
        %get3A_837 = vector.shape_cast %get3A_836 : vector<1x16xf32> to vector<16xf32>
        %mul3A_838 = arith.constant 16 : i32
        %mul3A_839 = arith.muli %scan3A_816, %mul3A_838 : i32
        %get3A_840 = arith.constant 0 : i32
        %get3A_841 = arith.index_cast %get3A_840 : i32 to index
        %get3A_842 = arith.index_cast %mul3A_839 : i32 to index
        %get3A_843 = tpu.vector_load %arg11[%get3A_841, %get3A_842] {strides = array<i32>} : memref<1x8192xf32, #tpu.memory_space<vmem>>, vector<1x16xf32>,
        %get3A_844 = vector.shape_cast %get3A_843 : vector<1x16xf32> to vector<16xf32>
        %mul3A_845 = vector.broadcast %squeeze3A_494 : f32 to vector<16xf32>
        %mul3A_846 = arith.mulf %mul3A_845, %get3A_823 : vector<16xf32>
        %mul3A_847 = vector.broadcast %squeeze3A_496 : f32 to vector<16xf32>
        %mul3A_848 = arith.mulf %mul3A_847, %get3A_830 : vector<16xf32>
        %add3A_849 = arith.addf %mul3A_846, %mul3A_848 : vector<16xf32>
        %mul3A_850 = vector.broadcast %squeeze3A_498 : f32 to vector<16xf32>
        %mul3A_851 = arith.mulf %mul3A_850, %get3A_837 : vector<16xf32>
        %add3A_852 = arith.addf %add3A_849, %mul3A_851 : vector<16xf32>
        %add3A_853 = arith.addf %add3A_852, %add3A_852 : vector<16xf32>
        %sub3A_854 = vector.broadcast %squeeze3A_500 : f32 to vector<16xf32>
        %sub3A_855 = arith.subf %sub3A_854, %add3A_853 : vector<16xf32>
        %add3A_856 = arith.addf %sub3A_855, %get3A_844 : vector<16xf32>
        %lt3A_857 = arith.cmpf olt, %add3A_856, %select_n3A_812 : vector<16xf32>
        %select_n3A_858 = arith.select %lt3A_857, %add3A_856, %select_n3A_812 : vector<16xi1>, vector<16xf32>
        %broadcast_in_dim3A_859 = vector.broadcast %scan3A_816 : i32 to vector<16xi32>
        %select_n3A_860 = arith.select %lt3A_857, %broadcast_in_dim3A_859, %select_n3A_814 : vector<16xi1>, vector<16xi32>
        %scan3A_861 = arith.constant 3 : i32
        %scan3A_862 = arith.addi %scan3A_722, %scan3A_861 : i32
        %mul3A_863 = arith.constant 16 : i32
        %mul3A_864 = arith.muli %scan3A_862, %mul3A_863 : i32
        %get3A_865 = arith.constant 0 : i32
        %get3A_866 = arith.index_cast %get3A_865 : i32 to index
        %get3A_867 = arith.index_cast %mul3A_864 : i32 to index
        %get3A_868 = tpu.vector_load %arg10[%get3A_866, %get3A_867] {strides = array<i32>} : memref<3x8192xf32, #tpu.memory_space<vmem>>, vector<1x16xf32>,
        %get3A_869 = vector.shape_cast %get3A_868 : vector<1x16xf32> to vector<16xf32>
        %mul3A_870 = arith.constant 16 : i32
        %mul3A_871 = arith.muli %scan3A_862, %mul3A_870 : i32
        %get3A_872 = arith.constant 1 : i32
        %get3A_873 = arith.index_cast %get3A_872 : i32 to index
        %get3A_874 = arith.index_cast %mul3A_871 : i32 to index
        %get3A_875 = tpu.vector_load %arg10[%get3A_873, %get3A_874] {strides = array<i32>} : memref<3x8192xf32, #tpu.memory_space<vmem>>, vector<1x16xf32>,
        %get3A_876 = vector.shape_cast %get3A_875 : vector<1x16xf32> to vector<16xf32>
        %mul3A_877 = arith.constant 16 : i32
        %mul3A_878 = arith.muli %scan3A_862, %mul3A_877 : i32
        %get3A_879 = arith.constant 2 : i32
        %get3A_880 = arith.index_cast %get3A_879 : i32 to index
        %get3A_881 = arith.index_cast %mul3A_878 : i32 to index
        %get3A_882 = tpu.vector_load %arg10[%get3A_880, %get3A_881] {strides = array<i32>} : memref<3x8192xf32, #tpu.memory_space<vmem>>, vector<1x16xf32>,
        %get3A_883 = vector.shape_cast %get3A_882 : vector<1x16xf32> to vector<16xf32>
        %mul3A_884 = arith.constant 16 : i32
        %mul3A_885 = arith.muli %scan3A_862, %mul3A_884 : i32
        %get3A_886 = arith.constant 0 : i32
        %get3A_887 = arith.index_cast %get3A_886 : i32 to index
        %get3A_888 = arith.index_cast %mul3A_885 : i32 to index
        %get3A_889 = tpu.vector_load %arg11[%get3A_887, %get3A_888] {strides = array<i32>} : memref<1x8192xf32, #tpu.memory_space<vmem>>, vector<1x16xf32>,
        %get3A_890 = vector.shape_cast %get3A_889 : vector<1x16xf32> to vector<16xf32>
        %mul3A_891 = vector.broadcast %squeeze3A_494 : f32 to vector<16xf32>
        %mul3A_892 = arith.mulf %mul3A_891, %get3A_869 : vector<16xf32>
        %mul3A_893 = vector.broadcast %squeeze3A_496 : f32 to vector<16xf32>
        %mul3A_894 = arith.mulf %mul3A_893, %get3A_876 : vector<16xf32>
        %add3A_895 = arith.addf %mul3A_892, %mul3A_894 : vector<16xf32>
        %mul3A_896 = vector.broadcast %squeeze3A_498 : f32 to vector<16xf32>
        %mul3A_897 = arith.mulf %mul3A_896, %get3A_883 : vector<16xf32>
        %add3A_898 = arith.addf %add3A_895, %mul3A_897 : vector<16xf32>
        %add3A_899 = arith.addf %add3A_898, %add3A_898 : vector<16xf32>
        %sub3A_900 = vector.broadcast %squeeze3A_500 : f32 to vector<16xf32>
        %sub3A_901 = arith.subf %sub3A_900, %add3A_899 : vector<16xf32>
        %add3A_902 = arith.addf %sub3A_901, %get3A_890 : vector<16xf32>
        %lt3A_903 = arith.cmpf olt, %add3A_902, %select_n3A_858 : vector<16xf32>
        %select_n3A_904 = arith.select %lt3A_903, %add3A_902, %select_n3A_858 : vector<16xi1>, vector<16xf32>
        %broadcast_in_dim3A_905 = vector.broadcast %scan3A_862 : i32 to vector<16xi32>
        %select_n3A_906 = arith.select %lt3A_903, %broadcast_in_dim3A_905, %select_n3A_860 : vector<16xi1>, vector<16xi32>
        scf.yield %select_n3A_904, %select_n3A_906 : vector<16xf32>, vector<16xi32>
      }
      %scan3A_510 = arith.constant 512 : i32
      %mul3A_511 = arith.constant 16 : i32
      %mul3A_512 = arith.muli %scan3A_69, %mul3A_511 : i32
      %add3A_513 = arith.constant 10 : i32
      %add3A_514 = arith.addi %mul3A_512, %add3A_513 : i32
      %mul3A_515 = arith.constant 16 : i32
      %mul3A_516 = arith.muli %add3A_514, %mul3A_515 : i32
      %swap3A_517 = arith.index_cast %mul3A_516 : i32 to index
      %swap3A_518 = tpu.vector_load %arg12[%swap3A_517] {strides = array<i32>} : memref<1024xf32, #tpu.memory_space<vmem>>, vector<16xf32>,
      %swap3A_519 = vector.shape_cast %swap3A_518 : vector<16xf32> to vector<16xf32>
      %swap3A_520 = vector.shape_cast %scan3A_509#0 : vector<16xf32> to vector<16xf32>
      tpu.vector_store %arg12[%swap3A_517], %swap3A_520 {strides = array<i32>} : memref<1024xf32, #tpu.memory_space<vmem>>, vector<16xf32>,
      %mul3A_521 = arith.constant 16 : i32
      %mul3A_522 = arith.muli %scan3A_69, %mul3A_521 : i32
      %add3A_523 = arith.constant 10 : i32
      %add3A_524 = arith.addi %mul3A_522, %add3A_523 : i32
      %mul3A_525 = arith.constant 16 : i32
      %mul3A_526 = arith.muli %add3A_524, %mul3A_525 : i32
      %swap3A_527 = arith.index_cast %mul3A_526 : i32 to index
      %swap3A_528 = tpu.vector_load %arg13[%swap3A_527] {strides = array<i32>} : memref<1024xi32, #tpu.memory_space<vmem>>, vector<16xi32>,
      %swap3A_529 = vector.shape_cast %swap3A_528 : vector<16xi32> to vector<16xi32>
      %swap3A_530 = vector.shape_cast %scan3A_509#1 : vector<16xi32> to vector<16xi32>
      tpu.vector_store %arg13[%swap3A_527], %swap3A_530 {strides = array<i32>} : memref<1024xi32, #tpu.memory_space<vmem>>, vector<16xi32>,
      %slice3A_531 = vector.extract_strided_slice %get3A_102 {offsets = [11], sizes = [1], strides = [1]} : vector<16xf32> to vector<1xf32>
      %squeeze3A_532 = vector.extract %slice3A_531[0] : f32 from vector<1xf32>
      %slice3A_533 = vector.extract_strided_slice %get3A_109 {offsets = [11], sizes = [1], strides = [1]} : vector<16xf32> to vector<1xf32>
      %squeeze3A_534 = vector.extract %slice3A_533[0] : f32 from vector<1xf32>
      %slice3A_535 = vector.extract_strided_slice %get3A_116 {offsets = [11], sizes = [1], strides = [1]} : vector<16xf32> to vector<1xf32>
      %squeeze3A_536 = vector.extract %slice3A_535[0] : f32 from vector<1xf32>
      %slice3A_537 = vector.extract_strided_slice %add3A_95 {offsets = [11], sizes = [1], strides = [1]} : vector<16xf32> to vector<1xf32>
      %squeeze3A_538 = vector.extract %slice3A_537[0] : f32 from vector<1xf32>
      %broadcast_in_dim3A_539 = arith.constant 0x7F800000 : f32
      %broadcast_in_dim3A_540 = vector.broadcast %broadcast_in_dim3A_539 : f32 to vector<16xf32>
      %broadcast_in_dim3A_541 = arith.constant 0 : i32
      %broadcast_in_dim3A_542 = vector.broadcast %broadcast_in_dim3A_541 : i32 to vector<16xi32>
      %scan3A_543 = arith.constant 0 : i32
      %scan3A_544 = arith.constant 512 : i32
      %scan3A_545 = arith.addi %scan3A_543, %scan3A_544 : i32
      %scan3A_546 = arith.constant 4 : i32
      %scan3A_547:2 = scf.for %scan3A_722 = %scan3A_543 to %scan3A_545 step %scan3A_546 iter_args(%scan3A_723 = %broadcast_in_dim3A_540, %scan3A_724 = %broadcast_in_dim3A_542) -> (vector<16xf32>, vector<16xi32>)  : i32 {
        %mul3A_725 = arith.constant 16 : i32
        %mul3A_726 = arith.muli %scan3A_722, %mul3A_725 : i32
        %get3A_727 = arith.constant 0 : i32
        %get3A_728 = arith.index_cast %get3A_727 : i32 to index
        %get3A_729 = arith.index_cast %mul3A_726 : i32 to index
        %get3A_730 = tpu.vector_load %arg10[%get3A_728, %get3A_729] {strides = array<i32>} : memref<3x8192xf32, #tpu.memory_space<vmem>>, vector<1x16xf32>,
        %get3A_731 = vector.shape_cast %get3A_730 : vector<1x16xf32> to vector<16xf32>
        %mul3A_732 = arith.constant 16 : i32
        %mul3A_733 = arith.muli %scan3A_722, %mul3A_732 : i32
        %get3A_734 = arith.constant 1 : i32
        %get3A_735 = arith.index_cast %get3A_734 : i32 to index
        %get3A_736 = arith.index_cast %mul3A_733 : i32 to index
        %get3A_737 = tpu.vector_load %arg10[%get3A_735, %get3A_736] {strides = array<i32>} : memref<3x8192xf32, #tpu.memory_space<vmem>>, vector<1x16xf32>,
        %get3A_738 = vector.shape_cast %get3A_737 : vector<1x16xf32> to vector<16xf32>
        %mul3A_739 = arith.constant 16 : i32
        %mul3A_740 = arith.muli %scan3A_722, %mul3A_739 : i32
        %get3A_741 = arith.constant 2 : i32
        %get3A_742 = arith.index_cast %get3A_741 : i32 to index
        %get3A_743 = arith.index_cast %mul3A_740 : i32 to index
        %get3A_744 = tpu.vector_load %arg10[%get3A_742, %get3A_743] {strides = array<i32>} : memref<3x8192xf32, #tpu.memory_space<vmem>>, vector<1x16xf32>,
        %get3A_745 = vector.shape_cast %get3A_744 : vector<1x16xf32> to vector<16xf32>
        %mul3A_746 = arith.constant 16 : i32
        %mul3A_747 = arith.muli %scan3A_722, %mul3A_746 : i32
        %get3A_748 = arith.constant 0 : i32
        %get3A_749 = arith.index_cast %get3A_748 : i32 to index
        %get3A_750 = arith.index_cast %mul3A_747 : i32 to index
        %get3A_751 = tpu.vector_load %arg11[%get3A_749, %get3A_750] {strides = array<i32>} : memref<1x8192xf32, #tpu.memory_space<vmem>>, vector<1x16xf32>,
        %get3A_752 = vector.shape_cast %get3A_751 : vector<1x16xf32> to vector<16xf32>
        %mul3A_753 = vector.broadcast %squeeze3A_532 : f32 to vector<16xf32>
        %mul3A_754 = arith.mulf %mul3A_753, %get3A_731 : vector<16xf32>
        %mul3A_755 = vector.broadcast %squeeze3A_534 : f32 to vector<16xf32>
        %mul3A_756 = arith.mulf %mul3A_755, %get3A_738 : vector<16xf32>
        %add3A_757 = arith.addf %mul3A_754, %mul3A_756 : vector<16xf32>
        %mul3A_758 = vector.broadcast %squeeze3A_536 : f32 to vector<16xf32>
        %mul3A_759 = arith.mulf %mul3A_758, %get3A_745 : vector<16xf32>
        %add3A_760 = arith.addf %add3A_757, %mul3A_759 : vector<16xf32>
        %add3A_761 = arith.addf %add3A_760, %add3A_760 : vector<16xf32>
        %sub3A_762 = vector.broadcast %squeeze3A_538 : f32 to vector<16xf32>
        %sub3A_763 = arith.subf %sub3A_762, %add3A_761 : vector<16xf32>
        %add3A_764 = arith.addf %sub3A_763, %get3A_752 : vector<16xf32>
        %lt3A_765 = arith.cmpf olt, %add3A_764, %scan3A_723 : vector<16xf32>
        %select_n3A_766 = arith.select %lt3A_765, %add3A_764, %scan3A_723 : vector<16xi1>, vector<16xf32>
        %broadcast_in_dim3A_767 = vector.broadcast %scan3A_722 : i32 to vector<16xi32>
        %select_n3A_768 = arith.select %lt3A_765, %broadcast_in_dim3A_767, %scan3A_724 : vector<16xi1>, vector<16xi32>
        %scan3A_769 = arith.constant 1 : i32
        %scan3A_770 = arith.addi %scan3A_722, %scan3A_769 : i32
        %mul3A_771 = arith.constant 16 : i32
        %mul3A_772 = arith.muli %scan3A_770, %mul3A_771 : i32
        %get3A_773 = arith.constant 0 : i32
        %get3A_774 = arith.index_cast %get3A_773 : i32 to index
        %get3A_775 = arith.index_cast %mul3A_772 : i32 to index
        %get3A_776 = tpu.vector_load %arg10[%get3A_774, %get3A_775] {strides = array<i32>} : memref<3x8192xf32, #tpu.memory_space<vmem>>, vector<1x16xf32>,
        %get3A_777 = vector.shape_cast %get3A_776 : vector<1x16xf32> to vector<16xf32>
        %mul3A_778 = arith.constant 16 : i32
        %mul3A_779 = arith.muli %scan3A_770, %mul3A_778 : i32
        %get3A_780 = arith.constant 1 : i32
        %get3A_781 = arith.index_cast %get3A_780 : i32 to index
        %get3A_782 = arith.index_cast %mul3A_779 : i32 to index
        %get3A_783 = tpu.vector_load %arg10[%get3A_781, %get3A_782] {strides = array<i32>} : memref<3x8192xf32, #tpu.memory_space<vmem>>, vector<1x16xf32>,
        %get3A_784 = vector.shape_cast %get3A_783 : vector<1x16xf32> to vector<16xf32>
        %mul3A_785 = arith.constant 16 : i32
        %mul3A_786 = arith.muli %scan3A_770, %mul3A_785 : i32
        %get3A_787 = arith.constant 2 : i32
        %get3A_788 = arith.index_cast %get3A_787 : i32 to index
        %get3A_789 = arith.index_cast %mul3A_786 : i32 to index
        %get3A_790 = tpu.vector_load %arg10[%get3A_788, %get3A_789] {strides = array<i32>} : memref<3x8192xf32, #tpu.memory_space<vmem>>, vector<1x16xf32>,
        %get3A_791 = vector.shape_cast %get3A_790 : vector<1x16xf32> to vector<16xf32>
        %mul3A_792 = arith.constant 16 : i32
        %mul3A_793 = arith.muli %scan3A_770, %mul3A_792 : i32
        %get3A_794 = arith.constant 0 : i32
        %get3A_795 = arith.index_cast %get3A_794 : i32 to index
        %get3A_796 = arith.index_cast %mul3A_793 : i32 to index
        %get3A_797 = tpu.vector_load %arg11[%get3A_795, %get3A_796] {strides = array<i32>} : memref<1x8192xf32, #tpu.memory_space<vmem>>, vector<1x16xf32>,
        %get3A_798 = vector.shape_cast %get3A_797 : vector<1x16xf32> to vector<16xf32>
        %mul3A_799 = vector.broadcast %squeeze3A_532 : f32 to vector<16xf32>
        %mul3A_800 = arith.mulf %mul3A_799, %get3A_777 : vector<16xf32>
        %mul3A_801 = vector.broadcast %squeeze3A_534 : f32 to vector<16xf32>
        %mul3A_802 = arith.mulf %mul3A_801, %get3A_784 : vector<16xf32>
        %add3A_803 = arith.addf %mul3A_800, %mul3A_802 : vector<16xf32>
        %mul3A_804 = vector.broadcast %squeeze3A_536 : f32 to vector<16xf32>
        %mul3A_805 = arith.mulf %mul3A_804, %get3A_791 : vector<16xf32>
        %add3A_806 = arith.addf %add3A_803, %mul3A_805 : vector<16xf32>
        %add3A_807 = arith.addf %add3A_806, %add3A_806 : vector<16xf32>
        %sub3A_808 = vector.broadcast %squeeze3A_538 : f32 to vector<16xf32>
        %sub3A_809 = arith.subf %sub3A_808, %add3A_807 : vector<16xf32>
        %add3A_810 = arith.addf %sub3A_809, %get3A_798 : vector<16xf32>
        %lt3A_811 = arith.cmpf olt, %add3A_810, %select_n3A_766 : vector<16xf32>
        %select_n3A_812 = arith.select %lt3A_811, %add3A_810, %select_n3A_766 : vector<16xi1>, vector<16xf32>
        %broadcast_in_dim3A_813 = vector.broadcast %scan3A_770 : i32 to vector<16xi32>
        %select_n3A_814 = arith.select %lt3A_811, %broadcast_in_dim3A_813, %select_n3A_768 : vector<16xi1>, vector<16xi32>
        %scan3A_815 = arith.constant 2 : i32
        %scan3A_816 = arith.addi %scan3A_722, %scan3A_815 : i32
        %mul3A_817 = arith.constant 16 : i32
        %mul3A_818 = arith.muli %scan3A_816, %mul3A_817 : i32
        %get3A_819 = arith.constant 0 : i32
        %get3A_820 = arith.index_cast %get3A_819 : i32 to index
        %get3A_821 = arith.index_cast %mul3A_818 : i32 to index
        %get3A_822 = tpu.vector_load %arg10[%get3A_820, %get3A_821] {strides = array<i32>} : memref<3x8192xf32, #tpu.memory_space<vmem>>, vector<1x16xf32>,
        %get3A_823 = vector.shape_cast %get3A_822 : vector<1x16xf32> to vector<16xf32>
        %mul3A_824 = arith.constant 16 : i32
        %mul3A_825 = arith.muli %scan3A_816, %mul3A_824 : i32
        %get3A_826 = arith.constant 1 : i32
        %get3A_827 = arith.index_cast %get3A_826 : i32 to index
        %get3A_828 = arith.index_cast %mul3A_825 : i32 to index
        %get3A_829 = tpu.vector_load %arg10[%get3A_827, %get3A_828] {strides = array<i32>} : memref<3x8192xf32, #tpu.memory_space<vmem>>, vector<1x16xf32>,
        %get3A_830 = vector.shape_cast %get3A_829 : vector<1x16xf32> to vector<16xf32>
        %mul3A_831 = arith.constant 16 : i32
        %mul3A_832 = arith.muli %scan3A_816, %mul3A_831 : i32
        %get3A_833 = arith.constant 2 : i32
        %get3A_834 = arith.index_cast %get3A_833 : i32 to index
        %get3A_835 = arith.index_cast %mul3A_832 : i32 to index
        %get3A_836 = tpu.vector_load %arg10[%get3A_834, %get3A_835] {strides = array<i32>} : memref<3x8192xf32, #tpu.memory_space<vmem>>, vector<1x16xf32>,
        %get3A_837 = vector.shape_cast %get3A_836 : vector<1x16xf32> to vector<16xf32>
        %mul3A_838 = arith.constant 16 : i32
        %mul3A_839 = arith.muli %scan3A_816, %mul3A_838 : i32
        %get3A_840 = arith.constant 0 : i32
        %get3A_841 = arith.index_cast %get3A_840 : i32 to index
        %get3A_842 = arith.index_cast %mul3A_839 : i32 to index
        %get3A_843 = tpu.vector_load %arg11[%get3A_841, %get3A_842] {strides = array<i32>} : memref<1x8192xf32, #tpu.memory_space<vmem>>, vector<1x16xf32>,
        %get3A_844 = vector.shape_cast %get3A_843 : vector<1x16xf32> to vector<16xf32>
        %mul3A_845 = vector.broadcast %squeeze3A_532 : f32 to vector<16xf32>
        %mul3A_846 = arith.mulf %mul3A_845, %get3A_823 : vector<16xf32>
        %mul3A_847 = vector.broadcast %squeeze3A_534 : f32 to vector<16xf32>
        %mul3A_848 = arith.mulf %mul3A_847, %get3A_830 : vector<16xf32>
        %add3A_849 = arith.addf %mul3A_846, %mul3A_848 : vector<16xf32>
        %mul3A_850 = vector.broadcast %squeeze3A_536 : f32 to vector<16xf32>
        %mul3A_851 = arith.mulf %mul3A_850, %get3A_837 : vector<16xf32>
        %add3A_852 = arith.addf %add3A_849, %mul3A_851 : vector<16xf32>
        %add3A_853 = arith.addf %add3A_852, %add3A_852 : vector<16xf32>
        %sub3A_854 = vector.broadcast %squeeze3A_538 : f32 to vector<16xf32>
        %sub3A_855 = arith.subf %sub3A_854, %add3A_853 : vector<16xf32>
        %add3A_856 = arith.addf %sub3A_855, %get3A_844 : vector<16xf32>
        %lt3A_857 = arith.cmpf olt, %add3A_856, %select_n3A_812 : vector<16xf32>
        %select_n3A_858 = arith.select %lt3A_857, %add3A_856, %select_n3A_812 : vector<16xi1>, vector<16xf32>
        %broadcast_in_dim3A_859 = vector.broadcast %scan3A_816 : i32 to vector<16xi32>
        %select_n3A_860 = arith.select %lt3A_857, %broadcast_in_dim3A_859, %select_n3A_814 : vector<16xi1>, vector<16xi32>
        %scan3A_861 = arith.constant 3 : i32
        %scan3A_862 = arith.addi %scan3A_722, %scan3A_861 : i32
        %mul3A_863 = arith.constant 16 : i32
        %mul3A_864 = arith.muli %scan3A_862, %mul3A_863 : i32
        %get3A_865 = arith.constant 0 : i32
        %get3A_866 = arith.index_cast %get3A_865 : i32 to index
        %get3A_867 = arith.index_cast %mul3A_864 : i32 to index
        %get3A_868 = tpu.vector_load %arg10[%get3A_866, %get3A_867] {strides = array<i32>} : memref<3x8192xf32, #tpu.memory_space<vmem>>, vector<1x16xf32>,
        %get3A_869 = vector.shape_cast %get3A_868 : vector<1x16xf32> to vector<16xf32>
        %mul3A_870 = arith.constant 16 : i32
        %mul3A_871 = arith.muli %scan3A_862, %mul3A_870 : i32
        %get3A_872 = arith.constant 1 : i32
        %get3A_873 = arith.index_cast %get3A_872 : i32 to index
        %get3A_874 = arith.index_cast %mul3A_871 : i32 to index
        %get3A_875 = tpu.vector_load %arg10[%get3A_873, %get3A_874] {strides = array<i32>} : memref<3x8192xf32, #tpu.memory_space<vmem>>, vector<1x16xf32>,
        %get3A_876 = vector.shape_cast %get3A_875 : vector<1x16xf32> to vector<16xf32>
        %mul3A_877 = arith.constant 16 : i32
        %mul3A_878 = arith.muli %scan3A_862, %mul3A_877 : i32
        %get3A_879 = arith.constant 2 : i32
        %get3A_880 = arith.index_cast %get3A_879 : i32 to index
        %get3A_881 = arith.index_cast %mul3A_878 : i32 to index
        %get3A_882 = tpu.vector_load %arg10[%get3A_880, %get3A_881] {strides = array<i32>} : memref<3x8192xf32, #tpu.memory_space<vmem>>, vector<1x16xf32>,
        %get3A_883 = vector.shape_cast %get3A_882 : vector<1x16xf32> to vector<16xf32>
        %mul3A_884 = arith.constant 16 : i32
        %mul3A_885 = arith.muli %scan3A_862, %mul3A_884 : i32
        %get3A_886 = arith.constant 0 : i32
        %get3A_887 = arith.index_cast %get3A_886 : i32 to index
        %get3A_888 = arith.index_cast %mul3A_885 : i32 to index
        %get3A_889 = tpu.vector_load %arg11[%get3A_887, %get3A_888] {strides = array<i32>} : memref<1x8192xf32, #tpu.memory_space<vmem>>, vector<1x16xf32>,
        %get3A_890 = vector.shape_cast %get3A_889 : vector<1x16xf32> to vector<16xf32>
        %mul3A_891 = vector.broadcast %squeeze3A_532 : f32 to vector<16xf32>
        %mul3A_892 = arith.mulf %mul3A_891, %get3A_869 : vector<16xf32>
        %mul3A_893 = vector.broadcast %squeeze3A_534 : f32 to vector<16xf32>
        %mul3A_894 = arith.mulf %mul3A_893, %get3A_876 : vector<16xf32>
        %add3A_895 = arith.addf %mul3A_892, %mul3A_894 : vector<16xf32>
        %mul3A_896 = vector.broadcast %squeeze3A_536 : f32 to vector<16xf32>
        %mul3A_897 = arith.mulf %mul3A_896, %get3A_883 : vector<16xf32>
        %add3A_898 = arith.addf %add3A_895, %mul3A_897 : vector<16xf32>
        %add3A_899 = arith.addf %add3A_898, %add3A_898 : vector<16xf32>
        %sub3A_900 = vector.broadcast %squeeze3A_538 : f32 to vector<16xf32>
        %sub3A_901 = arith.subf %sub3A_900, %add3A_899 : vector<16xf32>
        %add3A_902 = arith.addf %sub3A_901, %get3A_890 : vector<16xf32>
        %lt3A_903 = arith.cmpf olt, %add3A_902, %select_n3A_858 : vector<16xf32>
        %select_n3A_904 = arith.select %lt3A_903, %add3A_902, %select_n3A_858 : vector<16xi1>, vector<16xf32>
        %broadcast_in_dim3A_905 = vector.broadcast %scan3A_862 : i32 to vector<16xi32>
        %select_n3A_906 = arith.select %lt3A_903, %broadcast_in_dim3A_905, %select_n3A_860 : vector<16xi1>, vector<16xi32>
        scf.yield %select_n3A_904, %select_n3A_906 : vector<16xf32>, vector<16xi32>
      }
      %scan3A_548 = arith.constant 512 : i32
      %mul3A_549 = arith.constant 16 : i32
      %mul3A_550 = arith.muli %scan3A_69, %mul3A_549 : i32
      %add3A_551 = arith.constant 11 : i32
      %add3A_552 = arith.addi %mul3A_550, %add3A_551 : i32
      %mul3A_553 = arith.constant 16 : i32
      %mul3A_554 = arith.muli %add3A_552, %mul3A_553 : i32
      %swap3A_555 = arith.index_cast %mul3A_554 : i32 to index
      %swap3A_556 = tpu.vector_load %arg12[%swap3A_555] {strides = array<i32>} : memref<1024xf32, #tpu.memory_space<vmem>>, vector<16xf32>,
      %swap3A_557 = vector.shape_cast %swap3A_556 : vector<16xf32> to vector<16xf32>
      %swap3A_558 = vector.shape_cast %scan3A_547#0 : vector<16xf32> to vector<16xf32>
      tpu.vector_store %arg12[%swap3A_555], %swap3A_558 {strides = array<i32>} : memref<1024xf32, #tpu.memory_space<vmem>>, vector<16xf32>,
      %mul3A_559 = arith.constant 16 : i32
      %mul3A_560 = arith.muli %scan3A_69, %mul3A_559 : i32
      %add3A_561 = arith.constant 11 : i32
      %add3A_562 = arith.addi %mul3A_560, %add3A_561 : i32
      %mul3A_563 = arith.constant 16 : i32
      %mul3A_564 = arith.muli %add3A_562, %mul3A_563 : i32
      %swap3A_565 = arith.index_cast %mul3A_564 : i32 to index
      %swap3A_566 = tpu.vector_load %arg13[%swap3A_565] {strides = array<i32>} : memref<1024xi32, #tpu.memory_space<vmem>>, vector<16xi32>,
      %swap3A_567 = vector.shape_cast %swap3A_566 : vector<16xi32> to vector<16xi32>
      %swap3A_568 = vector.shape_cast %scan3A_547#1 : vector<16xi32> to vector<16xi32>
      tpu.vector_store %arg13[%swap3A_565], %swap3A_568 {strides = array<i32>} : memref<1024xi32, #tpu.memory_space<vmem>>, vector<16xi32>,
      %slice3A_569 = vector.extract_strided_slice %get3A_102 {offsets = [12], sizes = [1], strides = [1]} : vector<16xf32> to vector<1xf32>
      %squeeze3A_570 = vector.extract %slice3A_569[0] : f32 from vector<1xf32>
      %slice3A_571 = vector.extract_strided_slice %get3A_109 {offsets = [12], sizes = [1], strides = [1]} : vector<16xf32> to vector<1xf32>
      %squeeze3A_572 = vector.extract %slice3A_571[0] : f32 from vector<1xf32>
      %slice3A_573 = vector.extract_strided_slice %get3A_116 {offsets = [12], sizes = [1], strides = [1]} : vector<16xf32> to vector<1xf32>
      %squeeze3A_574 = vector.extract %slice3A_573[0] : f32 from vector<1xf32>
      %slice3A_575 = vector.extract_strided_slice %add3A_95 {offsets = [12], sizes = [1], strides = [1]} : vector<16xf32> to vector<1xf32>
      %squeeze3A_576 = vector.extract %slice3A_575[0] : f32 from vector<1xf32>
      %broadcast_in_dim3A_577 = arith.constant 0x7F800000 : f32
      %broadcast_in_dim3A_578 = vector.broadcast %broadcast_in_dim3A_577 : f32 to vector<16xf32>
      %broadcast_in_dim3A_579 = arith.constant 0 : i32
      %broadcast_in_dim3A_580 = vector.broadcast %broadcast_in_dim3A_579 : i32 to vector<16xi32>
      %scan3A_581 = arith.constant 0 : i32
      %scan3A_582 = arith.constant 512 : i32
      %scan3A_583 = arith.addi %scan3A_581, %scan3A_582 : i32
      %scan3A_584 = arith.constant 4 : i32
      %scan3A_585:2 = scf.for %scan3A_722 = %scan3A_581 to %scan3A_583 step %scan3A_584 iter_args(%scan3A_723 = %broadcast_in_dim3A_578, %scan3A_724 = %broadcast_in_dim3A_580) -> (vector<16xf32>, vector<16xi32>)  : i32 {
        %mul3A_725 = arith.constant 16 : i32
        %mul3A_726 = arith.muli %scan3A_722, %mul3A_725 : i32
        %get3A_727 = arith.constant 0 : i32
        %get3A_728 = arith.index_cast %get3A_727 : i32 to index
        %get3A_729 = arith.index_cast %mul3A_726 : i32 to index
        %get3A_730 = tpu.vector_load %arg10[%get3A_728, %get3A_729] {strides = array<i32>} : memref<3x8192xf32, #tpu.memory_space<vmem>>, vector<1x16xf32>,
        %get3A_731 = vector.shape_cast %get3A_730 : vector<1x16xf32> to vector<16xf32>
        %mul3A_732 = arith.constant 16 : i32
        %mul3A_733 = arith.muli %scan3A_722, %mul3A_732 : i32
        %get3A_734 = arith.constant 1 : i32
        %get3A_735 = arith.index_cast %get3A_734 : i32 to index
        %get3A_736 = arith.index_cast %mul3A_733 : i32 to index
        %get3A_737 = tpu.vector_load %arg10[%get3A_735, %get3A_736] {strides = array<i32>} : memref<3x8192xf32, #tpu.memory_space<vmem>>, vector<1x16xf32>,
        %get3A_738 = vector.shape_cast %get3A_737 : vector<1x16xf32> to vector<16xf32>
        %mul3A_739 = arith.constant 16 : i32
        %mul3A_740 = arith.muli %scan3A_722, %mul3A_739 : i32
        %get3A_741 = arith.constant 2 : i32
        %get3A_742 = arith.index_cast %get3A_741 : i32 to index
        %get3A_743 = arith.index_cast %mul3A_740 : i32 to index
        %get3A_744 = tpu.vector_load %arg10[%get3A_742, %get3A_743] {strides = array<i32>} : memref<3x8192xf32, #tpu.memory_space<vmem>>, vector<1x16xf32>,
        %get3A_745 = vector.shape_cast %get3A_744 : vector<1x16xf32> to vector<16xf32>
        %mul3A_746 = arith.constant 16 : i32
        %mul3A_747 = arith.muli %scan3A_722, %mul3A_746 : i32
        %get3A_748 = arith.constant 0 : i32
        %get3A_749 = arith.index_cast %get3A_748 : i32 to index
        %get3A_750 = arith.index_cast %mul3A_747 : i32 to index
        %get3A_751 = tpu.vector_load %arg11[%get3A_749, %get3A_750] {strides = array<i32>} : memref<1x8192xf32, #tpu.memory_space<vmem>>, vector<1x16xf32>,
        %get3A_752 = vector.shape_cast %get3A_751 : vector<1x16xf32> to vector<16xf32>
        %mul3A_753 = vector.broadcast %squeeze3A_570 : f32 to vector<16xf32>
        %mul3A_754 = arith.mulf %mul3A_753, %get3A_731 : vector<16xf32>
        %mul3A_755 = vector.broadcast %squeeze3A_572 : f32 to vector<16xf32>
        %mul3A_756 = arith.mulf %mul3A_755, %get3A_738 : vector<16xf32>
        %add3A_757 = arith.addf %mul3A_754, %mul3A_756 : vector<16xf32>
        %mul3A_758 = vector.broadcast %squeeze3A_574 : f32 to vector<16xf32>
        %mul3A_759 = arith.mulf %mul3A_758, %get3A_745 : vector<16xf32>
        %add3A_760 = arith.addf %add3A_757, %mul3A_759 : vector<16xf32>
        %add3A_761 = arith.addf %add3A_760, %add3A_760 : vector<16xf32>
        %sub3A_762 = vector.broadcast %squeeze3A_576 : f32 to vector<16xf32>
        %sub3A_763 = arith.subf %sub3A_762, %add3A_761 : vector<16xf32>
        %add3A_764 = arith.addf %sub3A_763, %get3A_752 : vector<16xf32>
        %lt3A_765 = arith.cmpf olt, %add3A_764, %scan3A_723 : vector<16xf32>
        %select_n3A_766 = arith.select %lt3A_765, %add3A_764, %scan3A_723 : vector<16xi1>, vector<16xf32>
        %broadcast_in_dim3A_767 = vector.broadcast %scan3A_722 : i32 to vector<16xi32>
        %select_n3A_768 = arith.select %lt3A_765, %broadcast_in_dim3A_767, %scan3A_724 : vector<16xi1>, vector<16xi32>
        %scan3A_769 = arith.constant 1 : i32
        %scan3A_770 = arith.addi %scan3A_722, %scan3A_769 : i32
        %mul3A_771 = arith.constant 16 : i32
        %mul3A_772 = arith.muli %scan3A_770, %mul3A_771 : i32
        %get3A_773 = arith.constant 0 : i32
        %get3A_774 = arith.index_cast %get3A_773 : i32 to index
        %get3A_775 = arith.index_cast %mul3A_772 : i32 to index
        %get3A_776 = tpu.vector_load %arg10[%get3A_774, %get3A_775] {strides = array<i32>} : memref<3x8192xf32, #tpu.memory_space<vmem>>, vector<1x16xf32>,
        %get3A_777 = vector.shape_cast %get3A_776 : vector<1x16xf32> to vector<16xf32>
        %mul3A_778 = arith.constant 16 : i32
        %mul3A_779 = arith.muli %scan3A_770, %mul3A_778 : i32
        %get3A_780 = arith.constant 1 : i32
        %get3A_781 = arith.index_cast %get3A_780 : i32 to index
        %get3A_782 = arith.index_cast %mul3A_779 : i32 to index
        %get3A_783 = tpu.vector_load %arg10[%get3A_781, %get3A_782] {strides = array<i32>} : memref<3x8192xf32, #tpu.memory_space<vmem>>, vector<1x16xf32>,
        %get3A_784 = vector.shape_cast %get3A_783 : vector<1x16xf32> to vector<16xf32>
        %mul3A_785 = arith.constant 16 : i32
        %mul3A_786 = arith.muli %scan3A_770, %mul3A_785 : i32
        %get3A_787 = arith.constant 2 : i32
        %get3A_788 = arith.index_cast %get3A_787 : i32 to index
        %get3A_789 = arith.index_cast %mul3A_786 : i32 to index
        %get3A_790 = tpu.vector_load %arg10[%get3A_788, %get3A_789] {strides = array<i32>} : memref<3x8192xf32, #tpu.memory_space<vmem>>, vector<1x16xf32>,
        %get3A_791 = vector.shape_cast %get3A_790 : vector<1x16xf32> to vector<16xf32>
        %mul3A_792 = arith.constant 16 : i32
        %mul3A_793 = arith.muli %scan3A_770, %mul3A_792 : i32
        %get3A_794 = arith.constant 0 : i32
        %get3A_795 = arith.index_cast %get3A_794 : i32 to index
        %get3A_796 = arith.index_cast %mul3A_793 : i32 to index
        %get3A_797 = tpu.vector_load %arg11[%get3A_795, %get3A_796] {strides = array<i32>} : memref<1x8192xf32, #tpu.memory_space<vmem>>, vector<1x16xf32>,
        %get3A_798 = vector.shape_cast %get3A_797 : vector<1x16xf32> to vector<16xf32>
        %mul3A_799 = vector.broadcast %squeeze3A_570 : f32 to vector<16xf32>
        %mul3A_800 = arith.mulf %mul3A_799, %get3A_777 : vector<16xf32>
        %mul3A_801 = vector.broadcast %squeeze3A_572 : f32 to vector<16xf32>
        %mul3A_802 = arith.mulf %mul3A_801, %get3A_784 : vector<16xf32>
        %add3A_803 = arith.addf %mul3A_800, %mul3A_802 : vector<16xf32>
        %mul3A_804 = vector.broadcast %squeeze3A_574 : f32 to vector<16xf32>
        %mul3A_805 = arith.mulf %mul3A_804, %get3A_791 : vector<16xf32>
        %add3A_806 = arith.addf %add3A_803, %mul3A_805 : vector<16xf32>
        %add3A_807 = arith.addf %add3A_806, %add3A_806 : vector<16xf32>
        %sub3A_808 = vector.broadcast %squeeze3A_576 : f32 to vector<16xf32>
        %sub3A_809 = arith.subf %sub3A_808, %add3A_807 : vector<16xf32>
        %add3A_810 = arith.addf %sub3A_809, %get3A_798 : vector<16xf32>
        %lt3A_811 = arith.cmpf olt, %add3A_810, %select_n3A_766 : vector<16xf32>
        %select_n3A_812 = arith.select %lt3A_811, %add3A_810, %select_n3A_766 : vector<16xi1>, vector<16xf32>
        %broadcast_in_dim3A_813 = vector.broadcast %scan3A_770 : i32 to vector<16xi32>
        %select_n3A_814 = arith.select %lt3A_811, %broadcast_in_dim3A_813, %select_n3A_768 : vector<16xi1>, vector<16xi32>
        %scan3A_815 = arith.constant 2 : i32
        %scan3A_816 = arith.addi %scan3A_722, %scan3A_815 : i32
        %mul3A_817 = arith.constant 16 : i32
        %mul3A_818 = arith.muli %scan3A_816, %mul3A_817 : i32
        %get3A_819 = arith.constant 0 : i32
        %get3A_820 = arith.index_cast %get3A_819 : i32 to index
        %get3A_821 = arith.index_cast %mul3A_818 : i32 to index
        %get3A_822 = tpu.vector_load %arg10[%get3A_820, %get3A_821] {strides = array<i32>} : memref<3x8192xf32, #tpu.memory_space<vmem>>, vector<1x16xf32>,
        %get3A_823 = vector.shape_cast %get3A_822 : vector<1x16xf32> to vector<16xf32>
        %mul3A_824 = arith.constant 16 : i32
        %mul3A_825 = arith.muli %scan3A_816, %mul3A_824 : i32
        %get3A_826 = arith.constant 1 : i32
        %get3A_827 = arith.index_cast %get3A_826 : i32 to index
        %get3A_828 = arith.index_cast %mul3A_825 : i32 to index
        %get3A_829 = tpu.vector_load %arg10[%get3A_827, %get3A_828] {strides = array<i32>} : memref<3x8192xf32, #tpu.memory_space<vmem>>, vector<1x16xf32>,
        %get3A_830 = vector.shape_cast %get3A_829 : vector<1x16xf32> to vector<16xf32>
        %mul3A_831 = arith.constant 16 : i32
        %mul3A_832 = arith.muli %scan3A_816, %mul3A_831 : i32
        %get3A_833 = arith.constant 2 : i32
        %get3A_834 = arith.index_cast %get3A_833 : i32 to index
        %get3A_835 = arith.index_cast %mul3A_832 : i32 to index
        %get3A_836 = tpu.vector_load %arg10[%get3A_834, %get3A_835] {strides = array<i32>} : memref<3x8192xf32, #tpu.memory_space<vmem>>, vector<1x16xf32>,
        %get3A_837 = vector.shape_cast %get3A_836 : vector<1x16xf32> to vector<16xf32>
        %mul3A_838 = arith.constant 16 : i32
        %mul3A_839 = arith.muli %scan3A_816, %mul3A_838 : i32
        %get3A_840 = arith.constant 0 : i32
        %get3A_841 = arith.index_cast %get3A_840 : i32 to index
        %get3A_842 = arith.index_cast %mul3A_839 : i32 to index
        %get3A_843 = tpu.vector_load %arg11[%get3A_841, %get3A_842] {strides = array<i32>} : memref<1x8192xf32, #tpu.memory_space<vmem>>, vector<1x16xf32>,
        %get3A_844 = vector.shape_cast %get3A_843 : vector<1x16xf32> to vector<16xf32>
        %mul3A_845 = vector.broadcast %squeeze3A_570 : f32 to vector<16xf32>
        %mul3A_846 = arith.mulf %mul3A_845, %get3A_823 : vector<16xf32>
        %mul3A_847 = vector.broadcast %squeeze3A_572 : f32 to vector<16xf32>
        %mul3A_848 = arith.mulf %mul3A_847, %get3A_830 : vector<16xf32>
        %add3A_849 = arith.addf %mul3A_846, %mul3A_848 : vector<16xf32>
        %mul3A_850 = vector.broadcast %squeeze3A_574 : f32 to vector<16xf32>
        %mul3A_851 = arith.mulf %mul3A_850, %get3A_837 : vector<16xf32>
        %add3A_852 = arith.addf %add3A_849, %mul3A_851 : vector<16xf32>
        %add3A_853 = arith.addf %add3A_852, %add3A_852 : vector<16xf32>
        %sub3A_854 = vector.broadcast %squeeze3A_576 : f32 to vector<16xf32>
        %sub3A_855 = arith.subf %sub3A_854, %add3A_853 : vector<16xf32>
        %add3A_856 = arith.addf %sub3A_855, %get3A_844 : vector<16xf32>
        %lt3A_857 = arith.cmpf olt, %add3A_856, %select_n3A_812 : vector<16xf32>
        %select_n3A_858 = arith.select %lt3A_857, %add3A_856, %select_n3A_812 : vector<16xi1>, vector<16xf32>
        %broadcast_in_dim3A_859 = vector.broadcast %scan3A_816 : i32 to vector<16xi32>
        %select_n3A_860 = arith.select %lt3A_857, %broadcast_in_dim3A_859, %select_n3A_814 : vector<16xi1>, vector<16xi32>
        %scan3A_861 = arith.constant 3 : i32
        %scan3A_862 = arith.addi %scan3A_722, %scan3A_861 : i32
        %mul3A_863 = arith.constant 16 : i32
        %mul3A_864 = arith.muli %scan3A_862, %mul3A_863 : i32
        %get3A_865 = arith.constant 0 : i32
        %get3A_866 = arith.index_cast %get3A_865 : i32 to index
        %get3A_867 = arith.index_cast %mul3A_864 : i32 to index
        %get3A_868 = tpu.vector_load %arg10[%get3A_866, %get3A_867] {strides = array<i32>} : memref<3x8192xf32, #tpu.memory_space<vmem>>, vector<1x16xf32>,
        %get3A_869 = vector.shape_cast %get3A_868 : vector<1x16xf32> to vector<16xf32>
        %mul3A_870 = arith.constant 16 : i32
        %mul3A_871 = arith.muli %scan3A_862, %mul3A_870 : i32
        %get3A_872 = arith.constant 1 : i32
        %get3A_873 = arith.index_cast %get3A_872 : i32 to index
        %get3A_874 = arith.index_cast %mul3A_871 : i32 to index
        %get3A_875 = tpu.vector_load %arg10[%get3A_873, %get3A_874] {strides = array<i32>} : memref<3x8192xf32, #tpu.memory_space<vmem>>, vector<1x16xf32>,
        %get3A_876 = vector.shape_cast %get3A_875 : vector<1x16xf32> to vector<16xf32>
        %mul3A_877 = arith.constant 16 : i32
        %mul3A_878 = arith.muli %scan3A_862, %mul3A_877 : i32
        %get3A_879 = arith.constant 2 : i32
        %get3A_880 = arith.index_cast %get3A_879 : i32 to index
        %get3A_881 = arith.index_cast %mul3A_878 : i32 to index
        %get3A_882 = tpu.vector_load %arg10[%get3A_880, %get3A_881] {strides = array<i32>} : memref<3x8192xf32, #tpu.memory_space<vmem>>, vector<1x16xf32>,
        %get3A_883 = vector.shape_cast %get3A_882 : vector<1x16xf32> to vector<16xf32>
        %mul3A_884 = arith.constant 16 : i32
        %mul3A_885 = arith.muli %scan3A_862, %mul3A_884 : i32
        %get3A_886 = arith.constant 0 : i32
        %get3A_887 = arith.index_cast %get3A_886 : i32 to index
        %get3A_888 = arith.index_cast %mul3A_885 : i32 to index
        %get3A_889 = tpu.vector_load %arg11[%get3A_887, %get3A_888] {strides = array<i32>} : memref<1x8192xf32, #tpu.memory_space<vmem>>, vector<1x16xf32>,
        %get3A_890 = vector.shape_cast %get3A_889 : vector<1x16xf32> to vector<16xf32>
        %mul3A_891 = vector.broadcast %squeeze3A_570 : f32 to vector<16xf32>
        %mul3A_892 = arith.mulf %mul3A_891, %get3A_869 : vector<16xf32>
        %mul3A_893 = vector.broadcast %squeeze3A_572 : f32 to vector<16xf32>
        %mul3A_894 = arith.mulf %mul3A_893, %get3A_876 : vector<16xf32>
        %add3A_895 = arith.addf %mul3A_892, %mul3A_894 : vector<16xf32>
        %mul3A_896 = vector.broadcast %squeeze3A_574 : f32 to vector<16xf32>
        %mul3A_897 = arith.mulf %mul3A_896, %get3A_883 : vector<16xf32>
        %add3A_898 = arith.addf %add3A_895, %mul3A_897 : vector<16xf32>
        %add3A_899 = arith.addf %add3A_898, %add3A_898 : vector<16xf32>
        %sub3A_900 = vector.broadcast %squeeze3A_576 : f32 to vector<16xf32>
        %sub3A_901 = arith.subf %sub3A_900, %add3A_899 : vector<16xf32>
        %add3A_902 = arith.addf %sub3A_901, %get3A_890 : vector<16xf32>
        %lt3A_903 = arith.cmpf olt, %add3A_902, %select_n3A_858 : vector<16xf32>
        %select_n3A_904 = arith.select %lt3A_903, %add3A_902, %select_n3A_858 : vector<16xi1>, vector<16xf32>
        %broadcast_in_dim3A_905 = vector.broadcast %scan3A_862 : i32 to vector<16xi32>
        %select_n3A_906 = arith.select %lt3A_903, %broadcast_in_dim3A_905, %select_n3A_860 : vector<16xi1>, vector<16xi32>
        scf.yield %select_n3A_904, %select_n3A_906 : vector<16xf32>, vector<16xi32>
      }
      %scan3A_586 = arith.constant 512 : i32
      %mul3A_587 = arith.constant 16 : i32
      %mul3A_588 = arith.muli %scan3A_69, %mul3A_587 : i32
      %add3A_589 = arith.constant 12 : i32
      %add3A_590 = arith.addi %mul3A_588, %add3A_589 : i32
      %mul3A_591 = arith.constant 16 : i32
      %mul3A_592 = arith.muli %add3A_590, %mul3A_591 : i32
      %swap3A_593 = arith.index_cast %mul3A_592 : i32 to index
      %swap3A_594 = tpu.vector_load %arg12[%swap3A_593] {strides = array<i32>} : memref<1024xf32, #tpu.memory_space<vmem>>, vector<16xf32>,
      %swap3A_595 = vector.shape_cast %swap3A_594 : vector<16xf32> to vector<16xf32>
      %swap3A_596 = vector.shape_cast %scan3A_585#0 : vector<16xf32> to vector<16xf32>
      tpu.vector_store %arg12[%swap3A_593], %swap3A_596 {strides = array<i32>} : memref<1024xf32, #tpu.memory_space<vmem>>, vector<16xf32>,
      %mul3A_597 = arith.constant 16 : i32
      %mul3A_598 = arith.muli %scan3A_69, %mul3A_597 : i32
      %add3A_599 = arith.constant 12 : i32
      %add3A_600 = arith.addi %mul3A_598, %add3A_599 : i32
      %mul3A_601 = arith.constant 16 : i32
      %mul3A_602 = arith.muli %add3A_600, %mul3A_601 : i32
      %swap3A_603 = arith.index_cast %mul3A_602 : i32 to index
      %swap3A_604 = tpu.vector_load %arg13[%swap3A_603] {strides = array<i32>} : memref<1024xi32, #tpu.memory_space<vmem>>, vector<16xi32>,
      %swap3A_605 = vector.shape_cast %swap3A_604 : vector<16xi32> to vector<16xi32>
      %swap3A_606 = vector.shape_cast %scan3A_585#1 : vector<16xi32> to vector<16xi32>
      tpu.vector_store %arg13[%swap3A_603], %swap3A_606 {strides = array<i32>} : memref<1024xi32, #tpu.memory_space<vmem>>, vector<16xi32>,
      %slice3A_607 = vector.extract_strided_slice %get3A_102 {offsets = [13], sizes = [1], strides = [1]} : vector<16xf32> to vector<1xf32>
      %squeeze3A_608 = vector.extract %slice3A_607[0] : f32 from vector<1xf32>
      %slice3A_609 = vector.extract_strided_slice %get3A_109 {offsets = [13], sizes = [1], strides = [1]} : vector<16xf32> to vector<1xf32>
      %squeeze3A_610 = vector.extract %slice3A_609[0] : f32 from vector<1xf32>
      %slice3A_611 = vector.extract_strided_slice %get3A_116 {offsets = [13], sizes = [1], strides = [1]} : vector<16xf32> to vector<1xf32>
      %squeeze3A_612 = vector.extract %slice3A_611[0] : f32 from vector<1xf32>
      %slice3A_613 = vector.extract_strided_slice %add3A_95 {offsets = [13], sizes = [1], strides = [1]} : vector<16xf32> to vector<1xf32>
      %squeeze3A_614 = vector.extract %slice3A_613[0] : f32 from vector<1xf32>
      %broadcast_in_dim3A_615 = arith.constant 0x7F800000 : f32
      %broadcast_in_dim3A_616 = vector.broadcast %broadcast_in_dim3A_615 : f32 to vector<16xf32>
      %broadcast_in_dim3A_617 = arith.constant 0 : i32
      %broadcast_in_dim3A_618 = vector.broadcast %broadcast_in_dim3A_617 : i32 to vector<16xi32>
      %scan3A_619 = arith.constant 0 : i32
      %scan3A_620 = arith.constant 512 : i32
      %scan3A_621 = arith.addi %scan3A_619, %scan3A_620 : i32
      %scan3A_622 = arith.constant 4 : i32
      %scan3A_623:2 = scf.for %scan3A_722 = %scan3A_619 to %scan3A_621 step %scan3A_622 iter_args(%scan3A_723 = %broadcast_in_dim3A_616, %scan3A_724 = %broadcast_in_dim3A_618) -> (vector<16xf32>, vector<16xi32>)  : i32 {
        %mul3A_725 = arith.constant 16 : i32
        %mul3A_726 = arith.muli %scan3A_722, %mul3A_725 : i32
        %get3A_727 = arith.constant 0 : i32
        %get3A_728 = arith.index_cast %get3A_727 : i32 to index
        %get3A_729 = arith.index_cast %mul3A_726 : i32 to index
        %get3A_730 = tpu.vector_load %arg10[%get3A_728, %get3A_729] {strides = array<i32>} : memref<3x8192xf32, #tpu.memory_space<vmem>>, vector<1x16xf32>,
        %get3A_731 = vector.shape_cast %get3A_730 : vector<1x16xf32> to vector<16xf32>
        %mul3A_732 = arith.constant 16 : i32
        %mul3A_733 = arith.muli %scan3A_722, %mul3A_732 : i32
        %get3A_734 = arith.constant 1 : i32
        %get3A_735 = arith.index_cast %get3A_734 : i32 to index
        %get3A_736 = arith.index_cast %mul3A_733 : i32 to index
        %get3A_737 = tpu.vector_load %arg10[%get3A_735, %get3A_736] {strides = array<i32>} : memref<3x8192xf32, #tpu.memory_space<vmem>>, vector<1x16xf32>,
        %get3A_738 = vector.shape_cast %get3A_737 : vector<1x16xf32> to vector<16xf32>
        %mul3A_739 = arith.constant 16 : i32
        %mul3A_740 = arith.muli %scan3A_722, %mul3A_739 : i32
        %get3A_741 = arith.constant 2 : i32
        %get3A_742 = arith.index_cast %get3A_741 : i32 to index
        %get3A_743 = arith.index_cast %mul3A_740 : i32 to index
        %get3A_744 = tpu.vector_load %arg10[%get3A_742, %get3A_743] {strides = array<i32>} : memref<3x8192xf32, #tpu.memory_space<vmem>>, vector<1x16xf32>,
        %get3A_745 = vector.shape_cast %get3A_744 : vector<1x16xf32> to vector<16xf32>
        %mul3A_746 = arith.constant 16 : i32
        %mul3A_747 = arith.muli %scan3A_722, %mul3A_746 : i32
        %get3A_748 = arith.constant 0 : i32
        %get3A_749 = arith.index_cast %get3A_748 : i32 to index
        %get3A_750 = arith.index_cast %mul3A_747 : i32 to index
        %get3A_751 = tpu.vector_load %arg11[%get3A_749, %get3A_750] {strides = array<i32>} : memref<1x8192xf32, #tpu.memory_space<vmem>>, vector<1x16xf32>,
        %get3A_752 = vector.shape_cast %get3A_751 : vector<1x16xf32> to vector<16xf32>
        %mul3A_753 = vector.broadcast %squeeze3A_608 : f32 to vector<16xf32>
        %mul3A_754 = arith.mulf %mul3A_753, %get3A_731 : vector<16xf32>
        %mul3A_755 = vector.broadcast %squeeze3A_610 : f32 to vector<16xf32>
        %mul3A_756 = arith.mulf %mul3A_755, %get3A_738 : vector<16xf32>
        %add3A_757 = arith.addf %mul3A_754, %mul3A_756 : vector<16xf32>
        %mul3A_758 = vector.broadcast %squeeze3A_612 : f32 to vector<16xf32>
        %mul3A_759 = arith.mulf %mul3A_758, %get3A_745 : vector<16xf32>
        %add3A_760 = arith.addf %add3A_757, %mul3A_759 : vector<16xf32>
        %add3A_761 = arith.addf %add3A_760, %add3A_760 : vector<16xf32>
        %sub3A_762 = vector.broadcast %squeeze3A_614 : f32 to vector<16xf32>
        %sub3A_763 = arith.subf %sub3A_762, %add3A_761 : vector<16xf32>
        %add3A_764 = arith.addf %sub3A_763, %get3A_752 : vector<16xf32>
        %lt3A_765 = arith.cmpf olt, %add3A_764, %scan3A_723 : vector<16xf32>
        %select_n3A_766 = arith.select %lt3A_765, %add3A_764, %scan3A_723 : vector<16xi1>, vector<16xf32>
        %broadcast_in_dim3A_767 = vector.broadcast %scan3A_722 : i32 to vector<16xi32>
        %select_n3A_768 = arith.select %lt3A_765, %broadcast_in_dim3A_767, %scan3A_724 : vector<16xi1>, vector<16xi32>
        %scan3A_769 = arith.constant 1 : i32
        %scan3A_770 = arith.addi %scan3A_722, %scan3A_769 : i32
        %mul3A_771 = arith.constant 16 : i32
        %mul3A_772 = arith.muli %scan3A_770, %mul3A_771 : i32
        %get3A_773 = arith.constant 0 : i32
        %get3A_774 = arith.index_cast %get3A_773 : i32 to index
        %get3A_775 = arith.index_cast %mul3A_772 : i32 to index
        %get3A_776 = tpu.vector_load %arg10[%get3A_774, %get3A_775] {strides = array<i32>} : memref<3x8192xf32, #tpu.memory_space<vmem>>, vector<1x16xf32>,
        %get3A_777 = vector.shape_cast %get3A_776 : vector<1x16xf32> to vector<16xf32>
        %mul3A_778 = arith.constant 16 : i32
        %mul3A_779 = arith.muli %scan3A_770, %mul3A_778 : i32
        %get3A_780 = arith.constant 1 : i32
        %get3A_781 = arith.index_cast %get3A_780 : i32 to index
        %get3A_782 = arith.index_cast %mul3A_779 : i32 to index
        %get3A_783 = tpu.vector_load %arg10[%get3A_781, %get3A_782] {strides = array<i32>} : memref<3x8192xf32, #tpu.memory_space<vmem>>, vector<1x16xf32>,
        %get3A_784 = vector.shape_cast %get3A_783 : vector<1x16xf32> to vector<16xf32>
        %mul3A_785 = arith.constant 16 : i32
        %mul3A_786 = arith.muli %scan3A_770, %mul3A_785 : i32
        %get3A_787 = arith.constant 2 : i32
        %get3A_788 = arith.index_cast %get3A_787 : i32 to index
        %get3A_789 = arith.index_cast %mul3A_786 : i32 to index
        %get3A_790 = tpu.vector_load %arg10[%get3A_788, %get3A_789] {strides = array<i32>} : memref<3x8192xf32, #tpu.memory_space<vmem>>, vector<1x16xf32>,
        %get3A_791 = vector.shape_cast %get3A_790 : vector<1x16xf32> to vector<16xf32>
        %mul3A_792 = arith.constant 16 : i32
        %mul3A_793 = arith.muli %scan3A_770, %mul3A_792 : i32
        %get3A_794 = arith.constant 0 : i32
        %get3A_795 = arith.index_cast %get3A_794 : i32 to index
        %get3A_796 = arith.index_cast %mul3A_793 : i32 to index
        %get3A_797 = tpu.vector_load %arg11[%get3A_795, %get3A_796] {strides = array<i32>} : memref<1x8192xf32, #tpu.memory_space<vmem>>, vector<1x16xf32>,
        %get3A_798 = vector.shape_cast %get3A_797 : vector<1x16xf32> to vector<16xf32>
        %mul3A_799 = vector.broadcast %squeeze3A_608 : f32 to vector<16xf32>
        %mul3A_800 = arith.mulf %mul3A_799, %get3A_777 : vector<16xf32>
        %mul3A_801 = vector.broadcast %squeeze3A_610 : f32 to vector<16xf32>
        %mul3A_802 = arith.mulf %mul3A_801, %get3A_784 : vector<16xf32>
        %add3A_803 = arith.addf %mul3A_800, %mul3A_802 : vector<16xf32>
        %mul3A_804 = vector.broadcast %squeeze3A_612 : f32 to vector<16xf32>
        %mul3A_805 = arith.mulf %mul3A_804, %get3A_791 : vector<16xf32>
        %add3A_806 = arith.addf %add3A_803, %mul3A_805 : vector<16xf32>
        %add3A_807 = arith.addf %add3A_806, %add3A_806 : vector<16xf32>
        %sub3A_808 = vector.broadcast %squeeze3A_614 : f32 to vector<16xf32>
        %sub3A_809 = arith.subf %sub3A_808, %add3A_807 : vector<16xf32>
        %add3A_810 = arith.addf %sub3A_809, %get3A_798 : vector<16xf32>
        %lt3A_811 = arith.cmpf olt, %add3A_810, %select_n3A_766 : vector<16xf32>
        %select_n3A_812 = arith.select %lt3A_811, %add3A_810, %select_n3A_766 : vector<16xi1>, vector<16xf32>
        %broadcast_in_dim3A_813 = vector.broadcast %scan3A_770 : i32 to vector<16xi32>
        %select_n3A_814 = arith.select %lt3A_811, %broadcast_in_dim3A_813, %select_n3A_768 : vector<16xi1>, vector<16xi32>
        %scan3A_815 = arith.constant 2 : i32
        %scan3A_816 = arith.addi %scan3A_722, %scan3A_815 : i32
        %mul3A_817 = arith.constant 16 : i32
        %mul3A_818 = arith.muli %scan3A_816, %mul3A_817 : i32
        %get3A_819 = arith.constant 0 : i32
        %get3A_820 = arith.index_cast %get3A_819 : i32 to index
        %get3A_821 = arith.index_cast %mul3A_818 : i32 to index
        %get3A_822 = tpu.vector_load %arg10[%get3A_820, %get3A_821] {strides = array<i32>} : memref<3x8192xf32, #tpu.memory_space<vmem>>, vector<1x16xf32>,
        %get3A_823 = vector.shape_cast %get3A_822 : vector<1x16xf32> to vector<16xf32>
        %mul3A_824 = arith.constant 16 : i32
        %mul3A_825 = arith.muli %scan3A_816, %mul3A_824 : i32
        %get3A_826 = arith.constant 1 : i32
        %get3A_827 = arith.index_cast %get3A_826 : i32 to index
        %get3A_828 = arith.index_cast %mul3A_825 : i32 to index
        %get3A_829 = tpu.vector_load %arg10[%get3A_827, %get3A_828] {strides = array<i32>} : memref<3x8192xf32, #tpu.memory_space<vmem>>, vector<1x16xf32>,
        %get3A_830 = vector.shape_cast %get3A_829 : vector<1x16xf32> to vector<16xf32>
        %mul3A_831 = arith.constant 16 : i32
        %mul3A_832 = arith.muli %scan3A_816, %mul3A_831 : i32
        %get3A_833 = arith.constant 2 : i32
        %get3A_834 = arith.index_cast %get3A_833 : i32 to index
        %get3A_835 = arith.index_cast %mul3A_832 : i32 to index
        %get3A_836 = tpu.vector_load %arg10[%get3A_834, %get3A_835] {strides = array<i32>} : memref<3x8192xf32, #tpu.memory_space<vmem>>, vector<1x16xf32>,
        %get3A_837 = vector.shape_cast %get3A_836 : vector<1x16xf32> to vector<16xf32>
        %mul3A_838 = arith.constant 16 : i32
        %mul3A_839 = arith.muli %scan3A_816, %mul3A_838 : i32
        %get3A_840 = arith.constant 0 : i32
        %get3A_841 = arith.index_cast %get3A_840 : i32 to index
        %get3A_842 = arith.index_cast %mul3A_839 : i32 to index
        %get3A_843 = tpu.vector_load %arg11[%get3A_841, %get3A_842] {strides = array<i32>} : memref<1x8192xf32, #tpu.memory_space<vmem>>, vector<1x16xf32>,
        %get3A_844 = vector.shape_cast %get3A_843 : vector<1x16xf32> to vector<16xf32>
        %mul3A_845 = vector.broadcast %squeeze3A_608 : f32 to vector<16xf32>
        %mul3A_846 = arith.mulf %mul3A_845, %get3A_823 : vector<16xf32>
        %mul3A_847 = vector.broadcast %squeeze3A_610 : f32 to vector<16xf32>
        %mul3A_848 = arith.mulf %mul3A_847, %get3A_830 : vector<16xf32>
        %add3A_849 = arith.addf %mul3A_846, %mul3A_848 : vector<16xf32>
        %mul3A_850 = vector.broadcast %squeeze3A_612 : f32 to vector<16xf32>
        %mul3A_851 = arith.mulf %mul3A_850, %get3A_837 : vector<16xf32>
        %add3A_852 = arith.addf %add3A_849, %mul3A_851 : vector<16xf32>
        %add3A_853 = arith.addf %add3A_852, %add3A_852 : vector<16xf32>
        %sub3A_854 = vector.broadcast %squeeze3A_614 : f32 to vector<16xf32>
        %sub3A_855 = arith.subf %sub3A_854, %add3A_853 : vector<16xf32>
        %add3A_856 = arith.addf %sub3A_855, %get3A_844 : vector<16xf32>
        %lt3A_857 = arith.cmpf olt, %add3A_856, %select_n3A_812 : vector<16xf32>
        %select_n3A_858 = arith.select %lt3A_857, %add3A_856, %select_n3A_812 : vector<16xi1>, vector<16xf32>
        %broadcast_in_dim3A_859 = vector.broadcast %scan3A_816 : i32 to vector<16xi32>
        %select_n3A_860 = arith.select %lt3A_857, %broadcast_in_dim3A_859, %select_n3A_814 : vector<16xi1>, vector<16xi32>
        %scan3A_861 = arith.constant 3 : i32
        %scan3A_862 = arith.addi %scan3A_722, %scan3A_861 : i32
        %mul3A_863 = arith.constant 16 : i32
        %mul3A_864 = arith.muli %scan3A_862, %mul3A_863 : i32
        %get3A_865 = arith.constant 0 : i32
        %get3A_866 = arith.index_cast %get3A_865 : i32 to index
        %get3A_867 = arith.index_cast %mul3A_864 : i32 to index
        %get3A_868 = tpu.vector_load %arg10[%get3A_866, %get3A_867] {strides = array<i32>} : memref<3x8192xf32, #tpu.memory_space<vmem>>, vector<1x16xf32>,
        %get3A_869 = vector.shape_cast %get3A_868 : vector<1x16xf32> to vector<16xf32>
        %mul3A_870 = arith.constant 16 : i32
        %mul3A_871 = arith.muli %scan3A_862, %mul3A_870 : i32
        %get3A_872 = arith.constant 1 : i32
        %get3A_873 = arith.index_cast %get3A_872 : i32 to index
        %get3A_874 = arith.index_cast %mul3A_871 : i32 to index
        %get3A_875 = tpu.vector_load %arg10[%get3A_873, %get3A_874] {strides = array<i32>} : memref<3x8192xf32, #tpu.memory_space<vmem>>, vector<1x16xf32>,
        %get3A_876 = vector.shape_cast %get3A_875 : vector<1x16xf32> to vector<16xf32>
        %mul3A_877 = arith.constant 16 : i32
        %mul3A_878 = arith.muli %scan3A_862, %mul3A_877 : i32
        %get3A_879 = arith.constant 2 : i32
        %get3A_880 = arith.index_cast %get3A_879 : i32 to index
        %get3A_881 = arith.index_cast %mul3A_878 : i32 to index
        %get3A_882 = tpu.vector_load %arg10[%get3A_880, %get3A_881] {strides = array<i32>} : memref<3x8192xf32, #tpu.memory_space<vmem>>, vector<1x16xf32>,
        %get3A_883 = vector.shape_cast %get3A_882 : vector<1x16xf32> to vector<16xf32>
        %mul3A_884 = arith.constant 16 : i32
        %mul3A_885 = arith.muli %scan3A_862, %mul3A_884 : i32
        %get3A_886 = arith.constant 0 : i32
        %get3A_887 = arith.index_cast %get3A_886 : i32 to index
        %get3A_888 = arith.index_cast %mul3A_885 : i32 to index
        %get3A_889 = tpu.vector_load %arg11[%get3A_887, %get3A_888] {strides = array<i32>} : memref<1x8192xf32, #tpu.memory_space<vmem>>, vector<1x16xf32>,
        %get3A_890 = vector.shape_cast %get3A_889 : vector<1x16xf32> to vector<16xf32>
        %mul3A_891 = vector.broadcast %squeeze3A_608 : f32 to vector<16xf32>
        %mul3A_892 = arith.mulf %mul3A_891, %get3A_869 : vector<16xf32>
        %mul3A_893 = vector.broadcast %squeeze3A_610 : f32 to vector<16xf32>
        %mul3A_894 = arith.mulf %mul3A_893, %get3A_876 : vector<16xf32>
        %add3A_895 = arith.addf %mul3A_892, %mul3A_894 : vector<16xf32>
        %mul3A_896 = vector.broadcast %squeeze3A_612 : f32 to vector<16xf32>
        %mul3A_897 = arith.mulf %mul3A_896, %get3A_883 : vector<16xf32>
        %add3A_898 = arith.addf %add3A_895, %mul3A_897 : vector<16xf32>
        %add3A_899 = arith.addf %add3A_898, %add3A_898 : vector<16xf32>
        %sub3A_900 = vector.broadcast %squeeze3A_614 : f32 to vector<16xf32>
        %sub3A_901 = arith.subf %sub3A_900, %add3A_899 : vector<16xf32>
        %add3A_902 = arith.addf %sub3A_901, %get3A_890 : vector<16xf32>
        %lt3A_903 = arith.cmpf olt, %add3A_902, %select_n3A_858 : vector<16xf32>
        %select_n3A_904 = arith.select %lt3A_903, %add3A_902, %select_n3A_858 : vector<16xi1>, vector<16xf32>
        %broadcast_in_dim3A_905 = vector.broadcast %scan3A_862 : i32 to vector<16xi32>
        %select_n3A_906 = arith.select %lt3A_903, %broadcast_in_dim3A_905, %select_n3A_860 : vector<16xi1>, vector<16xi32>
        scf.yield %select_n3A_904, %select_n3A_906 : vector<16xf32>, vector<16xi32>
      }
      %scan3A_624 = arith.constant 512 : i32
      %mul3A_625 = arith.constant 16 : i32
      %mul3A_626 = arith.muli %scan3A_69, %mul3A_625 : i32
      %add3A_627 = arith.constant 13 : i32
      %add3A_628 = arith.addi %mul3A_626, %add3A_627 : i32
      %mul3A_629 = arith.constant 16 : i32
      %mul3A_630 = arith.muli %add3A_628, %mul3A_629 : i32
      %swap3A_631 = arith.index_cast %mul3A_630 : i32 to index
      %swap3A_632 = tpu.vector_load %arg12[%swap3A_631] {strides = array<i32>} : memref<1024xf32, #tpu.memory_space<vmem>>, vector<16xf32>,
      %swap3A_633 = vector.shape_cast %swap3A_632 : vector<16xf32> to vector<16xf32>
      %swap3A_634 = vector.shape_cast %scan3A_623#0 : vector<16xf32> to vector<16xf32>
      tpu.vector_store %arg12[%swap3A_631], %swap3A_634 {strides = array<i32>} : memref<1024xf32, #tpu.memory_space<vmem>>, vector<16xf32>,
      %mul3A_635 = arith.constant 16 : i32
      %mul3A_636 = arith.muli %scan3A_69, %mul3A_635 : i32
      %add3A_637 = arith.constant 13 : i32
      %add3A_638 = arith.addi %mul3A_636, %add3A_637 : i32
      %mul3A_639 = arith.constant 16 : i32
      %mul3A_640 = arith.muli %add3A_638, %mul3A_639 : i32
      %swap3A_641 = arith.index_cast %mul3A_640 : i32 to index
      %swap3A_642 = tpu.vector_load %arg13[%swap3A_641] {strides = array<i32>} : memref<1024xi32, #tpu.memory_space<vmem>>, vector<16xi32>,
      %swap3A_643 = vector.shape_cast %swap3A_642 : vector<16xi32> to vector<16xi32>
      %swap3A_644 = vector.shape_cast %scan3A_623#1 : vector<16xi32> to vector<16xi32>
      tpu.vector_store %arg13[%swap3A_641], %swap3A_644 {strides = array<i32>} : memref<1024xi32, #tpu.memory_space<vmem>>, vector<16xi32>,
      %slice3A_645 = vector.extract_strided_slice %get3A_102 {offsets = [14], sizes = [1], strides = [1]} : vector<16xf32> to vector<1xf32>
      %squeeze3A_646 = vector.extract %slice3A_645[0] : f32 from vector<1xf32>
      %slice3A_647 = vector.extract_strided_slice %get3A_109 {offsets = [14], sizes = [1], strides = [1]} : vector<16xf32> to vector<1xf32>
      %squeeze3A_648 = vector.extract %slice3A_647[0] : f32 from vector<1xf32>
      %slice3A_649 = vector.extract_strided_slice %get3A_116 {offsets = [14], sizes = [1], strides = [1]} : vector<16xf32> to vector<1xf32>
      %squeeze3A_650 = vector.extract %slice3A_649[0] : f32 from vector<1xf32>
      %slice3A_651 = vector.extract_strided_slice %add3A_95 {offsets = [14], sizes = [1], strides = [1]} : vector<16xf32> to vector<1xf32>
      %squeeze3A_652 = vector.extract %slice3A_651[0] : f32 from vector<1xf32>
      %broadcast_in_dim3A_653 = arith.constant 0x7F800000 : f32
      %broadcast_in_dim3A_654 = vector.broadcast %broadcast_in_dim3A_653 : f32 to vector<16xf32>
      %broadcast_in_dim3A_655 = arith.constant 0 : i32
      %broadcast_in_dim3A_656 = vector.broadcast %broadcast_in_dim3A_655 : i32 to vector<16xi32>
      %scan3A_657 = arith.constant 0 : i32
      %scan3A_658 = arith.constant 512 : i32
      %scan3A_659 = arith.addi %scan3A_657, %scan3A_658 : i32
      %scan3A_660 = arith.constant 4 : i32
      %scan3A_661:2 = scf.for %scan3A_722 = %scan3A_657 to %scan3A_659 step %scan3A_660 iter_args(%scan3A_723 = %broadcast_in_dim3A_654, %scan3A_724 = %broadcast_in_dim3A_656) -> (vector<16xf32>, vector<16xi32>)  : i32 {
        %mul3A_725 = arith.constant 16 : i32
        %mul3A_726 = arith.muli %scan3A_722, %mul3A_725 : i32
        %get3A_727 = arith.constant 0 : i32
        %get3A_728 = arith.index_cast %get3A_727 : i32 to index
        %get3A_729 = arith.index_cast %mul3A_726 : i32 to index
        %get3A_730 = tpu.vector_load %arg10[%get3A_728, %get3A_729] {strides = array<i32>} : memref<3x8192xf32, #tpu.memory_space<vmem>>, vector<1x16xf32>,
        %get3A_731 = vector.shape_cast %get3A_730 : vector<1x16xf32> to vector<16xf32>
        %mul3A_732 = arith.constant 16 : i32
        %mul3A_733 = arith.muli %scan3A_722, %mul3A_732 : i32
        %get3A_734 = arith.constant 1 : i32
        %get3A_735 = arith.index_cast %get3A_734 : i32 to index
        %get3A_736 = arith.index_cast %mul3A_733 : i32 to index
        %get3A_737 = tpu.vector_load %arg10[%get3A_735, %get3A_736] {strides = array<i32>} : memref<3x8192xf32, #tpu.memory_space<vmem>>, vector<1x16xf32>,
        %get3A_738 = vector.shape_cast %get3A_737 : vector<1x16xf32> to vector<16xf32>
        %mul3A_739 = arith.constant 16 : i32
        %mul3A_740 = arith.muli %scan3A_722, %mul3A_739 : i32
        %get3A_741 = arith.constant 2 : i32
        %get3A_742 = arith.index_cast %get3A_741 : i32 to index
        %get3A_743 = arith.index_cast %mul3A_740 : i32 to index
        %get3A_744 = tpu.vector_load %arg10[%get3A_742, %get3A_743] {strides = array<i32>} : memref<3x8192xf32, #tpu.memory_space<vmem>>, vector<1x16xf32>,
        %get3A_745 = vector.shape_cast %get3A_744 : vector<1x16xf32> to vector<16xf32>
        %mul3A_746 = arith.constant 16 : i32
        %mul3A_747 = arith.muli %scan3A_722, %mul3A_746 : i32
        %get3A_748 = arith.constant 0 : i32
        %get3A_749 = arith.index_cast %get3A_748 : i32 to index
        %get3A_750 = arith.index_cast %mul3A_747 : i32 to index
        %get3A_751 = tpu.vector_load %arg11[%get3A_749, %get3A_750] {strides = array<i32>} : memref<1x8192xf32, #tpu.memory_space<vmem>>, vector<1x16xf32>,
        %get3A_752 = vector.shape_cast %get3A_751 : vector<1x16xf32> to vector<16xf32>
        %mul3A_753 = vector.broadcast %squeeze3A_646 : f32 to vector<16xf32>
        %mul3A_754 = arith.mulf %mul3A_753, %get3A_731 : vector<16xf32>
        %mul3A_755 = vector.broadcast %squeeze3A_648 : f32 to vector<16xf32>
        %mul3A_756 = arith.mulf %mul3A_755, %get3A_738 : vector<16xf32>
        %add3A_757 = arith.addf %mul3A_754, %mul3A_756 : vector<16xf32>
        %mul3A_758 = vector.broadcast %squeeze3A_650 : f32 to vector<16xf32>
        %mul3A_759 = arith.mulf %mul3A_758, %get3A_745 : vector<16xf32>
        %add3A_760 = arith.addf %add3A_757, %mul3A_759 : vector<16xf32>
        %add3A_761 = arith.addf %add3A_760, %add3A_760 : vector<16xf32>
        %sub3A_762 = vector.broadcast %squeeze3A_652 : f32 to vector<16xf32>
        %sub3A_763 = arith.subf %sub3A_762, %add3A_761 : vector<16xf32>
        %add3A_764 = arith.addf %sub3A_763, %get3A_752 : vector<16xf32>
        %lt3A_765 = arith.cmpf olt, %add3A_764, %scan3A_723 : vector<16xf32>
        %select_n3A_766 = arith.select %lt3A_765, %add3A_764, %scan3A_723 : vector<16xi1>, vector<16xf32>
        %broadcast_in_dim3A_767 = vector.broadcast %scan3A_722 : i32 to vector<16xi32>
        %select_n3A_768 = arith.select %lt3A_765, %broadcast_in_dim3A_767, %scan3A_724 : vector<16xi1>, vector<16xi32>
        %scan3A_769 = arith.constant 1 : i32
        %scan3A_770 = arith.addi %scan3A_722, %scan3A_769 : i32
        %mul3A_771 = arith.constant 16 : i32
        %mul3A_772 = arith.muli %scan3A_770, %mul3A_771 : i32
        %get3A_773 = arith.constant 0 : i32
        %get3A_774 = arith.index_cast %get3A_773 : i32 to index
        %get3A_775 = arith.index_cast %mul3A_772 : i32 to index
        %get3A_776 = tpu.vector_load %arg10[%get3A_774, %get3A_775] {strides = array<i32>} : memref<3x8192xf32, #tpu.memory_space<vmem>>, vector<1x16xf32>,
        %get3A_777 = vector.shape_cast %get3A_776 : vector<1x16xf32> to vector<16xf32>
        %mul3A_778 = arith.constant 16 : i32
        %mul3A_779 = arith.muli %scan3A_770, %mul3A_778 : i32
        %get3A_780 = arith.constant 1 : i32
        %get3A_781 = arith.index_cast %get3A_780 : i32 to index
        %get3A_782 = arith.index_cast %mul3A_779 : i32 to index
        %get3A_783 = tpu.vector_load %arg10[%get3A_781, %get3A_782] {strides = array<i32>} : memref<3x8192xf32, #tpu.memory_space<vmem>>, vector<1x16xf32>,
        %get3A_784 = vector.shape_cast %get3A_783 : vector<1x16xf32> to vector<16xf32>
        %mul3A_785 = arith.constant 16 : i32
        %mul3A_786 = arith.muli %scan3A_770, %mul3A_785 : i32
        %get3A_787 = arith.constant 2 : i32
        %get3A_788 = arith.index_cast %get3A_787 : i32 to index
        %get3A_789 = arith.index_cast %mul3A_786 : i32 to index
        %get3A_790 = tpu.vector_load %arg10[%get3A_788, %get3A_789] {strides = array<i32>} : memref<3x8192xf32, #tpu.memory_space<vmem>>, vector<1x16xf32>,
        %get3A_791 = vector.shape_cast %get3A_790 : vector<1x16xf32> to vector<16xf32>
        %mul3A_792 = arith.constant 16 : i32
        %mul3A_793 = arith.muli %scan3A_770, %mul3A_792 : i32
        %get3A_794 = arith.constant 0 : i32
        %get3A_795 = arith.index_cast %get3A_794 : i32 to index
        %get3A_796 = arith.index_cast %mul3A_793 : i32 to index
        %get3A_797 = tpu.vector_load %arg11[%get3A_795, %get3A_796] {strides = array<i32>} : memref<1x8192xf32, #tpu.memory_space<vmem>>, vector<1x16xf32>,
        %get3A_798 = vector.shape_cast %get3A_797 : vector<1x16xf32> to vector<16xf32>
        %mul3A_799 = vector.broadcast %squeeze3A_646 : f32 to vector<16xf32>
        %mul3A_800 = arith.mulf %mul3A_799, %get3A_777 : vector<16xf32>
        %mul3A_801 = vector.broadcast %squeeze3A_648 : f32 to vector<16xf32>
        %mul3A_802 = arith.mulf %mul3A_801, %get3A_784 : vector<16xf32>
        %add3A_803 = arith.addf %mul3A_800, %mul3A_802 : vector<16xf32>
        %mul3A_804 = vector.broadcast %squeeze3A_650 : f32 to vector<16xf32>
        %mul3A_805 = arith.mulf %mul3A_804, %get3A_791 : vector<16xf32>
        %add3A_806 = arith.addf %add3A_803, %mul3A_805 : vector<16xf32>
        %add3A_807 = arith.addf %add3A_806, %add3A_806 : vector<16xf32>
        %sub3A_808 = vector.broadcast %squeeze3A_652 : f32 to vector<16xf32>
        %sub3A_809 = arith.subf %sub3A_808, %add3A_807 : vector<16xf32>
        %add3A_810 = arith.addf %sub3A_809, %get3A_798 : vector<16xf32>
        %lt3A_811 = arith.cmpf olt, %add3A_810, %select_n3A_766 : vector<16xf32>
        %select_n3A_812 = arith.select %lt3A_811, %add3A_810, %select_n3A_766 : vector<16xi1>, vector<16xf32>
        %broadcast_in_dim3A_813 = vector.broadcast %scan3A_770 : i32 to vector<16xi32>
        %select_n3A_814 = arith.select %lt3A_811, %broadcast_in_dim3A_813, %select_n3A_768 : vector<16xi1>, vector<16xi32>
        %scan3A_815 = arith.constant 2 : i32
        %scan3A_816 = arith.addi %scan3A_722, %scan3A_815 : i32
        %mul3A_817 = arith.constant 16 : i32
        %mul3A_818 = arith.muli %scan3A_816, %mul3A_817 : i32
        %get3A_819 = arith.constant 0 : i32
        %get3A_820 = arith.index_cast %get3A_819 : i32 to index
        %get3A_821 = arith.index_cast %mul3A_818 : i32 to index
        %get3A_822 = tpu.vector_load %arg10[%get3A_820, %get3A_821] {strides = array<i32>} : memref<3x8192xf32, #tpu.memory_space<vmem>>, vector<1x16xf32>,
        %get3A_823 = vector.shape_cast %get3A_822 : vector<1x16xf32> to vector<16xf32>
        %mul3A_824 = arith.constant 16 : i32
        %mul3A_825 = arith.muli %scan3A_816, %mul3A_824 : i32
        %get3A_826 = arith.constant 1 : i32
        %get3A_827 = arith.index_cast %get3A_826 : i32 to index
        %get3A_828 = arith.index_cast %mul3A_825 : i32 to index
        %get3A_829 = tpu.vector_load %arg10[%get3A_827, %get3A_828] {strides = array<i32>} : memref<3x8192xf32, #tpu.memory_space<vmem>>, vector<1x16xf32>,
        %get3A_830 = vector.shape_cast %get3A_829 : vector<1x16xf32> to vector<16xf32>
        %mul3A_831 = arith.constant 16 : i32
        %mul3A_832 = arith.muli %scan3A_816, %mul3A_831 : i32
        %get3A_833 = arith.constant 2 : i32
        %get3A_834 = arith.index_cast %get3A_833 : i32 to index
        %get3A_835 = arith.index_cast %mul3A_832 : i32 to index
        %get3A_836 = tpu.vector_load %arg10[%get3A_834, %get3A_835] {strides = array<i32>} : memref<3x8192xf32, #tpu.memory_space<vmem>>, vector<1x16xf32>,
        %get3A_837 = vector.shape_cast %get3A_836 : vector<1x16xf32> to vector<16xf32>
        %mul3A_838 = arith.constant 16 : i32
        %mul3A_839 = arith.muli %scan3A_816, %mul3A_838 : i32
        %get3A_840 = arith.constant 0 : i32
        %get3A_841 = arith.index_cast %get3A_840 : i32 to index
        %get3A_842 = arith.index_cast %mul3A_839 : i32 to index
        %get3A_843 = tpu.vector_load %arg11[%get3A_841, %get3A_842] {strides = array<i32>} : memref<1x8192xf32, #tpu.memory_space<vmem>>, vector<1x16xf32>,
        %get3A_844 = vector.shape_cast %get3A_843 : vector<1x16xf32> to vector<16xf32>
        %mul3A_845 = vector.broadcast %squeeze3A_646 : f32 to vector<16xf32>
        %mul3A_846 = arith.mulf %mul3A_845, %get3A_823 : vector<16xf32>
        %mul3A_847 = vector.broadcast %squeeze3A_648 : f32 to vector<16xf32>
        %mul3A_848 = arith.mulf %mul3A_847, %get3A_830 : vector<16xf32>
        %add3A_849 = arith.addf %mul3A_846, %mul3A_848 : vector<16xf32>
        %mul3A_850 = vector.broadcast %squeeze3A_650 : f32 to vector<16xf32>
        %mul3A_851 = arith.mulf %mul3A_850, %get3A_837 : vector<16xf32>
        %add3A_852 = arith.addf %add3A_849, %mul3A_851 : vector<16xf32>
        %add3A_853 = arith.addf %add3A_852, %add3A_852 : vector<16xf32>
        %sub3A_854 = vector.broadcast %squeeze3A_652 : f32 to vector<16xf32>
        %sub3A_855 = arith.subf %sub3A_854, %add3A_853 : vector<16xf32>
        %add3A_856 = arith.addf %sub3A_855, %get3A_844 : vector<16xf32>
        %lt3A_857 = arith.cmpf olt, %add3A_856, %select_n3A_812 : vector<16xf32>
        %select_n3A_858 = arith.select %lt3A_857, %add3A_856, %select_n3A_812 : vector<16xi1>, vector<16xf32>
        %broadcast_in_dim3A_859 = vector.broadcast %scan3A_816 : i32 to vector<16xi32>
        %select_n3A_860 = arith.select %lt3A_857, %broadcast_in_dim3A_859, %select_n3A_814 : vector<16xi1>, vector<16xi32>
        %scan3A_861 = arith.constant 3 : i32
        %scan3A_862 = arith.addi %scan3A_722, %scan3A_861 : i32
        %mul3A_863 = arith.constant 16 : i32
        %mul3A_864 = arith.muli %scan3A_862, %mul3A_863 : i32
        %get3A_865 = arith.constant 0 : i32
        %get3A_866 = arith.index_cast %get3A_865 : i32 to index
        %get3A_867 = arith.index_cast %mul3A_864 : i32 to index
        %get3A_868 = tpu.vector_load %arg10[%get3A_866, %get3A_867] {strides = array<i32>} : memref<3x8192xf32, #tpu.memory_space<vmem>>, vector<1x16xf32>,
        %get3A_869 = vector.shape_cast %get3A_868 : vector<1x16xf32> to vector<16xf32>
        %mul3A_870 = arith.constant 16 : i32
        %mul3A_871 = arith.muli %scan3A_862, %mul3A_870 : i32
        %get3A_872 = arith.constant 1 : i32
        %get3A_873 = arith.index_cast %get3A_872 : i32 to index
        %get3A_874 = arith.index_cast %mul3A_871 : i32 to index
        %get3A_875 = tpu.vector_load %arg10[%get3A_873, %get3A_874] {strides = array<i32>} : memref<3x8192xf32, #tpu.memory_space<vmem>>, vector<1x16xf32>,
        %get3A_876 = vector.shape_cast %get3A_875 : vector<1x16xf32> to vector<16xf32>
        %mul3A_877 = arith.constant 16 : i32
        %mul3A_878 = arith.muli %scan3A_862, %mul3A_877 : i32
        %get3A_879 = arith.constant 2 : i32
        %get3A_880 = arith.index_cast %get3A_879 : i32 to index
        %get3A_881 = arith.index_cast %mul3A_878 : i32 to index
        %get3A_882 = tpu.vector_load %arg10[%get3A_880, %get3A_881] {strides = array<i32>} : memref<3x8192xf32, #tpu.memory_space<vmem>>, vector<1x16xf32>,
        %get3A_883 = vector.shape_cast %get3A_882 : vector<1x16xf32> to vector<16xf32>
        %mul3A_884 = arith.constant 16 : i32
        %mul3A_885 = arith.muli %scan3A_862, %mul3A_884 : i32
        %get3A_886 = arith.constant 0 : i32
        %get3A_887 = arith.index_cast %get3A_886 : i32 to index
        %get3A_888 = arith.index_cast %mul3A_885 : i32 to index
        %get3A_889 = tpu.vector_load %arg11[%get3A_887, %get3A_888] {strides = array<i32>} : memref<1x8192xf32, #tpu.memory_space<vmem>>, vector<1x16xf32>,
        %get3A_890 = vector.shape_cast %get3A_889 : vector<1x16xf32> to vector<16xf32>
        %mul3A_891 = vector.broadcast %squeeze3A_646 : f32 to vector<16xf32>
        %mul3A_892 = arith.mulf %mul3A_891, %get3A_869 : vector<16xf32>
        %mul3A_893 = vector.broadcast %squeeze3A_648 : f32 to vector<16xf32>
        %mul3A_894 = arith.mulf %mul3A_893, %get3A_876 : vector<16xf32>
        %add3A_895 = arith.addf %mul3A_892, %mul3A_894 : vector<16xf32>
        %mul3A_896 = vector.broadcast %squeeze3A_650 : f32 to vector<16xf32>
        %mul3A_897 = arith.mulf %mul3A_896, %get3A_883 : vector<16xf32>
        %add3A_898 = arith.addf %add3A_895, %mul3A_897 : vector<16xf32>
        %add3A_899 = arith.addf %add3A_898, %add3A_898 : vector<16xf32>
        %sub3A_900 = vector.broadcast %squeeze3A_652 : f32 to vector<16xf32>
        %sub3A_901 = arith.subf %sub3A_900, %add3A_899 : vector<16xf32>
        %add3A_902 = arith.addf %sub3A_901, %get3A_890 : vector<16xf32>
        %lt3A_903 = arith.cmpf olt, %add3A_902, %select_n3A_858 : vector<16xf32>
        %select_n3A_904 = arith.select %lt3A_903, %add3A_902, %select_n3A_858 : vector<16xi1>, vector<16xf32>
        %broadcast_in_dim3A_905 = vector.broadcast %scan3A_862 : i32 to vector<16xi32>
        %select_n3A_906 = arith.select %lt3A_903, %broadcast_in_dim3A_905, %select_n3A_860 : vector<16xi1>, vector<16xi32>
        scf.yield %select_n3A_904, %select_n3A_906 : vector<16xf32>, vector<16xi32>
      }
      %scan3A_662 = arith.constant 512 : i32
      %mul3A_663 = arith.constant 16 : i32
      %mul3A_664 = arith.muli %scan3A_69, %mul3A_663 : i32
      %add3A_665 = arith.constant 14 : i32
      %add3A_666 = arith.addi %mul3A_664, %add3A_665 : i32
      %mul3A_667 = arith.constant 16 : i32
      %mul3A_668 = arith.muli %add3A_666, %mul3A_667 : i32
      %swap3A_669 = arith.index_cast %mul3A_668 : i32 to index
      %swap3A_670 = tpu.vector_load %arg12[%swap3A_669] {strides = array<i32>} : memref<1024xf32, #tpu.memory_space<vmem>>, vector<16xf32>,
      %swap3A_671 = vector.shape_cast %swap3A_670 : vector<16xf32> to vector<16xf32>
      %swap3A_672 = vector.shape_cast %scan3A_661#0 : vector<16xf32> to vector<16xf32>
      tpu.vector_store %arg12[%swap3A_669], %swap3A_672 {strides = array<i32>} : memref<1024xf32, #tpu.memory_space<vmem>>, vector<16xf32>,
      %mul3A_673 = arith.constant 16 : i32
      %mul3A_674 = arith.muli %scan3A_69, %mul3A_673 : i32
      %add3A_675 = arith.constant 14 : i32
      %add3A_676 = arith.addi %mul3A_674, %add3A_675 : i32
      %mul3A_677 = arith.constant 16 : i32
      %mul3A_678 = arith.muli %add3A_676, %mul3A_677 : i32
      %swap3A_679 = arith.index_cast %mul3A_678 : i32 to index
      %swap3A_680 = tpu.vector_load %arg13[%swap3A_679] {strides = array<i32>} : memref<1024xi32, #tpu.memory_space<vmem>>, vector<16xi32>,
      %swap3A_681 = vector.shape_cast %swap3A_680 : vector<16xi32> to vector<16xi32>
      %swap3A_682 = vector.shape_cast %scan3A_661#1 : vector<16xi32> to vector<16xi32>
      tpu.vector_store %arg13[%swap3A_679], %swap3A_682 {strides = array<i32>} : memref<1024xi32, #tpu.memory_space<vmem>>, vector<16xi32>,
      %slice3A_683 = vector.extract_strided_slice %get3A_102 {offsets = [15], sizes = [1], strides = [1]} : vector<16xf32> to vector<1xf32>
      %squeeze3A_684 = vector.extract %slice3A_683[0] : f32 from vector<1xf32>
      %slice3A_685 = vector.extract_strided_slice %get3A_109 {offsets = [15], sizes = [1], strides = [1]} : vector<16xf32> to vector<1xf32>
      %squeeze3A_686 = vector.extract %slice3A_685[0] : f32 from vector<1xf32>
      %slice3A_687 = vector.extract_strided_slice %get3A_116 {offsets = [15], sizes = [1], strides = [1]} : vector<16xf32> to vector<1xf32>
      %squeeze3A_688 = vector.extract %slice3A_687[0] : f32 from vector<1xf32>
      %slice3A_689 = vector.extract_strided_slice %add3A_95 {offsets = [15], sizes = [1], strides = [1]} : vector<16xf32> to vector<1xf32>
      %squeeze3A_690 = vector.extract %slice3A_689[0] : f32 from vector<1xf32>
      %broadcast_in_dim3A_691 = arith.constant 0x7F800000 : f32
      %broadcast_in_dim3A_692 = vector.broadcast %broadcast_in_dim3A_691 : f32 to vector<16xf32>
      %broadcast_in_dim3A_693 = arith.constant 0 : i32
      %broadcast_in_dim3A_694 = vector.broadcast %broadcast_in_dim3A_693 : i32 to vector<16xi32>
      %scan3A_695 = arith.constant 0 : i32
      %scan3A_696 = arith.constant 512 : i32
      %scan3A_697 = arith.addi %scan3A_695, %scan3A_696 : i32
      %scan3A_698 = arith.constant 4 : i32
      %scan3A_699:2 = scf.for %scan3A_722 = %scan3A_695 to %scan3A_697 step %scan3A_698 iter_args(%scan3A_723 = %broadcast_in_dim3A_692, %scan3A_724 = %broadcast_in_dim3A_694) -> (vector<16xf32>, vector<16xi32>)  : i32 {
        %mul3A_725 = arith.constant 16 : i32
        %mul3A_726 = arith.muli %scan3A_722, %mul3A_725 : i32
        %get3A_727 = arith.constant 0 : i32
        %get3A_728 = arith.index_cast %get3A_727 : i32 to index
        %get3A_729 = arith.index_cast %mul3A_726 : i32 to index
        %get3A_730 = tpu.vector_load %arg10[%get3A_728, %get3A_729] {strides = array<i32>} : memref<3x8192xf32, #tpu.memory_space<vmem>>, vector<1x16xf32>,
        %get3A_731 = vector.shape_cast %get3A_730 : vector<1x16xf32> to vector<16xf32>
        %mul3A_732 = arith.constant 16 : i32
        %mul3A_733 = arith.muli %scan3A_722, %mul3A_732 : i32
        %get3A_734 = arith.constant 1 : i32
        %get3A_735 = arith.index_cast %get3A_734 : i32 to index
        %get3A_736 = arith.index_cast %mul3A_733 : i32 to index
        %get3A_737 = tpu.vector_load %arg10[%get3A_735, %get3A_736] {strides = array<i32>} : memref<3x8192xf32, #tpu.memory_space<vmem>>, vector<1x16xf32>,
        %get3A_738 = vector.shape_cast %get3A_737 : vector<1x16xf32> to vector<16xf32>
        %mul3A_739 = arith.constant 16 : i32
        %mul3A_740 = arith.muli %scan3A_722, %mul3A_739 : i32
        %get3A_741 = arith.constant 2 : i32
        %get3A_742 = arith.index_cast %get3A_741 : i32 to index
        %get3A_743 = arith.index_cast %mul3A_740 : i32 to index
        %get3A_744 = tpu.vector_load %arg10[%get3A_742, %get3A_743] {strides = array<i32>} : memref<3x8192xf32, #tpu.memory_space<vmem>>, vector<1x16xf32>,
        %get3A_745 = vector.shape_cast %get3A_744 : vector<1x16xf32> to vector<16xf32>
        %mul3A_746 = arith.constant 16 : i32
        %mul3A_747 = arith.muli %scan3A_722, %mul3A_746 : i32
        %get3A_748 = arith.constant 0 : i32
        %get3A_749 = arith.index_cast %get3A_748 : i32 to index
        %get3A_750 = arith.index_cast %mul3A_747 : i32 to index
        %get3A_751 = tpu.vector_load %arg11[%get3A_749, %get3A_750] {strides = array<i32>} : memref<1x8192xf32, #tpu.memory_space<vmem>>, vector<1x16xf32>,
        %get3A_752 = vector.shape_cast %get3A_751 : vector<1x16xf32> to vector<16xf32>
        %mul3A_753 = vector.broadcast %squeeze3A_684 : f32 to vector<16xf32>
        %mul3A_754 = arith.mulf %mul3A_753, %get3A_731 : vector<16xf32>
        %mul3A_755 = vector.broadcast %squeeze3A_686 : f32 to vector<16xf32>
        %mul3A_756 = arith.mulf %mul3A_755, %get3A_738 : vector<16xf32>
        %add3A_757 = arith.addf %mul3A_754, %mul3A_756 : vector<16xf32>
        %mul3A_758 = vector.broadcast %squeeze3A_688 : f32 to vector<16xf32>
        %mul3A_759 = arith.mulf %mul3A_758, %get3A_745 : vector<16xf32>
        %add3A_760 = arith.addf %add3A_757, %mul3A_759 : vector<16xf32>
        %add3A_761 = arith.addf %add3A_760, %add3A_760 : vector<16xf32>
        %sub3A_762 = vector.broadcast %squeeze3A_690 : f32 to vector<16xf32>
        %sub3A_763 = arith.subf %sub3A_762, %add3A_761 : vector<16xf32>
        %add3A_764 = arith.addf %sub3A_763, %get3A_752 : vector<16xf32>
        %lt3A_765 = arith.cmpf olt, %add3A_764, %scan3A_723 : vector<16xf32>
        %select_n3A_766 = arith.select %lt3A_765, %add3A_764, %scan3A_723 : vector<16xi1>, vector<16xf32>
        %broadcast_in_dim3A_767 = vector.broadcast %scan3A_722 : i32 to vector<16xi32>
        %select_n3A_768 = arith.select %lt3A_765, %broadcast_in_dim3A_767, %scan3A_724 : vector<16xi1>, vector<16xi32>
        %scan3A_769 = arith.constant 1 : i32
        %scan3A_770 = arith.addi %scan3A_722, %scan3A_769 : i32
        %mul3A_771 = arith.constant 16 : i32
        %mul3A_772 = arith.muli %scan3A_770, %mul3A_771 : i32
        %get3A_773 = arith.constant 0 : i32
        %get3A_774 = arith.index_cast %get3A_773 : i32 to index
        %get3A_775 = arith.index_cast %mul3A_772 : i32 to index
        %get3A_776 = tpu.vector_load %arg10[%get3A_774, %get3A_775] {strides = array<i32>} : memref<3x8192xf32, #tpu.memory_space<vmem>>, vector<1x16xf32>,
        %get3A_777 = vector.shape_cast %get3A_776 : vector<1x16xf32> to vector<16xf32>
        %mul3A_778 = arith.constant 16 : i32
        %mul3A_779 = arith.muli %scan3A_770, %mul3A_778 : i32
        %get3A_780 = arith.constant 1 : i32
        %get3A_781 = arith.index_cast %get3A_780 : i32 to index
        %get3A_782 = arith.index_cast %mul3A_779 : i32 to index
        %get3A_783 = tpu.vector_load %arg10[%get3A_781, %get3A_782] {strides = array<i32>} : memref<3x8192xf32, #tpu.memory_space<vmem>>, vector<1x16xf32>,
        %get3A_784 = vector.shape_cast %get3A_783 : vector<1x16xf32> to vector<16xf32>
        %mul3A_785 = arith.constant 16 : i32
        %mul3A_786 = arith.muli %scan3A_770, %mul3A_785 : i32
        %get3A_787 = arith.constant 2 : i32
        %get3A_788 = arith.index_cast %get3A_787 : i32 to index
        %get3A_789 = arith.index_cast %mul3A_786 : i32 to index
        %get3A_790 = tpu.vector_load %arg10[%get3A_788, %get3A_789] {strides = array<i32>} : memref<3x8192xf32, #tpu.memory_space<vmem>>, vector<1x16xf32>,
        %get3A_791 = vector.shape_cast %get3A_790 : vector<1x16xf32> to vector<16xf32>
        %mul3A_792 = arith.constant 16 : i32
        %mul3A_793 = arith.muli %scan3A_770, %mul3A_792 : i32
        %get3A_794 = arith.constant 0 : i32
        %get3A_795 = arith.index_cast %get3A_794 : i32 to index
        %get3A_796 = arith.index_cast %mul3A_793 : i32 to index
        %get3A_797 = tpu.vector_load %arg11[%get3A_795, %get3A_796] {strides = array<i32>} : memref<1x8192xf32, #tpu.memory_space<vmem>>, vector<1x16xf32>,
        %get3A_798 = vector.shape_cast %get3A_797 : vector<1x16xf32> to vector<16xf32>
        %mul3A_799 = vector.broadcast %squeeze3A_684 : f32 to vector<16xf32>
        %mul3A_800 = arith.mulf %mul3A_799, %get3A_777 : vector<16xf32>
        %mul3A_801 = vector.broadcast %squeeze3A_686 : f32 to vector<16xf32>
        %mul3A_802 = arith.mulf %mul3A_801, %get3A_784 : vector<16xf32>
        %add3A_803 = arith.addf %mul3A_800, %mul3A_802 : vector<16xf32>
        %mul3A_804 = vector.broadcast %squeeze3A_688 : f32 to vector<16xf32>
        %mul3A_805 = arith.mulf %mul3A_804, %get3A_791 : vector<16xf32>
        %add3A_806 = arith.addf %add3A_803, %mul3A_805 : vector<16xf32>
        %add3A_807 = arith.addf %add3A_806, %add3A_806 : vector<16xf32>
        %sub3A_808 = vector.broadcast %squeeze3A_690 : f32 to vector<16xf32>
        %sub3A_809 = arith.subf %sub3A_808, %add3A_807 : vector<16xf32>
        %add3A_810 = arith.addf %sub3A_809, %get3A_798 : vector<16xf32>
        %lt3A_811 = arith.cmpf olt, %add3A_810, %select_n3A_766 : vector<16xf32>
        %select_n3A_812 = arith.select %lt3A_811, %add3A_810, %select_n3A_766 : vector<16xi1>, vector<16xf32>
        %broadcast_in_dim3A_813 = vector.broadcast %scan3A_770 : i32 to vector<16xi32>
        %select_n3A_814 = arith.select %lt3A_811, %broadcast_in_dim3A_813, %select_n3A_768 : vector<16xi1>, vector<16xi32>
        %scan3A_815 = arith.constant 2 : i32
        %scan3A_816 = arith.addi %scan3A_722, %scan3A_815 : i32
        %mul3A_817 = arith.constant 16 : i32
        %mul3A_818 = arith.muli %scan3A_816, %mul3A_817 : i32
        %get3A_819 = arith.constant 0 : i32
        %get3A_820 = arith.index_cast %get3A_819 : i32 to index
        %get3A_821 = arith.index_cast %mul3A_818 : i32 to index
        %get3A_822 = tpu.vector_load %arg10[%get3A_820, %get3A_821] {strides = array<i32>} : memref<3x8192xf32, #tpu.memory_space<vmem>>, vector<1x16xf32>,
        %get3A_823 = vector.shape_cast %get3A_822 : vector<1x16xf32> to vector<16xf32>
        %mul3A_824 = arith.constant 16 : i32
        %mul3A_825 = arith.muli %scan3A_816, %mul3A_824 : i32
        %get3A_826 = arith.constant 1 : i32
        %get3A_827 = arith.index_cast %get3A_826 : i32 to index
        %get3A_828 = arith.index_cast %mul3A_825 : i32 to index
        %get3A_829 = tpu.vector_load %arg10[%get3A_827, %get3A_828] {strides = array<i32>} : memref<3x8192xf32, #tpu.memory_space<vmem>>, vector<1x16xf32>,
        %get3A_830 = vector.shape_cast %get3A_829 : vector<1x16xf32> to vector<16xf32>
        %mul3A_831 = arith.constant 16 : i32
        %mul3A_832 = arith.muli %scan3A_816, %mul3A_831 : i32
        %get3A_833 = arith.constant 2 : i32
        %get3A_834 = arith.index_cast %get3A_833 : i32 to index
        %get3A_835 = arith.index_cast %mul3A_832 : i32 to index
        %get3A_836 = tpu.vector_load %arg10[%get3A_834, %get3A_835] {strides = array<i32>} : memref<3x8192xf32, #tpu.memory_space<vmem>>, vector<1x16xf32>,
        %get3A_837 = vector.shape_cast %get3A_836 : vector<1x16xf32> to vector<16xf32>
        %mul3A_838 = arith.constant 16 : i32
        %mul3A_839 = arith.muli %scan3A_816, %mul3A_838 : i32
        %get3A_840 = arith.constant 0 : i32
        %get3A_841 = arith.index_cast %get3A_840 : i32 to index
        %get3A_842 = arith.index_cast %mul3A_839 : i32 to index
        %get3A_843 = tpu.vector_load %arg11[%get3A_841, %get3A_842] {strides = array<i32>} : memref<1x8192xf32, #tpu.memory_space<vmem>>, vector<1x16xf32>,
        %get3A_844 = vector.shape_cast %get3A_843 : vector<1x16xf32> to vector<16xf32>
        %mul3A_845 = vector.broadcast %squeeze3A_684 : f32 to vector<16xf32>
        %mul3A_846 = arith.mulf %mul3A_845, %get3A_823 : vector<16xf32>
        %mul3A_847 = vector.broadcast %squeeze3A_686 : f32 to vector<16xf32>
        %mul3A_848 = arith.mulf %mul3A_847, %get3A_830 : vector<16xf32>
        %add3A_849 = arith.addf %mul3A_846, %mul3A_848 : vector<16xf32>
        %mul3A_850 = vector.broadcast %squeeze3A_688 : f32 to vector<16xf32>
        %mul3A_851 = arith.mulf %mul3A_850, %get3A_837 : vector<16xf32>
        %add3A_852 = arith.addf %add3A_849, %mul3A_851 : vector<16xf32>
        %add3A_853 = arith.addf %add3A_852, %add3A_852 : vector<16xf32>
        %sub3A_854 = vector.broadcast %squeeze3A_690 : f32 to vector<16xf32>
        %sub3A_855 = arith.subf %sub3A_854, %add3A_853 : vector<16xf32>
        %add3A_856 = arith.addf %sub3A_855, %get3A_844 : vector<16xf32>
        %lt3A_857 = arith.cmpf olt, %add3A_856, %select_n3A_812 : vector<16xf32>
        %select_n3A_858 = arith.select %lt3A_857, %add3A_856, %select_n3A_812 : vector<16xi1>, vector<16xf32>
        %broadcast_in_dim3A_859 = vector.broadcast %scan3A_816 : i32 to vector<16xi32>
        %select_n3A_860 = arith.select %lt3A_857, %broadcast_in_dim3A_859, %select_n3A_814 : vector<16xi1>, vector<16xi32>
        %scan3A_861 = arith.constant 3 : i32
        %scan3A_862 = arith.addi %scan3A_722, %scan3A_861 : i32
        %mul3A_863 = arith.constant 16 : i32
        %mul3A_864 = arith.muli %scan3A_862, %mul3A_863 : i32
        %get3A_865 = arith.constant 0 : i32
        %get3A_866 = arith.index_cast %get3A_865 : i32 to index
        %get3A_867 = arith.index_cast %mul3A_864 : i32 to index
        %get3A_868 = tpu.vector_load %arg10[%get3A_866, %get3A_867] {strides = array<i32>} : memref<3x8192xf32, #tpu.memory_space<vmem>>, vector<1x16xf32>,
        %get3A_869 = vector.shape_cast %get3A_868 : vector<1x16xf32> to vector<16xf32>
        %mul3A_870 = arith.constant 16 : i32
        %mul3A_871 = arith.muli %scan3A_862, %mul3A_870 : i32
        %get3A_872 = arith.constant 1 : i32
        %get3A_873 = arith.index_cast %get3A_872 : i32 to index
        %get3A_874 = arith.index_cast %mul3A_871 : i32 to index
        %get3A_875 = tpu.vector_load %arg10[%get3A_873, %get3A_874] {strides = array<i32>} : memref<3x8192xf32, #tpu.memory_space<vmem>>, vector<1x16xf32>,
        %get3A_876 = vector.shape_cast %get3A_875 : vector<1x16xf32> to vector<16xf32>
        %mul3A_877 = arith.constant 16 : i32
        %mul3A_878 = arith.muli %scan3A_862, %mul3A_877 : i32
        %get3A_879 = arith.constant 2 : i32
        %get3A_880 = arith.index_cast %get3A_879 : i32 to index
        %get3A_881 = arith.index_cast %mul3A_878 : i32 to index
        %get3A_882 = tpu.vector_load %arg10[%get3A_880, %get3A_881] {strides = array<i32>} : memref<3x8192xf32, #tpu.memory_space<vmem>>, vector<1x16xf32>,
        %get3A_883 = vector.shape_cast %get3A_882 : vector<1x16xf32> to vector<16xf32>
        %mul3A_884 = arith.constant 16 : i32
        %mul3A_885 = arith.muli %scan3A_862, %mul3A_884 : i32
        %get3A_886 = arith.constant 0 : i32
        %get3A_887 = arith.index_cast %get3A_886 : i32 to index
        %get3A_888 = arith.index_cast %mul3A_885 : i32 to index
        %get3A_889 = tpu.vector_load %arg11[%get3A_887, %get3A_888] {strides = array<i32>} : memref<1x8192xf32, #tpu.memory_space<vmem>>, vector<1x16xf32>,
        %get3A_890 = vector.shape_cast %get3A_889 : vector<1x16xf32> to vector<16xf32>
        %mul3A_891 = vector.broadcast %squeeze3A_684 : f32 to vector<16xf32>
        %mul3A_892 = arith.mulf %mul3A_891, %get3A_869 : vector<16xf32>
        %mul3A_893 = vector.broadcast %squeeze3A_686 : f32 to vector<16xf32>
        %mul3A_894 = arith.mulf %mul3A_893, %get3A_876 : vector<16xf32>
        %add3A_895 = arith.addf %mul3A_892, %mul3A_894 : vector<16xf32>
        %mul3A_896 = vector.broadcast %squeeze3A_688 : f32 to vector<16xf32>
        %mul3A_897 = arith.mulf %mul3A_896, %get3A_883 : vector<16xf32>
        %add3A_898 = arith.addf %add3A_895, %mul3A_897 : vector<16xf32>
        %add3A_899 = arith.addf %add3A_898, %add3A_898 : vector<16xf32>
        %sub3A_900 = vector.broadcast %squeeze3A_690 : f32 to vector<16xf32>
        %sub3A_901 = arith.subf %sub3A_900, %add3A_899 : vector<16xf32>
        %add3A_902 = arith.addf %sub3A_901, %get3A_890 : vector<16xf32>
        %lt3A_903 = arith.cmpf olt, %add3A_902, %select_n3A_858 : vector<16xf32>
        %select_n3A_904 = arith.select %lt3A_903, %add3A_902, %select_n3A_858 : vector<16xi1>, vector<16xf32>
        %broadcast_in_dim3A_905 = vector.broadcast %scan3A_862 : i32 to vector<16xi32>
        %select_n3A_906 = arith.select %lt3A_903, %broadcast_in_dim3A_905, %select_n3A_860 : vector<16xi1>, vector<16xi32>
        scf.yield %select_n3A_904, %select_n3A_906 : vector<16xf32>, vector<16xi32>
      }
      %scan3A_700 = arith.constant 512 : i32
      %mul3A_701 = arith.constant 16 : i32
      %mul3A_702 = arith.muli %scan3A_69, %mul3A_701 : i32
      %add3A_703 = arith.constant 15 : i32
      %add3A_704 = arith.addi %mul3A_702, %add3A_703 : i32
      %mul3A_705 = arith.constant 16 : i32
      %mul3A_706 = arith.muli %add3A_704, %mul3A_705 : i32
      %swap3A_707 = arith.index_cast %mul3A_706 : i32 to index
      %swap3A_708 = tpu.vector_load %arg12[%swap3A_707] {strides = array<i32>} : memref<1024xf32, #tpu.memory_space<vmem>>, vector<16xf32>,
      %swap3A_709 = vector.shape_cast %swap3A_708 : vector<16xf32> to vector<16xf32>
      %swap3A_710 = vector.shape_cast %scan3A_699#0 : vector<16xf32> to vector<16xf32>
      tpu.vector_store %arg12[%swap3A_707], %swap3A_710 {strides = array<i32>} : memref<1024xf32, #tpu.memory_space<vmem>>, vector<16xf32>,
      %mul3A_711 = arith.constant 16 : i32
      %mul3A_712 = arith.muli %scan3A_69, %mul3A_711 : i32
      %add3A_713 = arith.constant 15 : i32
      %add3A_714 = arith.addi %mul3A_712, %add3A_713 : i32
      %mul3A_715 = arith.constant 16 : i32
      %mul3A_716 = arith.muli %add3A_714, %mul3A_715 : i32
      %swap3A_717 = arith.index_cast %mul3A_716 : i32 to index
      %swap3A_718 = tpu.vector_load %arg13[%swap3A_717] {strides = array<i32>} : memref<1024xi32, #tpu.memory_space<vmem>>, vector<16xi32>,
      %swap3A_719 = vector.shape_cast %swap3A_718 : vector<16xi32> to vector<16xi32>
      %swap3A_720 = vector.shape_cast %scan3A_699#1 : vector<16xi32> to vector<16xi32>
      tpu.vector_store %arg13[%swap3A_717], %swap3A_720 {strides = array<i32>} : memref<1024xi32, #tpu.memory_space<vmem>>, vector<16xi32>,
      %scan3A_721 = arith.constant 0 : i32
      scf.yield %scan3A_721 : i32
    }
    %scan3A_60 = arith.constant 4 : i32
    %mul3A_61 = arith.constant 64 : i32
    %mul3A_62 = arith.muli %select_n3A_30, %mul3A_61 : i32
    %mul3A_63 = arith.constant 16 : i32
    %mul3A_64 = arith.muli %mul3A_62, %mul3A_63 : i32
    "tpu.region"() ({
      %run_scoped3A = tpu.sem_alloc : memref<!tpu.dma_semaphore, #tpu.memory_space<semaphore_mem>>
      %dma_start3A = tpu.memref_slice %arg6[%select_n3A, %mul3A_64] : memref<8x4096xf32, #tpu.memory_space<hbm>> -> memref<1x1024xf32, #tpu.memory_space<hbm>>
      %dma_start3A_69 = tpu.memref_squeeze %dma_start3A : memref<1x1024xf32, #tpu.memory_space<hbm>> -> memref<1024xf32, #tpu.memory_space<hbm>>
      %dma_start3A_70 = tpu.memref_slice %arg6[%select_n3A, %mul3A_64] : memref<8x4096xf32, #tpu.memory_space<hbm>> -> memref<1x1024xf32, #tpu.memory_space<hbm>>
      %dma_start3A_71 = tpu.memref_squeeze %dma_start3A_70 : memref<1x1024xf32, #tpu.memory_space<hbm>> -> memref<1024xf32, #tpu.memory_space<hbm>>
      tpu.enqueue_dma source(%arg12 : memref<1024xf32, #tpu.memory_space<vmem>>) target(%dma_start3A_71 : memref<1024xf32, #tpu.memory_space<hbm>>) target_semaphore(%run_scoped3A : memref<!tpu.dma_semaphore, #tpu.memory_space<semaphore_mem>>)
      %dma_wait3A = tpu.memref_slice %arg6[%select_n3A, %mul3A_64] : memref<8x4096xf32, #tpu.memory_space<hbm>> -> memref<1x1024xf32, #tpu.memory_space<hbm>>
      %dma_wait3A_72 = tpu.memref_squeeze %dma_wait3A : memref<1x1024xf32, #tpu.memory_space<hbm>> -> memref<1024xf32, #tpu.memory_space<hbm>>
      %dma_wait3A_73 = tpu.memref_slice %arg6[%select_n3A, %mul3A_64] : memref<8x4096xf32, #tpu.memory_space<hbm>> -> memref<1x1024xf32, #tpu.memory_space<hbm>>
      %dma_wait3A_74 = tpu.memref_squeeze %dma_wait3A_73 : memref<1x1024xf32, #tpu.memory_space<hbm>> -> memref<1024xf32, #tpu.memory_space<hbm>>
      tpu.wait_dma2 semaphore(%run_scoped3A : memref<!tpu.dma_semaphore, #tpu.memory_space<semaphore_mem>>) src(%arg12 : memref<1024xf32, #tpu.memory_space<vmem>>) dst(%dma_wait3A_74 : memref<1024xf32, #tpu.memory_space<hbm>>)
      tpu.yield
    }) : () -> ()
    %mul3A_65 = arith.constant 64 : i32
    %mul3A_66 = arith.muli %select_n3A_30, %mul3A_65 : i32
    %mul3A_67 = arith.constant 16 : i32
    %mul3A_68 = arith.muli %mul3A_66, %mul3A_67 : i32
    "tpu.region"() ({
      %run_scoped3A = tpu.sem_alloc : memref<!tpu.dma_semaphore, #tpu.memory_space<semaphore_mem>>
      %dma_start3A = tpu.memref_slice %arg7[%select_n3A, %mul3A_68] : memref<8x4096xi32, #tpu.memory_space<hbm>> -> memref<1x1024xi32, #tpu.memory_space<hbm>>
      %dma_start3A_69 = tpu.memref_squeeze %dma_start3A : memref<1x1024xi32, #tpu.memory_space<hbm>> -> memref<1024xi32, #tpu.memory_space<hbm>>
      %dma_start3A_70 = tpu.memref_slice %arg7[%select_n3A, %mul3A_68] : memref<8x4096xi32, #tpu.memory_space<hbm>> -> memref<1x1024xi32, #tpu.memory_space<hbm>>
      %dma_start3A_71 = tpu.memref_squeeze %dma_start3A_70 : memref<1x1024xi32, #tpu.memory_space<hbm>> -> memref<1024xi32, #tpu.memory_space<hbm>>
      tpu.enqueue_dma source(%arg13 : memref<1024xi32, #tpu.memory_space<vmem>>) target(%dma_start3A_71 : memref<1024xi32, #tpu.memory_space<hbm>>) target_semaphore(%run_scoped3A : memref<!tpu.dma_semaphore, #tpu.memory_space<semaphore_mem>>)
      %dma_wait3A = tpu.memref_slice %arg7[%select_n3A, %mul3A_68] : memref<8x4096xi32, #tpu.memory_space<hbm>> -> memref<1x1024xi32, #tpu.memory_space<hbm>>
      %dma_wait3A_72 = tpu.memref_squeeze %dma_wait3A : memref<1x1024xi32, #tpu.memory_space<hbm>> -> memref<1024xi32, #tpu.memory_space<hbm>>
      %dma_wait3A_73 = tpu.memref_slice %arg7[%select_n3A, %mul3A_68] : memref<8x4096xi32, #tpu.memory_space<hbm>> -> memref<1x1024xi32, #tpu.memory_space<hbm>>
      %dma_wait3A_74 = tpu.memref_squeeze %dma_wait3A_73 : memref<1x1024xi32, #tpu.memory_space<hbm>> -> memref<1024xi32, #tpu.memory_space<hbm>>
      tpu.wait_dma2 semaphore(%run_scoped3A : memref<!tpu.dma_semaphore, #tpu.memory_space<semaphore_mem>>) src(%arg13 : memref<1024xi32, #tpu.memory_space<vmem>>) dst(%dma_wait3A_74 : memref<1024xi32, #tpu.memory_space<hbm>>)
      tpu.yield
    }) : () -> ()
    return
  }
}

module attributes {stable_mosaic.version = 14 : i64} {
  func.func @_nn_body(%arg0: i32, %arg1: i32, %arg2: memref<1x256x3xf32, #tpu.memory_space<vmem>>, %arg3: memref<1x3x8192xf32, #tpu.memory_space<vmem>>, %arg4: memref<1x1x256xi32, #tpu.memory_space<vmem>>) attributes {dimension_semantics = [#tpu.dimension_semantics<arbitrary>, #tpu.dimension_semantics<arbitrary>], iteration_bounds = array<i64: 8, 7>, scalar_prefetch = 0 : i64, scratch_operands = 0 : i64, tpu.core_type = #tpu.core_type<tc>, window_params = [{transform_indices = @transform_0, window_bounds = array<i64: 1, 256, 3>}, {transform_indices = @transform_1, window_bounds = array<i64: 1, 3, 8192>}, {transform_indices = @transform_2, window_bounds = array<i64: 1, 1, 256>}]} {
    %get3A = arith.constant 0 : index
    %get3A_0 = arith.constant 0 : index
    %get3A_1 = arith.constant 0 : index
    %get3A_2 = vector.load %arg2[%get3A, %get3A_0, %get3A_1] : memref<1x256x3xf32, #tpu.memory_space<vmem>>, vector<1x256x3xf32>
    %get3A_3 = vector.shape_cast %get3A_2 : vector<1x256x3xf32> to vector<256x3xf32>
    %convert_element_type3A = arith.truncf %get3A_3 : vector<256x3xf32> to vector<256x3xbf16>
    %mul3A = arith.constant -2.000000e+00 : bf16
    %mul3A_4 = vector.broadcast %mul3A : bf16 to vector<256x3xbf16>
    %mul3A_5 = arith.mulf %convert_element_type3A, %mul3A_4 : vector<256x3xbf16>
    %slice3A = vector.extract_strided_slice %get3A_3 {offsets = [0, 0], sizes = [256, 1], strides = [1, 1]} : vector<256x3xf32> to vector<256x1xf32>
    %slice3A_6 = vector.extract_strided_slice %get3A_3 {offsets = [0, 1], sizes = [256, 1], strides = [1, 1]} : vector<256x3xf32> to vector<256x1xf32>
    %slice3A_7 = vector.extract_strided_slice %get3A_3 {offsets = [0, 2], sizes = [256, 1], strides = [1, 1]} : vector<256x3xf32> to vector<256x1xf32>
    %mul3A_8 = arith.mulf %slice3A, %slice3A : vector<256x1xf32>
    %mul3A_9 = arith.mulf %slice3A_6, %slice3A_6 : vector<256x1xf32>
    %add3A = arith.addf %mul3A_8, %mul3A_9 : vector<256x1xf32>
    %mul3A_10 = arith.mulf %slice3A_7, %slice3A_7 : vector<256x1xf32>
    %add3A_11 = arith.addf %add3A, %mul3A_10 : vector<256x1xf32>
    %get3A_12 = arith.constant 0 : index
    %get3A_13 = arith.constant 0 : index
    %get3A_14 = arith.constant 0 : index
    %get3A_15 = vector.load %arg3[%get3A_12, %get3A_13, %get3A_14] : memref<1x3x8192xf32, #tpu.memory_space<vmem>>, vector<1x3x512xf32>
    %get3A_16 = vector.shape_cast %get3A_15 : vector<1x3x512xf32> to vector<3x512xf32>
    %convert_element_type3A_17 = arith.truncf %get3A_16 : vector<3x512xf32> to vector<3x512xbf16>
    %dot_general3A = arith.constant dense<0.000000e+00> : vector<256x512xf32>
    %dot_general3A_18 = tpu.matmul %mul3A_5, %convert_element_type3A_17, %dot_general3A {dimension_numbers = #tpu.dot_dimension_numbers<[1], [0], [0], [1], [0, 0, 1, 1], [], []>, transpose_lhs_hint = false} : vector<256x3xbf16>, vector<3x512xbf16>, vector<256x512xf32> -> vector<256x512xf32>
    %slice3A_19 = vector.extract_strided_slice %get3A_16 {offsets = [0, 0], sizes = [1, 512], strides = [1, 1]} : vector<3x512xf32> to vector<1x512xf32>
    %slice3A_20 = vector.extract_strided_slice %get3A_16 {offsets = [1, 0], sizes = [1, 512], strides = [1, 1]} : vector<3x512xf32> to vector<1x512xf32>
    %slice3A_21 = vector.extract_strided_slice %get3A_16 {offsets = [2, 0], sizes = [1, 512], strides = [1, 1]} : vector<3x512xf32> to vector<1x512xf32>
    %mul3A_22 = arith.mulf %slice3A_19, %slice3A_19 : vector<1x512xf32>
    %mul3A_23 = arith.mulf %slice3A_20, %slice3A_20 : vector<1x512xf32>
    %add3A_24 = arith.addf %mul3A_22, %mul3A_23 : vector<1x512xf32>
    %mul3A_25 = arith.mulf %slice3A_21, %slice3A_21 : vector<1x512xf32>
    %add3A_26 = arith.addf %add3A_24, %mul3A_25 : vector<1x512xf32>
    %add3A_27 = vector.broadcast %add3A_11 : vector<256x1xf32> to vector<256x512xf32>
    %add3A_28 = arith.addf %add3A_27, %dot_general3A_18 : vector<256x512xf32>
    %add3A_29 = vector.broadcast %add3A_26 : vector<1x512xf32> to vector<256x512xf32>
    %add3A_30 = arith.addf %add3A_28, %add3A_29 : vector<256x512xf32>
    %get3A_31 = arith.constant 0 : index
    %get3A_32 = arith.constant 0 : index
    %get3A_33 = arith.constant 512 : index
    %get3A_34 = vector.load %arg3[%get3A_31, %get3A_32, %get3A_33] : memref<1x3x8192xf32, #tpu.memory_space<vmem>>, vector<1x3x512xf32>
    %get3A_35 = vector.shape_cast %get3A_34 : vector<1x3x512xf32> to vector<3x512xf32>
    %convert_element_type3A_36 = arith.truncf %get3A_35 : vector<3x512xf32> to vector<3x512xbf16>
    %dot_general3A_37 = arith.constant dense<0.000000e+00> : vector<256x512xf32>
    %dot_general3A_38 = tpu.matmul %mul3A_5, %convert_element_type3A_36, %dot_general3A_37 {dimension_numbers = #tpu.dot_dimension_numbers<[1], [0], [0], [1], [0, 0, 1, 1], [], []>, transpose_lhs_hint = false} : vector<256x3xbf16>, vector<3x512xbf16>, vector<256x512xf32> -> vector<256x512xf32>
    %slice3A_39 = vector.extract_strided_slice %get3A_35 {offsets = [0, 0], sizes = [1, 512], strides = [1, 1]} : vector<3x512xf32> to vector<1x512xf32>
    %slice3A_40 = vector.extract_strided_slice %get3A_35 {offsets = [1, 0], sizes = [1, 512], strides = [1, 1]} : vector<3x512xf32> to vector<1x512xf32>
    %slice3A_41 = vector.extract_strided_slice %get3A_35 {offsets = [2, 0], sizes = [1, 512], strides = [1, 1]} : vector<3x512xf32> to vector<1x512xf32>
    %mul3A_42 = arith.mulf %slice3A_39, %slice3A_39 : vector<1x512xf32>
    %mul3A_43 = arith.mulf %slice3A_40, %slice3A_40 : vector<1x512xf32>
    %add3A_44 = arith.addf %mul3A_42, %mul3A_43 : vector<1x512xf32>
    %mul3A_45 = arith.mulf %slice3A_41, %slice3A_41 : vector<1x512xf32>
    %add3A_46 = arith.addf %add3A_44, %mul3A_45 : vector<1x512xf32>
    %add3A_47 = vector.broadcast %add3A_11 : vector<256x1xf32> to vector<256x512xf32>
    %add3A_48 = arith.addf %add3A_47, %dot_general3A_38 : vector<256x512xf32>
    %add3A_49 = vector.broadcast %add3A_46 : vector<1x512xf32> to vector<256x512xf32>
    %add3A_50 = arith.addf %add3A_48, %add3A_49 : vector<256x512xf32>
    %get3A_51 = arith.constant 0 : index
    %get3A_52 = arith.constant 0 : index
    %get3A_53 = arith.constant 1024 : index
    %get3A_54 = vector.load %arg3[%get3A_51, %get3A_52, %get3A_53] : memref<1x3x8192xf32, #tpu.memory_space<vmem>>, vector<1x3x512xf32>
    %get3A_55 = vector.shape_cast %get3A_54 : vector<1x3x512xf32> to vector<3x512xf32>
    %convert_element_type3A_56 = arith.truncf %get3A_55 : vector<3x512xf32> to vector<3x512xbf16>
    %dot_general3A_57 = arith.constant dense<0.000000e+00> : vector<256x512xf32>
    %dot_general3A_58 = tpu.matmul %mul3A_5, %convert_element_type3A_56, %dot_general3A_57 {dimension_numbers = #tpu.dot_dimension_numbers<[1], [0], [0], [1], [0, 0, 1, 1], [], []>, transpose_lhs_hint = false} : vector<256x3xbf16>, vector<3x512xbf16>, vector<256x512xf32> -> vector<256x512xf32>
    %slice3A_59 = vector.extract_strided_slice %get3A_55 {offsets = [0, 0], sizes = [1, 512], strides = [1, 1]} : vector<3x512xf32> to vector<1x512xf32>
    %slice3A_60 = vector.extract_strided_slice %get3A_55 {offsets = [1, 0], sizes = [1, 512], strides = [1, 1]} : vector<3x512xf32> to vector<1x512xf32>
    %slice3A_61 = vector.extract_strided_slice %get3A_55 {offsets = [2, 0], sizes = [1, 512], strides = [1, 1]} : vector<3x512xf32> to vector<1x512xf32>
    %mul3A_62 = arith.mulf %slice3A_59, %slice3A_59 : vector<1x512xf32>
    %mul3A_63 = arith.mulf %slice3A_60, %slice3A_60 : vector<1x512xf32>
    %add3A_64 = arith.addf %mul3A_62, %mul3A_63 : vector<1x512xf32>
    %mul3A_65 = arith.mulf %slice3A_61, %slice3A_61 : vector<1x512xf32>
    %add3A_66 = arith.addf %add3A_64, %mul3A_65 : vector<1x512xf32>
    %add3A_67 = vector.broadcast %add3A_11 : vector<256x1xf32> to vector<256x512xf32>
    %add3A_68 = arith.addf %add3A_67, %dot_general3A_58 : vector<256x512xf32>
    %add3A_69 = vector.broadcast %add3A_66 : vector<1x512xf32> to vector<256x512xf32>
    %add3A_70 = arith.addf %add3A_68, %add3A_69 : vector<256x512xf32>
    %get3A_71 = arith.constant 0 : index
    %get3A_72 = arith.constant 0 : index
    %get3A_73 = arith.constant 1536 : index
    %get3A_74 = vector.load %arg3[%get3A_71, %get3A_72, %get3A_73] : memref<1x3x8192xf32, #tpu.memory_space<vmem>>, vector<1x3x512xf32>
    %get3A_75 = vector.shape_cast %get3A_74 : vector<1x3x512xf32> to vector<3x512xf32>
    %convert_element_type3A_76 = arith.truncf %get3A_75 : vector<3x512xf32> to vector<3x512xbf16>
    %dot_general3A_77 = arith.constant dense<0.000000e+00> : vector<256x512xf32>
    %dot_general3A_78 = tpu.matmul %mul3A_5, %convert_element_type3A_76, %dot_general3A_77 {dimension_numbers = #tpu.dot_dimension_numbers<[1], [0], [0], [1], [0, 0, 1, 1], [], []>, transpose_lhs_hint = false} : vector<256x3xbf16>, vector<3x512xbf16>, vector<256x512xf32> -> vector<256x512xf32>
    %slice3A_79 = vector.extract_strided_slice %get3A_75 {offsets = [0, 0], sizes = [1, 512], strides = [1, 1]} : vector<3x512xf32> to vector<1x512xf32>
    %slice3A_80 = vector.extract_strided_slice %get3A_75 {offsets = [1, 0], sizes = [1, 512], strides = [1, 1]} : vector<3x512xf32> to vector<1x512xf32>
    %slice3A_81 = vector.extract_strided_slice %get3A_75 {offsets = [2, 0], sizes = [1, 512], strides = [1, 1]} : vector<3x512xf32> to vector<1x512xf32>
    %mul3A_82 = arith.mulf %slice3A_79, %slice3A_79 : vector<1x512xf32>
    %mul3A_83 = arith.mulf %slice3A_80, %slice3A_80 : vector<1x512xf32>
    %add3A_84 = arith.addf %mul3A_82, %mul3A_83 : vector<1x512xf32>
    %mul3A_85 = arith.mulf %slice3A_81, %slice3A_81 : vector<1x512xf32>
    %add3A_86 = arith.addf %add3A_84, %mul3A_85 : vector<1x512xf32>
    %add3A_87 = vector.broadcast %add3A_11 : vector<256x1xf32> to vector<256x512xf32>
    %add3A_88 = arith.addf %add3A_87, %dot_general3A_78 : vector<256x512xf32>
    %add3A_89 = vector.broadcast %add3A_86 : vector<1x512xf32> to vector<256x512xf32>
    %add3A_90 = arith.addf %add3A_88, %add3A_89 : vector<256x512xf32>
    %get3A_91 = arith.constant 0 : index
    %get3A_92 = arith.constant 0 : index
    %get3A_93 = arith.constant 2048 : index
    %get3A_94 = vector.load %arg3[%get3A_91, %get3A_92, %get3A_93] : memref<1x3x8192xf32, #tpu.memory_space<vmem>>, vector<1x3x512xf32>
    %get3A_95 = vector.shape_cast %get3A_94 : vector<1x3x512xf32> to vector<3x512xf32>
    %convert_element_type3A_96 = arith.truncf %get3A_95 : vector<3x512xf32> to vector<3x512xbf16>
    %dot_general3A_97 = arith.constant dense<0.000000e+00> : vector<256x512xf32>
    %dot_general3A_98 = tpu.matmul %mul3A_5, %convert_element_type3A_96, %dot_general3A_97 {dimension_numbers = #tpu.dot_dimension_numbers<[1], [0], [0], [1], [0, 0, 1, 1], [], []>, transpose_lhs_hint = false} : vector<256x3xbf16>, vector<3x512xbf16>, vector<256x512xf32> -> vector<256x512xf32>
    %slice3A_99 = vector.extract_strided_slice %get3A_95 {offsets = [0, 0], sizes = [1, 512], strides = [1, 1]} : vector<3x512xf32> to vector<1x512xf32>
    %slice3A_100 = vector.extract_strided_slice %get3A_95 {offsets = [1, 0], sizes = [1, 512], strides = [1, 1]} : vector<3x512xf32> to vector<1x512xf32>
    %slice3A_101 = vector.extract_strided_slice %get3A_95 {offsets = [2, 0], sizes = [1, 512], strides = [1, 1]} : vector<3x512xf32> to vector<1x512xf32>
    %mul3A_102 = arith.mulf %slice3A_99, %slice3A_99 : vector<1x512xf32>
    %mul3A_103 = arith.mulf %slice3A_100, %slice3A_100 : vector<1x512xf32>
    %add3A_104 = arith.addf %mul3A_102, %mul3A_103 : vector<1x512xf32>
    %mul3A_105 = arith.mulf %slice3A_101, %slice3A_101 : vector<1x512xf32>
    %add3A_106 = arith.addf %add3A_104, %mul3A_105 : vector<1x512xf32>
    %add3A_107 = vector.broadcast %add3A_11 : vector<256x1xf32> to vector<256x512xf32>
    %add3A_108 = arith.addf %add3A_107, %dot_general3A_98 : vector<256x512xf32>
    %add3A_109 = vector.broadcast %add3A_106 : vector<1x512xf32> to vector<256x512xf32>
    %add3A_110 = arith.addf %add3A_108, %add3A_109 : vector<256x512xf32>
    %get3A_111 = arith.constant 0 : index
    %get3A_112 = arith.constant 0 : index
    %get3A_113 = arith.constant 2560 : index
    %get3A_114 = vector.load %arg3[%get3A_111, %get3A_112, %get3A_113] : memref<1x3x8192xf32, #tpu.memory_space<vmem>>, vector<1x3x512xf32>
    %get3A_115 = vector.shape_cast %get3A_114 : vector<1x3x512xf32> to vector<3x512xf32>
    %convert_element_type3A_116 = arith.truncf %get3A_115 : vector<3x512xf32> to vector<3x512xbf16>
    %dot_general3A_117 = arith.constant dense<0.000000e+00> : vector<256x512xf32>
    %dot_general3A_118 = tpu.matmul %mul3A_5, %convert_element_type3A_116, %dot_general3A_117 {dimension_numbers = #tpu.dot_dimension_numbers<[1], [0], [0], [1], [0, 0, 1, 1], [], []>, transpose_lhs_hint = false} : vector<256x3xbf16>, vector<3x512xbf16>, vector<256x512xf32> -> vector<256x512xf32>
    %slice3A_119 = vector.extract_strided_slice %get3A_115 {offsets = [0, 0], sizes = [1, 512], strides = [1, 1]} : vector<3x512xf32> to vector<1x512xf32>
    %slice3A_120 = vector.extract_strided_slice %get3A_115 {offsets = [1, 0], sizes = [1, 512], strides = [1, 1]} : vector<3x512xf32> to vector<1x512xf32>
    %slice3A_121 = vector.extract_strided_slice %get3A_115 {offsets = [2, 0], sizes = [1, 512], strides = [1, 1]} : vector<3x512xf32> to vector<1x512xf32>
    %mul3A_122 = arith.mulf %slice3A_119, %slice3A_119 : vector<1x512xf32>
    %mul3A_123 = arith.mulf %slice3A_120, %slice3A_120 : vector<1x512xf32>
    %add3A_124 = arith.addf %mul3A_122, %mul3A_123 : vector<1x512xf32>
    %mul3A_125 = arith.mulf %slice3A_121, %slice3A_121 : vector<1x512xf32>
    %add3A_126 = arith.addf %add3A_124, %mul3A_125 : vector<1x512xf32>
    %add3A_127 = vector.broadcast %add3A_11 : vector<256x1xf32> to vector<256x512xf32>
    %add3A_128 = arith.addf %add3A_127, %dot_general3A_118 : vector<256x512xf32>
    %add3A_129 = vector.broadcast %add3A_126 : vector<1x512xf32> to vector<256x512xf32>
    %add3A_130 = arith.addf %add3A_128, %add3A_129 : vector<256x512xf32>
    %get3A_131 = arith.constant 0 : index
    %get3A_132 = arith.constant 0 : index
    %get3A_133 = arith.constant 3072 : index
    %get3A_134 = vector.load %arg3[%get3A_131, %get3A_132, %get3A_133] : memref<1x3x8192xf32, #tpu.memory_space<vmem>>, vector<1x3x512xf32>
    %get3A_135 = vector.shape_cast %get3A_134 : vector<1x3x512xf32> to vector<3x512xf32>
    %convert_element_type3A_136 = arith.truncf %get3A_135 : vector<3x512xf32> to vector<3x512xbf16>
    %dot_general3A_137 = arith.constant dense<0.000000e+00> : vector<256x512xf32>
    %dot_general3A_138 = tpu.matmul %mul3A_5, %convert_element_type3A_136, %dot_general3A_137 {dimension_numbers = #tpu.dot_dimension_numbers<[1], [0], [0], [1], [0, 0, 1, 1], [], []>, transpose_lhs_hint = false} : vector<256x3xbf16>, vector<3x512xbf16>, vector<256x512xf32> -> vector<256x512xf32>
    %slice3A_139 = vector.extract_strided_slice %get3A_135 {offsets = [0, 0], sizes = [1, 512], strides = [1, 1]} : vector<3x512xf32> to vector<1x512xf32>
    %slice3A_140 = vector.extract_strided_slice %get3A_135 {offsets = [1, 0], sizes = [1, 512], strides = [1, 1]} : vector<3x512xf32> to vector<1x512xf32>
    %slice3A_141 = vector.extract_strided_slice %get3A_135 {offsets = [2, 0], sizes = [1, 512], strides = [1, 1]} : vector<3x512xf32> to vector<1x512xf32>
    %mul3A_142 = arith.mulf %slice3A_139, %slice3A_139 : vector<1x512xf32>
    %mul3A_143 = arith.mulf %slice3A_140, %slice3A_140 : vector<1x512xf32>
    %add3A_144 = arith.addf %mul3A_142, %mul3A_143 : vector<1x512xf32>
    %mul3A_145 = arith.mulf %slice3A_141, %slice3A_141 : vector<1x512xf32>
    %add3A_146 = arith.addf %add3A_144, %mul3A_145 : vector<1x512xf32>
    %add3A_147 = vector.broadcast %add3A_11 : vector<256x1xf32> to vector<256x512xf32>
    %add3A_148 = arith.addf %add3A_147, %dot_general3A_138 : vector<256x512xf32>
    %add3A_149 = vector.broadcast %add3A_146 : vector<1x512xf32> to vector<256x512xf32>
    %add3A_150 = arith.addf %add3A_148, %add3A_149 : vector<256x512xf32>
    %get3A_151 = arith.constant 0 : index
    %get3A_152 = arith.constant 0 : index
    %get3A_153 = arith.constant 3584 : index
    %get3A_154 = vector.load %arg3[%get3A_151, %get3A_152, %get3A_153] : memref<1x3x8192xf32, #tpu.memory_space<vmem>>, vector<1x3x512xf32>
    %get3A_155 = vector.shape_cast %get3A_154 : vector<1x3x512xf32> to vector<3x512xf32>
    %convert_element_type3A_156 = arith.truncf %get3A_155 : vector<3x512xf32> to vector<3x512xbf16>
    %dot_general3A_157 = arith.constant dense<0.000000e+00> : vector<256x512xf32>
    %dot_general3A_158 = tpu.matmul %mul3A_5, %convert_element_type3A_156, %dot_general3A_157 {dimension_numbers = #tpu.dot_dimension_numbers<[1], [0], [0], [1], [0, 0, 1, 1], [], []>, transpose_lhs_hint = false} : vector<256x3xbf16>, vector<3x512xbf16>, vector<256x512xf32> -> vector<256x512xf32>
    %slice3A_159 = vector.extract_strided_slice %get3A_155 {offsets = [0, 0], sizes = [1, 512], strides = [1, 1]} : vector<3x512xf32> to vector<1x512xf32>
    %slice3A_160 = vector.extract_strided_slice %get3A_155 {offsets = [1, 0], sizes = [1, 512], strides = [1, 1]} : vector<3x512xf32> to vector<1x512xf32>
    %slice3A_161 = vector.extract_strided_slice %get3A_155 {offsets = [2, 0], sizes = [1, 512], strides = [1, 1]} : vector<3x512xf32> to vector<1x512xf32>
    %mul3A_162 = arith.mulf %slice3A_159, %slice3A_159 : vector<1x512xf32>
    %mul3A_163 = arith.mulf %slice3A_160, %slice3A_160 : vector<1x512xf32>
    %add3A_164 = arith.addf %mul3A_162, %mul3A_163 : vector<1x512xf32>
    %mul3A_165 = arith.mulf %slice3A_161, %slice3A_161 : vector<1x512xf32>
    %add3A_166 = arith.addf %add3A_164, %mul3A_165 : vector<1x512xf32>
    %add3A_167 = vector.broadcast %add3A_11 : vector<256x1xf32> to vector<256x512xf32>
    %add3A_168 = arith.addf %add3A_167, %dot_general3A_158 : vector<256x512xf32>
    %add3A_169 = vector.broadcast %add3A_166 : vector<1x512xf32> to vector<256x512xf32>
    %add3A_170 = arith.addf %add3A_168, %add3A_169 : vector<256x512xf32>
    %get3A_171 = arith.constant 0 : index
    %get3A_172 = arith.constant 0 : index
    %get3A_173 = arith.constant 4096 : index
    %get3A_174 = vector.load %arg3[%get3A_171, %get3A_172, %get3A_173] : memref<1x3x8192xf32, #tpu.memory_space<vmem>>, vector<1x3x512xf32>
    %get3A_175 = vector.shape_cast %get3A_174 : vector<1x3x512xf32> to vector<3x512xf32>
    %convert_element_type3A_176 = arith.truncf %get3A_175 : vector<3x512xf32> to vector<3x512xbf16>
    %dot_general3A_177 = arith.constant dense<0.000000e+00> : vector<256x512xf32>
    %dot_general3A_178 = tpu.matmul %mul3A_5, %convert_element_type3A_176, %dot_general3A_177 {dimension_numbers = #tpu.dot_dimension_numbers<[1], [0], [0], [1], [0, 0, 1, 1], [], []>, transpose_lhs_hint = false} : vector<256x3xbf16>, vector<3x512xbf16>, vector<256x512xf32> -> vector<256x512xf32>
    %slice3A_179 = vector.extract_strided_slice %get3A_175 {offsets = [0, 0], sizes = [1, 512], strides = [1, 1]} : vector<3x512xf32> to vector<1x512xf32>
    %slice3A_180 = vector.extract_strided_slice %get3A_175 {offsets = [1, 0], sizes = [1, 512], strides = [1, 1]} : vector<3x512xf32> to vector<1x512xf32>
    %slice3A_181 = vector.extract_strided_slice %get3A_175 {offsets = [2, 0], sizes = [1, 512], strides = [1, 1]} : vector<3x512xf32> to vector<1x512xf32>
    %mul3A_182 = arith.mulf %slice3A_179, %slice3A_179 : vector<1x512xf32>
    %mul3A_183 = arith.mulf %slice3A_180, %slice3A_180 : vector<1x512xf32>
    %add3A_184 = arith.addf %mul3A_182, %mul3A_183 : vector<1x512xf32>
    %mul3A_185 = arith.mulf %slice3A_181, %slice3A_181 : vector<1x512xf32>
    %add3A_186 = arith.addf %add3A_184, %mul3A_185 : vector<1x512xf32>
    %add3A_187 = vector.broadcast %add3A_11 : vector<256x1xf32> to vector<256x512xf32>
    %add3A_188 = arith.addf %add3A_187, %dot_general3A_178 : vector<256x512xf32>
    %add3A_189 = vector.broadcast %add3A_186 : vector<1x512xf32> to vector<256x512xf32>
    %add3A_190 = arith.addf %add3A_188, %add3A_189 : vector<256x512xf32>
    %get3A_191 = arith.constant 0 : index
    %get3A_192 = arith.constant 0 : index
    %get3A_193 = arith.constant 4608 : index
    %get3A_194 = vector.load %arg3[%get3A_191, %get3A_192, %get3A_193] : memref<1x3x8192xf32, #tpu.memory_space<vmem>>, vector<1x3x512xf32>
    %get3A_195 = vector.shape_cast %get3A_194 : vector<1x3x512xf32> to vector<3x512xf32>
    %convert_element_type3A_196 = arith.truncf %get3A_195 : vector<3x512xf32> to vector<3x512xbf16>
    %dot_general3A_197 = arith.constant dense<0.000000e+00> : vector<256x512xf32>
    %dot_general3A_198 = tpu.matmul %mul3A_5, %convert_element_type3A_196, %dot_general3A_197 {dimension_numbers = #tpu.dot_dimension_numbers<[1], [0], [0], [1], [0, 0, 1, 1], [], []>, transpose_lhs_hint = false} : vector<256x3xbf16>, vector<3x512xbf16>, vector<256x512xf32> -> vector<256x512xf32>
    %slice3A_199 = vector.extract_strided_slice %get3A_195 {offsets = [0, 0], sizes = [1, 512], strides = [1, 1]} : vector<3x512xf32> to vector<1x512xf32>
    %slice3A_200 = vector.extract_strided_slice %get3A_195 {offsets = [1, 0], sizes = [1, 512], strides = [1, 1]} : vector<3x512xf32> to vector<1x512xf32>
    %slice3A_201 = vector.extract_strided_slice %get3A_195 {offsets = [2, 0], sizes = [1, 512], strides = [1, 1]} : vector<3x512xf32> to vector<1x512xf32>
    %mul3A_202 = arith.mulf %slice3A_199, %slice3A_199 : vector<1x512xf32>
    %mul3A_203 = arith.mulf %slice3A_200, %slice3A_200 : vector<1x512xf32>
    %add3A_204 = arith.addf %mul3A_202, %mul3A_203 : vector<1x512xf32>
    %mul3A_205 = arith.mulf %slice3A_201, %slice3A_201 : vector<1x512xf32>
    %add3A_206 = arith.addf %add3A_204, %mul3A_205 : vector<1x512xf32>
    %add3A_207 = vector.broadcast %add3A_11 : vector<256x1xf32> to vector<256x512xf32>
    %add3A_208 = arith.addf %add3A_207, %dot_general3A_198 : vector<256x512xf32>
    %add3A_209 = vector.broadcast %add3A_206 : vector<1x512xf32> to vector<256x512xf32>
    %add3A_210 = arith.addf %add3A_208, %add3A_209 : vector<256x512xf32>
    %get3A_211 = arith.constant 0 : index
    %get3A_212 = arith.constant 0 : index
    %get3A_213 = arith.constant 5120 : index
    %get3A_214 = vector.load %arg3[%get3A_211, %get3A_212, %get3A_213] : memref<1x3x8192xf32, #tpu.memory_space<vmem>>, vector<1x3x512xf32>
    %get3A_215 = vector.shape_cast %get3A_214 : vector<1x3x512xf32> to vector<3x512xf32>
    %convert_element_type3A_216 = arith.truncf %get3A_215 : vector<3x512xf32> to vector<3x512xbf16>
    %dot_general3A_217 = arith.constant dense<0.000000e+00> : vector<256x512xf32>
    %dot_general3A_218 = tpu.matmul %mul3A_5, %convert_element_type3A_216, %dot_general3A_217 {dimension_numbers = #tpu.dot_dimension_numbers<[1], [0], [0], [1], [0, 0, 1, 1], [], []>, transpose_lhs_hint = false} : vector<256x3xbf16>, vector<3x512xbf16>, vector<256x512xf32> -> vector<256x512xf32>
    %slice3A_219 = vector.extract_strided_slice %get3A_215 {offsets = [0, 0], sizes = [1, 512], strides = [1, 1]} : vector<3x512xf32> to vector<1x512xf32>
    %slice3A_220 = vector.extract_strided_slice %get3A_215 {offsets = [1, 0], sizes = [1, 512], strides = [1, 1]} : vector<3x512xf32> to vector<1x512xf32>
    %slice3A_221 = vector.extract_strided_slice %get3A_215 {offsets = [2, 0], sizes = [1, 512], strides = [1, 1]} : vector<3x512xf32> to vector<1x512xf32>
    %mul3A_222 = arith.mulf %slice3A_219, %slice3A_219 : vector<1x512xf32>
    %mul3A_223 = arith.mulf %slice3A_220, %slice3A_220 : vector<1x512xf32>
    %add3A_224 = arith.addf %mul3A_222, %mul3A_223 : vector<1x512xf32>
    %mul3A_225 = arith.mulf %slice3A_221, %slice3A_221 : vector<1x512xf32>
    %add3A_226 = arith.addf %add3A_224, %mul3A_225 : vector<1x512xf32>
    %add3A_227 = vector.broadcast %add3A_11 : vector<256x1xf32> to vector<256x512xf32>
    %add3A_228 = arith.addf %add3A_227, %dot_general3A_218 : vector<256x512xf32>
    %add3A_229 = vector.broadcast %add3A_226 : vector<1x512xf32> to vector<256x512xf32>
    %add3A_230 = arith.addf %add3A_228, %add3A_229 : vector<256x512xf32>
    %get3A_231 = arith.constant 0 : index
    %get3A_232 = arith.constant 0 : index
    %get3A_233 = arith.constant 5632 : index
    %get3A_234 = vector.load %arg3[%get3A_231, %get3A_232, %get3A_233] : memref<1x3x8192xf32, #tpu.memory_space<vmem>>, vector<1x3x512xf32>
    %get3A_235 = vector.shape_cast %get3A_234 : vector<1x3x512xf32> to vector<3x512xf32>
    %convert_element_type3A_236 = arith.truncf %get3A_235 : vector<3x512xf32> to vector<3x512xbf16>
    %dot_general3A_237 = arith.constant dense<0.000000e+00> : vector<256x512xf32>
    %dot_general3A_238 = tpu.matmul %mul3A_5, %convert_element_type3A_236, %dot_general3A_237 {dimension_numbers = #tpu.dot_dimension_numbers<[1], [0], [0], [1], [0, 0, 1, 1], [], []>, transpose_lhs_hint = false} : vector<256x3xbf16>, vector<3x512xbf16>, vector<256x512xf32> -> vector<256x512xf32>
    %slice3A_239 = vector.extract_strided_slice %get3A_235 {offsets = [0, 0], sizes = [1, 512], strides = [1, 1]} : vector<3x512xf32> to vector<1x512xf32>
    %slice3A_240 = vector.extract_strided_slice %get3A_235 {offsets = [1, 0], sizes = [1, 512], strides = [1, 1]} : vector<3x512xf32> to vector<1x512xf32>
    %slice3A_241 = vector.extract_strided_slice %get3A_235 {offsets = [2, 0], sizes = [1, 512], strides = [1, 1]} : vector<3x512xf32> to vector<1x512xf32>
    %mul3A_242 = arith.mulf %slice3A_239, %slice3A_239 : vector<1x512xf32>
    %mul3A_243 = arith.mulf %slice3A_240, %slice3A_240 : vector<1x512xf32>
    %add3A_244 = arith.addf %mul3A_242, %mul3A_243 : vector<1x512xf32>
    %mul3A_245 = arith.mulf %slice3A_241, %slice3A_241 : vector<1x512xf32>
    %add3A_246 = arith.addf %add3A_244, %mul3A_245 : vector<1x512xf32>
    %add3A_247 = vector.broadcast %add3A_11 : vector<256x1xf32> to vector<256x512xf32>
    %add3A_248 = arith.addf %add3A_247, %dot_general3A_238 : vector<256x512xf32>
    %add3A_249 = vector.broadcast %add3A_246 : vector<1x512xf32> to vector<256x512xf32>
    %add3A_250 = arith.addf %add3A_248, %add3A_249 : vector<256x512xf32>
    %get3A_251 = arith.constant 0 : index
    %get3A_252 = arith.constant 0 : index
    %get3A_253 = arith.constant 6144 : index
    %get3A_254 = vector.load %arg3[%get3A_251, %get3A_252, %get3A_253] : memref<1x3x8192xf32, #tpu.memory_space<vmem>>, vector<1x3x512xf32>
    %get3A_255 = vector.shape_cast %get3A_254 : vector<1x3x512xf32> to vector<3x512xf32>
    %convert_element_type3A_256 = arith.truncf %get3A_255 : vector<3x512xf32> to vector<3x512xbf16>
    %dot_general3A_257 = arith.constant dense<0.000000e+00> : vector<256x512xf32>
    %dot_general3A_258 = tpu.matmul %mul3A_5, %convert_element_type3A_256, %dot_general3A_257 {dimension_numbers = #tpu.dot_dimension_numbers<[1], [0], [0], [1], [0, 0, 1, 1], [], []>, transpose_lhs_hint = false} : vector<256x3xbf16>, vector<3x512xbf16>, vector<256x512xf32> -> vector<256x512xf32>
    %slice3A_259 = vector.extract_strided_slice %get3A_255 {offsets = [0, 0], sizes = [1, 512], strides = [1, 1]} : vector<3x512xf32> to vector<1x512xf32>
    %slice3A_260 = vector.extract_strided_slice %get3A_255 {offsets = [1, 0], sizes = [1, 512], strides = [1, 1]} : vector<3x512xf32> to vector<1x512xf32>
    %slice3A_261 = vector.extract_strided_slice %get3A_255 {offsets = [2, 0], sizes = [1, 512], strides = [1, 1]} : vector<3x512xf32> to vector<1x512xf32>
    %mul3A_262 = arith.mulf %slice3A_259, %slice3A_259 : vector<1x512xf32>
    %mul3A_263 = arith.mulf %slice3A_260, %slice3A_260 : vector<1x512xf32>
    %add3A_264 = arith.addf %mul3A_262, %mul3A_263 : vector<1x512xf32>
    %mul3A_265 = arith.mulf %slice3A_261, %slice3A_261 : vector<1x512xf32>
    %add3A_266 = arith.addf %add3A_264, %mul3A_265 : vector<1x512xf32>
    %add3A_267 = vector.broadcast %add3A_11 : vector<256x1xf32> to vector<256x512xf32>
    %add3A_268 = arith.addf %add3A_267, %dot_general3A_258 : vector<256x512xf32>
    %add3A_269 = vector.broadcast %add3A_266 : vector<1x512xf32> to vector<256x512xf32>
    %add3A_270 = arith.addf %add3A_268, %add3A_269 : vector<256x512xf32>
    %get3A_271 = arith.constant 0 : index
    %get3A_272 = arith.constant 0 : index
    %get3A_273 = arith.constant 6656 : index
    %get3A_274 = vector.load %arg3[%get3A_271, %get3A_272, %get3A_273] : memref<1x3x8192xf32, #tpu.memory_space<vmem>>, vector<1x3x512xf32>
    %get3A_275 = vector.shape_cast %get3A_274 : vector<1x3x512xf32> to vector<3x512xf32>
    %convert_element_type3A_276 = arith.truncf %get3A_275 : vector<3x512xf32> to vector<3x512xbf16>
    %dot_general3A_277 = arith.constant dense<0.000000e+00> : vector<256x512xf32>
    %dot_general3A_278 = tpu.matmul %mul3A_5, %convert_element_type3A_276, %dot_general3A_277 {dimension_numbers = #tpu.dot_dimension_numbers<[1], [0], [0], [1], [0, 0, 1, 1], [], []>, transpose_lhs_hint = false} : vector<256x3xbf16>, vector<3x512xbf16>, vector<256x512xf32> -> vector<256x512xf32>
    %slice3A_279 = vector.extract_strided_slice %get3A_275 {offsets = [0, 0], sizes = [1, 512], strides = [1, 1]} : vector<3x512xf32> to vector<1x512xf32>
    %slice3A_280 = vector.extract_strided_slice %get3A_275 {offsets = [1, 0], sizes = [1, 512], strides = [1, 1]} : vector<3x512xf32> to vector<1x512xf32>
    %slice3A_281 = vector.extract_strided_slice %get3A_275 {offsets = [2, 0], sizes = [1, 512], strides = [1, 1]} : vector<3x512xf32> to vector<1x512xf32>
    %mul3A_282 = arith.mulf %slice3A_279, %slice3A_279 : vector<1x512xf32>
    %mul3A_283 = arith.mulf %slice3A_280, %slice3A_280 : vector<1x512xf32>
    %add3A_284 = arith.addf %mul3A_282, %mul3A_283 : vector<1x512xf32>
    %mul3A_285 = arith.mulf %slice3A_281, %slice3A_281 : vector<1x512xf32>
    %add3A_286 = arith.addf %add3A_284, %mul3A_285 : vector<1x512xf32>
    %add3A_287 = vector.broadcast %add3A_11 : vector<256x1xf32> to vector<256x512xf32>
    %add3A_288 = arith.addf %add3A_287, %dot_general3A_278 : vector<256x512xf32>
    %add3A_289 = vector.broadcast %add3A_286 : vector<1x512xf32> to vector<256x512xf32>
    %add3A_290 = arith.addf %add3A_288, %add3A_289 : vector<256x512xf32>
    %get3A_291 = arith.constant 0 : index
    %get3A_292 = arith.constant 0 : index
    %get3A_293 = arith.constant 7168 : index
    %get3A_294 = vector.load %arg3[%get3A_291, %get3A_292, %get3A_293] : memref<1x3x8192xf32, #tpu.memory_space<vmem>>, vector<1x3x512xf32>
    %get3A_295 = vector.shape_cast %get3A_294 : vector<1x3x512xf32> to vector<3x512xf32>
    %convert_element_type3A_296 = arith.truncf %get3A_295 : vector<3x512xf32> to vector<3x512xbf16>
    %dot_general3A_297 = arith.constant dense<0.000000e+00> : vector<256x512xf32>
    %dot_general3A_298 = tpu.matmul %mul3A_5, %convert_element_type3A_296, %dot_general3A_297 {dimension_numbers = #tpu.dot_dimension_numbers<[1], [0], [0], [1], [0, 0, 1, 1], [], []>, transpose_lhs_hint = false} : vector<256x3xbf16>, vector<3x512xbf16>, vector<256x512xf32> -> vector<256x512xf32>
    %slice3A_299 = vector.extract_strided_slice %get3A_295 {offsets = [0, 0], sizes = [1, 512], strides = [1, 1]} : vector<3x512xf32> to vector<1x512xf32>
    %slice3A_300 = vector.extract_strided_slice %get3A_295 {offsets = [1, 0], sizes = [1, 512], strides = [1, 1]} : vector<3x512xf32> to vector<1x512xf32>
    %slice3A_301 = vector.extract_strided_slice %get3A_295 {offsets = [2, 0], sizes = [1, 512], strides = [1, 1]} : vector<3x512xf32> to vector<1x512xf32>
    %mul3A_302 = arith.mulf %slice3A_299, %slice3A_299 : vector<1x512xf32>
    %mul3A_303 = arith.mulf %slice3A_300, %slice3A_300 : vector<1x512xf32>
    %add3A_304 = arith.addf %mul3A_302, %mul3A_303 : vector<1x512xf32>
    %mul3A_305 = arith.mulf %slice3A_301, %slice3A_301 : vector<1x512xf32>
    %add3A_306 = arith.addf %add3A_304, %mul3A_305 : vector<1x512xf32>
    %add3A_307 = vector.broadcast %add3A_11 : vector<256x1xf32> to vector<256x512xf32>
    %add3A_308 = arith.addf %add3A_307, %dot_general3A_298 : vector<256x512xf32>
    %add3A_309 = vector.broadcast %add3A_306 : vector<1x512xf32> to vector<256x512xf32>
    %add3A_310 = arith.addf %add3A_308, %add3A_309 : vector<256x512xf32>
    %get3A_311 = arith.constant 0 : index
    %get3A_312 = arith.constant 0 : index
    %get3A_313 = arith.constant 7680 : index
    %get3A_314 = vector.load %arg3[%get3A_311, %get3A_312, %get3A_313] : memref<1x3x8192xf32, #tpu.memory_space<vmem>>, vector<1x3x512xf32>
    %get3A_315 = vector.shape_cast %get3A_314 : vector<1x3x512xf32> to vector<3x512xf32>
    %convert_element_type3A_316 = arith.truncf %get3A_315 : vector<3x512xf32> to vector<3x512xbf16>
    %dot_general3A_317 = arith.constant dense<0.000000e+00> : vector<256x512xf32>
    %dot_general3A_318 = tpu.matmul %mul3A_5, %convert_element_type3A_316, %dot_general3A_317 {dimension_numbers = #tpu.dot_dimension_numbers<[1], [0], [0], [1], [0, 0, 1, 1], [], []>, transpose_lhs_hint = false} : vector<256x3xbf16>, vector<3x512xbf16>, vector<256x512xf32> -> vector<256x512xf32>
    %slice3A_319 = vector.extract_strided_slice %get3A_315 {offsets = [0, 0], sizes = [1, 512], strides = [1, 1]} : vector<3x512xf32> to vector<1x512xf32>
    %slice3A_320 = vector.extract_strided_slice %get3A_315 {offsets = [1, 0], sizes = [1, 512], strides = [1, 1]} : vector<3x512xf32> to vector<1x512xf32>
    %slice3A_321 = vector.extract_strided_slice %get3A_315 {offsets = [2, 0], sizes = [1, 512], strides = [1, 1]} : vector<3x512xf32> to vector<1x512xf32>
    %mul3A_322 = arith.mulf %slice3A_319, %slice3A_319 : vector<1x512xf32>
    %mul3A_323 = arith.mulf %slice3A_320, %slice3A_320 : vector<1x512xf32>
    %add3A_324 = arith.addf %mul3A_322, %mul3A_323 : vector<1x512xf32>
    %mul3A_325 = arith.mulf %slice3A_321, %slice3A_321 : vector<1x512xf32>
    %add3A_326 = arith.addf %add3A_324, %mul3A_325 : vector<1x512xf32>
    %add3A_327 = vector.broadcast %add3A_11 : vector<256x1xf32> to vector<256x512xf32>
    %add3A_328 = arith.addf %add3A_327, %dot_general3A_318 : vector<256x512xf32>
    %add3A_329 = vector.broadcast %add3A_326 : vector<1x512xf32> to vector<256x512xf32>
    %add3A_330 = arith.addf %add3A_328, %add3A_329 : vector<256x512xf32>
    %lt3A = arith.cmpf olt, %add3A_50, %add3A_30 : vector<256x512xf32>
    %select_n3A = arith.select %lt3A, %add3A_50, %add3A_30 : vector<256x512xi1>, vector<256x512xf32>
    %jit3A = arith.constant 1 : i32
    %jit3A_331 = arith.constant 0 : i32
    %broadcast_in_dim3A = vector.broadcast %jit3A : i32 to vector<256x512xi32>
    %broadcast_in_dim3A_332 = vector.broadcast %jit3A_331 : i32 to vector<256x512xi32>
    %select_n3A_333 = arith.select %lt3A, %broadcast_in_dim3A, %broadcast_in_dim3A_332 : vector<256x512xi1>, vector<256x512xi32>
    %lt3A_334 = arith.cmpf olt, %add3A_90, %add3A_70 : vector<256x512xf32>
    %select_n3A_335 = arith.select %lt3A_334, %add3A_90, %add3A_70 : vector<256x512xi1>, vector<256x512xf32>
    %jit3A_336 = arith.constant 3 : i32
    %jit3A_337 = arith.constant 2 : i32
    %broadcast_in_dim3A_338 = vector.broadcast %jit3A_336 : i32 to vector<256x512xi32>
    %broadcast_in_dim3A_339 = vector.broadcast %jit3A_337 : i32 to vector<256x512xi32>
    %select_n3A_340 = arith.select %lt3A_334, %broadcast_in_dim3A_338, %broadcast_in_dim3A_339 : vector<256x512xi1>, vector<256x512xi32>
    %lt3A_341 = arith.cmpf olt, %add3A_130, %add3A_110 : vector<256x512xf32>
    %select_n3A_342 = arith.select %lt3A_341, %add3A_130, %add3A_110 : vector<256x512xi1>, vector<256x512xf32>
    %jit3A_343 = arith.constant 5 : i32
    %jit3A_344 = arith.constant 4 : i32
    %broadcast_in_dim3A_345 = vector.broadcast %jit3A_343 : i32 to vector<256x512xi32>
    %broadcast_in_dim3A_346 = vector.broadcast %jit3A_344 : i32 to vector<256x512xi32>
    %select_n3A_347 = arith.select %lt3A_341, %broadcast_in_dim3A_345, %broadcast_in_dim3A_346 : vector<256x512xi1>, vector<256x512xi32>
    %lt3A_348 = arith.cmpf olt, %add3A_170, %add3A_150 : vector<256x512xf32>
    %select_n3A_349 = arith.select %lt3A_348, %add3A_170, %add3A_150 : vector<256x512xi1>, vector<256x512xf32>
    %jit3A_350 = arith.constant 7 : i32
    %jit3A_351 = arith.constant 6 : i32
    %broadcast_in_dim3A_352 = vector.broadcast %jit3A_350 : i32 to vector<256x512xi32>
    %broadcast_in_dim3A_353 = vector.broadcast %jit3A_351 : i32 to vector<256x512xi32>
    %select_n3A_354 = arith.select %lt3A_348, %broadcast_in_dim3A_352, %broadcast_in_dim3A_353 : vector<256x512xi1>, vector<256x512xi32>
    %lt3A_355 = arith.cmpf olt, %add3A_210, %add3A_190 : vector<256x512xf32>
    %select_n3A_356 = arith.select %lt3A_355, %add3A_210, %add3A_190 : vector<256x512xi1>, vector<256x512xf32>
    %jit3A_357 = arith.constant 9 : i32
    %jit3A_358 = arith.constant 8 : i32
    %broadcast_in_dim3A_359 = vector.broadcast %jit3A_357 : i32 to vector<256x512xi32>
    %broadcast_in_dim3A_360 = vector.broadcast %jit3A_358 : i32 to vector<256x512xi32>
    %select_n3A_361 = arith.select %lt3A_355, %broadcast_in_dim3A_359, %broadcast_in_dim3A_360 : vector<256x512xi1>, vector<256x512xi32>
    %lt3A_362 = arith.cmpf olt, %add3A_250, %add3A_230 : vector<256x512xf32>
    %select_n3A_363 = arith.select %lt3A_362, %add3A_250, %add3A_230 : vector<256x512xi1>, vector<256x512xf32>
    %jit3A_364 = arith.constant 11 : i32
    %jit3A_365 = arith.constant 10 : i32
    %broadcast_in_dim3A_366 = vector.broadcast %jit3A_364 : i32 to vector<256x512xi32>
    %broadcast_in_dim3A_367 = vector.broadcast %jit3A_365 : i32 to vector<256x512xi32>
    %select_n3A_368 = arith.select %lt3A_362, %broadcast_in_dim3A_366, %broadcast_in_dim3A_367 : vector<256x512xi1>, vector<256x512xi32>
    %lt3A_369 = arith.cmpf olt, %add3A_290, %add3A_270 : vector<256x512xf32>
    %select_n3A_370 = arith.select %lt3A_369, %add3A_290, %add3A_270 : vector<256x512xi1>, vector<256x512xf32>
    %jit3A_371 = arith.constant 13 : i32
    %jit3A_372 = arith.constant 12 : i32
    %broadcast_in_dim3A_373 = vector.broadcast %jit3A_371 : i32 to vector<256x512xi32>
    %broadcast_in_dim3A_374 = vector.broadcast %jit3A_372 : i32 to vector<256x512xi32>
    %select_n3A_375 = arith.select %lt3A_369, %broadcast_in_dim3A_373, %broadcast_in_dim3A_374 : vector<256x512xi1>, vector<256x512xi32>
    %lt3A_376 = arith.cmpf olt, %add3A_330, %add3A_310 : vector<256x512xf32>
    %select_n3A_377 = arith.select %lt3A_376, %add3A_330, %add3A_310 : vector<256x512xi1>, vector<256x512xf32>
    %jit3A_378 = arith.constant 15 : i32
    %jit3A_379 = arith.constant 14 : i32
    %broadcast_in_dim3A_380 = vector.broadcast %jit3A_378 : i32 to vector<256x512xi32>
    %broadcast_in_dim3A_381 = vector.broadcast %jit3A_379 : i32 to vector<256x512xi32>
    %select_n3A_382 = arith.select %lt3A_376, %broadcast_in_dim3A_380, %broadcast_in_dim3A_381 : vector<256x512xi1>, vector<256x512xi32>
    %lt3A_383 = arith.cmpf olt, %select_n3A_335, %select_n3A : vector<256x512xf32>
    %select_n3A_384 = arith.select %lt3A_383, %select_n3A_335, %select_n3A : vector<256x512xi1>, vector<256x512xf32>
    %select_n3A_385 = arith.select %lt3A_383, %select_n3A_340, %select_n3A_333 : vector<256x512xi1>, vector<256x512xi32>
    %lt3A_386 = arith.cmpf olt, %select_n3A_349, %select_n3A_342 : vector<256x512xf32>
    %select_n3A_387 = arith.select %lt3A_386, %select_n3A_349, %select_n3A_342 : vector<256x512xi1>, vector<256x512xf32>
    %select_n3A_388 = arith.select %lt3A_386, %select_n3A_354, %select_n3A_347 : vector<256x512xi1>, vector<256x512xi32>
    %lt3A_389 = arith.cmpf olt, %select_n3A_363, %select_n3A_356 : vector<256x512xf32>
    %select_n3A_390 = arith.select %lt3A_389, %select_n3A_363, %select_n3A_356 : vector<256x512xi1>, vector<256x512xf32>
    %select_n3A_391 = arith.select %lt3A_389, %select_n3A_368, %select_n3A_361 : vector<256x512xi1>, vector<256x512xi32>
    %lt3A_392 = arith.cmpf olt, %select_n3A_377, %select_n3A_370 : vector<256x512xf32>
    %select_n3A_393 = arith.select %lt3A_392, %select_n3A_377, %select_n3A_370 : vector<256x512xi1>, vector<256x512xf32>
    %select_n3A_394 = arith.select %lt3A_392, %select_n3A_382, %select_n3A_375 : vector<256x512xi1>, vector<256x512xi32>
    %lt3A_395 = arith.cmpf olt, %select_n3A_387, %select_n3A_384 : vector<256x512xf32>
    %select_n3A_396 = arith.select %lt3A_395, %select_n3A_387, %select_n3A_384 : vector<256x512xi1>, vector<256x512xf32>
    %select_n3A_397 = arith.select %lt3A_395, %select_n3A_388, %select_n3A_385 : vector<256x512xi1>, vector<256x512xi32>
    %lt3A_398 = arith.cmpf olt, %select_n3A_393, %select_n3A_390 : vector<256x512xf32>
    %select_n3A_399 = arith.select %lt3A_398, %select_n3A_393, %select_n3A_390 : vector<256x512xi1>, vector<256x512xf32>
    %select_n3A_400 = arith.select %lt3A_398, %select_n3A_394, %select_n3A_391 : vector<256x512xi1>, vector<256x512xi32>
    %lt3A_401 = arith.cmpf olt, %select_n3A_399, %select_n3A_396 : vector<256x512xf32>
    %select_n3A_402 = arith.select %lt3A_401, %select_n3A_399, %select_n3A_396 : vector<256x512xi1>, vector<256x512xf32>
    %select_n3A_403 = arith.select %lt3A_401, %select_n3A_400, %select_n3A_397 : vector<256x512xi1>, vector<256x512xi32>
    %reduce_min3A = arith.constant dense<0x7F800000> : vector<256xf32>
    %reduce_min3A_404 = vector.multi_reduction <minimumf>, %select_n3A_402, %reduce_min3A [1] : vector<256x512xf32> to vector<256xf32>
    %broadcast_in_dim3A_405 = vector.shape_cast %reduce_min3A_404 : vector<256xf32> to vector<256x1xf32>
    %iota3A = tpu.iota {dimensions = array<i32: 1>} : vector<256x512xi32>
    %mul3A_406 = arith.constant 512 : i32
    %mul3A_407 = vector.broadcast %mul3A_406 : i32 to vector<256x512xi32>
    %mul3A_408 = arith.muli %select_n3A_403, %mul3A_407 : vector<256x512xi32>
    %add3A_409 = arith.addi %mul3A_408, %iota3A : vector<256x512xi32>
    %eq3A = vector.broadcast %broadcast_in_dim3A_405 : vector<256x1xf32> to vector<256x512xf32>
    %eq3A_410 = arith.cmpf oeq, %select_n3A_402, %eq3A : vector<256x512xf32>
    %jit3A_411 = arith.constant 8192 : i32
    %broadcast_in_dim3A_412 = vector.broadcast %jit3A_411 : i32 to vector<256x512xi32>
    %select_n3A_413 = arith.select %eq3A_410, %add3A_409, %broadcast_in_dim3A_412 : vector<256x512xi1>, vector<256x512xi32>
    %reduce_min3A_414 = arith.constant dense<2147483647> : vector<256xi32>
    %reduce_min3A_415 = vector.multi_reduction <minsi>, %select_n3A_413, %reduce_min3A_414 [1] : vector<256x512xi32> to vector<256xi32>
    %swap3A = arith.constant 0 : index
    %swap3A_416 = arith.constant 0 : index
    %swap3A_417 = arith.constant 0 : index
    %swap3A_418 = vector.load %arg4[%swap3A, %swap3A_416, %swap3A_417] : memref<1x1x256xi32, #tpu.memory_space<vmem>>, vector<1x1x256xi32>
    %swap3A_419 = vector.shape_cast %swap3A_418 : vector<1x1x256xi32> to vector<256xi32>
    %swap3A_420 = vector.shape_cast %reduce_min3A_415 : vector<256xi32> to vector<1x1x256xi32>
    tpu.vector_store %arg4[%swap3A, %swap3A_416, %swap3A_417], %swap3A_420 {strides = array<i32>} : memref<1x1x256xi32, #tpu.memory_space<vmem>>, vector<1x1x256xi32>,
    return
  }
  func.func @transform_0(%arg0: i32, %arg1: i32) -> (i32, i32, i32) {
    %c0_i32 = arith.constant 0 : i32
    %c0_i32_0 = arith.constant 0 : i32
    return %arg0, %arg1, %c0_i32 : i32, i32, i32
  }
  func.func @transform_1(%arg0: i32, %arg1: i32) -> (i32, i32, i32) {
    %c0_i32 = arith.constant 0 : i32
    %c0_i32_0 = arith.constant 0 : i32
    %c0_i32_1 = arith.constant 0 : i32
    return %arg0, %c0_i32, %c0_i32_0 : i32, i32, i32
  }
  func.func @transform_2(%arg0: i32, %arg1: i32) -> (i32, i32, i32) {
    %mul3A = arith.constant 7 : i32
    %mul3A_0 = arith.muli %arg0, %mul3A : i32
    %add3A = arith.addi %mul3A_0, %arg1 : i32
    %c0_i32 = arith.constant 0 : i32
    %c0_i32_1 = arith.constant 0 : i32
    %c0_i32_2 = arith.constant 0 : i32
    return %add3A, %c0_i32, %c0_i32_1 : i32, i32, i32
  }
}

module attributes {stable_mosaic.version = 14 : i64} {
  func.func @_finish_body(%arg0: i32, %arg1: i32, %arg2: memref<1x16x256xf32, #tpu.memory_space<vmem>>, %arg3: memref<1x16x256xi32, #tpu.memory_space<vmem>>, %arg4: memref<1x1x256xi32, #tpu.memory_space<vmem>>) attributes {dimension_semantics = [#tpu.dimension_semantics<arbitrary>, #tpu.dimension_semantics<arbitrary>], iteration_bounds = array<i64: 8, 1>, scalar_prefetch = 0 : i64, scratch_operands = 0 : i64, tpu.core_type = #tpu.core_type<tc>, window_params = [{transform_indices = @transform_0, window_bounds = array<i64: 1, 16, 256>}, {transform_indices = @transform_1, window_bounds = array<i64: 1, 16, 256>}, {transform_indices = @transform_2, window_bounds = array<i64: 1, 1, 256>}]} {
    %get3A = arith.constant 0 : index
    %get3A_0 = arith.constant 0 : index
    %get3A_1 = arith.constant 0 : index
    %get3A_2 = vector.load %arg2[%get3A, %get3A_0, %get3A_1] : memref<1x16x256xf32, #tpu.memory_space<vmem>>, vector<1x16x256xf32>
    %get3A_3 = vector.shape_cast %get3A_2 : vector<1x16x256xf32> to vector<16x256xf32>
    %get3A_4 = arith.constant 0 : index
    %get3A_5 = arith.constant 0 : index
    %get3A_6 = arith.constant 0 : index
    %get3A_7 = vector.load %arg3[%get3A_4, %get3A_5, %get3A_6] : memref<1x16x256xi32, #tpu.memory_space<vmem>>, vector<1x16x256xi32>
    %get3A_8 = vector.shape_cast %get3A_7 : vector<1x16x256xi32> to vector<16x256xi32>
    %reduce_min3A = arith.constant dense<0x7F800000> : vector<256xf32>
    %reduce_min3A_9 = vector.multi_reduction <minimumf>, %get3A_3, %reduce_min3A [0] : vector<16x256xf32> to vector<256xf32>
    %broadcast_in_dim3A = vector.shape_cast %reduce_min3A_9 : vector<256xf32> to vector<1x256xf32>
    %iota3A = tpu.iota {dimensions = array<i32: 0>} : vector<16x256xi32>
    %mul3A = arith.constant 16 : i32
    %mul3A_10 = vector.broadcast %mul3A : i32 to vector<16x256xi32>
    %mul3A_11 = arith.muli %get3A_8, %mul3A_10 : vector<16x256xi32>
    %add3A = arith.addi %mul3A_11, %iota3A : vector<16x256xi32>
    %eq3A = vector.broadcast %broadcast_in_dim3A : vector<1x256xf32> to vector<16x256xf32>
    %eq3A_12 = arith.cmpf oeq, %get3A_3, %eq3A : vector<16x256xf32>
    %jit3A = arith.constant 8192 : i32
    %broadcast_in_dim3A_13 = vector.broadcast %jit3A : i32 to vector<16x256xi32>
    %select_n3A = arith.select %eq3A_12, %add3A, %broadcast_in_dim3A_13 : vector<16x256xi1>, vector<16x256xi32>
    %reduce_min3A_14 = arith.constant dense<2147483647> : vector<256xi32>
    %reduce_min3A_15 = vector.multi_reduction <minsi>, %select_n3A, %reduce_min3A_14 [0] : vector<16x256xi32> to vector<256xi32>
    %swap3A = arith.constant 0 : index
    %swap3A_16 = arith.constant 0 : index
    %swap3A_17 = arith.constant 0 : index
    %swap3A_18 = vector.load %arg4[%swap3A, %swap3A_16, %swap3A_17] : memref<1x1x256xi32, #tpu.memory_space<vmem>>, vector<1x1x256xi32>
    %swap3A_19 = vector.shape_cast %swap3A_18 : vector<1x1x256xi32> to vector<256xi32>
    %swap3A_20 = vector.shape_cast %reduce_min3A_15 : vector<256xi32> to vector<1x1x256xi32>
    tpu.vector_store %arg4[%swap3A, %swap3A_16, %swap3A_17], %swap3A_20 {strides = array<i32>} : memref<1x1x256xi32, #tpu.memory_space<vmem>>, vector<1x1x256xi32>,
    return
  }
  func.func @transform_0(%arg0: i32, %arg1: i32) -> (i32, i32, i32) {
    %c0_i32 = arith.constant 0 : i32
    %c0_i32_0 = arith.constant 0 : i32
    return %arg0, %c0_i32, %arg1 : i32, i32, i32
  }
  func.func @transform_1(%arg0: i32, %arg1: i32) -> (i32, i32, i32) {
    %c0_i32 = arith.constant 0 : i32
    %c0_i32_0 = arith.constant 0 : i32
    return %arg0, %c0_i32, %arg1 : i32, i32, i32
  }
  func.func @transform_2(%arg0: i32, %arg1: i32) -> (i32, i32, i32) {
    %mul3A = arith.constant 1 : i32
    %mul3A_0 = arith.muli %arg0, %mul3A : i32
    %add3A = arith.addi %mul3A_0, %arg1 : i32
    %c0_i32 = arith.constant 0 : i32
    %c0_i32_1 = arith.constant 0 : i32
    %c0_i32_2 = arith.constant 0 : i32
    return %add3A, %c0_i32, %c0_i32_1 : i32, i32, i32
  }
}

</mosaic_0001>

<sc_bundles>
// kernel: kernel.5.cloned.1.call-start
scs
__scs_entry_jumppad:
0x0: {  	(pc) =	sbr.rel $0x88, $3  }
0x1: {  	(tag) =	ssettag $0x0;
	lr =	simm.s32 $0x1  }
0x2: {  	[smem:$0x3F9F] =	sst lr;
	_ =	strace $0xD0000000  }
0x3: {  	_ = 	snop  }
0x4: {  	_ = 	snop  }
0x5: {  	_ = 	snop  }
0x6: {  	_ = 	snop  }
0x7: {  	_ = 	snop  }
__scs_overlays_trampoline_lowered:
0x8: {  	[smem:$0x3FAE] =	sst s0  }
0x9: {  	[smem:$0x3FAF] =	sst s1  }
0xa: {  	[smem:$0x3FB0] =	sst s2  }
0xb: {  	[smem:$0x3FB1] =	sst s3  }
0xc: {  	[smem:$0x3FB2] =	sst s4  }
0xd: {  	[smem:$0x3FB3] =	sst s5  }
0xe: {  	[smem:$0x3FB4] =	sst s6  }
0xf: {  	[smem:$0x3FB5] =	sst s7  }
0x10: {  	[smem:$0x3FB6] =	sst s8  }
0x11: {  	[smem:$0x3FB7] =	sst s9;
	s0 =	simm.s32 @!p0 $0x0  }
0x12: {  	s1 =	sld [smem:$0x3F9D];
	s0 =	simm.s32 @p0 $0x1  }
0x13: {  	[smem:$0x3FB8] =	sst s0;
	s0 =	simm.s32 @!p1 $0x0  }
0x14: {  	s2 =	sld [smem:$0x3F9C];
	s0 =	simm.s32 @p1 $0x1  }
0x15: {  	[smem:$0x3FB9] =	sst s0;
	s0 =	simm.s32 @!p2 $0x0  }
0x16: {  	s3 =	sld [smem:$0x3FDB];
	s0 =	simm.s32 @p2 $0x1  }
0x17: {  	s4 =	simm.s32 $0x1BF5;
	[smem:$0x3FBB] =	sst s0  }
0x18: {  	s0 =	sld [smem:$0x3F9E];
	_ =	swait.ge [sflag:s4], $0x0  }
0x19: {  	s7 =	sld [smem:$0x3F9F]  }
0x1a: {  	s8 =	sadd.s32 $0xFFFFE003, lr  }
0x1b: {  	s9 =	sadd.s32 $0xFFFFFEF7, lr;
	s5 =	simm.s32 $0xFFFFFFFF;
	p2 =	slt.u32 s8, $0xFFFFF086  }
0x1c: {  	p1 =	slt.u32 s9, $0xF7A;
	s5 =	simm.s32 @!p2 $0x0  }
0x1d: {  	s5 =	simm.s32 @p1 $0x1;
	p0 =	seq.s32 s7, s2  }
0x1e: {  	s7 =	smul.u32 @!p0 $0xF7A, s2;
	p2 =	seq.s32 @!p0 s5, $0x0  }
0x1f: {  	s9 =	smul.u32 $0xF7A, s1;
	s8 =	simm.s32 @!p0 $0x1BF5;
	p2 =	por !p2, p0  }
0x20: {  	[sflag:s8] =	ssyncset.s32 @!p0 $0xFFFFF086;
	s6 =	sadd.s32 @!p0 s3, s7;
	s7 =	simm.s32 @!p0 $0x108  }
0x21: {  	s3 =	sadd.s32 s3, s9;
	s6 =	sadd.s32 @!p0 $0x88, s6;
	s7 =	simm.s32 @p2 $0x1082  }
0x22: {  	[simem:s7], [sflag:s8] =	dma.local @!p0 [hbm:s6], $0xF7A  }
0x23: {  	s9 =	sor.u32 $0xD0000000, s2;
	s6 =	simm.s32 $0x108;
	_ =	swait.ge @!p0 [sflag:s8], $0x0  }
0x24: {  	s3 =	sadd.s32 $0x88, s3;
	s6 =	simm.s32 @!p1 $0x1082;
	[sflag:s4] =	ssyncset.s32 $0xFFFFF086  }
0x25: {  	[simem:s6], [sflag:s4] =	dma.local [hbm:s3], $0xF7A  }
0x26: {  	[smem:$0x3F9F] =	sst s1;
	(tag) =	ssettag s2;
	_ =	strace s9  }
0x27: {  	s1 =	sld [smem:$0x3FAF]  }
0x28: {  	s2 =	sld [smem:$0x3FB0]  }
0x29: {  	s4 =	sld [smem:$0x3FB2]  }
0x2a: {  	p0 =	seq.s32 s5, $0x0;
	s5 =	sld [smem:$0x3FB3]  }
0x2b: {  	s6 =	sld [smem:$0x3FB4]  }
0x2c: {  	s7 =	sld [smem:$0x3FB5]  }
0x2d: {  	s3 =	simm.s32 $0x108;
	s8 =	sld [smem:$0x3FB6]  }
0x2e: {  	s3 =	simm.s32 @!p0 $0x1082;
	s9 =	sld [smem:$0x3FB7]  }
0x2f: {  	lr =	sadd.s32 s0, s3;
	s0 =	sld [smem:$0x3FAE]  }
0x30: {  	s3 =	sld [smem:$0x3FB1]  }
0x31: {  	[smem:$0x3FBA] =	sst s10  }
0x32: {  	s10 =	sld [smem:$0x3FB8];
	_ =	sdelay $0x3  }
0x33: {  	p0 =	seq.s32 s10, $0x1;
	s10 =	sld [smem:$0x3FBA];
	_ =	sdelay $0x3  }
0x34: {  	[smem:$0x3FBA] =	sst s10  }
0x35: {  	s10 =	sld [smem:$0x3FB9];
	_ =	sdelay $0x3  }
0x36: {  	p1 =	seq.s32 s10, $0x1;
	s10 =	sld [smem:$0x3FBA];
	_ =	sdelay $0x3  }
0x37: {  	[smem:$0x3FBA] =	sst s10  }
0x38: {  	s10 =	sld [smem:$0x3FBB]  }
0x39: {  	_ = 	snop;
	(pc) =	sbr.ind lr, $3  }
0x3a: {  	_ = 	snop  }
0x3b: {  	_ = 	snop  }
0x3c: {  	p2 =	seq.s32 s10, $0x1;
	s10 =	sld [smem:$0x3FBA]  }
0x3d: {  	_ =	shalt  }
0x3e: {  	_ =	shalt  }
0x3f: {  	_ =	shalt  }
0x40: {  	_ =	shalt  }
0x41: {  	_ =	shalt  }
0x42: {  	_ =	shalt  }
0x43: {  	_ =	shalt  }
0x44: {  	_ =	shalt  }
0x45: {  	_ =	shalt  }
0x46: {  	_ =	shalt  }
0x47: {  	_ =	shalt  }
0x48: {  	_ =	shalt  }
0x49: {  	_ =	shalt  }
0x4a: {  	_ =	shalt  }
0x4b: {  	_ =	shalt  }
0x4c: {  	_ =	shalt  }
0x4d: {  	_ =	shalt  }
0x4e: {  	_ =	shalt  }
0x4f: {  	_ =	shalt  }
0x50: {  	_ =	shalt  }
0x51: {  	_ =	shalt  }
0x52: {  	_ =	shalt  }
0x53: {  	_ =	shalt  }
0x54: {  	_ =	shalt  }
0x55: {  	_ =	shalt  }
0x56: {  	_ =	shalt  }
0x57: {  	_ =	shalt  }
0x58: {  	_ =	shalt  }
0x59: {  	_ =	shalt  }
0x5a: {  	_ =	shalt  }
0x5b: {  	_ =	shalt  }
0x5c: {  	_ =	shalt  }
0x5d: {  	_ =	shalt  }
0x5e: {  	_ =	shalt  }
0x5f: {  	_ =	shalt  }
0x60: {  	_ =	shalt  }
0x61: {  	_ =	shalt  }
0x62: {  	_ =	shalt  }
0x63: {  	_ =	shalt  }
0x64: {  	_ =	shalt  }
0x65: {  	_ =	shalt  }
0x66: {  	_ =	shalt  }
0x67: {  	_ =	shalt  }
0x68: {  	_ =	shalt  }
0x69: {  	_ =	shalt  }
0x6a: {  	_ =	shalt  }
0x6b: {  	_ =	shalt  }
0x6c: {  	_ =	shalt  }
0x6d: {  	_ =	shalt  }
0x6e: {  	_ =	shalt  }
0x6f: {  	_ =	shalt  }
0x70: {  	_ =	shalt  }
0x71: {  	_ =	shalt  }
0x72: {  	_ =	shalt  }
0x73: {  	_ =	shalt  }
0x74: {  	_ =	shalt  }
0x75: {  	_ =	shalt  }
0x76: {  	_ =	shalt  }
0x77: {  	_ =	shalt  }
0x78: {  	_ =	shalt  }
0x79: {  	_ =	shalt  }
0x7a: {  	_ =	shalt  }
0x7b: {  	_ =	shalt  }
0x7c: {  	_ =	shalt  }
0x7d: {  	_ =	shalt  }
0x7e: {  	_ =	shalt  }
0x7f: {  	_ =	shalt  }
0x80: {  	_ =	shalt  }
0x81: {  	_ =	shalt  }
0x82: {  	_ =	shalt  }
0x83: {  	_ =	shalt  }
0x84: {  	_ =	shalt  }
0x85: {  	_ =	shalt  }
0x86: {  	_ =	shalt  }
0x87: {  	_ =	shalt  }
.Lfunc_end0:
.L_simem_size_0:
called_computation_lowered:
.L_overlay_start_0:
0x88: {  	s2 =	sld [smem:$0x3FD9]  }
0x89: {  	s3 =	sld [smem:$0x3FFE];
	_ =	sdelay $0x1  }
0x8a: {  	s1 =	srdreg.scid  }
0x8b: {  	s0 =	sand.u32 $0x1, s1  }
0x8c: {  	s17 =	sshll.u32 s0, $0xA;
	s2 =	sadd.s32 s3, s2  }
0x8d: {  	s2 =	sadd.s32 s2, s17  }
0x8e: {  	[smem:$0x3FC6] =	sst s2  }
0x8f: {  	_ = 	snop  }
0x90: {  	s2 =	sld [smem:$0x3FD0];
	(tm) =	ssettm $0x1  }
0x91: {  	s18 =	sld [smem:$0x3FFB];
	_ =	sdelay $0x3  }
0x92: {  	_ =	strace s18  }
0x93: {  	s3 =	sld [smem:$0x3FFC];
	_ =	sdelay $0x3  }
0x94: {  	_ =	strace s3  }
0x95: {  	s3 =	sld [smem:$0x3FFD];
	_ =	sdelay $0x3  }
0x96: {  	_ =	strace s3  }
0x97: {  	_ =	strace $0x8FFFFFFF  }
0x98: {  	s19 =	sld [smem:$0x3FDB];
	_ =	sdelay $0x1  }
0x99: {  	s4 =	simm.s32 $_scs_section_size  }
0x9a: {  	s5 =	simm.s32 $_size__tile_overlayer_lowered;
	s6 =	simm.s32 $_tile_overlayer_lowered  }
0x9b: {  	s22 =	simm.s32 $0x1BFF;
	s21 =	sshll.u32 s6, $0x1;
	s3 =	sadd.s32 s4, s19  }
0x9c: {  	s7 =	simm.s32 $0x0;
	s20 =	sshll.u32 s5, $0x1;
	s5 =	sadd.s32 s21, s3  }
0x9d: {  	[timem:s7], [sflag:s22] =	dma.local [hbm:s5], s20  }
0x9e: {  	_ =	swait.ge [sflag:s22], s20  }
0x9f: {  	s4 =	ssub.s32 $0x0, s20;
	[sflag:s22] =	ssyncset.done $0x0  }
0xa0: {  	[sflag:s22] =	ssyncadd.s32 s4;
	_ =	sdelay $0x1  }
0xa1: {  	s23 =	simm.s32 $0x1B8B  }
0xa2: {  	_ =	swait.ge [sflag:s23], $0x1  }
0xa3: {  	[sflag:s23] =	ssyncset.done $0x0  }
0xa4: {  	s25 =	simm.s32 $0x1B8E;
	s24 =	sld [smem:$0x3FFE];
	[sflag:s23] =	ssyncadd.s32 $0xFFFFFFFF  }
0xa5: {  	s26 =	simm.s32 $execute0_lowered;
	[smem:$0x3FD2] =	sst s25  }
0xa6: {  	s5 =	sshll.u32 s26, $0x1;
	_ =	strace $0x80000046;
	[dreg:$0x1] =	wrdreg $0xFFFFFFFF  }
0xa7: {  	s28 =	simm.s32 $_size_execute0_lowered;
	s3 =	sadd.s32 s3, s5;
	[dreg:$0x0] =	wrdreg $0x0  }
0xa8: {  	s5 =	sshll.u32 s28, $0x1;
	[dreg:$0x2] =	wrdreg s3  }
0xa9: {  	[dreg:$0x3] =	wrdreg s5  }
0xaa: {  	[dreg:$0x4] =	wrdreg $0xC0  }
0xab: {  	_ =	task [dreg:s7], $0x5FFFF  }
0xac: {  	[dreg:$0x1] =	wrdreg $0xFFFFFFFF  }
0xad: {  	[dreg:$0x0] =	wrdreg $0x60  }
0xae: {  	[dreg:$0x2] =	wrdreg s2  }
0xaf: {  	[dreg:$0x3] =	wrdreg s24  }
0xb0: {  	[dreg:$0x4] =	wrdreg $0x9  }
0xb1: {  	_ =	task.clear_ibuf [dreg:s7], $0x5FFFF;
	_ =	strace $0x90000046  }
0xb2: {  	s29 =	simm.s32 $0x9;
	_ =	strace $0x80000048  }
0xb3: {  	_ =	swait.ge [sflag:s29], $0x1  }
0xb4: {  	[sflag:s29] =	ssyncadd.s32 $0xFFFFFFFF  }
0xb5: {  	_ =	strace $0x90000048  }
0xb6: {  	_ =	sfence  }
0xb7: {  	s30 =	sld [smem:$0x0];
	_ =	sdelay $0x2  }
0xb8: {  	s31 =	sshll.u32 s1, $0xD;
	s1 =	sshrl.u32 s1, $0x2  }
0xb9: {  	s3 =	sand.u32 $0x4000, s31;
	s1 =	sadd.s32 s1, s30  }
0xba: {  	s0 =	sor.u32 s3, s0;
	s1 =	sshll.u32 s1, $0x11  }
0xbb: {  	s0 =	sor.u32 s1, s0  }
0xbc: {  	s0 =	sadd.s32 $0x8F2B, s0  }
0xbd: {  	[sflag:s0] =	ssyncadd.remote.s32 $0x1  }
0xbe: {  	_ =	sfence.sel $0xFFFF  }
0xbf: {  	[dreg:$0x0] =	wrdreg $0xFFFFFFFF;
	(pc) =	sbr.abs _section_cstart, $3  }
0xc0: {  	[dreg:$0x1] =	wrdreg $0xFFFFFFFF  }
0xc1: {  	_ =	task.clear_ibuf [dreg:s7], $0x2FFFF;
	_ =	strace $0x9FFFFFFF  }
0xc2: {  	(tm) =	ssettm $0x7FFFFFFF  }
0xc3: {  	_ =	shalt  }
tec
execute0_lowered:
.L_overlay_start_1:
0x0: {  	(tag) =	ssettag $0x1  }
0x1: {  	s0 =	rddreg [dreg:$0x0]  }
0x2: {  	s1 =	rddreg [dreg:$0x1]  }
0x3: {  	s2 =	simm.s32 $0x0;
	s6 =	stileid.u32;
	s28 =	srdreg.scid  }
0x4: {  	s14 =	simm.s32 $0x1;
	s18 =	simm.s32 $0x80;
	s22 =	simm.s32 $0x400  }
0x5: {  	s23 =	simm.s32 $0xA200;
	s24 =	simm.s32 $0xA600;
	s25 =	simm.s32 $0x0  }
0x6: {  	[smem:$0x7FF] =	sst s2;
	s3 =	sshrl.u32 s6, $0x1;
	s8 =	sadd.s32 $0x8400, s1  }
0x7: {  	s5 =	sshll.u32 s6, $0x1;
	s6 =	sshll.u32 s6, $0xA;
	_ =	strace $0x80000047  }
0x8: {  	s4 =	sshll.u32 s3, $0xC;
	s26 =	sshll.u32 s3, $0xA;
	s5 =	sand.u32 $0x2, s5  }
0x9: {  	s6 =	sand.u32 $0x400, s6;
	s9 =	sadd.s32 s4, s1;
	s4 =	sand.u32 $0x1, s28  }
0xa: {  	s3 =	sshll.u32 s3, $0x7;
	s10 =	sadd.s32 s26, s1;
	s5 =	sor.u32 s4, s5  }
0xb: {  	s7 =	sshll.u32 s4, $0x6;
	s4 =	ssub.s32 $0x2, s4;
	s9 =	sadd.s32 $0x400, s9  }
0xc: {  	s10 =	sadd.s32 $0x8800, s10;
	s5 =	sshll.u32 s5, $0xD;
	s6 =	sor.u32 s7, s6  }
0xd: {  	s29 =	sshrl.u32 s4, $0x1;
	s5 =	sor.u32 s3, s5;
	s3 =	sor.u32 s3, s6  }
0xe: {  	s13 =	ssub.s32 s4, s29;
	s5 =	sshrl.u32 s5, $0x3;
	s30 =	sshrl.u32 s3, $0x3  }
0xf: {  	s13 =	smax.u32 s13, $0x1;
	s1 =	sadd.s32 s5, s1;
	s3 =	sadd.s32 s0, s30  }
0x10: {  	s4 =	sadd.s32 s8, s30;
	s31 =	sor.u32 $0x100, s30;
	s11 =	sor.u32 $0x200, s30  }
0x11: {  	s5 =	sadd.s32 s0, s31;
	s6 =	sadd.s32 s8, s31;
	s7 =	sadd.s32 s0, s11  }
0x12: {  	s8 =	sadd.s32 s8, s11;
	s11 =	sadd.s32 $0xA800, s1;
	s12 =	sadd.s32 $0xB800, s1  }
.LBB2_1:
0x13: {  	[tilespmem:s2], [sflag:$0x1] =	stream.linear.gather [hbm4b:s3+s2], $0x40, $0x38;
	[tilespmem:$0xAA00] =	vst v63  }
0x14: {  	_ =	swait.ge [sflag:s14], $0x40  }
0x15: {  	[sflag:s14] =	ssyncset.done $0x0  }
0x16: {  	s0 =	simm.s32 $0x100;
	[sflag:s14] =	ssyncadd.s32 $0xFFFFFFC0  }
0x17: {  	[tilespmem:s0], [sflag:$0x1] =	stream.linear.gather [hbm4b:s4+s2], $0x40, $0x38;
	[tilespmem:$0xAA00] =	vst v63  }
0x18: {  	_ =	swait.ge [sflag:s14], $0x40  }
0x19: {  	[sflag:s14] =	ssyncset.done $0x0  }
0x1a: {  	s26 =	simm.s32 $0x40;
	[sflag:s14] =	ssyncadd.s32 $0xFFFFFFC0  }
0x1b: {  	[tilespmem:s26], [sflag:$0x1] =	stream.linear.gather [hbm4b:s5+s2], $0x40, $0x38;
	[tilespmem:$0xAA00] =	vst v63  }
0x1c: {  	_ =	swait.ge [sflag:s14], $0x40  }
0x1d: {  	[sflag:s14] =	ssyncset.done $0x0  }
0x1e: {  	s28 =	simm.s32 $0x140;
	[sflag:s14] =	ssyncadd.s32 $0xFFFFFFC0  }
0x1f: {  	[tilespmem:s28], [sflag:$0x1] =	stream.linear.gather [hbm4b:s6+s2], $0x40, $0x38;
	[tilespmem:$0xAA00] =	vst v63  }
0x20: {  	_ =	swait.ge [sflag:s14], $0x40  }
0x21: {  	[sflag:s14] =	ssyncset.done $0x0  }
0x22: {  	[sflag:s14] =	ssyncadd.s32 $0xFFFFFFC0  }
0x23: {  	[tilespmem:s18], [sflag:$0x1] =	stream.linear.gather [hbm4b:s7+s2], $0x40, $0x38;
	[tilespmem:$0xAA00] =	vst v63  }
0x24: {  	_ =	swait.ge [sflag:s14], $0x40  }
0x25: {  	[sflag:s14] =	ssyncset.done $0x0  }
0x26: {  	s29 =	simm.s32 $0x180;
	[sflag:s14] =	ssyncadd.s32 $0xFFFFFFC0  }
0x27: {  	[tilespmem:s29], [sflag:$0x1] =	stream.linear.gather [hbm4b:s8+s2], $0x40, $0x38;
	[tilespmem:$0xAA00] =	vst v63  }
0x28: {  	_ =	swait.ge [sflag:s14], $0x40  }
0x29: {  	[sflag:s14] =	ssyncset.done $0x0  }
0x2a: {  	s30 =	simm.s32 $0x200;
	[sflag:s14] =	ssyncadd.s32 $0xFFFFFFC0  }
0x2b: {  	[tilespmem:s30], [sflag:$0x1] =	stream.linear.gather [hbm4b:s9+s2], $0x8000, $0x38;
	[tilespmem:$0xAA00] =	vst v63  }
0x2c: {  	_ =	swait.ge [sflag:s14], $0x8000  }
0x2d: {  	[sflag:s14] =	ssyncset.done $0x0  }
0x2e: {  	s31 =	simm.s32 $0x8200;
	[sflag:s14] =	ssyncadd.s32 $0xFFFF8000  }
0x2f: {  	[tilespmem:s31], [sflag:$0x1] =	stream.linear.gather [hbm4b:s10+s2], $0x2000, $0x38;
	[tilespmem:$0xAA00] =	vst v63  }
0x30: {  	_ =	swait.ge [sflag:s14], $0x2000  }
0x31: {  	[sflag:s14] =	ssyncset.done $0x0  }
0x32: {  	s26 =	simm.s32 $0x0;
	[sflag:s14] =	ssyncadd.s32 $0xFFFFE000  }
.LBB2_2:
0x33: {  	s0 =	sshll.u32 s26, $0x4  }
0x34: {  	v3 =	vld [tilespmem:s0+$0x0]  }
0x35: {  	v0 =	vld [tilespmem:s0+$0x100]  }
0x36: {  	s28 =	simm.s32 $0x0;
	v1 =	vld [tilespmem:s0+$0x140]  }
0x37: {  	s15 =	simm.s32 $0x20;
	s1 =	sor.u32 $0x40, s0;
	s19 =	sand.u32 $0x7E00, s28;
	v2 =	vld [tilespmem:s0+$0x180]  }
0x38: {  	s17 =	sor.u32 $0x80, s0;
	s15 =	sand.u32 $0x60, s15;
	v4 =	vld [tilespmem:s1+$0x0];
	s1 =	sadd.s32 $0x200, s19  }
0x39: {  	v5 =	vld [tilespmem:s17+$0x0];
	s20 =	sor.u32 s15, s1  }
0x3a: {  	s21 =	sand.u32 $0x40, s28;
	v9 =	vld [tilespmem:s20+$0x100]  }
0x3b: {  	s15 =	sor.u32 s21, s1;
	v8 =	vld [tilespmem:s20+$0x0]  }
0x3c: {  	s16 =	simm.s32 $0x30;
	v10 =	vld [tilespmem:s15+$0x100]  }
0x3d: {  	s16 =	sand.u32 $0x70, s16;
	s17 =	simm.s32 $0x10;
	v12 =	vld [tilespmem:s15+$0x0]  }
0x3e: {  	s16 =	sor.u32 s16, s1;
	s17 =	sand.u32 $0x50, s17;
	v13 =	vld [tilespmem:s15+$0x80]  }
0x3f: {  	s1 =	sor.u32 s17, s1;
	v18 =	vld [tilespmem:s16+$0x80]  }
0x40: {  	v14 =	vld [tilespmem:s1+$0x0];
	v3 =	vmul.f32 v3, v3;
	v4 =	vmul.f32 v4, v4  }
0x41: {  	v15 =	vld [tilespmem:s1+$0x80];
	v6 =	vbroadcast v0, $0x0  }
0x42: {  	v16 =	vld [tilespmem:s20+$0x80];
	v7 =	vbroadcast v1, $0x0;
	v3 =	vadd.f32 v4, v3;
	v4 =	vmul.f32 v5, v5  }
0x43: {  	v17 =	vld [tilespmem:s1+$0x100];
	v5 =	vbroadcast v2, $0x0;
	v12 =	vmul.f32 v12, v6  }
0x44: {  	v11 =	vld [tilespmem:s16+$0x0];
	v13 =	vmul.f32 v13, v7;
	v19 =	vmul.f32 v8, v6  }
0x45: {  	s30 =	simm.s32 $0x100;
	v21 =	vld [tilespmem:s16+$0x100];
	s1 =	simm.s32 $0x0;
	v23 =	vmul.f32 v18, v7;
	v14 =	vmul.f32 v14, v6  }
0x46: {  	s15 =	sand.u32 $0x7E00, s30;
	s17 =	simm.s32 $0x60;
	v8 =	vld [tilespmem:s1+$0x8230];
	v15 =	vmul.f32 v15, v7;
	v20 =	vmul.f32 v10, v5;
	v12 =	vadd.f32 v13, v12  }
0x47: {  	s16 =	sadd.s32 $0x200, s15;
	s19 =	sand.u32 $0x60, s17;
	v3 =	vadd.f32 v4, v3;
	v22 =	vmul.f32 v9, v5;
	v10 =	vld [tilespmem:s1+$0x8220];
	v9 =	vmul.f32 v16, v7  }
0x48: {  	s0 =	sor.u32 s19, s16;
	v13 =	vld [tilespmem:s1+$0x8200];
	v17 =	vmul.f32 v17, v5;
	v15 =	vadd.f32 v15, v14;
	v16 =	vadd.f32 v20, v12  }
0x49: {  	s31 =	simm.s32 $0x40;
	v14 =	vld [tilespmem:s0+$0x0];
	v4 =	vbroadcast v3, $0x0;
	v19 =	vadd.f32 v9, v19;
	v20 =	vmul.f32 v11, v6  }
0x4a: {  	s20 =	sand.u32 $0x40, s31;
	s19 =	simm.s32 $0x70;
	v12 =	vld [tilespmem:s0+$0x100];
	v11 =	vimm.f32 $+Inf;
	v25 =	vadd.f32 v17, v15;
	v24 =	vadd.f32 v16, v16  }
0x4b: {  	s17 =	sor.u32 s20, s16;
	s21 =	sand.u32 $0x70, s19;
	v16 =	vld [tilespmem:s1+$0x8210];
	v18 =	vadd.f32 v22, v19;
	v17 =	vadd.f32 v23, v20;
	v19 =	vmul.f32 v21, v5  }
0x4c: {  	s29 =	simm.s32 $0x4;
	s15 =	sor.u32 s21, s16;
	v9 =	vimm.s32 $0x0;
	v15 =	vld [tilespmem:s17+$0x100];
	s1 =	simm.s32 $0x8;
	v20 =	vadd.f32 v25, v25;
	v21 =	vsub.f32 v4, v24  }
.LBB2_3:
0x4d: {  	p0 =	slt.u32 s1, $0x1FC;
	s19 =	sadd.s32 $0x10, s31;
	v22 =	vld [tilespmem:s15+$0x0];
	v18 =	vadd.f32 v18, v18;
	v17 =	vadd.f32 v19, v17  }
0x4e: {  	v19 =	vld [tilespmem:s17+$0x0];
	s19 =	sand.u32 $0x50, s19;
	v13 =	vadd.f32 v21, v13;
	v20 =	vsub.f32 v4, v20  }
0x4f: {  	v23 =	vmul.f32 v12, v5;
	v21 =	vld [tilespmem:s17+$0x80];
	s16 =	sor.u32 s19, s16;
	v14 =	vmul.f32 v14, v6;
	v12 =	vadd.f32 v17, v17  }
0x50: {  	v18 =	vsub.f32 v4, v18;
	v17 =	vld [tilespmem:s16+$0x0];
	vm0 =	vlt.f32 v13, v11;
	v16 =	vadd.f32 v20, v16  }
0x51: {  	v15 =	vmul.f32 v15, v5;
	v20 =	vld [tilespmem:s16+$0x80];
	v11 =	vsel vm0, v13, v11;
	v9 =	vsel vm0, s28, v9  }
0x52: {  	v10 =	vadd.f32 v18, v10;
	v12 =	vsub.f32 v4, v12;
	v13 =	vld [tilespmem:s0+$0x80];
	vm0 =	vlt.f32 v16, v11;
	s0 =	sadd.s32 $0x1, s28  }
0x53: {  	v18 =	vmul.f32 v19, v6;
	v19 =	vld [tilespmem:s16+$0x100];
	v11 =	vsel vm0, v16, v11;
	v9 =	vsel vm0, s0, v9  }
0x54: {  	s19 =	sshra.s32 s30, $0x2;
	s0 =	sadd.s32 $0x2, s28;
	v12 =	vadd.f32 v12, v8;
	v16 =	vmul.f32 v21, v7;
	v21 =	vld [tilespmem:s15+$0x80];
	vm0 =	vlt.f32 v10, v11  }
0x55: {  	s31 =	sadd.s32 $0x40, s31;
	s30 =	sadd.s32 $0x100, s30;
	v17 =	vmul.f32 v17, v6;
	v8 =	vld [tilespmem:s19+$0x8230];
	v11 =	vsel vm0, v10, v11;
	v9 =	vsel vm0, s0, v9  }
0x56: {  	s17 =	sadd.s32 $0x20, s31;
	s0 =	sand.u32 $0x7E00, s30;
	v16 =	vadd.f32 v16, v18;
	v18 =	vmul.f32 v20, v7;
	v20 =	vld [tilespmem:s15+$0x100];
	vm0 =	vlt.f32 v12, v11;
	s15 =	sadd.s32 $0x3, s28  }
0x57: {  	s16 =	sadd.s32 $0x200, s0;
	s0 =	sand.u32 $0x60, s17;
	s28 =	smov.u32 s29;
	v10 =	vld [tilespmem:s19+$0x8220];
	v24 =	vmul.f32 v13, v7;
	v11 =	vsel vm0, v12, v11;
	v9 =	vsel vm0, s15, v9  }
.Ltmp0:
0x58: {  	s29 =	smov.u32 s1;
	s0 =	sor.u32 s0, s16;
	v13 =	vld [tilespmem:s19+$0x8200];
	v15 =	vadd.f32 v15, v16;
	v16 =	vadd.f32 v18, v17;
	v17 =	vmul.f32 v19, v5;
	(pc) =	sbr.rel @p0 .LBB2_3-.Ltmp0, $4  }
0x59: {  	v19 =	vmul.f32 v22, v6;
	v12 =	vld [tilespmem:s0+$0x100];
	v18 =	vadd.f32 v24, v14;
	v21 =	vmul.f32 v21, v7  }
0x5a: {  	s20 =	sadd.s32 $0x30, s31;
	s15 =	sand.u32 $0x40, s31;
	v14 =	vld [tilespmem:s0+$0x0];
	v22 =	vadd.f32 v15, v15;
	v24 =	vadd.f32 v17, v16  }
0x5b: {  	s17 =	sor.u32 s15, s16;
	s15 =	sand.u32 $0x70, s20;
	v16 =	vld [tilespmem:s19+$0x8210];
	v18 =	vadd.f32 v23, v18;
	v17 =	vadd.f32 v21, v19;
	v19 =	vmul.f32 v20, v5  }
0x5c: {  	s1 =	sadd.s32 $0x4, s1;
	s15 =	sor.u32 s15, s16;
	v15 =	vld [tilespmem:s17+$0x100];
	v21 =	vsub.f32 v4, v22;
	v20 =	vadd.f32 v24, v24  }
0x5d: {  	s1 =	sadd.s32 $0x10, s31;
	v22 =	vld [tilespmem:s17+$0x0]  }
0x5e: {  	v23 =	vld [tilespmem:s17+$0x80];
	s1 =	sand.u32 $0x50, s1  }
0x5f: {  	v24 =	vld [tilespmem:s15+$0x0];
	v18 =	vadd.f32 v18, v18;
	v17 =	vadd.f32 v19, v17;
	s1 =	sor.u32 s1, s16  }
0x60: {  	v13 =	vadd.f32 v21, v13;
	v20 =	vsub.f32 v4, v20;
	v19 =	vld [tilespmem:s1+$0x0]  }
0x61: {  	v17 =	vadd.f32 v17, v17;
	v21 =	vld [tilespmem:s1+$0x80]  }
0x62: {  	v25 =	vld [tilespmem:s0+$0x80];
	v18 =	vsub.f32 v4, v18;
	vm0 =	vlt.f32 v13, v11;
	v16 =	vadd.f32 v20, v16  }
0x63: {  	v11 =	vsel vm0, v13, v11;
	v13 =	vsub.f32 v4, v17;
	v20 =	vmul.f32 v22, v6;
	v22 =	vld [tilespmem:s1+$0x100]  }
0x64: {  	v12 =	vmul.f32 v12, v5;
	v17 =	vld [tilespmem:s15+$0x80];
	v23 =	vmul.f32 v23, v7  }
0x65: {  	v10 =	vadd.f32 v18, v10;
	v15 =	vmul.f32 v15, v5;
	v8 =	vadd.f32 v13, v8  }
0x66: {  	v18 =	vadd.f32 v23, v20;
	v20 =	vld [tilespmem:s15+$0x100];
	v13 =	vmul.f32 v19, v6;
	v19 =	vmul.f32 v21, v7  }
0x67: {  	v14 =	vmul.f32 v14, v6;
	vm1 =	vlt.f32 v16, v11;
	v21 =	vmul.f32 v25, v7  }
0x68: {  	s20 =	sshra.s32 s30, $0x2;
	v15 =	vadd.f32 v15, v18;
	v13 =	vadd.f32 v19, v13;
	v18 =	vmul.f32 v22, v5  }
0x69: {  	v6 =	vmul.f32 v24, v6;
	v7 =	vmul.f32 v17, v7;
	v19 =	vld [tilespmem:s20+$0x8200];
	v14 =	vadd.f32 v21, v14  }
0x6a: {  	v11 =	vsel vm1, v16, v11;
	v15 =	vadd.f32 v15, v15;
	v13 =	vadd.f32 v18, v13  }
0x6b: {  	v16 =	vld [tilespmem:s20+$0x8210];
	v6 =	vadd.f32 v7, v6;
	v12 =	vadd.f32 v12, v14;
	v5 =	vmul.f32 v20, v5  }
0x6c: {  	vm2 =	vlt.f32 v10, v11;
	v7 =	vsub.f32 v4, v15;
	v13 =	vadd.f32 v13, v13  }
0x6d: {  	v10 =	vsel vm2, v10, v11;
	v11 =	vld [tilespmem:s20+$0x8220];
	v12 =	vadd.f32 v12, v12;
	v5 =	vadd.f32 v5, v6  }
0x6e: {  	vm3 =	vlt.f32 v8, v10;
	v6 =	vadd.f32 v7, v19;
	v7 =	vsub.f32 v4, v13  }
0x6f: {  	v9 =	vsel vm0, s28, v9;
	v8 =	vsel vm3, v8, v10;
	v13 =	vld [tilespmem:s20+$0x8230];
	v5 =	vadd.f32 v5, v5  }
0x70: {  	s21 =	sadd.s32 $0x1, s28;
	v10 =	vsub.f32 v4, v12;
	vm12 =	vlt.f32 v6, v8;
	v7 =	vadd.f32 v7, v16  }
0x71: {  	v9 =	vsel vm1, s21, v9;
	v6 =	vsel vm12, v6, v8  }
0x72: {  	s1 =	sadd.s32 $0x2, s28;
	v8 =	vadd.f32 v10, v11;
	v4 =	vsub.f32 v4, v5;
	vm13 =	vlt.f32 v7, v6  }
0x73: {  	s15 =	sadd.s32 $0x3, s28;
	v5 =	vsel vm2, s1, v9;
	v6 =	vsel vm13, v7, v6  }
0x74: {  	v5 =	vsel vm3, s15, v5;
	v4 =	vadd.f32 v4, v13;
	vm14 =	vlt.f32 v8, v6  }
0x75: {  	s16 =	sadd.s32 $0x1, s29;
	v5 =	vsel vm12, s29, v5;
	v6 =	vsel vm14, v8, v6  }
0x76: {  	s17 =	sadd.s32 $0x2, s29;
	s19 =	sadd.s32 $0x3, s29;
	s29 =	simm.s32 $0x0;
	v5 =	vsel vm13, s16, v5;
	vm15 =	vlt.f32 v4, v6  }
0x77: {  	s21 =	simm.s32 $0x20;
	s28 =	sshll.u32 s26, $0x8;
	s20 =	sand.u32 $0x7E00, s29;
	v5 =	vsel vm14, s17, v5;
	v4 =	vsel vm15, v4, v6  }
0x78: {  	s15 =	sand.u32 $0x60, s21;
	s0 =	sadd.s32 $0x200, s20;
	v5 =	vsel vm15, s19, v5;
	[tilespmem:s28+$0xA200] =	vst v4  }
0x79: {  	s1 =	sor.u32 s15, s0;
	[tilespmem:s28+$0xA600] =	vst v5  }
0x7a: {  	s16 =	sand.u32 $0x40, s29;
	s17 =	simm.s32 $0x30;
	v9 =	vld [tilespmem:s1+$0x100]  }
0x7b: {  	s15 =	sor.u32 s16, s0;
	s16 =	sand.u32 $0x70, s17;
	v8 =	vld [tilespmem:s1+$0x0]  }
0x7c: {  	s16 =	sor.u32 s16, s0;
	v10 =	vld [tilespmem:s15+$0x100]  }
0x7d: {  	s19 =	simm.s32 $0x10;
	v11 =	vld [tilespmem:s16+$0x0]  }
0x7e: {  	s17 =	sand.u32 $0x50, s19;
	v12 =	vld [tilespmem:s15+$0x0]  }
0x7f: {  	v13 =	vld [tilespmem:s15+$0x80];
	s0 =	sor.u32 s17, s0  }
0x80: {  	v14 =	vld [tilespmem:s0+$0x0]  }
0x81: {  	v15 =	vld [tilespmem:s0+$0x80]  }
0x82: {  	v7 =	vbroadcast v1, $0x1;
	v6 =	vbroadcast v0, $0x1;
	v16 =	vld [tilespmem:s1+$0x80]  }
0x83: {  	v5 =	vbroadcast v2, $0x1;
	v4 =	vbroadcast v3, $0x1;
	v17 =	vld [tilespmem:s0+$0x100]  }
0x84: {  	v18 =	vld [tilespmem:s16+$0x80];
	v12 =	vmul.f32 v12, v6;
	v13 =	vmul.f32 v13, v7  }
0x85: {  	s31 =	simm.s32 $0x100;
	s15 =	simm.s32 $0x0;
	v21 =	vld [tilespmem:s16+$0x100];
	v19 =	vmul.f32 v8, v6;
	v20 =	vmul.f32 v10, v5  }
0x86: {  	s21 =	simm.s32 $0x60;
	s20 =	sand.u32 $0x7E00, s31;
	v8 =	vld [tilespmem:s15+$0x8230];
	v14 =	vmul.f32 v14, v6;
	v15 =	vmul.f32 v15, v7;
	v12 =	vadd.f32 v13, v12  }
0x87: {  	s17 =	sadd.s32 $0x200, s20;
	s16 =	sand.u32 $0x60, s21;
	v22 =	vmul.f32 v9, v5;
	v10 =	vld [tilespmem:s15+$0x8220];
	v9 =	vmul.f32 v16, v7  }
0x88: {  	s1 =	sor.u32 s16, s17;
	v17 =	vmul.f32 v17, v5;
	v13 =	vld [tilespmem:s15+$0x8200];
	v15 =	vadd.f32 v15, v14;
	v16 =	vadd.f32 v20, v12  }
0x89: {  	s0 =	simm.s32 $0x40;
	v23 =	vmul.f32 v18, v7;
	v19 =	vadd.f32 v9, v19;
	v14 =	vld [tilespmem:s1+$0x0];
	v20 =	vmul.f32 v11, v6  }
0x8a: {  	s20 =	simm.s32 $0x70;
	s19 =	sand.u32 $0x40, s0;
	v9 =	vimm.s32 $0x0;
	v12 =	vld [tilespmem:s1+$0x100];
	v63 =	vadd.f32 v17, v15;
	v62 =	vadd.f32 v16, v16  }
0x8b: {  	s21 =	sand.u32 $0x70, s20;
	s19 =	sor.u32 s19, s17;
	v18 =	vadd.f32 v22, v19;
	v19 =	vmul.f32 v21, v5;
	v16 =	vld [tilespmem:s15+$0x8210];
	v17 =	vadd.f32 v23, v20  }
0x8c: {  	s30 =	simm.s32 $0x4;
	s16 =	sor.u32 s21, s17;
	v11 =	vimm.f32 $+Inf;
	v15 =	vld [tilespmem:s19+$0x100];
	s15 =	simm.s32 $0x8;
	v20 =	vadd.f32 v63, v63;
	v21 =	vsub.f32 v4, v62  }
.LBB2_5:
0x8d: {  	p0 =	slt.u32 s15, $0x1FC;
	s20 =	sadd.s32 $0x10, s0;
	v22 =	vld [tilespmem:s16+$0x0];
	v18 =	vadd.f32 v18, v18;
	v17 =	vadd.f32 v19, v17  }
0x8e: {  	v19 =	vld [tilespmem:s19+$0x0];
	s20 =	sand.u32 $0x50, s20;
	v13 =	vadd.f32 v21, v13;
	v20 =	vsub.f32 v4, v20  }
0x8f: {  	v23 =	vmul.f32 v12, v5;
	v21 =	vld [tilespmem:s19+$0x80];
	s17 =	sor.u32 s20, s17;
	v14 =	vmul.f32 v14, v6;
	v12 =	vadd.f32 v17, v17  }
0x90: {  	v18 =	vsub.f32 v4, v18;
	v17 =	vld [tilespmem:s17+$0x0];
	vm0 =	vlt.f32 v13, v11;
	v16 =	vadd.f32 v20, v16  }
0x91: {  	v15 =	vmul.f32 v15, v5;
	v20 =	vld [tilespmem:s17+$0x80];
	v11 =	vsel vm0, v13, v11;
	v9 =	vsel vm0, s29, v9  }
0x92: {  	v10 =	vadd.f32 v18, v10;
	v12 =	vsub.f32 v4, v12;
	v13 =	vld [tilespmem:s1+$0x80];
	vm0 =	vlt.f32 v16, v11;
	s1 =	sadd.s32 $0x1, s29  }
0x93: {  	v18 =	vmul.f32 v19, v6;
	v19 =	vld [tilespmem:s17+$0x100];
	v11 =	vsel vm0, v16, v11;
	v9 =	vsel vm0, s1, v9  }
0x94: {  	s20 =	sshra.s32 s31, $0x2;
	s1 =	sadd.s32 $0x2, s29;
	v12 =	vadd.f32 v12, v8;
	v16 =	vmul.f32 v21, v7;
	v21 =	vld [tilespmem:s16+$0x80];
	vm0 =	vlt.f32 v10, v11  }
0x95: {  	s0 =	sadd.s32 $0x40, s0;
	s31 =	sadd.s32 $0x100, s31;
	v17 =	vmul.f32 v17, v6;
	v8 =	vld [tilespmem:s20+$0x8230];
	v11 =	vsel vm0, v10, v11;
	v9 =	vsel vm0, s1, v9  }
0x96: {  	s19 =	sadd.s32 $0x20, s0;
	s1 =	sand.u32 $0x7E00, s31;
	v16 =	vadd.f32 v16, v18;
	v18 =	vmul.f32 v20, v7;
	v20 =	vld [tilespmem:s16+$0x100];
	vm0 =	vlt.f32 v12, v11;
	s16 =	sadd.s32 $0x3, s29  }
0x97: {  	s17 =	sadd.s32 $0x200, s1;
	s1 =	sand.u32 $0x60, s19;
	s29 =	smov.u32 s30;
	v10 =	vld [tilespmem:s20+$0x8220];
	v24 =	vmul.f32 v13, v7;
	v11 =	vsel vm0, v12, v11;
	v9 =	vsel vm0, s16, v9  }
.Ltmp1:
0x98: {  	s30 =	smov.u32 s15;
	s1 =	sor.u32 s1, s17;
	v13 =	vld [tilespmem:s20+$0x8200];
	v15 =	vadd.f32 v15, v16;
	v16 =	vadd.f32 v18, v17;
	v17 =	vmul.f32 v19, v5;
	(pc) =	sbr.rel @p0 .LBB2_5-.Ltmp1, $4  }
0x99: {  	v19 =	vmul.f32 v22, v6;
	v12 =	vld [tilespmem:s1+$0x100];
	v18 =	vadd.f32 v24, v14;
	v21 =	vmul.f32 v21, v7  }
0x9a: {  	s21 =	sadd.s32 $0x30, s0;
	s16 =	sand.u32 $0x40, s0;
	v14 =	vld [tilespmem:s1+$0x0];
	v22 =	vadd.f32 v15, v15;
	v24 =	vadd.f32 v17, v16  }
0x9b: {  	s19 =	sor.u32 s16, s17;
	s16 =	sand.u32 $0x70, s21;
	v16 =	vld [tilespmem:s20+$0x8210];
	v18 =	vadd.f32 v23, v18;
	v17 =	vadd.f32 v21, v19;
	v19 =	vmul.f32 v20, v5  }
0x9c: {  	s15 =	sadd.s32 $0x4, s15;
	s16 =	sor.u32 s16, s17;
	v15 =	vld [tilespmem:s19+$0x100];
	v21 =	vsub.f32 v4, v22;
	v20 =	vadd.f32 v24, v24  }
0x9d: {  	s0 =	sadd.s32 $0x10, s0;
	v22 =	vld [tilespmem:s19+$0x0]  }
0x9e: {  	v23 =	vld [tilespmem:s19+$0x80];
	s0 =	sand.u32 $0x50, s0  }
0x9f: {  	v24 =	vld [tilespmem:s16+$0x0];
	v18 =	vadd.f32 v18, v18;
	v17 =	vadd.f32 v19, v17;
	s0 =	sor.u32 s0, s17  }
0xa0: {  	v13 =	vadd.f32 v21, v13;
	v20 =	vsub.f32 v4, v20;
	v19 =	vld [tilespmem:s0+$0x0]  }
0xa1: {  	v17 =	vadd.f32 v17, v17;
	v21 =	vld [tilespmem:s0+$0x80]  }
0xa2: {  	v25 =	vld [tilespmem:s1+$0x80];
	v18 =	vsub.f32 v4, v18;
	vm0 =	vlt.f32 v13, v11;
	v16 =	vadd.f32 v20, v16  }
0xa3: {  	v11 =	vsel vm0, v13, v11;
	v13 =	vsub.f32 v4, v17;
	v20 =	vmul.f32 v22, v6;
	v22 =	vld [tilespmem:s0+$0x100]  }
0xa4: {  	v12 =	vmul.f32 v12, v5;
	v17 =	vld [tilespmem:s16+$0x80];
	v23 =	vmul.f32 v23, v7  }
0xa5: {  	v10 =	vadd.f32 v18, v10;
	v15 =	vmul.f32 v15, v5;
	v8 =	vadd.f32 v13, v8  }
0xa6: {  	v18 =	vadd.f32 v23, v20;
	v20 =	vld [tilespmem:s16+$0x100];
	v13 =	vmul.f32 v19, v6;
	v19 =	vmul.f32 v21, v7  }
0xa7: {  	v14 =	vmul.f32 v14, v6;
	vm1 =	vlt.f32 v16, v11;
	v21 =	vmul.f32 v25, v7  }
0xa8: {  	s20 =	sshra.s32 s31, $0x2;
	v15 =	vadd.f32 v15, v18;
	v13 =	vadd.f32 v19, v13;
	v18 =	vmul.f32 v22, v5  }
0xa9: {  	v6 =	vmul.f32 v24, v6;
	v7 =	vmul.f32 v17, v7;
	v19 =	vld [tilespmem:s20+$0x8200];
	v14 =	vadd.f32 v21, v14  }
0xaa: {  	v11 =	vsel vm1, v16, v11;
	v15 =	vadd.f32 v15, v15;
	v13 =	vadd.f32 v18, v13  }
0xab: {  	v16 =	vld [tilespmem:s20+$0x8210];
	v6 =	vadd.f32 v7, v6;
	v12 =	vadd.f32 v12, v14;
	v5 =	vmul.f32 v20, v5  }
0xac: {  	vm2 =	vlt.f32 v10, v11;
	v7 =	vsub.f32 v4, v15;
	v13 =	vadd.f32 v13, v13  }
0xad: {  	v10 =	vsel vm2, v10, v11;
	v11 =	vld [tilespmem:s20+$0x8220];
	v12 =	vadd.f32 v12, v12;
	v5 =	vadd.f32 v5, v6  }
0xae: {  	vm3 =	vlt.f32 v8, v10;
	v6 =	vadd.f32 v7, v19;
	v7 =	vsub.f32 v4, v13  }
0xaf: {  	v9 =	vsel vm0, s29, v9;
	v8 =	vsel vm3, v8, v10;
	v13 =	vld [tilespmem:s20+$0x8230];
	v5 =	vadd.f32 v5, v5  }
0xb0: {  	s21 =	sadd.s32 $0x1, s29;
	v10 =	vsub.f32 v4, v12;
	vm12 =	vlt.f32 v6, v8;
	v7 =	vadd.f32 v7, v16  }
0xb1: {  	v9 =	vsel vm1, s21, v9;
	v6 =	vsel vm12, v6, v8  }
0xb2: {  	s1 =	sadd.s32 $0x2, s29;
	v8 =	vadd.f32 v10, v11;
	v4 =	vsub.f32 v4, v5;
	vm13 =	vlt.f32 v7, v6  }
0xb3: {  	s15 =	sadd.s32 $0x3, s29;
	v5 =	vsel vm2, s1, v9;
	v6 =	vsel vm13, v7, v6  }
0xb4: {  	v5 =	vsel vm3, s15, v5;
	v4 =	vadd.f32 v4, v13;
	vm14 =	vlt.f32 v8, v6  }
0xb5: {  	s16 =	sadd.s32 $0x1, s30;
	v5 =	vsel vm12, s30, v5;
	v6 =	vsel vm14, v8, v6  }
0xb6: {  	s17 =	sadd.s32 $0x2, s30;
	s29 =	simm.s32 $0x0;
	v5 =	vsel vm13, s16, v5;
	vm15 =	vlt.f32 v4, v6  }
0xb7: {  	s19 =	sadd.s32 $0x3, s30;
	s20 =	sand.u32 $0x7E00, s29;
	s15 =	simm.s32 $0x20;
	v5 =	vsel vm14, s17, v5;
	v4 =	vsel vm15, v4, v6  }
0xb8: {  	s21 =	sadd.s32 $0x200, s20;
	s15 =	sand.u32 $0x60, s15;
	v5 =	vsel vm15, s19, v5;
	[tilespmem:s28+$0xA210] =	vst v4  }
0xb9: {  	s1 =	sor.u32 s15, s21;
	[tilespmem:s28+$0xA610] =	vst v5  }
0xba: {  	s16 =	sand.u32 $0x40, s29;
	s17 =	simm.s32 $0x30;
	v9 =	vld [tilespmem:s1+$0x100]  }
0xbb: {  	s15 =	sor.u32 s16, s21;
	s16 =	sand.u32 $0x70, s17;
	v8 =	vld [tilespmem:s1+$0x0]  }
0xbc: {  	s16 =	sor.u32 s16, s21;
	v10 =	vld [tilespmem:s15+$0x100]  }
0xbd: {  	s19 =	simm.s32 $0x10;
	v11 =	vld [tilespmem:s16+$0x0]  }
0xbe: {  	s17 =	sand.u32 $0x50, s19;
	v12 =	vld [tilespmem:s15+$0x0]  }
0xbf: {  	v13 =	vld [tilespmem:s15+$0x80];
	s0 =	sor.u32 s17, s21  }
0xc0: {  	v14 =	vld [tilespmem:s0+$0x0]  }
0xc1: {  	v15 =	vld [tilespmem:s0+$0x80]  }
0xc2: {  	v7 =	vbroadcast v1, $0x2;
	v6 =	vbroadcast v0, $0x2;
	v16 =	vld [tilespmem:s1+$0x80]  }
0xc3: {  	v5 =	vbroadcast v2, $0x2;
	v4 =	vbroadcast v3, $0x2;
	v17 =	vld [tilespmem:s0+$0x100]  }
0xc4: {  	v18 =	vld [tilespmem:s16+$0x80];
	v12 =	vmul.f32 v12, v6;
	v13 =	vmul.f32 v13, v7  }
0xc5: {  	s31 =	simm.s32 $0x100;
	s15 =	simm.s32 $0x0;
	v21 =	vld [tilespmem:s16+$0x100];
	v19 =	vmul.f32 v8, v6;
	v20 =	vmul.f32 v10, v5  }
0xc6: {  	s20 =	sand.u32 $0x7E00, s31;
	s21 =	simm.s32 $0x60;
	v8 =	vld [tilespmem:s15+$0x8230];
	v14 =	vmul.f32 v14, v6;
	v15 =	vmul.f32 v15, v7;
	v12 =	vadd.f32 v13, v12  }
0xc7: {  	s17 =	sadd.s32 $0x200, s20;
	s16 =	sand.u32 $0x60, s21;
	v22 =	vmul.f32 v9, v5;
	v10 =	vld [tilespmem:s15+$0x8220];
	v9 =	vmul.f32 v16, v7  }
0xc8: {  	s1 =	sor.u32 s16, s17;
	v17 =	vmul.f32 v17, v5;
	v13 =	vld [tilespmem:s15+$0x8200];
	v15 =	vadd.f32 v15, v14;
	v16 =	vadd.f32 v20, v12  }
0xc9: {  	s0 =	simm.s32 $0x40;
	v23 =	vmul.f32 v18, v7;
	v19 =	vadd.f32 v9, v19;
	v14 =	vld [tilespmem:s1+$0x0];
	v20 =	vmul.f32 v11, v6  }
0xca: {  	s20 =	simm.s32 $0x70;
	s19 =	sand.u32 $0x40, s0;
	v9 =	vimm.s32 $0x0;
	v12 =	vld [tilespmem:s1+$0x100];
	v63 =	vadd.f32 v17, v15;
	v62 =	vadd.f32 v16, v16  }
0xcb: {  	s21 =	sand.u32 $0x70, s20;
	s19 =	sor.u32 s19, s17;
	v18 =	vadd.f32 v22, v19;
	v19 =	vmul.f32 v21, v5;
	v16 =	vld [tilespmem:s15+$0x8210];
	v17 =	vadd.f32 v23, v20  }
0xcc: {  	s30 =	simm.s32 $0x4;
	s16 =	sor.u32 s21, s17;
	v11 =	vimm.f32 $+Inf;
	v15 =	vld [tilespmem:s19+$0x100];
	s15 =	simm.s32 $0x8;
	v20 =	vadd.f32 v63, v63;
	v21 =	vsub.f32 v4, v62  }
.LBB2_7:
0xcd: {  	p0 =	slt.u32 s15, $0x1FC;
	s20 =	sadd.s32 $0x10, s0;
	v22 =	vld [tilespmem:s16+$0x0];
	v18 =	vadd.f32 v18, v18;
	v17 =	vadd.f32 v19, v17  }
0xce: {  	v19 =	vld [tilespmem:s19+$0x0];
	s20 =	sand.u32 $0x50, s20;
	v13 =	vadd.f32 v21, v13;
	v20 =	vsub.f32 v4, v20  }
0xcf: {  	v23 =	vmul.f32 v12, v5;
	v21 =	vld [tilespmem:s19+$0x80];
	s17 =	sor.u32 s20, s17;
	v14 =	vmul.f32 v14, v6;
	v12 =	vadd.f32 v17, v17  }
0xd0: {  	v18 =	vsub.f32 v4, v18;
	v17 =	vld [tilespmem:s17+$0x0];
	vm0 =	vlt.f32 v13, v11;
	v16 =	vadd.f32 v20, v16  }
0xd1: {  	v15 =	vmul.f32 v15, v5;
	v20 =	vld [tilespmem:s17+$0x80];
	v11 =	vsel vm0, v13, v11;
	v9 =	vsel vm0, s29, v9  }
0xd2: {  	v10 =	vadd.f32 v18, v10;
	v12 =	vsub.f32 v4, v12;
	v13 =	vld [tilespmem:s1+$0x80];
	vm0 =	vlt.f32 v16, v11;
	s1 =	sadd.s32 $0x1, s29  }
0xd3: {  	v18 =	vmul.f32 v19, v6;
	v19 =	vld [tilespmem:s17+$0x100];
	v11 =	vsel vm0, v16, v11;
	v9 =	vsel vm0, s1, v9  }
0xd4: {  	s20 =	sshra.s32 s31, $0x2;
	s1 =	sadd.s32 $0x2, s29;
	v12 =	vadd.f32 v12, v8;
	v16 =	vmul.f32 v21, v7;
	v21 =	vld [tilespmem:s16+$0x80];
	vm0 =	vlt.f32 v10, v11  }
0xd5: {  	s0 =	sadd.s32 $0x40, s0;
	s31 =	sadd.s32 $0x100, s31;
	v17 =	vmul.f32 v17, v6;
	v8 =	vld [tilespmem:s20+$0x8230];
	v11 =	vsel vm0, v10, v11;
	v9 =	vsel vm0, s1, v9  }
0xd6: {  	s19 =	sadd.s32 $0x20, s0;
	s1 =	sand.u32 $0x7E00, s31;
	v16 =	vadd.f32 v16, v18;
	v18 =	vmul.f32 v20, v7;
	v20 =	vld [tilespmem:s16+$0x100];
	vm0 =	vlt.f32 v12, v11;
	s16 =	sadd.s32 $0x3, s29  }
0xd7: {  	s17 =	sadd.s32 $0x200, s1;
	s1 =	sand.u32 $0x60, s19;
	s29 =	smov.u32 s30;
	v10 =	vld [tilespmem:s20+$0x8220];
	v24 =	vmul.f32 v13, v7;
	v11 =	vsel vm0, v12, v11;
	v9 =	vsel vm0, s16, v9  }
.Ltmp2:
0xd8: {  	s30 =	smov.u32 s15;
	s1 =	sor.u32 s1, s17;
	v13 =	vld [tilespmem:s20+$0x8200];
	v15 =	vadd.f32 v15, v16;
	v16 =	vadd.f32 v18, v17;
	v17 =	vmul.f32 v19, v5;
	(pc) =	sbr.rel @p0 .LBB2_7-.Ltmp2, $4  }
0xd9: {  	v19 =	vmul.f32 v22, v6;
	v12 =	vld [tilespmem:s1+$0x100];
	v18 =	vadd.f32 v24, v14;
	v21 =	vmul.f32 v21, v7  }
0xda: {  	s21 =	sadd.s32 $0x30, s0;
	s16 =	sand.u32 $0x40, s0;
	v14 =	vld [tilespmem:s1+$0x0];
	v22 =	vadd.f32 v15, v15;
	v24 =	vadd.f32 v17, v16  }
0xdb: {  	s19 =	sor.u32 s16, s17;
	s16 =	sand.u32 $0x70, s21;
	v16 =	vld [tilespmem:s20+$0x8210];
	v18 =	vadd.f32 v23, v18;
	v17 =	vadd.f32 v21, v19;
	v19 =	vmul.f32 v20, v5  }
0xdc: {  	s15 =	sadd.s32 $0x4, s15;
	s16 =	sor.u32 s16, s17;
	v15 =	vld [tilespmem:s19+$0x100];
	v21 =	vsub.f32 v4, v22;
	v20 =	vadd.f32 v24, v24  }
0xdd: {  	s0 =	sadd.s32 $0x10, s0;
	v22 =	vld [tilespmem:s19+$0x0]  }
0xde: {  	v23 =	vld [tilespmem:s19+$0x80];
	s0 =	sand.u32 $0x50, s0  }
0xdf: {  	v24 =	vld [tilespmem:s16+$0x0];
	v18 =	vadd.f32 v18, v18;
	v17 =	vadd.f32 v19, v17;
	s0 =	sor.u32 s0, s17  }
0xe0: {  	v13 =	vadd.f32 v21, v13;
	v20 =	vsub.f32 v4, v20;
	v19 =	vld [tilespmem:s0+$0x0]  }
0xe1: {  	v17 =	vadd.f32 v17, v17;
	v21 =	vld [tilespmem:s0+$0x80]  }
0xe2: {  	v25 =	vld [tilespmem:s1+$0x80];
	v18 =	vsub.f32 v4, v18;
	vm0 =	vlt.f32 v13, v11;
	v16 =	vadd.f32 v20, v16  }
0xe3: {  	v11 =	vsel vm0, v13, v11;
	v13 =	vsub.f32 v4, v17;
	v20 =	vmul.f32 v22, v6;
	v22 =	vld [tilespmem:s0+$0x100]  }
0xe4: {  	v12 =	vmul.f32 v12, v5;
	v17 =	vld [tilespmem:s16+$0x80];
	v23 =	vmul.f32 v23, v7  }
0xe5: {  	v10 =	vadd.f32 v18, v10;
	v15 =	vmul.f32 v15, v5;
	v8 =	vadd.f32 v13, v8  }
0xe6: {  	v18 =	vadd.f32 v23, v20;
	v20 =	vld [tilespmem:s16+$0x100];
	v13 =	vmul.f32 v19, v6;
	v19 =	vmul.f32 v21, v7  }
0xe7: {  	v14 =	vmul.f32 v14, v6;
	vm1 =	vlt.f32 v16, v11;
	v21 =	vmul.f32 v25, v7  }
0xe8: {  	s20 =	sshra.s32 s31, $0x2;
	v15 =	vadd.f32 v15, v18;
	v13 =	vadd.f32 v19, v13;
	v18 =	vmul.f32 v22, v5  }
0xe9: {  	v6 =	vmul.f32 v24, v6;
	v7 =	vmul.f32 v17, v7;
	v19 =	vld [tilespmem:s20+$0x8200];
	v14 =	vadd.f32 v21, v14  }
0xea: {  	v11 =	vsel vm1, v16, v11;
	v15 =	vadd.f32 v15, v15;
	v13 =	vadd.f32 v18, v13  }
0xeb: {  	v16 =	vld [tilespmem:s20+$0x8210];
	v6 =	vadd.f32 v7, v6;
	v12 =	vadd.f32 v12, v14;
	v5 =	vmul.f32 v20, v5  }
0xec: {  	vm2 =	vlt.f32 v10, v11;
	v7 =	vsub.f32 v4, v15;
	v13 =	vadd.f32 v13, v13  }
0xed: {  	v10 =	vsel vm2, v10, v11;
	v11 =	vld [tilespmem:s20+$0x8220];
	v12 =	vadd.f32 v12, v12;
	v5 =	vadd.f32 v5, v6  }
0xee: {  	vm3 =	vlt.f32 v8, v10;
	v6 =	vadd.f32 v7, v19;
	v7 =	vsub.f32 v4, v13  }
0xef: {  	v9 =	vsel vm0, s29, v9;
	v8 =	vsel vm3, v8, v10;
	v13 =	vld [tilespmem:s20+$0x8230];
	v5 =	vadd.f32 v5, v5  }
0xf0: {  	s21 =	sadd.s32 $0x1, s29;
	v10 =	vsub.f32 v4, v12;
	vm12 =	vlt.f32 v6, v8;
	v7 =	vadd.f32 v7, v16  }
0xf1: {  	v9 =	vsel vm1, s21, v9;
	v6 =	vsel vm12, v6, v8  }
0xf2: {  	s1 =	sadd.s32 $0x2, s29;
	v8 =	vadd.f32 v10, v11;
	v4 =	vsub.f32 v4, v5;
	vm13 =	vlt.f32 v7, v6  }
0xf3: {  	s15 =	sadd.s32 $0x3, s29;
	v5 =	vsel vm2, s1, v9;
	v6 =	vsel vm13, v7, v6  }
0xf4: {  	v5 =	vsel vm3, s15, v5;
	v4 =	vadd.f32 v4, v13;
	vm14 =	vlt.f32 v8, v6  }
0xf5: {  	s16 =	sadd.s32 $0x1, s30;
	v5 =	vsel vm12, s30, v5;
	v6 =	vsel vm14, v8, v6  }
0xf6: {  	s17 =	sadd.s32 $0x2, s30;
	s29 =	simm.s32 $0x0;
	v5 =	vsel vm13, s16, v5;
	vm15 =	vlt.f32 v4, v6  }
0xf7: {  	s19 =	sadd.s32 $0x3, s30;
	s20 =	sand.u32 $0x7E00, s29;
	s15 =	simm.s32 $0x20;
	v5 =	vsel vm14, s17, v5;
	v4 =	vsel vm15, v4, v6  }
0xf8: {  	s21 =	sadd.s32 $0x200, s20;
	s15 =	sand.u32 $0x60, s15;
	v5 =	vsel vm15, s19, v5;
	[tilespmem:s28+$0xA220] =	vst v4  }
0xf9: {  	s1 =	sor.u32 s15, s21;
	[tilespmem:s28+$0xA620] =	vst v5  }
0xfa: {  	s16 =	sand.u32 $0x40, s29;
	s17 =	simm.s32 $0x30;
	v9 =	vld [tilespmem:s1+$0x100]  }
0xfb: {  	s15 =	sor.u32 s16, s21;
	s16 =	sand.u32 $0x70, s17;
	v8 =	vld [tilespmem:s1+$0x0]  }
0xfc: {  	s16 =	sor.u32 s16, s21;
	v10 =	vld [tilespmem:s15+$0x100]  }
0xfd: {  	s19 =	simm.s32 $0x10;
	v11 =	vld [tilespmem:s16+$0x0]  }
0xfe: {  	s17 =	sand.u32 $0x50, s19;
	v12 =	vld [tilespmem:s15+$0x0]  }
0xff: {  	v13 =	vld [tilespmem:s15+$0x80];
	s0 =	sor.u32 s17, s21  }
0x100: {  	v14 =	vld [tilespmem:s0+$0x0]  }
0x101: {  	v15 =	vld [tilespmem:s0+$0x80]  }
0x102: {  	v7 =	vbroadcast v1, $0x3;
	v6 =	vbroadcast v0, $0x3;
	v16 =	vld [tilespmem:s1+$0x80]  }
0x103: {  	v5 =	vbroadcast v2, $0x3;
	v4 =	vbroadcast v3, $0x3;
	v17 =	vld [tilespmem:s0+$0x100]  }
0x104: {  	v18 =	vld [tilespmem:s16+$0x80];
	v12 =	vmul.f32 v12, v6;
	v13 =	vmul.f32 v13, v7  }
0x105: {  	s31 =	simm.s32 $0x100;
	s15 =	simm.s32 $0x0;
	v21 =	vld [tilespmem:s16+$0x100];
	v19 =	vmul.f32 v8, v6;
	v20 =	vmul.f32 v10, v5  }
0x106: {  	s20 =	sand.u32 $0x7E00, s31;
	s21 =	simm.s32 $0x60;
	v8 =	vld [tilespmem:s15+$0x8230];
	v14 =	vmul.f32 v14, v6;
	v15 =	vmul.f32 v15, v7;
	v12 =	vadd.f32 v13, v12  }
0x107: {  	s17 =	sadd.s32 $0x200, s20;
	s16 =	sand.u32 $0x60, s21;
	v22 =	vmul.f32 v9, v5;
	v10 =	vld [tilespmem:s15+$0x8220];
	v9 =	vmul.f32 v16, v7  }
0x108: {  	s1 =	sor.u32 s16, s17;
	v17 =	vmul.f32 v17, v5;
	v13 =	vld [tilespmem:s15+$0x8200];
	v15 =	vadd.f32 v15, v14;
	v16 =	vadd.f32 v20, v12  }
0x109: {  	s0 =	simm.s32 $0x40;
	v23 =	vmul.f32 v18, v7;
	v19 =	vadd.f32 v9, v19;
	v14 =	vld [tilespmem:s1+$0x0];
	v20 =	vmul.f32 v11, v6  }
0x10a: {  	s20 =	simm.s32 $0x70;
	s19 =	sand.u32 $0x40, s0;
	v9 =	vimm.s32 $0x0;
	v12 =	vld [tilespmem:s1+$0x100];
	v63 =	vadd.f32 v17, v15;
	v62 =	vadd.f32 v16, v16  }
0x10b: {  	s21 =	sand.u32 $0x70, s20;
	s19 =	sor.u32 s19, s17;
	v18 =	vadd.f32 v22, v19;
	v19 =	vmul.f32 v21, v5;
	v16 =	vld [tilespmem:s15+$0x8210];
	v17 =	vadd.f32 v23, v20  }
0x10c: {  	s30 =	simm.s32 $0x4;
	s16 =	sor.u32 s21, s17;
	v11 =	vimm.f32 $+Inf;
	v15 =	vld [tilespmem:s19+$0x100];
	s15 =	simm.s32 $0x8;
	v20 =	vadd.f32 v63, v63;
	v21 =	vsub.f32 v4, v62  }
.LBB2_9:
0x10d: {  	p0 =	slt.u32 s15, $0x1FC;
	s20 =	sadd.s32 $0x10, s0;
	v22 =	vld [tilespmem:s16+$0x0];
	v18 =	vadd.f32 v18, v18;
	v17 =	vadd.f32 v19, v17  }
0x10e: {  	v19 =	vld [tilespmem:s19+$0x0];
	s20 =	sand.u32 $0x50, s20;
	v13 =	vadd.f32 v21, v13;
	v20 =	vsub.f32 v4, v20  }
0x10f: {  	v23 =	vmul.f32 v12, v5;
	v21 =	vld [tilespmem:s19+$0x80];
	s17 =	sor.u32 s20, s17;
	v14 =	vmul.f32 v14, v6;
	v12 =	vadd.f32 v17, v17  }
0x110: {  	v18 =	vsub.f32 v4, v18;
	v17 =	vld [tilespmem:s17+$0x0];
	vm0 =	vlt.f32 v13, v11;
	v16 =	vadd.f32 v20, v16  }
0x111: {  	v15 =	vmul.f32 v15, v5;
	v20 =	vld [tilespmem:s17+$0x80];
	v11 =	vsel vm0, v13, v11;
	v9 =	vsel vm0, s29, v9  }
0x112: {  	v10 =	vadd.f32 v18, v10;
	v12 =	vsub.f32 v4, v12;
	v13 =	vld [tilespmem:s1+$0x80];
	vm0 =	vlt.f32 v16, v11;
	s1 =	sadd.s32 $0x1, s29  }
0x113: {  	v18 =	vmul.f32 v19, v6;
	v19 =	vld [tilespmem:s17+$0x100];
	v11 =	vsel vm0, v16, v11;
	v9 =	vsel vm0, s1, v9  }
0x114: {  	s20 =	sshra.s32 s31, $0x2;
	s1 =	sadd.s32 $0x2, s29;
	v12 =	vadd.f32 v12, v8;
	v16 =	vmul.f32 v21, v7;
	v21 =	vld [tilespmem:s16+$0x80];
	vm0 =	vlt.f32 v10, v11  }
0x115: {  	s0 =	sadd.s32 $0x40, s0;
	s31 =	sadd.s32 $0x100, s31;
	v17 =	vmul.f32 v17, v6;
	v8 =	vld [tilespmem:s20+$0x8230];
	v11 =	vsel vm0, v10, v11;
	v9 =	vsel vm0, s1, v9  }
0x116: {  	s19 =	sadd.s32 $0x20, s0;
	s1 =	sand.u32 $0x7E00, s31;
	v16 =	vadd.f32 v16, v18;
	v18 =	vmul.f32 v20, v7;
	v20 =	vld [tilespmem:s16+$0x100];
	vm0 =	vlt.f32 v12, v11;
	s16 =	sadd.s32 $0x3, s29  }
0x117: {  	s17 =	sadd.s32 $0x200, s1;
	s1 =	sand.u32 $0x60, s19;
	s29 =	smov.u32 s30;
	v10 =	vld [tilespmem:s20+$0x8220];
	v24 =	vmul.f32 v13, v7;
	v11 =	vsel vm0, v12, v11;
	v9 =	vsel vm0, s16, v9  }
.Ltmp3:
0x118: {  	s30 =	smov.u32 s15;
	s1 =	sor.u32 s1, s17;
	v13 =	vld [tilespmem:s20+$0x8200];
	v15 =	vadd.f32 v15, v16;
	v16 =	vadd.f32 v18, v17;
	v17 =	vmul.f32 v19, v5;
	(pc) =	sbr.rel @p0 .LBB2_9-.Ltmp3, $4  }
0x119: {  	v19 =	vmul.f32 v22, v6;
	v12 =	vld [tilespmem:s1+$0x100];
	v18 =	vadd.f32 v24, v14;
	v21 =	vmul.f32 v21, v7  }
0x11a: {  	s21 =	sadd.s32 $0x30, s0;
	s16 =	sand.u32 $0x40, s0;
	v14 =	vld [tilespmem:s1+$0x0];
	v22 =	vadd.f32 v15, v15;
	v24 =	vadd.f32 v17, v16  }
0x11b: {  	s19 =	sor.u32 s16, s17;
	s16 =	sand.u32 $0x70, s21;
	v16 =	vld [tilespmem:s20+$0x8210];
	v18 =	vadd.f32 v23, v18;
	v17 =	vadd.f32 v21, v19;
	v19 =	vmul.f32 v20, v5  }
0x11c: {  	s15 =	sadd.s32 $0x4, s15;
	s16 =	sor.u32 s16, s17;
	v15 =	vld [tilespmem:s19+$0x100];
	v21 =	vsub.f32 v4, v22;
	v20 =	vadd.f32 v24, v24  }
0x11d: {  	s0 =	sadd.s32 $0x10, s0;
	v22 =	vld [tilespmem:s19+$0x0]  }
0x11e: {  	v23 =	vld [tilespmem:s19+$0x80];
	s0 =	sand.u32 $0x50, s0  }
0x11f: {  	v24 =	vld [tilespmem:s16+$0x0];
	v18 =	vadd.f32 v18, v18;
	v17 =	vadd.f32 v19, v17;
	s0 =	sor.u32 s0, s17  }
0x120: {  	v13 =	vadd.f32 v21, v13;
	v20 =	vsub.f32 v4, v20;
	v19 =	vld [tilespmem:s0+$0x0]  }
0x121: {  	v17 =	vadd.f32 v17, v17;
	v21 =	vld [tilespmem:s0+$0x80]  }
0x122: {  	v25 =	vld [tilespmem:s1+$0x80];
	v18 =	vsub.f32 v4, v18;
	vm0 =	vlt.f32 v13, v11;
	v16 =	vadd.f32 v20, v16  }
0x123: {  	v11 =	vsel vm0, v13, v11;
	v13 =	vsub.f32 v4, v17;
	v20 =	vmul.f32 v22, v6;
	v22 =	vld [tilespmem:s0+$0x100]  }
0x124: {  	v12 =	vmul.f32 v12, v5;
	v17 =	vld [tilespmem:s16+$0x80];
	v23 =	vmul.f32 v23, v7  }
0x125: {  	v10 =	vadd.f32 v18, v10;
	v15 =	vmul.f32 v15, v5;
	v8 =	vadd.f32 v13, v8  }
0x126: {  	v18 =	vadd.f32 v23, v20;
	v20 =	vld [tilespmem:s16+$0x100];
	v13 =	vmul.f32 v19, v6;
	v19 =	vmul.f32 v21, v7  }
0x127: {  	v14 =	vmul.f32 v14, v6;
	vm1 =	vlt.f32 v16, v11;
	v21 =	vmul.f32 v25, v7  }
0x128: {  	s20 =	sshra.s32 s31, $0x2;
	v15 =	vadd.f32 v15, v18;
	v13 =	vadd.f32 v19, v13;
	v18 =	vmul.f32 v22, v5  }
0x129: {  	v6 =	vmul.f32 v24, v6;
	v7 =	vmul.f32 v17, v7;
	v19 =	vld [tilespmem:s20+$0x8200];
	v14 =	vadd.f32 v21, v14  }
0x12a: {  	v11 =	vsel vm1, v16, v11;
	v15 =	vadd.f32 v15, v15;
	v13 =	vadd.f32 v18, v13  }
0x12b: {  	v16 =	vld [tilespmem:s20+$0x8210];
	v6 =	vadd.f32 v7, v6;
	v12 =	vadd.f32 v12, v14;
	v5 =	vmul.f32 v20, v5  }
0x12c: {  	vm2 =	vlt.f32 v10, v11;
	v7 =	vsub.f32 v4, v15;
	v13 =	vadd.f32 v13, v13  }
0x12d: {  	v10 =	vsel vm2, v10, v11;
	v11 =	vld [tilespmem:s20+$0x8220];
	v12 =	vadd.f32 v12, v12;
	v5 =	vadd.f32 v5, v6  }
0x12e: {  	vm3 =	vlt.f32 v8, v10;
	v6 =	vadd.f32 v7, v19;
	v7 =	vsub.f32 v4, v13  }
0x12f: {  	v9 =	vsel vm0, s29, v9;
	v8 =	vsel vm3, v8, v10;
	v13 =	vld [tilespmem:s20+$0x8230];
	v5 =	vadd.f32 v5, v5  }
0x130: {  	s21 =	sadd.s32 $0x1, s29;
	v10 =	vsub.f32 v4, v12;
	vm12 =	vlt.f32 v6, v8;
	v7 =	vadd.f32 v7, v16  }
0x131: {  	v9 =	vsel vm1, s21, v9;
	v6 =	vsel vm12, v6, v8  }
0x132: {  	s1 =	sadd.s32 $0x2, s29;
	v8 =	vadd.f32 v10, v11;
	v4 =	vsub.f32 v4, v5;
	vm13 =	vlt.f32 v7, v6  }
0x133: {  	s15 =	sadd.s32 $0x3, s29;
	v5 =	vsel vm2, s1, v9;
	v6 =	vsel vm13, v7, v6  }
0x134: {  	v5 =	vsel vm3, s15, v5;
	v4 =	vadd.f32 v4, v13;
	vm14 =	vlt.f32 v8, v6  }
0x135: {  	s16 =	sadd.s32 $0x1, s30;
	v5 =	vsel vm12, s30, v5;
	v6 =	vsel vm14, v8, v6  }
0x136: {  	s17 =	sadd.s32 $0x2, s30;
	s29 =	simm.s32 $0x0;
	v5 =	vsel vm13, s16, v5;
	vm15 =	vlt.f32 v4, v6  }
0x137: {  	s19 =	sadd.s32 $0x3, s30;
	s20 =	sand.u32 $0x7E00, s29;
	s15 =	simm.s32 $0x20;
	v5 =	vsel vm14, s17, v5;
	v4 =	vsel vm15, v4, v6  }
0x138: {  	s21 =	sadd.s32 $0x200, s20;
	s15 =	sand.u32 $0x60, s15;
	v5 =	vsel vm15, s19, v5;
	[tilespmem:s28+$0xA230] =	vst v4  }
0x139: {  	s1 =	sor.u32 s15, s21;
	[tilespmem:s28+$0xA630] =	vst v5  }
0x13a: {  	s16 =	sand.u32 $0x40, s29;
	s17 =	simm.s32 $0x30;
	v9 =	vld [tilespmem:s1+$0x100]  }
0x13b: {  	s15 =	sor.u32 s16, s21;
	s16 =	sand.u32 $0x70, s17;
	v8 =	vld [tilespmem:s1+$0x0]  }
0x13c: {  	s16 =	sor.u32 s16, s21;
	v10 =	vld [tilespmem:s15+$0x100]  }
0x13d: {  	s19 =	simm.s32 $0x10;
	v11 =	vld [tilespmem:s16+$0x0]  }
0x13e: {  	s17 =	sand.u32 $0x50, s19;
	v12 =	vld [tilespmem:s15+$0x0]  }
0x13f: {  	v13 =	vld [tilespmem:s15+$0x80];
	s0 =	sor.u32 s17, s21  }
0x140: {  	v14 =	vld [tilespmem:s0+$0x0]  }
0x141: {  	v15 =	vld [tilespmem:s0+$0x80]  }
0x142: {  	v7 =	vbroadcast v1, $0x4;
	v6 =	vbroadcast v0, $0x4;
	v16 =	vld [tilespmem:s1+$0x80]  }
0x143: {  	v5 =	vbroadcast v2, $0x4;
	v4 =	vbroadcast v3, $0x4;
	v17 =	vld [tilespmem:s0+$0x100]  }
0x144: {  	v18 =	vld [tilespmem:s16+$0x80];
	v12 =	vmul.f32 v12, v6;
	v13 =	vmul.f32 v13, v7  }
0x145: {  	s31 =	simm.s32 $0x100;
	s15 =	simm.s32 $0x0;
	v21 =	vld [tilespmem:s16+$0x100];
	v19 =	vmul.f32 v8, v6;
	v20 =	vmul.f32 v10, v5  }
0x146: {  	s20 =	sand.u32 $0x7E00, s31;
	s21 =	simm.s32 $0x60;
	v8 =	vld [tilespmem:s15+$0x8230];
	v14 =	vmul.f32 v14, v6;
	v15 =	vmul.f32 v15, v7;
	v12 =	vadd.f32 v13, v12  }
0x147: {  	s17 =	sadd.s32 $0x200, s20;
	s16 =	sand.u32 $0x60, s21;
	v22 =	vmul.f32 v9, v5;
	v10 =	vld [tilespmem:s15+$0x8220];
	v9 =	vmul.f32 v16, v7  }
0x148: {  	s1 =	sor.u32 s16, s17;
	v17 =	vmul.f32 v17, v5;
	v13 =	vld [tilespmem:s15+$0x8200];
	v15 =	vadd.f32 v15, v14;
	v16 =	vadd.f32 v20, v12  }
0x149: {  	s0 =	simm.s32 $0x40;
	v23 =	vmul.f32 v18, v7;
	v19 =	vadd.f32 v9, v19;
	v14 =	vld [tilespmem:s1+$0x0];
	v20 =	vmul.f32 v11, v6  }
0x14a: {  	s20 =	simm.s32 $0x70;
	s19 =	sand.u32 $0x40, s0;
	v9 =	vimm.s32 $0x0;
	v12 =	vld [tilespmem:s1+$0x100];
	v63 =	vadd.f32 v17, v15;
	v62 =	vadd.f32 v16, v16  }
0x14b: {  	s21 =	sand.u32 $0x70, s20;
	s19 =	sor.u32 s19, s17;
	v18 =	vadd.f32 v22, v19;
	v19 =	vmul.f32 v21, v5;
	v16 =	vld [tilespmem:s15+$0x8210];
	v17 =	vadd.f32 v23, v20  }
0x14c: {  	s30 =	simm.s32 $0x4;
	s16 =	sor.u32 s21, s17;
	v11 =	vimm.f32 $+Inf;
	v15 =	vld [tilespmem:s19+$0x100];
	s15 =	simm.s32 $0x8;
	v20 =	vadd.f32 v63, v63;
	v21 =	vsub.f32 v4, v62  }
.LBB2_11:
0x14d: {  	p0 =	slt.u32 s15, $0x1FC;
	s20 =	sadd.s32 $0x10, s0;
	v22 =	vld [tilespmem:s16+$0x0];
	v18 =	vadd.f32 v18, v18;
	v17 =	vadd.f32 v19, v17  }
0x14e: {  	v19 =	vld [tilespmem:s19+$0x0];
	s20 =	sand.u32 $0x50, s20;
	v13 =	vadd.f32 v21, v13;
	v20 =	vsub.f32 v4, v20  }
0x14f: {  	v23 =	vmul.f32 v12, v5;
	v21 =	vld [tilespmem:s19+$0x80];
	s17 =	sor.u32 s20, s17;
	v14 =	vmul.f32 v14, v6;
	v12 =	vadd.f32 v17, v17  }
0x150: {  	v18 =	vsub.f32 v4, v18;
	v17 =	vld [tilespmem:s17+$0x0];
	vm0 =	vlt.f32 v13, v11;
	v16 =	vadd.f32 v20, v16  }
0x151: {  	v15 =	vmul.f32 v15, v5;
	v20 =	vld [tilespmem:s17+$0x80];
	v11 =	vsel vm0, v13, v11;
	v9 =	vsel vm0, s29, v9  }
0x152: {  	v10 =	vadd.f32 v18, v10;
	v12 =	vsub.f32 v4, v12;
	v13 =	vld [tilespmem:s1+$0x80];
	vm0 =	vlt.f32 v16, v11;
	s1 =	sadd.s32 $0x1, s29  }
0x153: {  	v18 =	vmul.f32 v19, v6;
	v19 =	vld [tilespmem:s17+$0x100];
	v11 =	vsel vm0, v16, v11;
	v9 =	vsel vm0, s1, v9  }
0x154: {  	s20 =	sshra.s32 s31, $0x2;
	s1 =	sadd.s32 $0x2, s29;
	v12 =	vadd.f32 v12, v8;
	v16 =	vmul.f32 v21, v7;
	v21 =	vld [tilespmem:s16+$0x80];
	vm0 =	vlt.f32 v10, v11  }
0x155: {  	s0 =	sadd.s32 $0x40, s0;
	s31 =	sadd.s32 $0x100, s31;
	v17 =	vmul.f32 v17, v6;
	v8 =	vld [tilespmem:s20+$0x8230];
	v11 =	vsel vm0, v10, v11;
	v9 =	vsel vm0, s1, v9  }
0x156: {  	s19 =	sadd.s32 $0x20, s0;
	s1 =	sand.u32 $0x7E00, s31;
	v16 =	vadd.f32 v16, v18;
	v18 =	vmul.f32 v20, v7;
	v20 =	vld [tilespmem:s16+$0x100];
	vm0 =	vlt.f32 v12, v11;
	s16 =	sadd.s32 $0x3, s29  }
0x157: {  	s17 =	sadd.s32 $0x200, s1;
	s1 =	sand.u32 $0x60, s19;
	s29 =	smov.u32 s30;
	v10 =	vld [tilespmem:s20+$0x8220];
	v24 =	vmul.f32 v13, v7;
	v11 =	vsel vm0, v12, v11;
	v9 =	vsel vm0, s16, v9  }
.Ltmp4:
0x158: {  	s30 =	smov.u32 s15;
	s1 =	sor.u32 s1, s17;
	v13 =	vld [tilespmem:s20+$0x8200];
	v15 =	vadd.f32 v15, v16;
	v16 =	vadd.f32 v18, v17;
	v17 =	vmul.f32 v19, v5;
	(pc) =	sbr.rel @p0 .LBB2_11-.Ltmp4, $4  }
0x159: {  	v19 =	vmul.f32 v22, v6;
	v12 =	vld [tilespmem:s1+$0x100];
	v18 =	vadd.f32 v24, v14;
	v21 =	vmul.f32 v21, v7  }
0x15a: {  	s21 =	sadd.s32 $0x30, s0;
	s16 =	sand.u32 $0x40, s0;
	v14 =	vld [tilespmem:s1+$0x0];
	v22 =	vadd.f32 v15, v15;
	v24 =	vadd.f32 v17, v16  }
0x15b: {  	s19 =	sor.u32 s16, s17;
	s16 =	sand.u32 $0x70, s21;
	v16 =	vld [tilespmem:s20+$0x8210];
	v18 =	vadd.f32 v23, v18;
	v17 =	vadd.f32 v21, v19;
	v19 =	vmul.f32 v20, v5  }
0x15c: {  	s15 =	sadd.s32 $0x4, s15;
	s16 =	sor.u32 s16, s17;
	v15 =	vld [tilespmem:s19+$0x100];
	v21 =	vsub.f32 v4, v22;
	v20 =	vadd.f32 v24, v24  }
0x15d: {  	s0 =	sadd.s32 $0x10, s0;
	v22 =	vld [tilespmem:s19+$0x0]  }
0x15e: {  	v23 =	vld [tilespmem:s19+$0x80];
	s0 =	sand.u32 $0x50, s0  }
0x15f: {  	v24 =	vld [tilespmem:s16+$0x0];
	v18 =	vadd.f32 v18, v18;
	v17 =	vadd.f32 v19, v17;
	s0 =	sor.u32 s0, s17  }
0x160: {  	v13 =	vadd.f32 v21, v13;
	v20 =	vsub.f32 v4, v20;
	v19 =	vld [tilespmem:s0+$0x0]  }
0x161: {  	v17 =	vadd.f32 v17, v17;
	v21 =	vld [tilespmem:s0+$0x80]  }
0x162: {  	v25 =	vld [tilespmem:s1+$0x80];
	v18 =	vsub.f32 v4, v18;
	vm0 =	vlt.f32 v13, v11;
	v16 =	vadd.f32 v20, v16  }
0x163: {  	v11 =	vsel vm0, v13, v11;
	v13 =	vsub.f32 v4, v17;
	v20 =	vmul.f32 v22, v6;
	v22 =	vld [tilespmem:s0+$0x100]  }
0x164: {  	v12 =	vmul.f32 v12, v5;
	v17 =	vld [tilespmem:s16+$0x80];
	v23 =	vmul.f32 v23, v7  }
0x165: {  	v10 =	vadd.f32 v18, v10;
	v15 =	vmul.f32 v15, v5;
	v8 =	vadd.f32 v13, v8  }
0x166: {  	v18 =	vadd.f32 v23, v20;
	v20 =	vld [tilespmem:s16+$0x100];
	v13 =	vmul.f32 v19, v6;
	v19 =	vmul.f32 v21, v7  }
0x167: {  	v14 =	vmul.f32 v14, v6;
	vm1 =	vlt.f32 v16, v11;
	v21 =	vmul.f32 v25, v7  }
0x168: {  	s20 =	sshra.s32 s31, $0x2;
	v15 =	vadd.f32 v15, v18;
	v13 =	vadd.f32 v19, v13;
	v18 =	vmul.f32 v22, v5  }
0x169: {  	v6 =	vmul.f32 v24, v6;
	v7 =	vmul.f32 v17, v7;
	v19 =	vld [tilespmem:s20+$0x8200];
	v14 =	vadd.f32 v21, v14  }
0x16a: {  	v11 =	vsel vm1, v16, v11;
	v15 =	vadd.f32 v15, v15;
	v13 =	vadd.f32 v18, v13  }
0x16b: {  	v16 =	vld [tilespmem:s20+$0x8210];
	v6 =	vadd.f32 v7, v6;
	v12 =	vadd.f32 v12, v14;
	v5 =	vmul.f32 v20, v5  }
0x16c: {  	vm2 =	vlt.f32 v10, v11;
	v7 =	vsub.f32 v4, v15;
	v13 =	vadd.f32 v13, v13  }
0x16d: {  	v10 =	vsel vm2, v10, v11;
	v11 =	vld [tilespmem:s20+$0x8220];
	v12 =	vadd.f32 v12, v12;
	v5 =	vadd.f32 v5, v6  }
0x16e: {  	vm3 =	vlt.f32 v8, v10;
	v6 =	vadd.f32 v7, v19;
	v7 =	vsub.f32 v4, v13  }
0x16f: {  	v9 =	vsel vm0, s29, v9;
	v8 =	vsel vm3, v8, v10;
	v13 =	vld [tilespmem:s20+$0x8230];
	v5 =	vadd.f32 v5, v5  }
0x170: {  	s21 =	sadd.s32 $0x1, s29;
	v10 =	vsub.f32 v4, v12;
	vm12 =	vlt.f32 v6, v8;
	v7 =	vadd.f32 v7, v16  }
0x171: {  	v9 =	vsel vm1, s21, v9;
	v6 =	vsel vm12, v6, v8  }
0x172: {  	s1 =	sadd.s32 $0x2, s29;
	v8 =	vadd.f32 v10, v11;
	v4 =	vsub.f32 v4, v5;
	vm13 =	vlt.f32 v7, v6  }
0x173: {  	s15 =	sadd.s32 $0x3, s29;
	v5 =	vsel vm2, s1, v9;
	v6 =	vsel vm13, v7, v6  }
0x174: {  	v5 =	vsel vm3, s15, v5;
	v4 =	vadd.f32 v4, v13;
	vm14 =	vlt.f32 v8, v6  }
0x175: {  	s16 =	sadd.s32 $0x1, s30;
	v5 =	vsel vm12, s30, v5;
	v6 =	vsel vm14, v8, v6  }
0x176: {  	s17 =	sadd.s32 $0x2, s30;
	s29 =	simm.s32 $0x0;
	v5 =	vsel vm13, s16, v5;
	vm15 =	vlt.f32 v4, v6  }
0x177: {  	s19 =	sadd.s32 $0x3, s30;
	s20 =	sand.u32 $0x7E00, s29;
	s15 =	simm.s32 $0x20;
	v5 =	vsel vm14, s17, v5;
	v4 =	vsel vm15, v4, v6  }
0x178: {  	s21 =	sadd.s32 $0x200, s20;
	s15 =	sand.u32 $0x60, s15;
	v5 =	vsel vm15, s19, v5;
	[tilespmem:s28+$0xA240] =	vst v4  }
0x179: {  	s1 =	sor.u32 s15, s21;
	[tilespmem:s28+$0xA640] =	vst v5  }
0x17a: {  	s16 =	sand.u32 $0x40, s29;
	s17 =	simm.s32 $0x30;
	v9 =	vld [tilespmem:s1+$0x100]  }
0x17b: {  	s15 =	sor.u32 s16, s21;
	s16 =	sand.u32 $0x70, s17;
	v8 =	vld [tilespmem:s1+$0x0]  }
0x17c: {  	s16 =	sor.u32 s16, s21;
	v10 =	vld [tilespmem:s15+$0x100]  }
0x17d: {  	s19 =	simm.s32 $0x10;
	v11 =	vld [tilespmem:s16+$0x0]  }
0x17e: {  	s17 =	sand.u32 $0x50, s19;
	v12 =	vld [tilespmem:s15+$0x0]  }
0x17f: {  	v13 =	vld [tilespmem:s15+$0x80];
	s0 =	sor.u32 s17, s21  }
0x180: {  	v14 =	vld [tilespmem:s0+$0x0]  }
0x181: {  	v15 =	vld [tilespmem:s0+$0x80]  }
0x182: {  	v7 =	vbroadcast v1, $0x5;
	v6 =	vbroadcast v0, $0x5;
	v16 =	vld [tilespmem:s1+$0x80]  }
0x183: {  	v5 =	vbroadcast v2, $0x5;
	v4 =	vbroadcast v3, $0x5;
	v17 =	vld [tilespmem:s0+$0x100]  }
0x184: {  	v18 =	vld [tilespmem:s16+$0x80];
	v12 =	vmul.f32 v12, v6;
	v13 =	vmul.f32 v13, v7  }
0x185: {  	s31 =	simm.s32 $0x100;
	s15 =	simm.s32 $0x0;
	v21 =	vld [tilespmem:s16+$0x100];
	v19 =	vmul.f32 v8, v6;
	v20 =	vmul.f32 v10, v5  }
0x186: {  	s20 =	sand.u32 $0x7E00, s31;
	s21 =	simm.s32 $0x60;
	v8 =	vld [tilespmem:s15+$0x8230];
	v14 =	vmul.f32 v14, v6;
	v15 =	vmul.f32 v15, v7;
	v12 =	vadd.f32 v13, v12  }
0x187: {  	s17 =	sadd.s32 $0x200, s20;
	s16 =	sand.u32 $0x60, s21;
	v22 =	vmul.f32 v9, v5;
	v10 =	vld [tilespmem:s15+$0x8220];
	v9 =	vmul.f32 v16, v7  }
0x188: {  	s1 =	sor.u32 s16, s17;
	v17 =	vmul.f32 v17, v5;
	v13 =	vld [tilespmem:s15+$0x8200];
	v15 =	vadd.f32 v15, v14;
	v16 =	vadd.f32 v20, v12  }
0x189: {  	s0 =	simm.s32 $0x40;
	v23 =	vmul.f32 v18, v7;
	v19 =	vadd.f32 v9, v19;
	v14 =	vld [tilespmem:s1+$0x0];
	v20 =	vmul.f32 v11, v6  }
0x18a: {  	s20 =	simm.s32 $0x70;
	s19 =	sand.u32 $0x40, s0;
	v9 =	vimm.s32 $0x0;
	v12 =	vld [tilespmem:s1+$0x100];
	v63 =	vadd.f32 v17, v15;
	v62 =	vadd.f32 v16, v16  }
0x18b: {  	s21 =	sand.u32 $0x70, s20;
	s19 =	sor.u32 s19, s17;
	v18 =	vadd.f32 v22, v19;
	v19 =	vmul.f32 v21, v5;
	v16 =	vld [tilespmem:s15+$0x8210];
	v17 =	vadd.f32 v23, v20  }
0x18c: {  	s30 =	simm.s32 $0x4;
	s16 =	sor.u32 s21, s17;
	v11 =	vimm.f32 $+Inf;
	v15 =	vld [tilespmem:s19+$0x100];
	s15 =	simm.s32 $0x8;
	v20 =	vadd.f32 v63, v63;
	v21 =	vsub.f32 v4, v62  }
.LBB2_13:
0x18d: {  	p0 =	slt.u32 s15, $0x1FC;
	s20 =	sadd.s32 $0x10, s0;
	v22 =	vld [tilespmem:s16+$0x0];
	v18 =	vadd.f32 v18, v18;
	v17 =	vadd.f32 v19, v17  }
0x18e: {  	v19 =	vld [tilespmem:s19+$0x0];
	s20 =	sand.u32 $0x50, s20;
	v13 =	vadd.f32 v21, v13;
	v20 =	vsub.f32 v4, v20  }
0x18f: {  	v23 =	vmul.f32 v12, v5;
	v21 =	vld [tilespmem:s19+$0x80];
	s17 =	sor.u32 s20, s17;
	v14 =	vmul.f32 v14, v6;
	v12 =	vadd.f32 v17, v17  }
0x190: {  	v18 =	vsub.f32 v4, v18;
	v17 =	vld [tilespmem:s17+$0x0];
	vm0 =	vlt.f32 v13, v11;
	v16 =	vadd.f32 v20, v16  }
0x191: {  	v15 =	vmul.f32 v15, v5;
	v20 =	vld [tilespmem:s17+$0x80];
	v11 =	vsel vm0, v13, v11;
	v9 =	vsel vm0, s29, v9  }
0x192: {  	v10 =	vadd.f32 v18, v10;
	v12 =	vsub.f32 v4, v12;
	v13 =	vld [tilespmem:s1+$0x80];
	vm0 =	vlt.f32 v16, v11;
	s1 =	sadd.s32 $0x1, s29  }
0x193: {  	v18 =	vmul.f32 v19, v6;
	v19 =	vld [tilespmem:s17+$0x100];
	v11 =	vsel vm0, v16, v11;
	v9 =	vsel vm0, s1, v9  }
0x194: {  	s20 =	sshra.s32 s31, $0x2;
	s1 =	sadd.s32 $0x2, s29;
	v12 =	vadd.f32 v12, v8;
	v16 =	vmul.f32 v21, v7;
	v21 =	vld [tilespmem:s16+$0x80];
	vm0 =	vlt.f32 v10, v11  }
0x195: {  	s0 =	sadd.s32 $0x40, s0;
	s31 =	sadd.s32 $0x100, s31;
	v17 =	vmul.f32 v17, v6;
	v8 =	vld [tilespmem:s20+$0x8230];
	v11 =	vsel vm0, v10, v11;
	v9 =	vsel vm0, s1, v9  }
0x196: {  	s19 =	sadd.s32 $0x20, s0;
	s1 =	sand.u32 $0x7E00, s31;
	v16 =	vadd.f32 v16, v18;
	v18 =	vmul.f32 v20, v7;
	v20 =	vld [tilespmem:s16+$0x100];
	vm0 =	vlt.f32 v12, v11;
	s16 =	sadd.s32 $0x3, s29  }
0x197: {  	s17 =	sadd.s32 $0x200, s1;
	s1 =	sand.u32 $0x60, s19;
	s29 =	smov.u32 s30;
	v10 =	vld [tilespmem:s20+$0x8220];
	v24 =	vmul.f32 v13, v7;
	v11 =	vsel vm0, v12, v11;
	v9 =	vsel vm0, s16, v9  }
.Ltmp5:
0x198: {  	s30 =	smov.u32 s15;
	s1 =	sor.u32 s1, s17;
	v13 =	vld [tilespmem:s20+$0x8200];
	v15 =	vadd.f32 v15, v16;
	v16 =	vadd.f32 v18, v17;
	v17 =	vmul.f32 v19, v5;
	(pc) =	sbr.rel @p0 .LBB2_13-.Ltmp5, $4  }
0x199: {  	v19 =	vmul.f32 v22, v6;
	v12 =	vld [tilespmem:s1+$0x100];
	v18 =	vadd.f32 v24, v14;
	v21 =	vmul.f32 v21, v7  }
0x19a: {  	s21 =	sadd.s32 $0x30, s0;
	s16 =	sand.u32 $0x40, s0;
	v14 =	vld [tilespmem:s1+$0x0];
	v22 =	vadd.f32 v15, v15;
	v24 =	vadd.f32 v17, v16  }
0x19b: {  	s19 =	sor.u32 s16, s17;
	s16 =	sand.u32 $0x70, s21;
	v16 =	vld [tilespmem:s20+$0x8210];
	v18 =	vadd.f32 v23, v18;
	v17 =	vadd.f32 v21, v19;
	v19 =	vmul.f32 v20, v5  }
0x19c: {  	s15 =	sadd.s32 $0x4, s15;
	s16 =	sor.u32 s16, s17;
	v15 =	vld [tilespmem:s19+$0x100];
	v21 =	vsub.f32 v4, v22;
	v20 =	vadd.f32 v24, v24  }
0x19d: {  	s0 =	sadd.s32 $0x10, s0;
	v22 =	vld [tilespmem:s19+$0x0]  }
0x19e: {  	v23 =	vld [tilespmem:s19+$0x80];
	s0 =	sand.u32 $0x50, s0  }
0x19f: {  	v24 =	vld [tilespmem:s16+$0x0];
	v18 =	vadd.f32 v18, v18;
	v17 =	vadd.f32 v19, v17;
	s0 =	sor.u32 s0, s17  }
0x1a0: {  	v13 =	vadd.f32 v21, v13;
	v20 =	vsub.f32 v4, v20;
	v19 =	vld [tilespmem:s0+$0x0]  }
0x1a1: {  	v17 =	vadd.f32 v17, v17;
	v21 =	vld [tilespmem:s0+$0x80]  }
0x1a2: {  	v25 =	vld [tilespmem:s1+$0x80];
	v18 =	vsub.f32 v4, v18;
	vm0 =	vlt.f32 v13, v11;
	v16 =	vadd.f32 v20, v16  }
0x1a3: {  	v11 =	vsel vm0, v13, v11;
	v13 =	vsub.f32 v4, v17;
	v20 =	vmul.f32 v22, v6;
	v22 =	vld [tilespmem:s0+$0x100]  }
0x1a4: {  	v12 =	vmul.f32 v12, v5;
	v17 =	vld [tilespmem:s16+$0x80];
	v23 =	vmul.f32 v23, v7  }
0x1a5: {  	v10 =	vadd.f32 v18, v10;
	v15 =	vmul.f32 v15, v5;
	v8 =	vadd.f32 v13, v8  }
0x1a6: {  	v18 =	vadd.f32 v23, v20;
	v20 =	vld [tilespmem:s16+$0x100];
	v13 =	vmul.f32 v19, v6;
	v19 =	vmul.f32 v21, v7  }
0x1a7: {  	v14 =	vmul.f32 v14, v6;
	vm1 =	vlt.f32 v16, v11;
	v21 =	vmul.f32 v25, v7  }
0x1a8: {  	s20 =	sshra.s32 s31, $0x2;
	v15 =	vadd.f32 v15, v18;
	v13 =	vadd.f32 v19, v13;
	v18 =	vmul.f32 v22, v5  }
0x1a9: {  	v6 =	vmul.f32 v24, v6;
	v7 =	vmul.f32 v17, v7;
	v19 =	vld [tilespmem:s20+$0x8200];
	v14 =	vadd.f32 v21, v14  }
0x1aa: {  	v11 =	vsel vm1, v16, v11;
	v15 =	vadd.f32 v15, v15;
	v13 =	vadd.f32 v18, v13  }
0x1ab: {  	v16 =	vld [tilespmem:s20+$0x8210];
	v6 =	vadd.f32 v7, v6;
	v12 =	vadd.f32 v12, v14;
	v5 =	vmul.f32 v20, v5  }
0x1ac: {  	vm2 =	vlt.f32 v10, v11;
	v7 =	vsub.f32 v4, v15;
	v13 =	vadd.f32 v13, v13  }
0x1ad: {  	v10 =	vsel vm2, v10, v11;
	v11 =	vld [tilespmem:s20+$0x8220];
	v12 =	vadd.f32 v12, v12;
	v5 =	vadd.f32 v5, v6  }
0x1ae: {  	vm3 =	vlt.f32 v8, v10;
	v6 =	vadd.f32 v7, v19;
	v7 =	vsub.f32 v4, v13  }
0x1af: {  	v9 =	vsel vm0, s29, v9;
	v8 =	vsel vm3, v8, v10;
	v13 =	vld [tilespmem:s20+$0x8230];
	v5 =	vadd.f32 v5, v5  }
0x1b0: {  	s21 =	sadd.s32 $0x1, s29;
	v10 =	vsub.f32 v4, v12;
	vm12 =	vlt.f32 v6, v8;
	v7 =	vadd.f32 v7, v16  }
0x1b1: {  	v9 =	vsel vm1, s21, v9;
	v6 =	vsel vm12, v6, v8  }
0x1b2: {  	s1 =	sadd.s32 $0x2, s29;
	v8 =	vadd.f32 v10, v11;
	v4 =	vsub.f32 v4, v5;
	vm13 =	vlt.f32 v7, v6  }
0x1b3: {  	s15 =	sadd.s32 $0x3, s29;
	v5 =	vsel vm2, s1, v9;
	v6 =	vsel vm13, v7, v6  }
0x1b4: {  	v5 =	vsel vm3, s15, v5;
	v4 =	vadd.f32 v4, v13;
	vm14 =	vlt.f32 v8, v6  }
0x1b5: {  	s16 =	sadd.s32 $0x1, s30;
	v5 =	vsel vm12, s30, v5;
	v6 =	vsel vm14, v8, v6  }
0x1b6: {  	s17 =	sadd.s32 $0x2, s30;
	s29 =	simm.s32 $0x0;
	v5 =	vsel vm13, s16, v5;
	vm15 =	vlt.f32 v4, v6  }
0x1b7: {  	s19 =	sadd.s32 $0x3, s30;
	s20 =	sand.u32 $0x7E00, s29;
	s15 =	simm.s32 $0x20;
	v5 =	vsel vm14, s17, v5;
	v4 =	vsel vm15, v4, v6  }
0x1b8: {  	s21 =	sadd.s32 $0x200, s20;
	s15 =	sand.u32 $0x60, s15;
	v5 =	vsel vm15, s19, v5;
	[tilespmem:s28+$0xA250] =	vst v4  }
0x1b9: {  	s1 =	sor.u32 s15, s21;
	[tilespmem:s28+$0xA650] =	vst v5  }
0x1ba: {  	s16 =	sand.u32 $0x40, s29;
	s17 =	simm.s32 $0x30;
	v9 =	vld [tilespmem:s1+$0x100]  }
0x1bb: {  	s15 =	sor.u32 s16, s21;
	s16 =	sand.u32 $0x70, s17;
	v8 =	vld [tilespmem:s1+$0x0]  }
0x1bc: {  	s16 =	sor.u32 s16, s21;
	v10 =	vld [tilespmem:s15+$0x100]  }
0x1bd: {  	s19 =	simm.s32 $0x10;
	v11 =	vld [tilespmem:s16+$0x0]  }
0x1be: {  	s17 =	sand.u32 $0x50, s19;
	v12 =	vld [tilespmem:s15+$0x0]  }
0x1bf: {  	v13 =	vld [tilespmem:s15+$0x80];
	s0 =	sor.u32 s17, s21  }
0x1c0: {  	v14 =	vld [tilespmem:s0+$0x0]  }
0x1c1: {  	v15 =	vld [tilespmem:s0+$0x80]  }
0x1c2: {  	v7 =	vbroadcast v1, $0x6;
	v6 =	vbroadcast v0, $0x6;
	v16 =	vld [tilespmem:s1+$0x80]  }
0x1c3: {  	v5 =	vbroadcast v2, $0x6;
	v4 =	vbroadcast v3, $0x6;
	v17 =	vld [tilespmem:s0+$0x100]  }
0x1c4: {  	v18 =	vld [tilespmem:s16+$0x80];
	v12 =	vmul.f32 v12, v6;
	v13 =	vmul.f32 v13, v7  }
0x1c5: {  	s31 =	simm.s32 $0x100;
	s15 =	simm.s32 $0x0;
	v21 =	vld [tilespmem:s16+$0x100];
	v19 =	vmul.f32 v8, v6;
	v20 =	vmul.f32 v10, v5  }
0x1c6: {  	s20 =	sand.u32 $0x7E00, s31;
	s21 =	simm.s32 $0x60;
	v8 =	vld [tilespmem:s15+$0x8230];
	v14 =	vmul.f32 v14, v6;
	v15 =	vmul.f32 v15, v7;
	v12 =	vadd.f32 v13, v12  }
0x1c7: {  	s17 =	sadd.s32 $0x200, s20;
	s16 =	sand.u32 $0x60, s21;
	v22 =	vmul.f32 v9, v5;
	v10 =	vld [tilespmem:s15+$0x8220];
	v9 =	vmul.f32 v16, v7  }
0x1c8: {  	s1 =	sor.u32 s16, s17;
	v17 =	vmul.f32 v17, v5;
	v13 =	vld [tilespmem:s15+$0x8200];
	v15 =	vadd.f32 v15, v14;
	v16 =	vadd.f32 v20, v12  }
0x1c9: {  	s0 =	simm.s32 $0x40;
	v23 =	vmul.f32 v18, v7;
	v19 =	vadd.f32 v9, v19;
	v14 =	vld [tilespmem:s1+$0x0];
	v20 =	vmul.f32 v11, v6  }
0x1ca: {  	s20 =	simm.s32 $0x70;
	s19 =	sand.u32 $0x40, s0;
	v9 =	vimm.s32 $0x0;
	v12 =	vld [tilespmem:s1+$0x100];
	v63 =	vadd.f32 v17, v15;
	v62 =	vadd.f32 v16, v16  }
0x1cb: {  	s21 =	sand.u32 $0x70, s20;
	s19 =	sor.u32 s19, s17;
	v18 =	vadd.f32 v22, v19;
	v19 =	vmul.f32 v21, v5;
	v16 =	vld [tilespmem:s15+$0x8210];
	v17 =	vadd.f32 v23, v20  }
0x1cc: {  	s30 =	simm.s32 $0x4;
	s16 =	sor.u32 s21, s17;
	v11 =	vimm.f32 $+Inf;
	v15 =	vld [tilespmem:s19+$0x100];
	s15 =	simm.s32 $0x8;
	v20 =	vadd.f32 v63, v63;
	v21 =	vsub.f32 v4, v62  }
.LBB2_15:
0x1cd: {  	p0 =	slt.u32 s15, $0x1FC;
	s20 =	sadd.s32 $0x10, s0;
	v22 =	vld [tilespmem:s16+$0x0];
	v18 =	vadd.f32 v18, v18;
	v17 =	vadd.f32 v19, v17  }
0x1ce: {  	v19 =	vld [tilespmem:s19+$0x0];
	s20 =	sand.u32 $0x50, s20;
	v13 =	vadd.f32 v21, v13;
	v20 =	vsub.f32 v4, v20  }
0x1cf: {  	v23 =	vmul.f32 v12, v5;
	v21 =	vld [tilespmem:s19+$0x80];
	s17 =	sor.u32 s20, s17;
	v14 =	vmul.f32 v14, v6;
	v12 =	vadd.f32 v17, v17  }
0x1d0: {  	v18 =	vsub.f32 v4, v18;
	v17 =	vld [tilespmem:s17+$0x0];
	vm0 =	vlt.f32 v13, v11;
	v16 =	vadd.f32 v20, v16  }
0x1d1: {  	v15 =	vmul.f32 v15, v5;
	v20 =	vld [tilespmem:s17+$0x80];
	v11 =	vsel vm0, v13, v11;
	v9 =	vsel vm0, s29, v9  }
0x1d2: {  	v10 =	vadd.f32 v18, v10;
	v12 =	vsub.f32 v4, v12;
	v13 =	vld [tilespmem:s1+$0x80];
	vm0 =	vlt.f32 v16, v11;
	s1 =	sadd.s32 $0x1, s29  }
0x1d3: {  	v18 =	vmul.f32 v19, v6;
	v19 =	vld [tilespmem:s17+$0x100];
	v11 =	vsel vm0, v16, v11;
	v9 =	vsel vm0, s1, v9  }
0x1d4: {  	s20 =	sshra.s32 s31, $0x2;
	s1 =	sadd.s32 $0x2, s29;
	v12 =	vadd.f32 v12, v8;
	v16 =	vmul.f32 v21, v7;
	v21 =	vld [tilespmem:s16+$0x80];
	vm0 =	vlt.f32 v10, v11  }
0x1d5: {  	s0 =	sadd.s32 $0x40, s0;
	s31 =	sadd.s32 $0x100, s31;
	v17 =	vmul.f32 v17, v6;
	v8 =	vld [tilespmem:s20+$0x8230];
	v11 =	vsel vm0, v10, v11;
	v9 =	vsel vm0, s1, v9  }
0x1d6: {  	s19 =	sadd.s32 $0x20, s0;
	s1 =	sand.u32 $0x7E00, s31;
	v16 =	vadd.f32 v16, v18;
	v18 =	vmul.f32 v20, v7;
	v20 =	vld [tilespmem:s16+$0x100];
	vm0 =	vlt.f32 v12, v11;
	s16 =	sadd.s32 $0x3, s29  }
0x1d7: {  	s17 =	sadd.s32 $0x200, s1;
	s1 =	sand.u32 $0x60, s19;
	s29 =	smov.u32 s30;
	v10 =	vld [tilespmem:s20+$0x8220];
	v24 =	vmul.f32 v13, v7;
	v11 =	vsel vm0, v12, v11;
	v9 =	vsel vm0, s16, v9  }
.Ltmp6:
0x1d8: {  	s30 =	smov.u32 s15;
	s1 =	sor.u32 s1, s17;
	v13 =	vld [tilespmem:s20+$0x8200];
	v15 =	vadd.f32 v15, v16;
	v16 =	vadd.f32 v18, v17;
	v17 =	vmul.f32 v19, v5;
	(pc) =	sbr.rel @p0 .LBB2_15-.Ltmp6, $4  }
0x1d9: {  	v19 =	vmul.f32 v22, v6;
	v12 =	vld [tilespmem:s1+$0x100];
	v18 =	vadd.f32 v24, v14;
	v21 =	vmul.f32 v21, v7  }
0x1da: {  	s21 =	sadd.s32 $0x30, s0;
	s16 =	sand.u32 $0x40, s0;
	v14 =	vld [tilespmem:s1+$0x0];
	v22 =	vadd.f32 v15, v15;
	v24 =	vadd.f32 v17, v16  }
0x1db: {  	s19 =	sor.u32 s16, s17;
	s16 =	sand.u32 $0x70, s21;
	v16 =	vld [tilespmem:s20+$0x8210];
	v18 =	vadd.f32 v23, v18;
	v17 =	vadd.f32 v21, v19;
	v19 =	vmul.f32 v20, v5  }
0x1dc: {  	s15 =	sadd.s32 $0x4, s15;
	s16 =	sor.u32 s16, s17;
	v15 =	vld [tilespmem:s19+$0x100];
	v21 =	vsub.f32 v4, v22;
	v20 =	vadd.f32 v24, v24  }
0x1dd: {  	s0 =	sadd.s32 $0x10, s0;
	v22 =	vld [tilespmem:s19+$0x0]  }
0x1de: {  	v23 =	vld [tilespmem:s19+$0x80];
	s0 =	sand.u32 $0x50, s0  }
0x1df: {  	v24 =	vld [tilespmem:s16+$0x0];
	v18 =	vadd.f32 v18, v18;
	v17 =	vadd.f32 v19, v17;
	s0 =	sor.u32 s0, s17  }
0x1e0: {  	v13 =	vadd.f32 v21, v13;
	v20 =	vsub.f32 v4, v20;
	v19 =	vld [tilespmem:s0+$0x0]  }
0x1e1: {  	v17 =	vadd.f32 v17, v17;
	v21 =	vld [tilespmem:s0+$0x80]  }
0x1e2: {  	v25 =	vld [tilespmem:s1+$0x80];
	v18 =	vsub.f32 v4, v18;
	vm0 =	vlt.f32 v13, v11;
	v16 =	vadd.f32 v20, v16  }
0x1e3: {  	v11 =	vsel vm0, v13, v11;
	v13 =	vsub.f32 v4, v17;
	v20 =	vmul.f32 v22, v6;
	v22 =	vld [tilespmem:s0+$0x100]  }
0x1e4: {  	v12 =	vmul.f32 v12, v5;
	v17 =	vld [tilespmem:s16+$0x80];
	v23 =	vmul.f32 v23, v7  }
0x1e5: {  	v10 =	vadd.f32 v18, v10;
	v15 =	vmul.f32 v15, v5;
	v8 =	vadd.f32 v13, v8  }
0x1e6: {  	v18 =	vadd.f32 v23, v20;
	v20 =	vld [tilespmem:s16+$0x100];
	v13 =	vmul.f32 v19, v6;
	v19 =	vmul.f32 v21, v7  }
0x1e7: {  	v14 =	vmul.f32 v14, v6;
	vm1 =	vlt.f32 v16, v11;
	v21 =	vmul.f32 v25, v7  }
0x1e8: {  	s20 =	sshra.s32 s31, $0x2;
	v15 =	vadd.f32 v15, v18;
	v13 =	vadd.f32 v19, v13;
	v18 =	vmul.f32 v22, v5  }
0x1e9: {  	v6 =	vmul.f32 v24, v6;
	v7 =	vmul.f32 v17, v7;
	v19 =	vld [tilespmem:s20+$0x8200];
	v14 =	vadd.f32 v21, v14  }
0x1ea: {  	v11 =	vsel vm1, v16, v11;
	v15 =	vadd.f32 v15, v15;
	v13 =	vadd.f32 v18, v13  }
0x1eb: {  	v16 =	vld [tilespmem:s20+$0x8210];
	v6 =	vadd.f32 v7, v6;
	v12 =	vadd.f32 v12, v14;
	v5 =	vmul.f32 v20, v5  }
0x1ec: {  	vm2 =	vlt.f32 v10, v11;
	v7 =	vsub.f32 v4, v15;
	v13 =	vadd.f32 v13, v13  }
0x1ed: {  	v10 =	vsel vm2, v10, v11;
	v11 =	vld [tilespmem:s20+$0x8220];
	v12 =	vadd.f32 v12, v12;
	v5 =	vadd.f32 v5, v6  }
0x1ee: {  	vm3 =	vlt.f32 v8, v10;
	v6 =	vadd.f32 v7, v19;
	v7 =	vsub.f32 v4, v13  }
0x1ef: {  	v9 =	vsel vm0, s29, v9;
	v8 =	vsel vm3, v8, v10;
	v13 =	vld [tilespmem:s20+$0x8230];
	v5 =	vadd.f32 v5, v5  }
0x1f0: {  	s21 =	sadd.s32 $0x1, s29;
	v10 =	vsub.f32 v4, v12;
	vm12 =	vlt.f32 v6, v8;
	v7 =	vadd.f32 v7, v16  }
0x1f1: {  	v9 =	vsel vm1, s21, v9;
	v6 =	vsel vm12, v6, v8  }
0x1f2: {  	s1 =	sadd.s32 $0x2, s29;
	v8 =	vadd.f32 v10, v11;
	v4 =	vsub.f32 v4, v5;
	vm13 =	vlt.f32 v7, v6  }
0x1f3: {  	s15 =	sadd.s32 $0x3, s29;
	v5 =	vsel vm2, s1, v9;
	v6 =	vsel vm13, v7, v6  }
0x1f4: {  	v5 =	vsel vm3, s15, v5;
	v4 =	vadd.f32 v4, v13;
	vm14 =	vlt.f32 v8, v6  }
0x1f5: {  	s16 =	sadd.s32 $0x1, s30;
	v5 =	vsel vm12, s30, v5;
	v6 =	vsel vm14, v8, v6  }
0x1f6: {  	s17 =	sadd.s32 $0x2, s30;
	s29 =	simm.s32 $0x0;
	v5 =	vsel vm13, s16, v5;
	vm15 =	vlt.f32 v4, v6  }
0x1f7: {  	s19 =	sadd.s32 $0x3, s30;
	s20 =	sand.u32 $0x7E00, s29;
	s15 =	simm.s32 $0x20;
	v5 =	vsel vm14, s17, v5;
	v4 =	vsel vm15, v4, v6  }
0x1f8: {  	s21 =	sadd.s32 $0x200, s20;
	s15 =	sand.u32 $0x60, s15;
	v5 =	vsel vm15, s19, v5;
	[tilespmem:s28+$0xA260] =	vst v4  }
0x1f9: {  	s1 =	sor.u32 s15, s21;
	[tilespmem:s28+$0xA660] =	vst v5  }
0x1fa: {  	s16 =	sand.u32 $0x40, s29;
	s17 =	simm.s32 $0x30;
	v9 =	vld [tilespmem:s1+$0x100]  }
0x1fb: {  	s15 =	sor.u32 s16, s21;
	s16 =	sand.u32 $0x70, s17;
	v8 =	vld [tilespmem:s1+$0x0]  }
0x1fc: {  	s16 =	sor.u32 s16, s21;
	v10 =	vld [tilespmem:s15+$0x100]  }
0x1fd: {  	s19 =	simm.s32 $0x10;
	v11 =	vld [tilespmem:s16+$0x0]  }
0x1fe: {  	s17 =	sand.u32 $0x50, s19;
	v12 =	vld [tilespmem:s15+$0x0]  }
0x1ff: {  	v13 =	vld [tilespmem:s15+$0x80];
	s0 =	sor.u32 s17, s21  }
0x200: {  	v14 =	vld [tilespmem:s0+$0x0]  }
0x201: {  	v15 =	vld [tilespmem:s0+$0x80]  }
0x202: {  	v7 =	vbroadcast v1, $0x7;
	v6 =	vbroadcast v0, $0x7;
	v16 =	vld [tilespmem:s1+$0x80]  }
0x203: {  	v5 =	vbroadcast v2, $0x7;
	v4 =	vbroadcast v3, $0x7;
	v17 =	vld [tilespmem:s0+$0x100]  }
0x204: {  	v18 =	vld [tilespmem:s16+$0x80];
	v12 =	vmul.f32 v12, v6;
	v13 =	vmul.f32 v13, v7  }
0x205: {  	s31 =	simm.s32 $0x100;
	s15 =	simm.s32 $0x0;
	v21 =	vld [tilespmem:s16+$0x100];
	v19 =	vmul.f32 v8, v6;
	v20 =	vmul.f32 v10, v5  }
0x206: {  	s20 =	sand.u32 $0x7E00, s31;
	s21 =	simm.s32 $0x60;
	v8 =	vld [tilespmem:s15+$0x8230];
	v14 =	vmul.f32 v14, v6;
	v15 =	vmul.f32 v15, v7;
	v12 =	vadd.f32 v13, v12  }
0x207: {  	s17 =	sadd.s32 $0x200, s20;
	s16 =	sand.u32 $0x60, s21;
	v22 =	vmul.f32 v9, v5;
	v10 =	vld [tilespmem:s15+$0x8220];
	v9 =	vmul.f32 v16, v7  }
0x208: {  	s1 =	sor.u32 s16, s17;
	v17 =	vmul.f32 v17, v5;
	v13 =	vld [tilespmem:s15+$0x8200];
	v15 =	vadd.f32 v15, v14;
	v16 =	vadd.f32 v20, v12  }
0x209: {  	s0 =	simm.s32 $0x40;
	v23 =	vmul.f32 v18, v7;
	v19 =	vadd.f32 v9, v19;
	v14 =	vld [tilespmem:s1+$0x0];
	v20 =	vmul.f32 v11, v6  }
0x20a: {  	s20 =	simm.s32 $0x70;
	s19 =	sand.u32 $0x40, s0;
	v9 =	vimm.s32 $0x0;
	v12 =	vld [tilespmem:s1+$0x100];
	v63 =	vadd.f32 v17, v15;
	v62 =	vadd.f32 v16, v16  }
0x20b: {  	s21 =	sand.u32 $0x70, s20;
	s19 =	sor.u32 s19, s17;
	v18 =	vadd.f32 v22, v19;
	v19 =	vmul.f32 v21, v5;
	v16 =	vld [tilespmem:s15+$0x8210];
	v17 =	vadd.f32 v23, v20  }
0x20c: {  	s30 =	simm.s32 $0x4;
	s16 =	sor.u32 s21, s17;
	v11 =	vimm.f32 $+Inf;
	v15 =	vld [tilespmem:s19+$0x100];
	s15 =	simm.s32 $0x8;
	v20 =	vadd.f32 v63, v63;
	v21 =	vsub.f32 v4, v62  }
.LBB2_17:
0x20d: {  	p0 =	slt.u32 s15, $0x1FC;
	s20 =	sadd.s32 $0x10, s0;
	v22 =	vld [tilespmem:s16+$0x0];
	v18 =	vadd.f32 v18, v18;
	v17 =	vadd.f32 v19, v17  }
0x20e: {  	v19 =	vld [tilespmem:s19+$0x0];
	s20 =	sand.u32 $0x50, s20;
	v13 =	vadd.f32 v21, v13;
	v20 =	vsub.f32 v4, v20  }
0x20f: {  	v23 =	vmul.f32 v12, v5;
	v21 =	vld [tilespmem:s19+$0x80];
	s17 =	sor.u32 s20, s17;
	v14 =	vmul.f32 v14, v6;
	v12 =	vadd.f32 v17, v17  }
0x210: {  	v18 =	vsub.f32 v4, v18;
	v17 =	vld [tilespmem:s17+$0x0];
	vm0 =	vlt.f32 v13, v11;
	v16 =	vadd.f32 v20, v16  }
0x211: {  	v15 =	vmul.f32 v15, v5;
	v20 =	vld [tilespmem:s17+$0x80];
	v11 =	vsel vm0, v13, v11;
	v9 =	vsel vm0, s29, v9  }
0x212: {  	v10 =	vadd.f32 v18, v10;
	v12 =	vsub.f32 v4, v12;
	v13 =	vld [tilespmem:s1+$0x80];
	vm0 =	vlt.f32 v16, v11;
	s1 =	sadd.s32 $0x1, s29  }
0x213: {  	v18 =	vmul.f32 v19, v6;
	v19 =	vld [tilespmem:s17+$0x100];
	v11 =	vsel vm0, v16, v11;
	v9 =	vsel vm0, s1, v9  }
0x214: {  	s20 =	sshra.s32 s31, $0x2;
	s1 =	sadd.s32 $0x2, s29;
	v12 =	vadd.f32 v12, v8;
	v16 =	vmul.f32 v21, v7;
	v21 =	vld [tilespmem:s16+$0x80];
	vm0 =	vlt.f32 v10, v11  }
0x215: {  	s0 =	sadd.s32 $0x40, s0;
	s31 =	sadd.s32 $0x100, s31;
	v17 =	vmul.f32 v17, v6;
	v8 =	vld [tilespmem:s20+$0x8230];
	v11 =	vsel vm0, v10, v11;
	v9 =	vsel vm0, s1, v9  }
0x216: {  	s19 =	sadd.s32 $0x20, s0;
	s1 =	sand.u32 $0x7E00, s31;
	v16 =	vadd.f32 v16, v18;
	v18 =	vmul.f32 v20, v7;
	v20 =	vld [tilespmem:s16+$0x100];
	vm0 =	vlt.f32 v12, v11;
	s16 =	sadd.s32 $0x3, s29  }
0x217: {  	s17 =	sadd.s32 $0x200, s1;
	s1 =	sand.u32 $0x60, s19;
	s29 =	smov.u32 s30;
	v10 =	vld [tilespmem:s20+$0x8220];
	v24 =	vmul.f32 v13, v7;
	v11 =	vsel vm0, v12, v11;
	v9 =	vsel vm0, s16, v9  }
.Ltmp7:
0x218: {  	s30 =	smov.u32 s15;
	s1 =	sor.u32 s1, s17;
	v13 =	vld [tilespmem:s20+$0x8200];
	v15 =	vadd.f32 v15, v16;
	v16 =	vadd.f32 v18, v17;
	v17 =	vmul.f32 v19, v5;
	(pc) =	sbr.rel @p0 .LBB2_17-.Ltmp7, $4  }
0x219: {  	v19 =	vmul.f32 v22, v6;
	v12 =	vld [tilespmem:s1+$0x100];
	v18 =	vadd.f32 v24, v14;
	v21 =	vmul.f32 v21, v7  }
0x21a: {  	s21 =	sadd.s32 $0x30, s0;
	s16 =	sand.u32 $0x40, s0;
	v14 =	vld [tilespmem:s1+$0x0];
	v22 =	vadd.f32 v15, v15;
	v24 =	vadd.f32 v17, v16  }
0x21b: {  	s19 =	sor.u32 s16, s17;
	s16 =	sand.u32 $0x70, s21;
	v16 =	vld [tilespmem:s20+$0x8210];
	v18 =	vadd.f32 v23, v18;
	v17 =	vadd.f32 v21, v19;
	v19 =	vmul.f32 v20, v5  }
0x21c: {  	s15 =	sadd.s32 $0x4, s15;
	s16 =	sor.u32 s16, s17;
	v15 =	vld [tilespmem:s19+$0x100];
	v21 =	vsub.f32 v4, v22;
	v20 =	vadd.f32 v24, v24  }
0x21d: {  	s0 =	sadd.s32 $0x10, s0;
	v22 =	vld [tilespmem:s19+$0x0]  }
0x21e: {  	v23 =	vld [tilespmem:s19+$0x80];
	s0 =	sand.u32 $0x50, s0  }
0x21f: {  	v24 =	vld [tilespmem:s16+$0x0];
	v18 =	vadd.f32 v18, v18;
	v17 =	vadd.f32 v19, v17;
	s0 =	sor.u32 s0, s17  }
0x220: {  	v13 =	vadd.f32 v21, v13;
	v20 =	vsub.f32 v4, v20;
	v19 =	vld [tilespmem:s0+$0x0]  }
0x221: {  	v17 =	vadd.f32 v17, v17;
	v21 =	vld [tilespmem:s0+$0x80]  }
0x222: {  	v25 =	vld [tilespmem:s1+$0x80];
	v18 =	vsub.f32 v4, v18;
	vm0 =	vlt.f32 v13, v11;
	v16 =	vadd.f32 v20, v16  }
0x223: {  	v11 =	vsel vm0, v13, v11;
	v13 =	vsub.f32 v4, v17;
	v20 =	vmul.f32 v22, v6;
	v22 =	vld [tilespmem:s0+$0x100]  }
0x224: {  	v12 =	vmul.f32 v12, v5;
	v17 =	vld [tilespmem:s16+$0x80];
	v23 =	vmul.f32 v23, v7  }
0x225: {  	v10 =	vadd.f32 v18, v10;
	v15 =	vmul.f32 v15, v5;
	v8 =	vadd.f32 v13, v8  }
0x226: {  	v18 =	vadd.f32 v23, v20;
	v20 =	vld [tilespmem:s16+$0x100];
	v13 =	vmul.f32 v19, v6;
	v19 =	vmul.f32 v21, v7  }
0x227: {  	v14 =	vmul.f32 v14, v6;
	vm1 =	vlt.f32 v16, v11;
	v21 =	vmul.f32 v25, v7  }
0x228: {  	s20 =	sshra.s32 s31, $0x2;
	v15 =	vadd.f32 v15, v18;
	v13 =	vadd.f32 v19, v13;
	v18 =	vmul.f32 v22, v5  }
0x229: {  	v6 =	vmul.f32 v24, v6;
	v7 =	vmul.f32 v17, v7;
	v19 =	vld [tilespmem:s20+$0x8200];
	v14 =	vadd.f32 v21, v14  }
0x22a: {  	v11 =	vsel vm1, v16, v11;
	v15 =	vadd.f32 v15, v15;
	v13 =	vadd.f32 v18, v13  }
0x22b: {  	v16 =	vld [tilespmem:s20+$0x8210];
	v6 =	vadd.f32 v7, v6;
	v12 =	vadd.f32 v12, v14;
	v5 =	vmul.f32 v20, v5  }
0x22c: {  	vm2 =	vlt.f32 v10, v11;
	v7 =	vsub.f32 v4, v15;
	v13 =	vadd.f32 v13, v13  }
0x22d: {  	v10 =	vsel vm2, v10, v11;
	v11 =	vld [tilespmem:s20+$0x8220];
	v12 =	vadd.f32 v12, v12;
	v5 =	vadd.f32 v5, v6  }
0x22e: {  	vm3 =	vlt.f32 v8, v10;
	v6 =	vadd.f32 v7, v19;
	v7 =	vsub.f32 v4, v13  }
0x22f: {  	v9 =	vsel vm0, s29, v9;
	v8 =	vsel vm3, v8, v10;
	v13 =	vld [tilespmem:s20+$0x8230];
	v5 =	vadd.f32 v5, v5  }
0x230: {  	s21 =	sadd.s32 $0x1, s29;
	v10 =	vsub.f32 v4, v12;
	vm12 =	vlt.f32 v6, v8;
	v7 =	vadd.f32 v7, v16  }
0x231: {  	v9 =	vsel vm1, s21, v9;
	v6 =	vsel vm12, v6, v8  }
0x232: {  	s1 =	sadd.s32 $0x2, s29;
	v8 =	vadd.f32 v10, v11;
	v4 =	vsub.f32 v4, v5;
	vm13 =	vlt.f32 v7, v6  }
0x233: {  	s15 =	sadd.s32 $0x3, s29;
	v5 =	vsel vm2, s1, v9;
	v6 =	vsel vm13, v7, v6  }
0x234: {  	v5 =	vsel vm3, s15, v5;
	v4 =	vadd.f32 v4, v13;
	vm14 =	vlt.f32 v8, v6  }
0x235: {  	s16 =	sadd.s32 $0x1, s30;
	v5 =	vsel vm12, s30, v5;
	v6 =	vsel vm14, v8, v6  }
0x236: {  	s17 =	sadd.s32 $0x2, s30;
	s29 =	simm.s32 $0x0;
	v5 =	vsel vm13, s16, v5;
	vm15 =	vlt.f32 v4, v6  }
0x237: {  	s19 =	sadd.s32 $0x3, s30;
	s20 =	sand.u32 $0x7E00, s29;
	s15 =	simm.s32 $0x20;
	v5 =	vsel vm14, s17, v5;
	v4 =	vsel vm15, v4, v6  }
0x238: {  	s21 =	sadd.s32 $0x200, s20;
	s15 =	sand.u32 $0x60, s15;
	v5 =	vsel vm15, s19, v5;
	[tilespmem:s28+$0xA270] =	vst v4  }
0x239: {  	s1 =	sor.u32 s15, s21;
	[tilespmem:s28+$0xA670] =	vst v5  }
0x23a: {  	s16 =	sand.u32 $0x40, s29;
	s17 =	simm.s32 $0x30;
	v9 =	vld [tilespmem:s1+$0x100]  }
0x23b: {  	s15 =	sor.u32 s16, s21;
	s16 =	sand.u32 $0x70, s17;
	v8 =	vld [tilespmem:s1+$0x0]  }
0x23c: {  	s16 =	sor.u32 s16, s21;
	v10 =	vld [tilespmem:s15+$0x100]  }
0x23d: {  	s19 =	simm.s32 $0x10;
	v11 =	vld [tilespmem:s16+$0x0]  }
0x23e: {  	s17 =	sand.u32 $0x50, s19;
	v12 =	vld [tilespmem:s15+$0x0]  }
0x23f: {  	v13 =	vld [tilespmem:s15+$0x80];
	s0 =	sor.u32 s17, s21  }
0x240: {  	v14 =	vld [tilespmem:s0+$0x0]  }
0x241: {  	v15 =	vld [tilespmem:s0+$0x80]  }
0x242: {  	v7 =	vbroadcast v1, $0x8;
	v6 =	vbroadcast v0, $0x8;
	v16 =	vld [tilespmem:s1+$0x80]  }
0x243: {  	v5 =	vbroadcast v2, $0x8;
	v4 =	vbroadcast v3, $0x8;
	v17 =	vld [tilespmem:s0+$0x100]  }
0x244: {  	v18 =	vld [tilespmem:s16+$0x80];
	v12 =	vmul.f32 v12, v6;
	v13 =	vmul.f32 v13, v7  }
0x245: {  	s31 =	simm.s32 $0x100;
	s15 =	simm.s32 $0x0;
	v21 =	vld [tilespmem:s16+$0x100];
	v19 =	vmul.f32 v8, v6;
	v20 =	vmul.f32 v10, v5  }
0x246: {  	s20 =	sand.u32 $0x7E00, s31;
	s21 =	simm.s32 $0x60;
	v8 =	vld [tilespmem:s15+$0x8230];
	v14 =	vmul.f32 v14, v6;
	v15 =	vmul.f32 v15, v7;
	v12 =	vadd.f32 v13, v12  }
0x247: {  	s17 =	sadd.s32 $0x200, s20;
	s16 =	sand.u32 $0x60, s21;
	v22 =	vmul.f32 v9, v5;
	v10 =	vld [tilespmem:s15+$0x8220];
	v9 =	vmul.f32 v16, v7  }
0x248: {  	s1 =	sor.u32 s16, s17;
	v17 =	vmul.f32 v17, v5;
	v13 =	vld [tilespmem:s15+$0x8200];
	v15 =	vadd.f32 v15, v14;
	v16 =	vadd.f32 v20, v12  }
0x249: {  	s0 =	simm.s32 $0x40;
	v23 =	vmul.f32 v18, v7;
	v19 =	vadd.f32 v9, v19;
	v14 =	vld [tilespmem:s1+$0x0];
	v20 =	vmul.f32 v11, v6  }
0x24a: {  	s20 =	simm.s32 $0x70;
	s19 =	sand.u32 $0x40, s0;
	v9 =	vimm.s32 $0x0;
	v12 =	vld [tilespmem:s1+$0x100];
	v63 =	vadd.f32 v17, v15;
	v62 =	vadd.f32 v16, v16  }
0x24b: {  	s21 =	sand.u32 $0x70, s20;
	s19 =	sor.u32 s19, s17;
	v18 =	vadd.f32 v22, v19;
	v19 =	vmul.f32 v21, v5;
	v16 =	vld [tilespmem:s15+$0x8210];
	v17 =	vadd.f32 v23, v20  }
0x24c: {  	s30 =	simm.s32 $0x4;
	s16 =	sor.u32 s21, s17;
	v11 =	vimm.f32 $+Inf;
	v15 =	vld [tilespmem:s19+$0x100];
	s15 =	simm.s32 $0x8;
	v20 =	vadd.f32 v63, v63;
	v21 =	vsub.f32 v4, v62  }
.LBB2_19:
0x24d: {  	p0 =	slt.u32 s15, $0x1FC;
	s20 =	sadd.s32 $0x10, s0;
	v22 =	vld [tilespmem:s16+$0x0];
	v18 =	vadd.f32 v18, v18;
	v17 =	vadd.f32 v19, v17  }
0x24e: {  	v19 =	vld [tilespmem:s19+$0x0];
	s20 =	sand.u32 $0x50, s20;
	v13 =	vadd.f32 v21, v13;
	v20 =	vsub.f32 v4, v20  }
0x24f: {  	v23 =	vmul.f32 v12, v5;
	v21 =	vld [tilespmem:s19+$0x80];
	s17 =	sor.u32 s20, s17;
	v14 =	vmul.f32 v14, v6;
	v12 =	vadd.f32 v17, v17  }
0x250: {  	v18 =	vsub.f32 v4, v18;
	v17 =	vld [tilespmem:s17+$0x0];
	vm0 =	vlt.f32 v13, v11;
	v16 =	vadd.f32 v20, v16  }
0x251: {  	v15 =	vmul.f32 v15, v5;
	v20 =	vld [tilespmem:s17+$0x80];
	v11 =	vsel vm0, v13, v11;
	v9 =	vsel vm0, s29, v9  }
0x252: {  	v10 =	vadd.f32 v18, v10;
	v12 =	vsub.f32 v4, v12;
	v13 =	vld [tilespmem:s1+$0x80];
	vm0 =	vlt.f32 v16, v11;
	s1 =	sadd.s32 $0x1, s29  }
0x253: {  	v18 =	vmul.f32 v19, v6;
	v19 =	vld [tilespmem:s17+$0x100];
	v11 =	vsel vm0, v16, v11;
	v9 =	vsel vm0, s1, v9  }
0x254: {  	s20 =	sshra.s32 s31, $0x2;
	s1 =	sadd.s32 $0x2, s29;
	v12 =	vadd.f32 v12, v8;
	v16 =	vmul.f32 v21, v7;
	v21 =	vld [tilespmem:s16+$0x80];
	vm0 =	vlt.f32 v10, v11  }
0x255: {  	s0 =	sadd.s32 $0x40, s0;
	s31 =	sadd.s32 $0x100, s31;
	v17 =	vmul.f32 v17, v6;
	v8 =	vld [tilespmem:s20+$0x8230];
	v11 =	vsel vm0, v10, v11;
	v9 =	vsel vm0, s1, v9  }
0x256: {  	s19 =	sadd.s32 $0x20, s0;
	s1 =	sand.u32 $0x7E00, s31;
	v16 =	vadd.f32 v16, v18;
	v18 =	vmul.f32 v20, v7;
	v20 =	vld [tilespmem:s16+$0x100];
	vm0 =	vlt.f32 v12, v11;
	s16 =	sadd.s32 $0x3, s29  }
0x257: {  	s17 =	sadd.s32 $0x200, s1;
	s1 =	sand.u32 $0x60, s19;
	s29 =	smov.u32 s30;
	v10 =	vld [tilespmem:s20+$0x8220];
	v24 =	vmul.f32 v13, v7;
	v11 =	vsel vm0, v12, v11;
	v9 =	vsel vm0, s16, v9  }
.Ltmp8:
0x258: {  	s30 =	smov.u32 s15;
	s1 =	sor.u32 s1, s17;
	v13 =	vld [tilespmem:s20+$0x8200];
	v15 =	vadd.f32 v15, v16;
	v16 =	vadd.f32 v18, v17;
	v17 =	vmul.f32 v19, v5;
	(pc) =	sbr.rel @p0 .LBB2_19-.Ltmp8, $4  }
0x259: {  	v19 =	vmul.f32 v22, v6;
	v12 =	vld [tilespmem:s1+$0x100];
	v18 =	vadd.f32 v24, v14;
	v21 =	vmul.f32 v21, v7  }
0x25a: {  	s21 =	sadd.s32 $0x30, s0;
	s16 =	sand.u32 $0x40, s0;
	v14 =	vld [tilespmem:s1+$0x0];
	v22 =	vadd.f32 v15, v15;
	v24 =	vadd.f32 v17, v16  }
0x25b: {  	s19 =	sor.u32 s16, s17;
	s16 =	sand.u32 $0x70, s21;
	v16 =	vld [tilespmem:s20+$0x8210];
	v18 =	vadd.f32 v23, v18;
	v17 =	vadd.f32 v21, v19;
	v19 =	vmul.f32 v20, v5  }
0x25c: {  	s15 =	sadd.s32 $0x4, s15;
	s16 =	sor.u32 s16, s17;
	v15 =	vld [tilespmem:s19+$0x100];
	v21 =	vsub.f32 v4, v22;
	v20 =	vadd.f32 v24, v24  }
0x25d: {  	s0 =	sadd.s32 $0x10, s0;
	v22 =	vld [tilespmem:s19+$0x0]  }
0x25e: {  	v23 =	vld [tilespmem:s19+$0x80];
	s0 =	sand.u32 $0x50, s0  }
0x25f: {  	v24 =	vld [tilespmem:s16+$0x0];
	v18 =	vadd.f32 v18, v18;
	v17 =	vadd.f32 v19, v17;
	s0 =	sor.u32 s0, s17  }
0x260: {  	v13 =	vadd.f32 v21, v13;
	v20 =	vsub.f32 v4, v20;
	v19 =	vld [tilespmem:s0+$0x0]  }
0x261: {  	v17 =	vadd.f32 v17, v17;
	v21 =	vld [tilespmem:s0+$0x80]  }
0x262: {  	v25 =	vld [tilespmem:s1+$0x80];
	v18 =	vsub.f32 v4, v18;
	vm0 =	vlt.f32 v13, v11;
	v16 =	vadd.f32 v20, v16  }
0x263: {  	v11 =	vsel vm0, v13, v11;
	v13 =	vsub.f32 v4, v17;
	v20 =	vmul.f32 v22, v6;
	v22 =	vld [tilespmem:s0+$0x100]  }
0x264: {  	v12 =	vmul.f32 v12, v5;
	v17 =	vld [tilespmem:s16+$0x80];
	v23 =	vmul.f32 v23, v7  }
0x265: {  	v10 =	vadd.f32 v18, v10;
	v15 =	vmul.f32 v15, v5;
	v8 =	vadd.f32 v13, v8  }
0x266: {  	v18 =	vadd.f32 v23, v20;
	v20 =	vld [tilespmem:s16+$0x100];
	v13 =	vmul.f32 v19, v6;
	v19 =	vmul.f32 v21, v7  }
0x267: {  	v14 =	vmul.f32 v14, v6;
	vm1 =	vlt.f32 v16, v11;
	v21 =	vmul.f32 v25, v7  }
0x268: {  	s20 =	sshra.s32 s31, $0x2;
	v15 =	vadd.f32 v15, v18;
	v13 =	vadd.f32 v19, v13;
	v18 =	vmul.f32 v22, v5  }
0x269: {  	v6 =	vmul.f32 v24, v6;
	v7 =	vmul.f32 v17, v7;
	v19 =	vld [tilespmem:s20+$0x8200];
	v14 =	vadd.f32 v21, v14  }
0x26a: {  	v11 =	vsel vm1, v16, v11;
	v15 =	vadd.f32 v15, v15;
	v13 =	vadd.f32 v18, v13  }
0x26b: {  	v16 =	vld [tilespmem:s20+$0x8210];
	v6 =	vadd.f32 v7, v6;
	v12 =	vadd.f32 v12, v14;
	v5 =	vmul.f32 v20, v5  }
0x26c: {  	vm2 =	vlt.f32 v10, v11;
	v7 =	vsub.f32 v4, v15;
	v13 =	vadd.f32 v13, v13  }
0x26d: {  	v10 =	vsel vm2, v10, v11;
	v11 =	vld [tilespmem:s20+$0x8220];
	v12 =	vadd.f32 v12, v12;
	v5 =	vadd.f32 v5, v6  }
0x26e: {  	vm3 =	vlt.f32 v8, v10;
	v6 =	vadd.f32 v7, v19;
	v7 =	vsub.f32 v4, v13  }
0x26f: {  	v9 =	vsel vm0, s29, v9;
	v8 =	vsel vm3, v8, v10;
	v13 =	vld [tilespmem:s20+$0x8230];
	v5 =	vadd.f32 v5, v5  }
0x270: {  	s21 =	sadd.s32 $0x1, s29;
	v10 =	vsub.f32 v4, v12;
	vm12 =	vlt.f32 v6, v8;
	v7 =	vadd.f32 v7, v16  }
0x271: {  	v9 =	vsel vm1, s21, v9;
	v6 =	vsel vm12, v6, v8  }
0x272: {  	s1 =	sadd.s32 $0x2, s29;
	v8 =	vadd.f32 v10, v11;
	v4 =	vsub.f32 v4, v5;
	vm13 =	vlt.f32 v7, v6  }
0x273: {  	s15 =	sadd.s32 $0x3, s29;
	v5 =	vsel vm2, s1, v9;
	v6 =	vsel vm13, v7, v6  }
0x274: {  	v5 =	vsel vm3, s15, v5;
	v4 =	vadd.f32 v4, v13;
	vm14 =	vlt.f32 v8, v6  }
0x275: {  	s16 =	sadd.s32 $0x1, s30;
	v5 =	vsel vm12, s30, v5;
	v6 =	vsel vm14, v8, v6  }
0x276: {  	s17 =	sadd.s32 $0x2, s30;
	s29 =	simm.s32 $0x0;
	v5 =	vsel vm13, s16, v5;
	vm15 =	vlt.f32 v4, v6  }
0x277: {  	s19 =	sadd.s32 $0x3, s30;
	s20 =	sand.u32 $0x7E00, s29;
	s15 =	simm.s32 $0x20;
	v5 =	vsel vm14, s17, v5;
	v4 =	vsel vm15, v4, v6  }
0x278: {  	s21 =	sadd.s32 $0x200, s20;
	s15 =	sand.u32 $0x60, s15;
	v5 =	vsel vm15, s19, v5;
	[tilespmem:s28+$0xA280] =	vst v4  }
0x279: {  	s1 =	sor.u32 s15, s21;
	[tilespmem:s28+$0xA680] =	vst v5  }
0x27a: {  	s16 =	sand.u32 $0x40, s29;
	s17 =	simm.s32 $0x30;
	v9 =	vld [tilespmem:s1+$0x100]  }
0x27b: {  	s15 =	sor.u32 s16, s21;
	s16 =	sand.u32 $0x70, s17;
	v8 =	vld [tilespmem:s1+$0x0]  }
0x27c: {  	s16 =	sor.u32 s16, s21;
	v10 =	vld [tilespmem:s15+$0x100]  }
0x27d: {  	s19 =	simm.s32 $0x10;
	v11 =	vld [tilespmem:s16+$0x0]  }
0x27e: {  	s17 =	sand.u32 $0x50, s19;
	v12 =	vld [tilespmem:s15+$0x0]  }
0x27f: {  	v13 =	vld [tilespmem:s15+$0x80];
	s0 =	sor.u32 s17, s21  }
0x280: {  	v14 =	vld [tilespmem:s0+$0x0]  }
0x281: {  	v15 =	vld [tilespmem:s0+$0x80]  }
0x282: {  	v7 =	vbroadcast v1, $0x9;
	v6 =	vbroadcast v0, $0x9;
	v16 =	vld [tilespmem:s1+$0x80]  }
0x283: {  	v5 =	vbroadcast v2, $0x9;
	v4 =	vbroadcast v3, $0x9;
	v17 =	vld [tilespmem:s0+$0x100]  }
0x284: {  	v18 =	vld [tilespmem:s16+$0x80];
	v12 =	vmul.f32 v12, v6;
	v13 =	vmul.f32 v13, v7  }
0x285: {  	s31 =	simm.s32 $0x100;
	s15 =	simm.s32 $0x0;
	v21 =	vld [tilespmem:s16+$0x100];
	v19 =	vmul.f32 v8, v6;
	v20 =	vmul.f32 v10, v5  }
0x286: {  	s20 =	sand.u32 $0x7E00, s31;
	s21 =	simm.s32 $0x60;
	v8 =	vld [tilespmem:s15+$0x8230];
	v14 =	vmul.f32 v14, v6;
	v15 =	vmul.f32 v15, v7;
	v12 =	vadd.f32 v13, v12  }
0x287: {  	s17 =	sadd.s32 $0x200, s20;
	s16 =	sand.u32 $0x60, s21;
	v22 =	vmul.f32 v9, v5;
	v10 =	vld [tilespmem:s15+$0x8220];
	v9 =	vmul.f32 v16, v7  }
0x288: {  	s1 =	sor.u32 s16, s17;
	v17 =	vmul.f32 v17, v5;
	v13 =	vld [tilespmem:s15+$0x8200];
	v15 =	vadd.f32 v15, v14;
	v16 =	vadd.f32 v20, v12  }
0x289: {  	s0 =	simm.s32 $0x40;
	v23 =	vmul.f32 v18, v7;
	v19 =	vadd.f32 v9, v19;
	v14 =	vld [tilespmem:s1+$0x0];
	v20 =	vmul.f32 v11, v6  }
0x28a: {  	s20 =	simm.s32 $0x70;
	s19 =	sand.u32 $0x40, s0;
	v9 =	vimm.s32 $0x0;
	v12 =	vld [tilespmem:s1+$0x100];
	v63 =	vadd.f32 v17, v15;
	v62 =	vadd.f32 v16, v16  }
0x28b: {  	s21 =	sand.u32 $0x70, s20;
	s19 =	sor.u32 s19, s17;
	v18 =	vadd.f32 v22, v19;
	v19 =	vmul.f32 v21, v5;
	v16 =	vld [tilespmem:s15+$0x8210];
	v17 =	vadd.f32 v23, v20  }
0x28c: {  	s30 =	simm.s32 $0x4;
	s16 =	sor.u32 s21, s17;
	v11 =	vimm.f32 $+Inf;
	v15 =	vld [tilespmem:s19+$0x100];
	s15 =	simm.s32 $0x8;
	v20 =	vadd.f32 v63, v63;
	v21 =	vsub.f32 v4, v62  }
.LBB2_21:
0x28d: {  	p0 =	slt.u32 s15, $0x1FC;
	s20 =	sadd.s32 $0x10, s0;
	v22 =	vld [tilespmem:s16+$0x0];
	v18 =	vadd.f32 v18, v18;
	v17 =	vadd.f32 v19, v17  }
0x28e: {  	v19 =	vld [tilespmem:s19+$0x0];
	s20 =	sand.u32 $0x50, s20;
	v13 =	vadd.f32 v21, v13;
	v20 =	vsub.f32 v4, v20  }
0x28f: {  	v23 =	vmul.f32 v12, v5;
	v21 =	vld [tilespmem:s19+$0x80];
	s17 =	sor.u32 s20, s17;
	v14 =	vmul.f32 v14, v6;
	v12 =	vadd.f32 v17, v17  }
0x290: {  	v18 =	vsub.f32 v4, v18;
	v17 =	vld [tilespmem:s17+$0x0];
	vm0 =	vlt.f32 v13, v11;
	v16 =	vadd.f32 v20, v16  }
0x291: {  	v15 =	vmul.f32 v15, v5;
	v20 =	vld [tilespmem:s17+$0x80];
	v11 =	vsel vm0, v13, v11;
	v9 =	vsel vm0, s29, v9  }
0x292: {  	v10 =	vadd.f32 v18, v10;
	v12 =	vsub.f32 v4, v12;
	v13 =	vld [tilespmem:s1+$0x80];
	vm0 =	vlt.f32 v16, v11;
	s1 =	sadd.s32 $0x1, s29  }
0x293: {  	v18 =	vmul.f32 v19, v6;
	v19 =	vld [tilespmem:s17+$0x100];
	v11 =	vsel vm0, v16, v11;
	v9 =	vsel vm0, s1, v9  }
0x294: {  	s20 =	sshra.s32 s31, $0x2;
	s1 =	sadd.s32 $0x2, s29;
	v12 =	vadd.f32 v12, v8;
	v16 =	vmul.f32 v21, v7;
	v21 =	vld [tilespmem:s16+$0x80];
	vm0 =	vlt.f32 v10, v11  }
0x295: {  	s0 =	sadd.s32 $0x40, s0;
	s31 =	sadd.s32 $0x100, s31;
	v17 =	vmul.f32 v17, v6;
	v8 =	vld [tilespmem:s20+$0x8230];
	v11 =	vsel vm0, v10, v11;
	v9 =	vsel vm0, s1, v9  }
0x296: {  	s19 =	sadd.s32 $0x20, s0;
	s1 =	sand.u32 $0x7E00, s31;
	v16 =	vadd.f32 v16, v18;
	v18 =	vmul.f32 v20, v7;
	v20 =	vld [tilespmem:s16+$0x100];
	vm0 =	vlt.f32 v12, v11;
	s16 =	sadd.s32 $0x3, s29  }
0x297: {  	s17 =	sadd.s32 $0x200, s1;
	s1 =	sand.u32 $0x60, s19;
	s29 =	smov.u32 s30;
	v10 =	vld [tilespmem:s20+$0x8220];
	v24 =	vmul.f32 v13, v7;
	v11 =	vsel vm0, v12, v11;
	v9 =	vsel vm0, s16, v9  }
.Ltmp9:
0x298: {  	s30 =	smov.u32 s15;
	s1 =	sor.u32 s1, s17;
	v13 =	vld [tilespmem:s20+$0x8200];
	v15 =	vadd.f32 v15, v16;
	v16 =	vadd.f32 v18, v17;
	v17 =	vmul.f32 v19, v5;
	(pc) =	sbr.rel @p0 .LBB2_21-.Ltmp9, $4  }
0x299: {  	v19 =	vmul.f32 v22, v6;
	v12 =	vld [tilespmem:s1+$0x100];
	v18 =	vadd.f32 v24, v14;
	v21 =	vmul.f32 v21, v7  }
0x29a: {  	s21 =	sadd.s32 $0x30, s0;
	s16 =	sand.u32 $0x40, s0;
	v14 =	vld [tilespmem:s1+$0x0];
	v22 =	vadd.f32 v15, v15;
	v24 =	vadd.f32 v17, v16  }
0x29b: {  	s19 =	sor.u32 s16, s17;
	s16 =	sand.u32 $0x70, s21;
	v16 =	vld [tilespmem:s20+$0x8210];
	v18 =	vadd.f32 v23, v18;
	v17 =	vadd.f32 v21, v19;
	v19 =	vmul.f32 v20, v5  }
0x29c: {  	s15 =	sadd.s32 $0x4, s15;
	s16 =	sor.u32 s16, s17;
	v15 =	vld [tilespmem:s19+$0x100];
	v21 =	vsub.f32 v4, v22;
	v20 =	vadd.f32 v24, v24  }
0x29d: {  	s0 =	sadd.s32 $0x10, s0;
	v22 =	vld [tilespmem:s19+$0x0]  }
0x29e: {  	v23 =	vld [tilespmem:s19+$0x80];
	s0 =	sand.u32 $0x50, s0  }
0x29f: {  	v24 =	vld [tilespmem:s16+$0x0];
	v18 =	vadd.f32 v18, v18;
	v17 =	vadd.f32 v19, v17;
	s0 =	sor.u32 s0, s17  }
0x2a0: {  	v13 =	vadd.f32 v21, v13;
	v20 =	vsub.f32 v4, v20;
	v19 =	vld [tilespmem:s0+$0x0]  }
0x2a1: {  	v17 =	vadd.f32 v17, v17;
	v21 =	vld [tilespmem:s0+$0x80]  }
0x2a2: {  	v25 =	vld [tilespmem:s1+$0x80];
	v18 =	vsub.f32 v4, v18;
	vm0 =	vlt.f32 v13, v11;
	v16 =	vadd.f32 v20, v16  }
0x2a3: {  	v11 =	vsel vm0, v13, v11;
	v13 =	vsub.f32 v4, v17;
	v20 =	vmul.f32 v22, v6;
	v22 =	vld [tilespmem:s0+$0x100]  }
0x2a4: {  	v12 =	vmul.f32 v12, v5;
	v17 =	vld [tilespmem:s16+$0x80];
	v23 =	vmul.f32 v23, v7  }
0x2a5: {  	v10 =	vadd.f32 v18, v10;
	v15 =	vmul.f32 v15, v5;
	v8 =	vadd.f32 v13, v8  }
0x2a6: {  	v18 =	vadd.f32 v23, v20;
	v20 =	vld [tilespmem:s16+$0x100];
	v13 =	vmul.f32 v19, v6;
	v19 =	vmul.f32 v21, v7  }
0x2a7: {  	v14 =	vmul.f32 v14, v6;
	vm1 =	vlt.f32 v16, v11;
	v21 =	vmul.f32 v25, v7  }
0x2a8: {  	s20 =	sshra.s32 s31, $0x2;
	v15 =	vadd.f32 v15, v18;
	v13 =	vadd.f32 v19, v13;
	v18 =	vmul.f32 v22, v5  }
0x2a9: {  	v6 =	vmul.f32 v24, v6;
	v7 =	vmul.f32 v17, v7;
	v19 =	vld [tilespmem:s20+$0x8200];
	v14 =	vadd.f32 v21, v14  }
0x2aa: {  	v11 =	vsel vm1, v16, v11;
	v15 =	vadd.f32 v15, v15;
	v13 =	vadd.f32 v18, v13  }
0x2ab: {  	v16 =	vld [tilespmem:s20+$0x8210];
	v6 =	vadd.f32 v7, v6;
	v12 =	vadd.f32 v12, v14;
	v5 =	vmul.f32 v20, v5  }
0x2ac: {  	vm2 =	vlt.f32 v10, v11;
	v7 =	vsub.f32 v4, v15;
	v13 =	vadd.f32 v13, v13  }
0x2ad: {  	v10 =	vsel vm2, v10, v11;
	v11 =	vld [tilespmem:s20+$0x8220];
	v12 =	vadd.f32 v12, v12;
	v5 =	vadd.f32 v5, v6  }
0x2ae: {  	vm3 =	vlt.f32 v8, v10;
	v6 =	vadd.f32 v7, v19;
	v7 =	vsub.f32 v4, v13  }
0x2af: {  	v9 =	vsel vm0, s29, v9;
	v8 =	vsel vm3, v8, v10;
	v13 =	vld [tilespmem:s20+$0x8230];
	v5 =	vadd.f32 v5, v5  }
0x2b0: {  	s21 =	sadd.s32 $0x1, s29;
	v10 =	vsub.f32 v4, v12;
	vm12 =	vlt.f32 v6, v8;
	v7 =	vadd.f32 v7, v16  }
0x2b1: {  	v9 =	vsel vm1, s21, v9;
	v6 =	vsel vm12, v6, v8  }
0x2b2: {  	s1 =	sadd.s32 $0x2, s29;
	v8 =	vadd.f32 v10, v11;
	v4 =	vsub.f32 v4, v5;
	vm13 =	vlt.f32 v7, v6  }
0x2b3: {  	s15 =	sadd.s32 $0x3, s29;
	v5 =	vsel vm2, s1, v9;
	v6 =	vsel vm13, v7, v6  }
0x2b4: {  	v5 =	vsel vm3, s15, v5;
	v4 =	vadd.f32 v4, v13;
	vm14 =	vlt.f32 v8, v6  }
0x2b5: {  	s16 =	sadd.s32 $0x1, s30;
	v5 =	vsel vm12, s30, v5;
	v6 =	vsel vm14, v8, v6  }
0x2b6: {  	s17 =	sadd.s32 $0x2, s30;
	s29 =	simm.s32 $0x0;
	v5 =	vsel vm13, s16, v5;
	vm15 =	vlt.f32 v4, v6  }
0x2b7: {  	s19 =	sadd.s32 $0x3, s30;
	s20 =	sand.u32 $0x7E00, s29;
	s15 =	simm.s32 $0x20;
	v5 =	vsel vm14, s17, v5;
	v4 =	vsel vm15, v4, v6  }
0x2b8: {  	s21 =	sadd.s32 $0x200, s20;
	s15 =	sand.u32 $0x60, s15;
	v5 =	vsel vm15, s19, v5;
	[tilespmem:s28+$0xA290] =	vst v4  }
0x2b9: {  	s1 =	sor.u32 s15, s21;
	[tilespmem:s28+$0xA690] =	vst v5  }
0x2ba: {  	s16 =	sand.u32 $0x40, s29;
	s17 =	simm.s32 $0x30;
	v9 =	vld [tilespmem:s1+$0x100]  }
0x2bb: {  	s15 =	sor.u32 s16, s21;
	s16 =	sand.u32 $0x70, s17;
	v8 =	vld [tilespmem:s1+$0x0]  }
0x2bc: {  	s16 =	sor.u32 s16, s21;
	v10 =	vld [tilespmem:s15+$0x100]  }
0x2bd: {  	s19 =	simm.s32 $0x10;
	v11 =	vld [tilespmem:s16+$0x0]  }
0x2be: {  	s17 =	sand.u32 $0x50, s19;
	v12 =	vld [tilespmem:s15+$0x0]  }
0x2bf: {  	v13 =	vld [tilespmem:s15+$0x80];
	s0 =	sor.u32 s17, s21  }
0x2c0: {  	v14 =	vld [tilespmem:s0+$0x0]  }
0x2c1: {  	v15 =	vld [tilespmem:s0+$0x80]  }
0x2c2: {  	v7 =	vbroadcast v1, $0xA;
	v6 =	vbroadcast v0, $0xA;
	v16 =	vld [tilespmem:s1+$0x80]  }
0x2c3: {  	v5 =	vbroadcast v2, $0xA;
	v4 =	vbroadcast v3, $0xA;
	v17 =	vld [tilespmem:s0+$0x100]  }
0x2c4: {  	v18 =	vld [tilespmem:s16+$0x80];
	v12 =	vmul.f32 v12, v6;
	v13 =	vmul.f32 v13, v7  }
0x2c5: {  	s31 =	simm.s32 $0x100;
	s15 =	simm.s32 $0x0;
	v21 =	vld [tilespmem:s16+$0x100];
	v19 =	vmul.f32 v8, v6;
	v20 =	vmul.f32 v10, v5  }
0x2c6: {  	s20 =	sand.u32 $0x7E00, s31;
	s21 =	simm.s32 $0x60;
	v8 =	vld [tilespmem:s15+$0x8230];
	v14 =	vmul.f32 v14, v6;
	v15 =	vmul.f32 v15, v7;
	v12 =	vadd.f32 v13, v12  }
0x2c7: {  	s17 =	sadd.s32 $0x200, s20;
	s16 =	sand.u32 $0x60, s21;
	v22 =	vmul.f32 v9, v5;
	v10 =	vld [tilespmem:s15+$0x8220];
	v9 =	vmul.f32 v16, v7  }
0x2c8: {  	s1 =	sor.u32 s16, s17;
	v17 =	vmul.f32 v17, v5;
	v13 =	vld [tilespmem:s15+$0x8200];
	v15 =	vadd.f32 v15, v14;
	v16 =	vadd.f32 v20, v12  }
0x2c9: {  	s0 =	simm.s32 $0x40;
	v23 =	vmul.f32 v18, v7;
	v19 =	vadd.f32 v9, v19;
	v14 =	vld [tilespmem:s1+$0x0];
	v20 =	vmul.f32 v11, v6  }
0x2ca: {  	s20 =	simm.s32 $0x70;
	s19 =	sand.u32 $0x40, s0;
	v9 =	vimm.s32 $0x0;
	v12 =	vld [tilespmem:s1+$0x100];
	v63 =	vadd.f32 v17, v15;
	v62 =	vadd.f32 v16, v16  }
0x2cb: {  	s21 =	sand.u32 $0x70, s20;
	s19 =	sor.u32 s19, s17;
	v18 =	vadd.f32 v22, v19;
	v19 =	vmul.f32 v21, v5;
	v16 =	vld [tilespmem:s15+$0x8210];
	v17 =	vadd.f32 v23, v20  }
0x2cc: {  	s30 =	simm.s32 $0x4;
	s16 =	sor.u32 s21, s17;
	v11 =	vimm.f32 $+Inf;
	v15 =	vld [tilespmem:s19+$0x100];
	s15 =	simm.s32 $0x8;
	v20 =	vadd.f32 v63, v63;
	v21 =	vsub.f32 v4, v62  }
.LBB2_23:
0x2cd: {  	p0 =	slt.u32 s15, $0x1FC;
	s20 =	sadd.s32 $0x10, s0;
	v22 =	vld [tilespmem:s16+$0x0];
	v18 =	vadd.f32 v18, v18;
	v17 =	vadd.f32 v19, v17  }
0x2ce: {  	v19 =	vld [tilespmem:s19+$0x0];
	s20 =	sand.u32 $0x50, s20;
	v13 =	vadd.f32 v21, v13;
	v20 =	vsub.f32 v4, v20  }
0x2cf: {  	v23 =	vmul.f32 v12, v5;
	v21 =	vld [tilespmem:s19+$0x80];
	s17 =	sor.u32 s20, s17;
	v14 =	vmul.f32 v14, v6;
	v12 =	vadd.f32 v17, v17  }
0x2d0: {  	v18 =	vsub.f32 v4, v18;
	v17 =	vld [tilespmem:s17+$0x0];
	vm0 =	vlt.f32 v13, v11;
	v16 =	vadd.f32 v20, v16  }
0x2d1: {  	v15 =	vmul.f32 v15, v5;
	v20 =	vld [tilespmem:s17+$0x80];
	v11 =	vsel vm0, v13, v11;
	v9 =	vsel vm0, s29, v9  }
0x2d2: {  	v10 =	vadd.f32 v18, v10;
	v12 =	vsub.f32 v4, v12;
	v13 =	vld [tilespmem:s1+$0x80];
	vm0 =	vlt.f32 v16, v11;
	s1 =	sadd.s32 $0x1, s29  }
0x2d3: {  	v18 =	vmul.f32 v19, v6;
	v19 =	vld [tilespmem:s17+$0x100];
	v11 =	vsel vm0, v16, v11;
	v9 =	vsel vm0, s1, v9  }
0x2d4: {  	s20 =	sshra.s32 s31, $0x2;
	s1 =	sadd.s32 $0x2, s29;
	v12 =	vadd.f32 v12, v8;
	v16 =	vmul.f32 v21, v7;
	v21 =	vld [tilespmem:s16+$0x80];
	vm0 =	vlt.f32 v10, v11  }
0x2d5: {  	s0 =	sadd.s32 $0x40, s0;
	s31 =	sadd.s32 $0x100, s31;
	v17 =	vmul.f32 v17, v6;
	v8 =	vld [tilespmem:s20+$0x8230];
	v11 =	vsel vm0, v10, v11;
	v9 =	vsel vm0, s1, v9  }
0x2d6: {  	s19 =	sadd.s32 $0x20, s0;
	s1 =	sand.u32 $0x7E00, s31;
	v16 =	vadd.f32 v16, v18;
	v18 =	vmul.f32 v20, v7;
	v20 =	vld [tilespmem:s16+$0x100];
	vm0 =	vlt.f32 v12, v11;
	s16 =	sadd.s32 $0x3, s29  }
0x2d7: {  	s17 =	sadd.s32 $0x200, s1;
	s1 =	sand.u32 $0x60, s19;
	s29 =	smov.u32 s30;
	v10 =	vld [tilespmem:s20+$0x8220];
	v24 =	vmul.f32 v13, v7;
	v11 =	vsel vm0, v12, v11;
	v9 =	vsel vm0, s16, v9  }
.Ltmp10:
0x2d8: {  	s30 =	smov.u32 s15;
	s1 =	sor.u32 s1, s17;
	v13 =	vld [tilespmem:s20+$0x8200];
	v15 =	vadd.f32 v15, v16;
	v16 =	vadd.f32 v18, v17;
	v17 =	vmul.f32 v19, v5;
	(pc) =	sbr.rel @p0 .LBB2_23-.Ltmp10, $4  }
0x2d9: {  	v19 =	vmul.f32 v22, v6;
	v12 =	vld [tilespmem:s1+$0x100];
	v18 =	vadd.f32 v24, v14;
	v21 =	vmul.f32 v21, v7  }
0x2da: {  	s21 =	sadd.s32 $0x30, s0;
	s16 =	sand.u32 $0x40, s0;
	v14 =	vld [tilespmem:s1+$0x0];
	v22 =	vadd.f32 v15, v15;
	v24 =	vadd.f32 v17, v16  }
0x2db: {  	s19 =	sor.u32 s16, s17;
	s16 =	sand.u32 $0x70, s21;
	v16 =	vld [tilespmem:s20+$0x8210];
	v18 =	vadd.f32 v23, v18;
	v17 =	vadd.f32 v21, v19;
	v19 =	vmul.f32 v20, v5  }
0x2dc: {  	s15 =	sadd.s32 $0x4, s15;
	s16 =	sor.u32 s16, s17;
	v15 =	vld [tilespmem:s19+$0x100];
	v21 =	vsub.f32 v4, v22;
	v20 =	vadd.f32 v24, v24  }
0x2dd: {  	s0 =	sadd.s32 $0x10, s0;
	v22 =	vld [tilespmem:s19+$0x0]  }
0x2de: {  	v23 =	vld [tilespmem:s19+$0x80];
	s0 =	sand.u32 $0x50, s0  }
0x2df: {  	v24 =	vld [tilespmem:s16+$0x0];
	v18 =	vadd.f32 v18, v18;
	v17 =	vadd.f32 v19, v17;
	s0 =	sor.u32 s0, s17  }
0x2e0: {  	v13 =	vadd.f32 v21, v13;
	v20 =	vsub.f32 v4, v20;
	v19 =	vld [tilespmem:s0+$0x0]  }
0x2e1: {  	v17 =	vadd.f32 v17, v17;
	v21 =	vld [tilespmem:s0+$0x80]  }
0x2e2: {  	v25 =	vld [tilespmem:s1+$0x80];
	v18 =	vsub.f32 v4, v18;
	vm0 =	vlt.f32 v13, v11;
	v16 =	vadd.f32 v20, v16  }
0x2e3: {  	v11 =	vsel vm0, v13, v11;
	v13 =	vsub.f32 v4, v17;
	v20 =	vmul.f32 v22, v6;
	v22 =	vld [tilespmem:s0+$0x100]  }
0x2e4: {  	v12 =	vmul.f32 v12, v5;
	v17 =	vld [tilespmem:s16+$0x80];
	v23 =	vmul.f32 v23, v7  }
0x2e5: {  	v10 =	vadd.f32 v18, v10;
	v15 =	vmul.f32 v15, v5;
	v8 =	vadd.f32 v13, v8  }
0x2e6: {  	v18 =	vadd.f32 v23, v20;
	v20 =	vld [tilespmem:s16+$0x100];
	v13 =	vmul.f32 v19, v6;
	v19 =	vmul.f32 v21, v7  }
0x2e7: {  	v14 =	vmul.f32 v14, v6;
	vm1 =	vlt.f32 v16, v11;
	v21 =	vmul.f32 v25, v7  }
0x2e8: {  	s20 =	sshra.s32 s31, $0x2;
	v15 =	vadd.f32 v15, v18;
	v13 =	vadd.f32 v19, v13;
	v18 =	vmul.f32 v22, v5  }
0x2e9: {  	v6 =	vmul.f32 v24, v6;
	v7 =	vmul.f32 v17, v7;
	v19 =	vld [tilespmem:s20+$0x8200];
	v14 =	vadd.f32 v21, v14  }
0x2ea: {  	v11 =	vsel vm1, v16, v11;
	v15 =	vadd.f32 v15, v15;
	v13 =	vadd.f32 v18, v13  }
0x2eb: {  	v16 =	vld [tilespmem:s20+$0x8210];
	v6 =	vadd.f32 v7, v6;
	v12 =	vadd.f32 v12, v14;
	v5 =	vmul.f32 v20, v5  }
0x2ec: {  	vm2 =	vlt.f32 v10, v11;
	v7 =	vsub.f32 v4, v15;
	v13 =	vadd.f32 v13, v13  }
0x2ed: {  	v10 =	vsel vm2, v10, v11;
	v11 =	vld [tilespmem:s20+$0x8220];
	v12 =	vadd.f32 v12, v12;
	v5 =	vadd.f32 v5, v6  }
0x2ee: {  	vm3 =	vlt.f32 v8, v10;
	v6 =	vadd.f32 v7, v19;
	v7 =	vsub.f32 v4, v13  }
0x2ef: {  	v9 =	vsel vm0, s29, v9;
	v8 =	vsel vm3, v8, v10;
	v13 =	vld [tilespmem:s20+$0x8230];
	v5 =	vadd.f32 v5, v5  }
0x2f0: {  	s21 =	sadd.s32 $0x1, s29;
	v10 =	vsub.f32 v4, v12;
	vm12 =	vlt.f32 v6, v8;
	v7 =	vadd.f32 v7, v16  }
0x2f1: {  	v9 =	vsel vm1, s21, v9;
	v6 =	vsel vm12, v6, v8  }
0x2f2: {  	s1 =	sadd.s32 $0x2, s29;
	v8 =	vadd.f32 v10, v11;
	v4 =	vsub.f32 v4, v5;
	vm13 =	vlt.f32 v7, v6  }
0x2f3: {  	s15 =	sadd.s32 $0x3, s29;
	v5 =	vsel vm2, s1, v9;
	v6 =	vsel vm13, v7, v6  }
0x2f4: {  	v5 =	vsel vm3, s15, v5;
	v4 =	vadd.f32 v4, v13;
	vm14 =	vlt.f32 v8, v6  }
0x2f5: {  	s16 =	sadd.s32 $0x1, s30;
	v5 =	vsel vm12, s30, v5;
	v6 =	vsel vm14, v8, v6  }
0x2f6: {  	s17 =	sadd.s32 $0x2, s30;
	s29 =	simm.s32 $0x0;
	v5 =	vsel vm13, s16, v5;
	vm15 =	vlt.f32 v4, v6  }
0x2f7: {  	s19 =	sadd.s32 $0x3, s30;
	s20 =	sand.u32 $0x7E00, s29;
	s15 =	simm.s32 $0x20;
	v5 =	vsel vm14, s17, v5;
	v4 =	vsel vm15, v4, v6  }
0x2f8: {  	s21 =	sadd.s32 $0x200, s20;
	s15 =	sand.u32 $0x60, s15;
	v5 =	vsel vm15, s19, v5;
	[tilespmem:s28+$0xA2A0] =	vst v4  }
0x2f9: {  	s1 =	sor.u32 s15, s21;
	[tilespmem:s28+$0xA6A0] =	vst v5  }
0x2fa: {  	s16 =	sand.u32 $0x40, s29;
	s17 =	simm.s32 $0x30;
	v9 =	vld [tilespmem:s1+$0x100]  }
0x2fb: {  	s15 =	sor.u32 s16, s21;
	s16 =	sand.u32 $0x70, s17;
	v8 =	vld [tilespmem:s1+$0x0]  }
0x2fc: {  	s16 =	sor.u32 s16, s21;
	v10 =	vld [tilespmem:s15+$0x100]  }
0x2fd: {  	s19 =	simm.s32 $0x10;
	v11 =	vld [tilespmem:s16+$0x0]  }
0x2fe: {  	s17 =	sand.u32 $0x50, s19;
	v12 =	vld [tilespmem:s15+$0x0]  }
0x2ff: {  	v13 =	vld [tilespmem:s15+$0x80];
	s0 =	sor.u32 s17, s21  }
0x300: {  	v14 =	vld [tilespmem:s0+$0x0]  }
0x301: {  	v15 =	vld [tilespmem:s0+$0x80]  }
0x302: {  	v7 =	vbroadcast v1, $0xB;
	v6 =	vbroadcast v0, $0xB;
	v16 =	vld [tilespmem:s1+$0x80]  }
0x303: {  	v5 =	vbroadcast v2, $0xB;
	v4 =	vbroadcast v3, $0xB;
	v17 =	vld [tilespmem:s0+$0x100]  }
0x304: {  	v18 =	vld [tilespmem:s16+$0x80];
	v12 =	vmul.f32 v12, v6;
	v13 =	vmul.f32 v13, v7  }
0x305: {  	s31 =	simm.s32 $0x100;
	s15 =	simm.s32 $0x0;
	v21 =	vld [tilespmem:s16+$0x100];
	v19 =	vmul.f32 v8, v6;
	v20 =	vmul.f32 v10, v5  }
0x306: {  	s20 =	sand.u32 $0x7E00, s31;
	s21 =	simm.s32 $0x60;
	v8 =	vld [tilespmem:s15+$0x8230];
	v14 =	vmul.f32 v14, v6;
	v15 =	vmul.f32 v15, v7;
	v12 =	vadd.f32 v13, v12  }
0x307: {  	s17 =	sadd.s32 $0x200, s20;
	s16 =	sand.u32 $0x60, s21;
	v22 =	vmul.f32 v9, v5;
	v10 =	vld [tilespmem:s15+$0x8220];
	v9 =	vmul.f32 v16, v7  }
0x308: {  	s1 =	sor.u32 s16, s17;
	v17 =	vmul.f32 v17, v5;
	v13 =	vld [tilespmem:s15+$0x8200];
	v15 =	vadd.f32 v15, v14;
	v16 =	vadd.f32 v20, v12  }
0x309: {  	s0 =	simm.s32 $0x40;
	v23 =	vmul.f32 v18, v7;
	v19 =	vadd.f32 v9, v19;
	v14 =	vld [tilespmem:s1+$0x0];
	v20 =	vmul.f32 v11, v6  }
0x30a: {  	s20 =	simm.s32 $0x70;
	s19 =	sand.u32 $0x40, s0;
	v9 =	vimm.s32 $0x0;
	v12 =	vld [tilespmem:s1+$0x100];
	v63 =	vadd.f32 v17, v15;
	v62 =	vadd.f32 v16, v16  }
0x30b: {  	s21 =	sand.u32 $0x70, s20;
	s19 =	sor.u32 s19, s17;
	v18 =	vadd.f32 v22, v19;
	v19 =	vmul.f32 v21, v5;
	v16 =	vld [tilespmem:s15+$0x8210];
	v17 =	vadd.f32 v23, v20  }
0x30c: {  	s30 =	simm.s32 $0x4;
	s16 =	sor.u32 s21, s17;
	v11 =	vimm.f32 $+Inf;
	v15 =	vld [tilespmem:s19+$0x100];
	s15 =	simm.s32 $0x8;
	v20 =	vadd.f32 v63, v63;
	v21 =	vsub.f32 v4, v62  }
.LBB2_25:
0x30d: {  	p0 =	slt.u32 s15, $0x1FC;
	s20 =	sadd.s32 $0x10, s0;
	v22 =	vld [tilespmem:s16+$0x0];
	v18 =	vadd.f32 v18, v18;
	v17 =	vadd.f32 v19, v17  }
0x30e: {  	v19 =	vld [tilespmem:s19+$0x0];
	s20 =	sand.u32 $0x50, s20;
	v13 =	vadd.f32 v21, v13;
	v20 =	vsub.f32 v4, v20  }
0x30f: {  	v23 =	vmul.f32 v12, v5;
	v21 =	vld [tilespmem:s19+$0x80];
	s17 =	sor.u32 s20, s17;
	v14 =	vmul.f32 v14, v6;
	v12 =	vadd.f32 v17, v17  }
0x310: {  	v18 =	vsub.f32 v4, v18;
	v17 =	vld [tilespmem:s17+$0x0];
	vm0 =	vlt.f32 v13, v11;
	v16 =	vadd.f32 v20, v16  }
0x311: {  	v15 =	vmul.f32 v15, v5;
	v20 =	vld [tilespmem:s17+$0x80];
	v11 =	vsel vm0, v13, v11;
	v9 =	vsel vm0, s29, v9  }
0x312: {  	v10 =	vadd.f32 v18, v10;
	v12 =	vsub.f32 v4, v12;
	v13 =	vld [tilespmem:s1+$0x80];
	vm0 =	vlt.f32 v16, v11;
	s1 =	sadd.s32 $0x1, s29  }
0x313: {  	v18 =	vmul.f32 v19, v6;
	v19 =	vld [tilespmem:s17+$0x100];
	v11 =	vsel vm0, v16, v11;
	v9 =	vsel vm0, s1, v9  }
0x314: {  	s20 =	sshra.s32 s31, $0x2;
	s1 =	sadd.s32 $0x2, s29;
	v12 =	vadd.f32 v12, v8;
	v16 =	vmul.f32 v21, v7;
	v21 =	vld [tilespmem:s16+$0x80];
	vm0 =	vlt.f32 v10, v11  }
0x315: {  	s0 =	sadd.s32 $0x40, s0;
	s31 =	sadd.s32 $0x100, s31;
	v17 =	vmul.f32 v17, v6;
	v8 =	vld [tilespmem:s20+$0x8230];
	v11 =	vsel vm0, v10, v11;
	v9 =	vsel vm0, s1, v9  }
0x316: {  	s19 =	sadd.s32 $0x20, s0;
	s1 =	sand.u32 $0x7E00, s31;
	v16 =	vadd.f32 v16, v18;
	v18 =	vmul.f32 v20, v7;
	v20 =	vld [tilespmem:s16+$0x100];
	vm0 =	vlt.f32 v12, v11;
	s16 =	sadd.s32 $0x3, s29  }
0x317: {  	s17 =	sadd.s32 $0x200, s1;
	s1 =	sand.u32 $0x60, s19;
	s29 =	smov.u32 s30;
	v10 =	vld [tilespmem:s20+$0x8220];
	v24 =	vmul.f32 v13, v7;
	v11 =	vsel vm0, v12, v11;
	v9 =	vsel vm0, s16, v9  }
.Ltmp11:
0x318: {  	s30 =	smov.u32 s15;
	s1 =	sor.u32 s1, s17;
	v13 =	vld [tilespmem:s20+$0x8200];
	v15 =	vadd.f32 v15, v16;
	v16 =	vadd.f32 v18, v17;
	v17 =	vmul.f32 v19, v5;
	(pc) =	sbr.rel @p0 .LBB2_25-.Ltmp11, $4  }
0x319: {  	v19 =	vmul.f32 v22, v6;
	v12 =	vld [tilespmem:s1+$0x100];
	v18 =	vadd.f32 v24, v14;
	v21 =	vmul.f32 v21, v7  }
0x31a: {  	s21 =	sadd.s32 $0x30, s0;
	s16 =	sand.u32 $0x40, s0;
	v14 =	vld [tilespmem:s1+$0x0];
	v22 =	vadd.f32 v15, v15;
	v24 =	vadd.f32 v17, v16  }
0x31b: {  	s19 =	sor.u32 s16, s17;
	s16 =	sand.u32 $0x70, s21;
	v16 =	vld [tilespmem:s20+$0x8210];
	v18 =	vadd.f32 v23, v18;
	v17 =	vadd.f32 v21, v19;
	v19 =	vmul.f32 v20, v5  }
0x31c: {  	s15 =	sadd.s32 $0x4, s15;
	s16 =	sor.u32 s16, s17;
	v15 =	vld [tilespmem:s19+$0x100];
	v21 =	vsub.f32 v4, v22;
	v20 =	vadd.f32 v24, v24  }
0x31d: {  	s0 =	sadd.s32 $0x10, s0;
	v22 =	vld [tilespmem:s19+$0x0]  }
0x31e: {  	v23 =	vld [tilespmem:s19+$0x80];
	s0 =	sand.u32 $0x50, s0  }
0x31f: {  	v24 =	vld [tilespmem:s16+$0x0];
	v18 =	vadd.f32 v18, v18;
	v17 =	vadd.f32 v19, v17;
	s0 =	sor.u32 s0, s17  }
0x320: {  	v13 =	vadd.f32 v21, v13;
	v20 =	vsub.f32 v4, v20;
	v19 =	vld [tilespmem:s0+$0x0]  }
0x321: {  	v17 =	vadd.f32 v17, v17;
	v21 =	vld [tilespmem:s0+$0x80]  }
0x322: {  	v25 =	vld [tilespmem:s1+$0x80];
	v18 =	vsub.f32 v4, v18;
	vm0 =	vlt.f32 v13, v11;
	v16 =	vadd.f32 v20, v16  }
0x323: {  	v11 =	vsel vm0, v13, v11;
	v13 =	vsub.f32 v4, v17;
	v20 =	vmul.f32 v22, v6;
	v22 =	vld [tilespmem:s0+$0x100]  }
0x324: {  	v12 =	vmul.f32 v12, v5;
	v17 =	vld [tilespmem:s16+$0x80];
	v23 =	vmul.f32 v23, v7  }
0x325: {  	v10 =	vadd.f32 v18, v10;
	v15 =	vmul.f32 v15, v5;
	v8 =	vadd.f32 v13, v8  }
0x326: {  	v18 =	vadd.f32 v23, v20;
	v20 =	vld [tilespmem:s16+$0x100];
	v13 =	vmul.f32 v19, v6;
	v19 =	vmul.f32 v21, v7  }
0x327: {  	v14 =	vmul.f32 v14, v6;
	vm1 =	vlt.f32 v16, v11;
	v21 =	vmul.f32 v25, v7  }
0x328: {  	s20 =	sshra.s32 s31, $0x2;
	v15 =	vadd.f32 v15, v18;
	v13 =	vadd.f32 v19, v13;
	v18 =	vmul.f32 v22, v5  }
0x329: {  	v6 =	vmul.f32 v24, v6;
	v7 =	vmul.f32 v17, v7;
	v19 =	vld [tilespmem:s20+$0x8200];
	v14 =	vadd.f32 v21, v14  }
0x32a: {  	v11 =	vsel vm1, v16, v11;
	v15 =	vadd.f32 v15, v15;
	v13 =	vadd.f32 v18, v13  }
0x32b: {  	v16 =	vld [tilespmem:s20+$0x8210];
	v6 =	vadd.f32 v7, v6;
	v12 =	vadd.f32 v12, v14;
	v5 =	vmul.f32 v20, v5  }
0x32c: {  	vm2 =	vlt.f32 v10, v11;
	v7 =	vsub.f32 v4, v15;
	v13 =	vadd.f32 v13, v13  }
0x32d: {  	v10 =	vsel vm2, v10, v11;
	v11 =	vld [tilespmem:s20+$0x8220];
	v12 =	vadd.f32 v12, v12;
	v5 =	vadd.f32 v5, v6  }
0x32e: {  	vm3 =	vlt.f32 v8, v10;
	v6 =	vadd.f32 v7, v19;
	v7 =	vsub.f32 v4, v13  }
0x32f: {  	v9 =	vsel vm0, s29, v9;
	v8 =	vsel vm3, v8, v10;
	v13 =	vld [tilespmem:s20+$0x8230];
	v5 =	vadd.f32 v5, v5  }
0x330: {  	s21 =	sadd.s32 $0x1, s29;
	v10 =	vsub.f32 v4, v12;
	vm12 =	vlt.f32 v6, v8;
	v7 =	vadd.f32 v7, v16  }
0x331: {  	v9 =	vsel vm1, s21, v9;
	v6 =	vsel vm12, v6, v8  }
0x332: {  	s1 =	sadd.s32 $0x2, s29;
	v8 =	vadd.f32 v10, v11;
	v4 =	vsub.f32 v4, v5;
	vm13 =	vlt.f32 v7, v6  }
0x333: {  	s15 =	sadd.s32 $0x3, s29;
	v5 =	vsel vm2, s1, v9;
	v6 =	vsel vm13, v7, v6  }
0x334: {  	v5 =	vsel vm3, s15, v5;
	v4 =	vadd.f32 v4, v13;
	vm14 =	vlt.f32 v8, v6  }
0x335: {  	s16 =	sadd.s32 $0x1, s30;
	v5 =	vsel vm12, s30, v5;
	v6 =	vsel vm14, v8, v6  }
0x336: {  	s17 =	sadd.s32 $0x2, s30;
	s29 =	simm.s32 $0x0;
	v5 =	vsel vm13, s16, v5;
	vm15 =	vlt.f32 v4, v6  }
0x337: {  	s19 =	sadd.s32 $0x3, s30;
	s20 =	sand.u32 $0x7E00, s29;
	s15 =	simm.s32 $0x20;
	v5 =	vsel vm14, s17, v5;
	v4 =	vsel vm15, v4, v6  }
0x338: {  	s21 =	sadd.s32 $0x200, s20;
	s15 =	sand.u32 $0x60, s15;
	v5 =	vsel vm15, s19, v5;
	[tilespmem:s28+$0xA2B0] =	vst v4  }
0x339: {  	s1 =	sor.u32 s15, s21;
	[tilespmem:s28+$0xA6B0] =	vst v5  }
0x33a: {  	s16 =	sand.u32 $0x40, s29;
	s17 =	simm.s32 $0x30;
	v9 =	vld [tilespmem:s1+$0x100]  }
0x33b: {  	s15 =	sor.u32 s16, s21;
	s16 =	sand.u32 $0x70, s17;
	v8 =	vld [tilespmem:s1+$0x0]  }
0x33c: {  	s16 =	sor.u32 s16, s21;
	v10 =	vld [tilespmem:s15+$0x100]  }
0x33d: {  	s19 =	simm.s32 $0x10;
	v11 =	vld [tilespmem:s16+$0x0]  }
0x33e: {  	s17 =	sand.u32 $0x50, s19;
	v12 =	vld [tilespmem:s15+$0x0]  }
0x33f: {  	v13 =	vld [tilespmem:s15+$0x80];
	s0 =	sor.u32 s17, s21  }
0x340: {  	v14 =	vld [tilespmem:s0+$0x0]  }
0x341: {  	v15 =	vld [tilespmem:s0+$0x80]  }
0x342: {  	v7 =	vbroadcast v1, $0xC;
	v6 =	vbroadcast v0, $0xC;
	v16 =	vld [tilespmem:s1+$0x80]  }
0x343: {  	v5 =	vbroadcast v2, $0xC;
	v4 =	vbroadcast v3, $0xC;
	v17 =	vld [tilespmem:s0+$0x100]  }
0x344: {  	v18 =	vld [tilespmem:s16+$0x80];
	v12 =	vmul.f32 v12, v6;
	v13 =	vmul.f32 v13, v7  }
0x345: {  	s31 =	simm.s32 $0x100;
	s15 =	simm.s32 $0x0;
	v21 =	vld [tilespmem:s16+$0x100];
	v19 =	vmul.f32 v8, v6;
	v20 =	vmul.f32 v10, v5  }
0x346: {  	s20 =	sand.u32 $0x7E00, s31;
	s21 =	simm.s32 $0x60;
	v8 =	vld [tilespmem:s15+$0x8230];
	v14 =	vmul.f32 v14, v6;
	v15 =	vmul.f32 v15, v7;
	v12 =	vadd.f32 v13, v12  }
0x347: {  	s17 =	sadd.s32 $0x200, s20;
	s16 =	sand.u32 $0x60, s21;
	v22 =	vmul.f32 v9, v5;
	v10 =	vld [tilespmem:s15+$0x8220];
	v9 =	vmul.f32 v16, v7  }
0x348: {  	s1 =	sor.u32 s16, s17;
	v17 =	vmul.f32 v17, v5;
	v13 =	vld [tilespmem:s15+$0x8200];
	v15 =	vadd.f32 v15, v14;
	v16 =	vadd.f32 v20, v12  }
0x349: {  	s0 =	simm.s32 $0x40;
	v23 =	vmul.f32 v18, v7;
	v19 =	vadd.f32 v9, v19;
	v14 =	vld [tilespmem:s1+$0x0];
	v20 =	vmul.f32 v11, v6  }
0x34a: {  	s20 =	simm.s32 $0x70;
	s19 =	sand.u32 $0x40, s0;
	v9 =	vimm.s32 $0x0;
	v12 =	vld [tilespmem:s1+$0x100];
	v63 =	vadd.f32 v17, v15;
	v62 =	vadd.f32 v16, v16  }
0x34b: {  	s21 =	sand.u32 $0x70, s20;
	s19 =	sor.u32 s19, s17;
	v18 =	vadd.f32 v22, v19;
	v19 =	vmul.f32 v21, v5;
	v16 =	vld [tilespmem:s15+$0x8210];
	v17 =	vadd.f32 v23, v20  }
0x34c: {  	s30 =	simm.s32 $0x4;
	s16 =	sor.u32 s21, s17;
	v11 =	vimm.f32 $+Inf;
	v15 =	vld [tilespmem:s19+$0x100];
	s15 =	simm.s32 $0x8;
	v20 =	vadd.f32 v63, v63;
	v21 =	vsub.f32 v4, v62  }
.LBB2_27:
0x34d: {  	p0 =	slt.u32 s15, $0x1FC;
	s20 =	sadd.s32 $0x10, s0;
	v22 =	vld [tilespmem:s16+$0x0];
	v18 =	vadd.f32 v18, v18;
	v17 =	vadd.f32 v19, v17  }
0x34e: {  	v19 =	vld [tilespmem:s19+$0x0];
	s20 =	sand.u32 $0x50, s20;
	v13 =	vadd.f32 v21, v13;
	v20 =	vsub.f32 v4, v20  }
0x34f: {  	v23 =	vmul.f32 v12, v5;
	v21 =	vld [tilespmem:s19+$0x80];
	s17 =	sor.u32 s20, s17;
	v14 =	vmul.f32 v14, v6;
	v12 =	vadd.f32 v17, v17  }
0x350: {  	v18 =	vsub.f32 v4, v18;
	v17 =	vld [tilespmem:s17+$0x0];
	vm0 =	vlt.f32 v13, v11;
	v16 =	vadd.f32 v20, v16  }
0x351: {  	v15 =	vmul.f32 v15, v5;
	v20 =	vld [tilespmem:s17+$0x80];
	v11 =	vsel vm0, v13, v11;
	v9 =	vsel vm0, s29, v9  }
0x352: {  	v10 =	vadd.f32 v18, v10;
	v12 =	vsub.f32 v4, v12;
	v13 =	vld [tilespmem:s1+$0x80];
	vm0 =	vlt.f32 v16, v11;
	s1 =	sadd.s32 $0x1, s29  }
0x353: {  	v18 =	vmul.f32 v19, v6;
	v19 =	vld [tilespmem:s17+$0x100];
	v11 =	vsel vm0, v16, v11;
	v9 =	vsel vm0, s1, v9  }
0x354: {  	s20 =	sshra.s32 s31, $0x2;
	s1 =	sadd.s32 $0x2, s29;
	v12 =	vadd.f32 v12, v8;
	v16 =	vmul.f32 v21, v7;
	v21 =	vld [tilespmem:s16+$0x80];
	vm0 =	vlt.f32 v10, v11  }
0x355: {  	s0 =	sadd.s32 $0x40, s0;
	s31 =	sadd.s32 $0x100, s31;
	v17 =	vmul.f32 v17, v6;
	v8 =	vld [tilespmem:s20+$0x8230];
	v11 =	vsel vm0, v10, v11;
	v9 =	vsel vm0, s1, v9  }
0x356: {  	s19 =	sadd.s32 $0x20, s0;
	s1 =	sand.u32 $0x7E00, s31;
	v16 =	vadd.f32 v16, v18;
	v18 =	vmul.f32 v20, v7;
	v20 =	vld [tilespmem:s16+$0x100];
	vm0 =	vlt.f32 v12, v11;
	s16 =	sadd.s32 $0x3, s29  }
0x357: {  	s17 =	sadd.s32 $0x200, s1;
	s1 =	sand.u32 $0x60, s19;
	s29 =	smov.u32 s30;
	v10 =	vld [tilespmem:s20+$0x8220];
	v24 =	vmul.f32 v13, v7;
	v11 =	vsel vm0, v12, v11;
	v9 =	vsel vm0, s16, v9  }
.Ltmp12:
0x358: {  	s30 =	smov.u32 s15;
	s1 =	sor.u32 s1, s17;
	v13 =	vld [tilespmem:s20+$0x8200];
	v15 =	vadd.f32 v15, v16;
	v16 =	vadd.f32 v18, v17;
	v17 =	vmul.f32 v19, v5;
	(pc) =	sbr.rel @p0 .LBB2_27-.Ltmp12, $4  }
0x359: {  	v19 =	vmul.f32 v22, v6;
	v12 =	vld [tilespmem:s1+$0x100];
	v18 =	vadd.f32 v24, v14;
	v21 =	vmul.f32 v21, v7  }
0x35a: {  	s21 =	sadd.s32 $0x30, s0;
	s16 =	sand.u32 $0x40, s0;
	v14 =	vld [tilespmem:s1+$0x0];
	v22 =	vadd.f32 v15, v15;
	v24 =	vadd.f32 v17, v16  }
0x35b: {  	s19 =	sor.u32 s16, s17;
	s16 =	sand.u32 $0x70, s21;
	v16 =	vld [tilespmem:s20+$0x8210];
	v18 =	vadd.f32 v23, v18;
	v17 =	vadd.f32 v21, v19;
	v19 =	vmul.f32 v20, v5  }
0x35c: {  	s15 =	sadd.s32 $0x4, s15;
	s16 =	sor.u32 s16, s17;
	v15 =	vld [tilespmem:s19+$0x100];
	v21 =	vsub.f32 v4, v22;
	v20 =	vadd.f32 v24, v24  }
0x35d: {  	s0 =	sadd.s32 $0x10, s0;
	v22 =	vld [tilespmem:s19+$0x0]  }
0x35e: {  	v23 =	vld [tilespmem:s19+$0x80];
	s0 =	sand.u32 $0x50, s0  }
0x35f: {  	v24 =	vld [tilespmem:s16+$0x0];
	v18 =	vadd.f32 v18, v18;
	v17 =	vadd.f32 v19, v17;
	s0 =	sor.u32 s0, s17  }
0x360: {  	v13 =	vadd.f32 v21, v13;
	v20 =	vsub.f32 v4, v20;
	v19 =	vld [tilespmem:s0+$0x0]  }
0x361: {  	v17 =	vadd.f32 v17, v17;
	v21 =	vld [tilespmem:s0+$0x80]  }
0x362: {  	v25 =	vld [tilespmem:s1+$0x80];
	v18 =	vsub.f32 v4, v18;
	vm0 =	vlt.f32 v13, v11;
	v16 =	vadd.f32 v20, v16  }
0x363: {  	v11 =	vsel vm0, v13, v11;
	v13 =	vsub.f32 v4, v17;
	v20 =	vmul.f32 v22, v6;
	v22 =	vld [tilespmem:s0+$0x100]  }
0x364: {  	v12 =	vmul.f32 v12, v5;
	v17 =	vld [tilespmem:s16+$0x80];
	v23 =	vmul.f32 v23, v7  }
0x365: {  	v10 =	vadd.f32 v18, v10;
	v15 =	vmul.f32 v15, v5;
	v8 =	vadd.f32 v13, v8  }
0x366: {  	v18 =	vadd.f32 v23, v20;
	v20 =	vld [tilespmem:s16+$0x100];
	v13 =	vmul.f32 v19, v6;
	v19 =	vmul.f32 v21, v7  }
0x367: {  	v14 =	vmul.f32 v14, v6;
	vm1 =	vlt.f32 v16, v11;
	v21 =	vmul.f32 v25, v7  }
0x368: {  	s20 =	sshra.s32 s31, $0x2;
	v15 =	vadd.f32 v15, v18;
	v13 =	vadd.f32 v19, v13;
	v18 =	vmul.f32 v22, v5  }
0x369: {  	v6 =	vmul.f32 v24, v6;
	v7 =	vmul.f32 v17, v7;
	v19 =	vld [tilespmem:s20+$0x8200];
	v14 =	vadd.f32 v21, v14  }
0x36a: {  	v11 =	vsel vm1, v16, v11;
	v15 =	vadd.f32 v15, v15;
	v13 =	vadd.f32 v18, v13  }
0x36b: {  	v16 =	vld [tilespmem:s20+$0x8210];
	v6 =	vadd.f32 v7, v6;
	v12 =	vadd.f32 v12, v14;
	v5 =	vmul.f32 v20, v5  }
0x36c: {  	vm2 =	vlt.f32 v10, v11;
	v7 =	vsub.f32 v4, v15;
	v13 =	vadd.f32 v13, v13  }
0x36d: {  	v10 =	vsel vm2, v10, v11;
	v11 =	vld [tilespmem:s20+$0x8220];
	v12 =	vadd.f32 v12, v12;
	v5 =	vadd.f32 v5, v6  }
0x36e: {  	vm3 =	vlt.f32 v8, v10;
	v6 =	vadd.f32 v7, v19;
	v7 =	vsub.f32 v4, v13  }
0x36f: {  	v9 =	vsel vm0, s29, v9;
	v8 =	vsel vm3, v8, v10;
	v13 =	vld [tilespmem:s20+$0x8230];
	v5 =	vadd.f32 v5, v5  }
0x370: {  	s21 =	sadd.s32 $0x1, s29;
	v10 =	vsub.f32 v4, v12;
	vm12 =	vlt.f32 v6, v8;
	v7 =	vadd.f32 v7, v16  }
0x371: {  	v9 =	vsel vm1, s21, v9;
	v6 =	vsel vm12, v6, v8  }
0x372: {  	s1 =	sadd.s32 $0x2, s29;
	v8 =	vadd.f32 v10, v11;
	v4 =	vsub.f32 v4, v5;
	vm13 =	vlt.f32 v7, v6  }
0x373: {  	s15 =	sadd.s32 $0x3, s29;
	v5 =	vsel vm2, s1, v9;
	v6 =	vsel vm13, v7, v6  }
0x374: {  	v5 =	vsel vm3, s15, v5;
	v4 =	vadd.f32 v4, v13;
	vm14 =	vlt.f32 v8, v6  }
0x375: {  	s16 =	sadd.s32 $0x1, s30;
	v5 =	vsel vm12, s30, v5;
	v6 =	vsel vm14, v8, v6  }
0x376: {  	s17 =	sadd.s32 $0x2, s30;
	s29 =	simm.s32 $0x0;
	v5 =	vsel vm13, s16, v5;
	vm15 =	vlt.f32 v4, v6  }
0x377: {  	s19 =	sadd.s32 $0x3, s30;
	s20 =	sand.u32 $0x7E00, s29;
	s15 =	simm.s32 $0x20;
	v5 =	vsel vm14, s17, v5;
	v4 =	vsel vm15, v4, v6  }
0x378: {  	s21 =	sadd.s32 $0x200, s20;
	s15 =	sand.u32 $0x60, s15;
	v5 =	vsel vm15, s19, v5;
	[tilespmem:s28+$0xA2C0] =	vst v4  }
0x379: {  	s1 =	sor.u32 s15, s21;
	[tilespmem:s28+$0xA6C0] =	vst v5  }
0x37a: {  	s16 =	sand.u32 $0x40, s29;
	s17 =	simm.s32 $0x30;
	v9 =	vld [tilespmem:s1+$0x100]  }
0x37b: {  	s15 =	sor.u32 s16, s21;
	s16 =	sand.u32 $0x70, s17;
	v8 =	vld [tilespmem:s1+$0x0]  }
0x37c: {  	s16 =	sor.u32 s16, s21;
	v10 =	vld [tilespmem:s15+$0x100]  }
0x37d: {  	s19 =	simm.s32 $0x10;
	v11 =	vld [tilespmem:s16+$0x0]  }
0x37e: {  	s17 =	sand.u32 $0x50, s19;
	v12 =	vld [tilespmem:s15+$0x0]  }
0x37f: {  	v13 =	vld [tilespmem:s15+$0x80];
	s0 =	sor.u32 s17, s21  }
0x380: {  	v14 =	vld [tilespmem:s0+$0x0]  }
0x381: {  	v15 =	vld [tilespmem:s0+$0x80]  }
0x382: {  	v7 =	vbroadcast v1, $0xD;
	v6 =	vbroadcast v0, $0xD;
	v16 =	vld [tilespmem:s1+$0x80]  }
0x383: {  	v5 =	vbroadcast v2, $0xD;
	v4 =	vbroadcast v3, $0xD;
	v17 =	vld [tilespmem:s0+$0x100]  }
0x384: {  	v18 =	vld [tilespmem:s16+$0x80];
	v12 =	vmul.f32 v12, v6;
	v13 =	vmul.f32 v13, v7  }
0x385: {  	s31 =	simm.s32 $0x100;
	s15 =	simm.s32 $0x0;
	v21 =	vld [tilespmem:s16+$0x100];
	v19 =	vmul.f32 v8, v6;
	v20 =	vmul.f32 v10, v5  }
0x386: {  	s20 =	sand.u32 $0x7E00, s31;
	s21 =	simm.s32 $0x60;
	v8 =	vld [tilespmem:s15+$0x8230];
	v14 =	vmul.f32 v14, v6;
	v15 =	vmul.f32 v15, v7;
	v12 =	vadd.f32 v13, v12  }
0x387: {  	s17 =	sadd.s32 $0x200, s20;
	s16 =	sand.u32 $0x60, s21;
	v22 =	vmul.f32 v9, v5;
	v10 =	vld [tilespmem:s15+$0x8220];
	v9 =	vmul.f32 v16, v7  }
0x388: {  	s1 =	sor.u32 s16, s17;
	v17 =	vmul.f32 v17, v5;
	v13 =	vld [tilespmem:s15+$0x8200];
	v15 =	vadd.f32 v15, v14;
	v16 =	vadd.f32 v20, v12  }
0x389: {  	s0 =	simm.s32 $0x40;
	v23 =	vmul.f32 v18, v7;
	v19 =	vadd.f32 v9, v19;
	v14 =	vld [tilespmem:s1+$0x0];
	v20 =	vmul.f32 v11, v6  }
0x38a: {  	s20 =	simm.s32 $0x70;
	s19 =	sand.u32 $0x40, s0;
	v9 =	vimm.s32 $0x0;
	v12 =	vld [tilespmem:s1+$0x100];
	v63 =	vadd.f32 v17, v15;
	v62 =	vadd.f32 v16, v16  }
0x38b: {  	s21 =	sand.u32 $0x70, s20;
	s19 =	sor.u32 s19, s17;
	v18 =	vadd.f32 v22, v19;
	v19 =	vmul.f32 v21, v5;
	v16 =	vld [tilespmem:s15+$0x8210];
	v17 =	vadd.f32 v23, v20  }
0x38c: {  	s30 =	simm.s32 $0x4;
	s16 =	sor.u32 s21, s17;
	v11 =	vimm.f32 $+Inf;
	v15 =	vld [tilespmem:s19+$0x100];
	s15 =	simm.s32 $0x8;
	v20 =	vadd.f32 v63, v63;
	v21 =	vsub.f32 v4, v62  }
.LBB2_29:
0x38d: {  	p0 =	slt.u32 s15, $0x1FC;
	s20 =	sadd.s32 $0x10, s0;
	v22 =	vld [tilespmem:s16+$0x0];
	v18 =	vadd.f32 v18, v18;
	v17 =	vadd.f32 v19, v17  }
0x38e: {  	v19 =	vld [tilespmem:s19+$0x0];
	s20 =	sand.u32 $0x50, s20;
	v13 =	vadd.f32 v21, v13;
	v20 =	vsub.f32 v4, v20  }
0x38f: {  	v23 =	vmul.f32 v12, v5;
	v21 =	vld [tilespmem:s19+$0x80];
	s17 =	sor.u32 s20, s17;
	v14 =	vmul.f32 v14, v6;
	v12 =	vadd.f32 v17, v17  }
0x390: {  	v18 =	vsub.f32 v4, v18;
	v17 =	vld [tilespmem:s17+$0x0];
	vm0 =	vlt.f32 v13, v11;
	v16 =	vadd.f32 v20, v16  }
0x391: {  	v15 =	vmul.f32 v15, v5;
	v20 =	vld [tilespmem:s17+$0x80];
	v11 =	vsel vm0, v13, v11;
	v9 =	vsel vm0, s29, v9  }
0x392: {  	v10 =	vadd.f32 v18, v10;
	v12 =	vsub.f32 v4, v12;
	v13 =	vld [tilespmem:s1+$0x80];
	vm0 =	vlt.f32 v16, v11;
	s1 =	sadd.s32 $0x1, s29  }
0x393: {  	v18 =	vmul.f32 v19, v6;
	v19 =	vld [tilespmem:s17+$0x100];
	v11 =	vsel vm0, v16, v11;
	v9 =	vsel vm0, s1, v9  }
0x394: {  	s20 =	sshra.s32 s31, $0x2;
	s1 =	sadd.s32 $0x2, s29;
	v12 =	vadd.f32 v12, v8;
	v16 =	vmul.f32 v21, v7;
	v21 =	vld [tilespmem:s16+$0x80];
	vm0 =	vlt.f32 v10, v11  }
0x395: {  	s0 =	sadd.s32 $0x40, s0;
	s31 =	sadd.s32 $0x100, s31;
	v17 =	vmul.f32 v17, v6;
	v8 =	vld [tilespmem:s20+$0x8230];
	v11 =	vsel vm0, v10, v11;
	v9 =	vsel vm0, s1, v9  }
0x396: {  	s19 =	sadd.s32 $0x20, s0;
	s1 =	sand.u32 $0x7E00, s31;
	v16 =	vadd.f32 v16, v18;
	v18 =	vmul.f32 v20, v7;
	v20 =	vld [tilespmem:s16+$0x100];
	vm0 =	vlt.f32 v12, v11;
	s16 =	sadd.s32 $0x3, s29  }
0x397: {  	s17 =	sadd.s32 $0x200, s1;
	s1 =	sand.u32 $0x60, s19;
	s29 =	smov.u32 s30;
	v10 =	vld [tilespmem:s20+$0x8220];
	v24 =	vmul.f32 v13, v7;
	v11 =	vsel vm0, v12, v11;
	v9 =	vsel vm0, s16, v9  }
.Ltmp13:
0x398: {  	s30 =	smov.u32 s15;
	s1 =	sor.u32 s1, s17;
	v13 =	vld [tilespmem:s20+$0x8200];
	v15 =	vadd.f32 v15, v16;
	v16 =	vadd.f32 v18, v17;
	v17 =	vmul.f32 v19, v5;
	(pc) =	sbr.rel @p0 .LBB2_29-.Ltmp13, $4  }
0x399: {  	v19 =	vmul.f32 v22, v6;
	v12 =	vld [tilespmem:s1+$0x100];
	v18 =	vadd.f32 v24, v14;
	v21 =	vmul.f32 v21, v7  }
0x39a: {  	s21 =	sadd.s32 $0x30, s0;
	s16 =	sand.u32 $0x40, s0;
	v14 =	vld [tilespmem:s1+$0x0];
	v22 =	vadd.f32 v15, v15;
	v24 =	vadd.f32 v17, v16  }
0x39b: {  	s19 =	sor.u32 s16, s17;
	s16 =	sand.u32 $0x70, s21;
	v16 =	vld [tilespmem:s20+$0x8210];
	v18 =	vadd.f32 v23, v18;
	v17 =	vadd.f32 v21, v19;
	v19 =	vmul.f32 v20, v5  }
0x39c: {  	s15 =	sadd.s32 $0x4, s15;
	s16 =	sor.u32 s16, s17;
	v15 =	vld [tilespmem:s19+$0x100];
	v21 =	vsub.f32 v4, v22;
	v20 =	vadd.f32 v24, v24  }
0x39d: {  	s0 =	sadd.s32 $0x10, s0;
	v22 =	vld [tilespmem:s19+$0x0]  }
0x39e: {  	v23 =	vld [tilespmem:s19+$0x80];
	s0 =	sand.u32 $0x50, s0  }
0x39f: {  	v24 =	vld [tilespmem:s16+$0x0];
	v18 =	vadd.f32 v18, v18;
	v17 =	vadd.f32 v19, v17;
	s0 =	sor.u32 s0, s17  }
0x3a0: {  	v13 =	vadd.f32 v21, v13;
	v20 =	vsub.f32 v4, v20;
	v19 =	vld [tilespmem:s0+$0x0]  }
0x3a1: {  	v17 =	vadd.f32 v17, v17;
	v21 =	vld [tilespmem:s0+$0x80]  }
0x3a2: {  	v25 =	vld [tilespmem:s1+$0x80];
	v18 =	vsub.f32 v4, v18;
	vm0 =	vlt.f32 v13, v11;
	v16 =	vadd.f32 v20, v16  }
0x3a3: {  	v11 =	vsel vm0, v13, v11;
	v13 =	vsub.f32 v4, v17;
	v20 =	vmul.f32 v22, v6;
	v22 =	vld [tilespmem:s0+$0x100]  }
0x3a4: {  	v12 =	vmul.f32 v12, v5;
	v17 =	vld [tilespmem:s16+$0x80];
	v23 =	vmul.f32 v23, v7  }
0x3a5: {  	v10 =	vadd.f32 v18, v10;
	v15 =	vmul.f32 v15, v5;
	v8 =	vadd.f32 v13, v8  }
0x3a6: {  	v18 =	vadd.f32 v23, v20;
	v20 =	vld [tilespmem:s16+$0x100];
	v13 =	vmul.f32 v19, v6;
	v19 =	vmul.f32 v21, v7  }
0x3a7: {  	v14 =	vmul.f32 v14, v6;
	vm1 =	vlt.f32 v16, v11;
	v21 =	vmul.f32 v25, v7  }
0x3a8: {  	s20 =	sshra.s32 s31, $0x2;
	v15 =	vadd.f32 v15, v18;
	v13 =	vadd.f32 v19, v13;
	v18 =	vmul.f32 v22, v5  }
0x3a9: {  	v6 =	vmul.f32 v24, v6;
	v7 =	vmul.f32 v17, v7;
	v19 =	vld [tilespmem:s20+$0x8200];
	v14 =	vadd.f32 v21, v14  }
0x3aa: {  	v11 =	vsel vm1, v16, v11;
	v15 =	vadd.f32 v15, v15;
	v13 =	vadd.f32 v18, v13  }
0x3ab: {  	v16 =	vld [tilespmem:s20+$0x8210];
	v6 =	vadd.f32 v7, v6;
	v12 =	vadd.f32 v12, v14;
	v5 =	vmul.f32 v20, v5  }
0x3ac: {  	vm2 =	vlt.f32 v10, v11;
	v7 =	vsub.f32 v4, v15;
	v13 =	vadd.f32 v13, v13  }
0x3ad: {  	v10 =	vsel vm2, v10, v11;
	v11 =	vld [tilespmem:s20+$0x8220];
	v12 =	vadd.f32 v12, v12;
	v5 =	vadd.f32 v5, v6  }
0x3ae: {  	vm3 =	vlt.f32 v8, v10;
	v6 =	vadd.f32 v7, v19;
	v7 =	vsub.f32 v4, v13  }
0x3af: {  	v9 =	vsel vm0, s29, v9;
	v8 =	vsel vm3, v8, v10;
	v13 =	vld [tilespmem:s20+$0x8230];
	v5 =	vadd.f32 v5, v5  }
0x3b0: {  	s21 =	sadd.s32 $0x1, s29;
	v10 =	vsub.f32 v4, v12;
	vm12 =	vlt.f32 v6, v8;
	v7 =	vadd.f32 v7, v16  }
0x3b1: {  	v9 =	vsel vm1, s21, v9;
	v6 =	vsel vm12, v6, v8  }
0x3b2: {  	s1 =	sadd.s32 $0x2, s29;
	v8 =	vadd.f32 v10, v11;
	v4 =	vsub.f32 v4, v5;
	vm13 =	vlt.f32 v7, v6  }
0x3b3: {  	s15 =	sadd.s32 $0x3, s29;
	v5 =	vsel vm2, s1, v9;
	v6 =	vsel vm13, v7, v6  }
0x3b4: {  	v5 =	vsel vm3, s15, v5;
	v4 =	vadd.f32 v4, v13;
	vm14 =	vlt.f32 v8, v6  }
0x3b5: {  	s16 =	sadd.s32 $0x1, s30;
	v5 =	vsel vm12, s30, v5;
	v6 =	vsel vm14, v8, v6  }
0x3b6: {  	s17 =	sadd.s32 $0x2, s30;
	s29 =	simm.s32 $0x0;
	v5 =	vsel vm13, s16, v5;
	vm15 =	vlt.f32 v4, v6  }
0x3b7: {  	s19 =	sadd.s32 $0x3, s30;
	s20 =	sand.u32 $0x7E00, s29;
	s15 =	simm.s32 $0x20;
	v5 =	vsel vm14, s17, v5;
	v4 =	vsel vm15, v4, v6  }
0x3b8: {  	s21 =	sadd.s32 $0x200, s20;
	s15 =	sand.u32 $0x60, s15;
	v5 =	vsel vm15, s19, v5;
	[tilespmem:s28+$0xA2D0] =	vst v4  }
0x3b9: {  	s1 =	sor.u32 s15, s21;
	[tilespmem:s28+$0xA6D0] =	vst v5  }
0x3ba: {  	s16 =	sand.u32 $0x40, s29;
	s17 =	simm.s32 $0x30;
	v9 =	vld [tilespmem:s1+$0x100]  }
0x3bb: {  	s15 =	sor.u32 s16, s21;
	s16 =	sand.u32 $0x70, s17;
	v8 =	vld [tilespmem:s1+$0x0]  }
0x3bc: {  	s16 =	sor.u32 s16, s21;
	v10 =	vld [tilespmem:s15+$0x100]  }
0x3bd: {  	s19 =	simm.s32 $0x10;
	v11 =	vld [tilespmem:s16+$0x0]  }
0x3be: {  	s17 =	sand.u32 $0x50, s19;
	v12 =	vld [tilespmem:s15+$0x0]  }
0x3bf: {  	v13 =	vld [tilespmem:s15+$0x80];
	s0 =	sor.u32 s17, s21  }
0x3c0: {  	v14 =	vld [tilespmem:s0+$0x0]  }
0x3c1: {  	v15 =	vld [tilespmem:s0+$0x80]  }
0x3c2: {  	v7 =	vbroadcast v1, $0xE;
	v6 =	vbroadcast v0, $0xE;
	v16 =	vld [tilespmem:s1+$0x80]  }
0x3c3: {  	v5 =	vbroadcast v2, $0xE;
	v4 =	vbroadcast v3, $0xE;
	v17 =	vld [tilespmem:s0+$0x100]  }
0x3c4: {  	v18 =	vld [tilespmem:s16+$0x80];
	v12 =	vmul.f32 v12, v6;
	v13 =	vmul.f32 v13, v7  }
0x3c5: {  	s31 =	simm.s32 $0x100;
	s15 =	simm.s32 $0x0;
	v21 =	vld [tilespmem:s16+$0x100];
	v19 =	vmul.f32 v8, v6;
	v20 =	vmul.f32 v10, v5  }
0x3c6: {  	s20 =	sand.u32 $0x7E00, s31;
	s21 =	simm.s32 $0x60;
	v8 =	vld [tilespmem:s15+$0x8230];
	v14 =	vmul.f32 v14, v6;
	v15 =	vmul.f32 v15, v7;
	v12 =	vadd.f32 v13, v12  }
0x3c7: {  	s17 =	sadd.s32 $0x200, s20;
	s16 =	sand.u32 $0x60, s21;
	v22 =	vmul.f32 v9, v5;
	v10 =	vld [tilespmem:s15+$0x8220];
	v9 =	vmul.f32 v16, v7  }
0x3c8: {  	s1 =	sor.u32 s16, s17;
	v17 =	vmul.f32 v17, v5;
	v13 =	vld [tilespmem:s15+$0x8200];
	v15 =	vadd.f32 v15, v14;
	v16 =	vadd.f32 v20, v12  }
0x3c9: {  	s0 =	simm.s32 $0x40;
	v23 =	vmul.f32 v18, v7;
	v19 =	vadd.f32 v9, v19;
	v14 =	vld [tilespmem:s1+$0x0];
	v20 =	vmul.f32 v11, v6  }
0x3ca: {  	s20 =	simm.s32 $0x70;
	s19 =	sand.u32 $0x40, s0;
	v9 =	vimm.s32 $0x0;
	v12 =	vld [tilespmem:s1+$0x100];
	v63 =	vadd.f32 v17, v15;
	v62 =	vadd.f32 v16, v16  }
0x3cb: {  	s21 =	sand.u32 $0x70, s20;
	s19 =	sor.u32 s19, s17;
	v18 =	vadd.f32 v22, v19;
	v19 =	vmul.f32 v21, v5;
	v16 =	vld [tilespmem:s15+$0x8210];
	v17 =	vadd.f32 v23, v20  }
0x3cc: {  	s30 =	simm.s32 $0x4;
	s16 =	sor.u32 s21, s17;
	v11 =	vimm.f32 $+Inf;
	v15 =	vld [tilespmem:s19+$0x100];
	s15 =	simm.s32 $0x8;
	v20 =	vadd.f32 v63, v63;
	v21 =	vsub.f32 v4, v62  }
.LBB2_31:
0x3cd: {  	p0 =	slt.u32 s15, $0x1FC;
	s20 =	sadd.s32 $0x10, s0;
	v22 =	vld [tilespmem:s16+$0x0];
	v18 =	vadd.f32 v18, v18;
	v17 =	vadd.f32 v19, v17  }
0x3ce: {  	v19 =	vld [tilespmem:s19+$0x0];
	s20 =	sand.u32 $0x50, s20;
	v13 =	vadd.f32 v21, v13;
	v20 =	vsub.f32 v4, v20  }
0x3cf: {  	v23 =	vmul.f32 v12, v5;
	v21 =	vld [tilespmem:s19+$0x80];
	s17 =	sor.u32 s20, s17;
	v14 =	vmul.f32 v14, v6;
	v12 =	vadd.f32 v17, v17  }
0x3d0: {  	v18 =	vsub.f32 v4, v18;
	v17 =	vld [tilespmem:s17+$0x0];
	vm0 =	vlt.f32 v13, v11;
	v16 =	vadd.f32 v20, v16  }
0x3d1: {  	v15 =	vmul.f32 v15, v5;
	v20 =	vld [tilespmem:s17+$0x80];
	v11 =	vsel vm0, v13, v11;
	v9 =	vsel vm0, s29, v9  }
0x3d2: {  	v10 =	vadd.f32 v18, v10;
	v12 =	vsub.f32 v4, v12;
	v13 =	vld [tilespmem:s1+$0x80];
	vm0 =	vlt.f32 v16, v11;
	s1 =	sadd.s32 $0x1, s29  }
0x3d3: {  	v18 =	vmul.f32 v19, v6;
	v19 =	vld [tilespmem:s17+$0x100];
	v11 =	vsel vm0, v16, v11;
	v9 =	vsel vm0, s1, v9  }
0x3d4: {  	s20 =	sshra.s32 s31, $0x2;
	s1 =	sadd.s32 $0x2, s29;
	v12 =	vadd.f32 v12, v8;
	v16 =	vmul.f32 v21, v7;
	v21 =	vld [tilespmem:s16+$0x80];
	vm0 =	vlt.f32 v10, v11  }
0x3d5: {  	s0 =	sadd.s32 $0x40, s0;
	s31 =	sadd.s32 $0x100, s31;
	v17 =	vmul.f32 v17, v6;
	v8 =	vld [tilespmem:s20+$0x8230];
	v11 =	vsel vm0, v10, v11;
	v9 =	vsel vm0, s1, v9  }
0x3d6: {  	s19 =	sadd.s32 $0x20, s0;
	s1 =	sand.u32 $0x7E00, s31;
	v16 =	vadd.f32 v16, v18;
	v18 =	vmul.f32 v20, v7;
	v20 =	vld [tilespmem:s16+$0x100];
	vm0 =	vlt.f32 v12, v11;
	s16 =	sadd.s32 $0x3, s29  }
0x3d7: {  	s17 =	sadd.s32 $0x200, s1;
	s1 =	sand.u32 $0x60, s19;
	s29 =	smov.u32 s30;
	v10 =	vld [tilespmem:s20+$0x8220];
	v24 =	vmul.f32 v13, v7;
	v11 =	vsel vm0, v12, v11;
	v9 =	vsel vm0, s16, v9  }
.Ltmp14:
0x3d8: {  	s30 =	smov.u32 s15;
	s1 =	sor.u32 s1, s17;
	v13 =	vld [tilespmem:s20+$0x8200];
	v15 =	vadd.f32 v15, v16;
	v16 =	vadd.f32 v18, v17;
	v17 =	vmul.f32 v19, v5;
	(pc) =	sbr.rel @p0 .LBB2_31-.Ltmp14, $4  }
0x3d9: {  	v19 =	vmul.f32 v22, v6;
	v12 =	vld [tilespmem:s1+$0x100];
	v18 =	vadd.f32 v24, v14;
	v21 =	vmul.f32 v21, v7  }
0x3da: {  	s21 =	sadd.s32 $0x30, s0;
	s16 =	sand.u32 $0x40, s0;
	v14 =	vld [tilespmem:s1+$0x0];
	v22 =	vadd.f32 v15, v15;
	v24 =	vadd.f32 v17, v16  }
0x3db: {  	s19 =	sor.u32 s16, s17;
	s16 =	sand.u32 $0x70, s21;
	v16 =	vld [tilespmem:s20+$0x8210];
	v18 =	vadd.f32 v23, v18;
	v17 =	vadd.f32 v21, v19;
	v19 =	vmul.f32 v20, v5  }
0x3dc: {  	s15 =	sadd.s32 $0x4, s15;
	s16 =	sor.u32 s16, s17;
	v15 =	vld [tilespmem:s19+$0x100];
	v21 =	vsub.f32 v4, v22;
	v20 =	vadd.f32 v24, v24  }
0x3dd: {  	s0 =	sadd.s32 $0x10, s0;
	v22 =	vld [tilespmem:s19+$0x0]  }
0x3de: {  	v23 =	vld [tilespmem:s19+$0x80];
	s0 =	sand.u32 $0x50, s0  }
0x3df: {  	v24 =	vld [tilespmem:s16+$0x0];
	v17 =	vadd.f32 v19, v17;
	s0 =	sor.u32 s0, s17  }
0x3e0: {  	v13 =	vadd.f32 v21, v13;
	v19 =	vld [tilespmem:s0+$0x0]  }
0x3e1: {  	v18 =	vadd.f32 v18, v18;
	v17 =	vadd.f32 v17, v17;
	v58 =	vld [tilespmem:s0+$0x80]  }
0x3e2: {  	v25 =	vld [tilespmem:s1+$0x80];
	v20 =	vsub.f32 v4, v20;
	v12 =	vmul.f32 v12, v5;
	vm0 =	vlt.f32 v13, v11  }
0x3e3: {  	v18 =	vsub.f32 v4, v18;
	v60 =	vld [tilespmem:s0+$0x100];
	v11 =	vsel vm0, v13, v11;
	v13 =	vsub.f32 v4, v17  }
0x3e4: {  	v16 =	vadd.f32 v20, v16;
	v17 =	vld [tilespmem:s16+$0x80];
	v59 =	vmul.f32 v22, v6;
	v23 =	vmul.f32 v23, v7  }
0x3e5: {  	v10 =	vadd.f32 v18, v10;
	v15 =	vmul.f32 v15, v5;
	v8 =	vadd.f32 v13, v8  }
0x3e6: {  	v61 =	vld [tilespmem:s16+$0x100];
	v18 =	vadd.f32 v23, v59;
	v13 =	vmul.f32 v19, v6;
	v19 =	vmul.f32 v58, v7  }
0x3e7: {  	v14 =	vmul.f32 v14, v6;
	v62 =	vmul.f32 v25, v7;
	vm1 =	vlt.f32 v16, v11  }
0x3e8: {  	s20 =	sshra.s32 s31, $0x2;
	v15 =	vadd.f32 v15, v18;
	v18 =	vmul.f32 v60, v5;
	v13 =	vadd.f32 v19, v13  }
0x3e9: {  	v14 =	vadd.f32 v62, v14;
	v6 =	vmul.f32 v24, v6;
	v7 =	vmul.f32 v17, v7;
	v19 =	vld [tilespmem:s20+$0x8200]  }
0x3ea: {  	v11 =	vsel vm1, v16, v11;
	v15 =	vadd.f32 v15, v15;
	v13 =	vadd.f32 v18, v13  }
0x3eb: {  	v16 =	vld [tilespmem:s20+$0x8210];
	v12 =	vadd.f32 v12, v14;
	v5 =	vmul.f32 v61, v5;
	v6 =	vadd.f32 v7, v6  }
0x3ec: {  	vm2 =	vlt.f32 v10, v11;
	v7 =	vsub.f32 v4, v15;
	v13 =	vadd.f32 v13, v13  }
0x3ed: {  	v10 =	vsel vm2, v10, v11;
	v11 =	vld [tilespmem:s20+$0x8220];
	v12 =	vadd.f32 v12, v12;
	v5 =	vadd.f32 v5, v6  }
0x3ee: {  	vm3 =	vlt.f32 v8, v10;
	v6 =	vadd.f32 v7, v19;
	v7 =	vsub.f32 v4, v13  }
0x3ef: {  	v9 =	vsel vm0, s29, v9;
	v8 =	vsel vm3, v8, v10;
	v10 =	vsub.f32 v4, v12;
	v13 =	vld [tilespmem:s20+$0x8230]  }
0x3f0: {  	s21 =	sadd.s32 $0x1, s29;
	v5 =	vadd.f32 v5, v5;
	vm12 =	vlt.f32 v6, v8;
	v7 =	vadd.f32 v7, v16  }
0x3f1: {  	v9 =	vsel vm1, s21, v9;
	v6 =	vsel vm12, v6, v8  }
0x3f2: {  	s1 =	sadd.s32 $0x2, s29;
	v4 =	vsub.f32 v4, v5;
	v8 =	vadd.f32 v10, v11;
	vm13 =	vlt.f32 v7, v6  }
0x3f3: {  	s15 =	sadd.s32 $0x3, s29;
	v5 =	vsel vm2, s1, v9;
	v6 =	vsel vm13, v7, v6  }
0x3f4: {  	v5 =	vsel vm3, s15, v5;
	v4 =	vadd.f32 v4, v13;
	vm14 =	vlt.f32 v8, v6  }
0x3f5: {  	s16 =	sadd.s32 $0x1, s30;
	v5 =	vsel vm12, s30, v5;
	v6 =	vsel vm14, v8, v6  }
0x3f6: {  	s17 =	sadd.s32 $0x2, s30;
	s29 =	simm.s32 $0x0;
	v5 =	vsel vm13, s16, v5;
	vm15 =	vlt.f32 v4, v6  }
0x3f7: {  	s19 =	sadd.s32 $0x3, s30;
	s20 =	sand.u32 $0x7E00, s29;
	s15 =	simm.s32 $0x20;
	v5 =	vsel vm14, s17, v5;
	v4 =	vsel vm15, v4, v6  }
0x3f8: {  	s21 =	sadd.s32 $0x200, s20;
	s15 =	sand.u32 $0x60, s15;
	v5 =	vsel vm15, s19, v5;
	[tilespmem:s28+$0xA2E0] =	vst v4  }
0x3f9: {  	s1 =	sor.u32 s15, s21;
	[tilespmem:s28+$0xA6E0] =	vst v5  }
0x3fa: {  	s16 =	sand.u32 $0x40, s29;
	s17 =	simm.s32 $0x30;
	v6 =	vld [tilespmem:s1+$0x100]  }
0x3fb: {  	s15 =	sor.u32 s16, s21;
	s16 =	sand.u32 $0x70, s17;
	v7 =	vld [tilespmem:s1+$0x0]  }
0x3fc: {  	s16 =	sor.u32 s16, s21;
	v8 =	vld [tilespmem:s15+$0x100]  }
0x3fd: {  	s19 =	simm.s32 $0x10;
	v10 =	vld [tilespmem:s16+$0x0]  }
0x3fe: {  	s17 =	sand.u32 $0x50, s19;
	v9 =	vld [tilespmem:s15+$0x0]  }
0x3ff: {  	v11 =	vld [tilespmem:s15+$0x80];
	s0 =	sor.u32 s17, s21  }
0x400: {  	v12 =	vld [tilespmem:s0+$0x0]  }
0x401: {  	v4 =	vbroadcast v0, $0xF;
	v13 =	vld [tilespmem:s0+$0x80]  }
0x402: {  	v5 =	vbroadcast v1, $0xF;
	v1 =	vbroadcast v2, $0xF;
	v14 =	vld [tilespmem:s1+$0x80]  }
0x403: {  	v0 =	vbroadcast v3, $0xF;
	v3 =	vld [tilespmem:s0+$0x100];
	v9 =	vmul.f32 v9, v4  }
0x404: {  	s31 =	simm.s32 $0x100;
	v15 =	vld [tilespmem:s16+$0x80];
	v11 =	vmul.f32 v11, v5;
	v7 =	vmul.f32 v7, v4  }
0x405: {  	s20 =	sand.u32 $0x7E00, s31;
	s15 =	simm.s32 $0x0;
	s21 =	simm.s32 $0x60;
	v16 =	vld [tilespmem:s16+$0x100];
	v8 =	vmul.f32 v8, v1;
	v17 =	vmul.f32 v6, v1  }
0x406: {  	s17 =	sadd.s32 $0x200, s20;
	v2 =	vld [tilespmem:s15+$0x8230];
	s16 =	sand.u32 $0x60, s21;
	v12 =	vmul.f32 v12, v4;
	v13 =	vmul.f32 v13, v5;
	v11 =	vadd.f32 v11, v9  }
0x407: {  	s1 =	sor.u32 s16, s17;
	v6 =	vld [tilespmem:s15+$0x8220];
	v14 =	vmul.f32 v14, v5;
	v18 =	vmul.f32 v10, v4  }
0x408: {  	v10 =	vld [tilespmem:s1+$0x0];
	v3 =	vmul.f32 v3, v1;
	v12 =	vadd.f32 v13, v12;
	v11 =	vadd.f32 v8, v11  }
0x409: {  	s0 =	simm.s32 $0x40;
	v15 =	vmul.f32 v15, v5;
	v9 =	vld [tilespmem:s15+$0x8200];
	v13 =	vadd.f32 v14, v7  }
0x40a: {  	s20 =	simm.s32 $0x70;
	s19 =	sand.u32 $0x40, s0;
	v7 =	vimm.f32 $+Inf;
	v8 =	vld [tilespmem:s1+$0x100];
	v63 =	vadd.f32 v3, v12;
	v19 =	vadd.f32 v11, v11  }
0x40b: {  	s21 =	sand.u32 $0x70, s20;
	s19 =	sor.u32 s19, s17;
	v12 =	vld [tilespmem:s15+$0x8210];
	v14 =	vadd.f32 v17, v13;
	v13 =	vadd.f32 v15, v18;
	v15 =	vmul.f32 v16, v1  }
0x40c: {  	s30 =	simm.s32 $0x4;
	s16 =	sor.u32 s21, s17;
	v3 =	vimm.s32 $0x0;
	s15 =	simm.s32 $0x8;
	v11 =	vld [tilespmem:s19+$0x100];
	v16 =	vadd.f32 v63, v63;
	v17 =	vsub.f32 v0, v19  }
.LBB2_33:
0x40d: {  	p0 =	slt.u32 s15, $0x1FC;
	s20 =	sadd.s32 $0x10, s0;
	v18 =	vld [tilespmem:s16+$0x0];
	v14 =	vadd.f32 v14, v14;
	v13 =	vadd.f32 v15, v13  }
0x40e: {  	v15 =	vld [tilespmem:s19+$0x0];
	s20 =	sand.u32 $0x50, s20;
	v9 =	vadd.f32 v17, v9;
	v16 =	vsub.f32 v0, v16  }
0x40f: {  	v19 =	vmul.f32 v8, v1;
	v17 =	vld [tilespmem:s19+$0x80];
	s17 =	sor.u32 s20, s17;
	v10 =	vmul.f32 v10, v4;
	v8 =	vadd.f32 v13, v13  }
0x410: {  	v14 =	vsub.f32 v0, v14;
	v13 =	vld [tilespmem:s17+$0x0];
	vm0 =	vlt.f32 v9, v7;
	v12 =	vadd.f32 v16, v12  }
0x411: {  	v11 =	vmul.f32 v11, v1;
	v16 =	vld [tilespmem:s17+$0x80];
	v7 =	vsel vm0, v9, v7;
	v3 =	vsel vm0, s29, v3  }
0x412: {  	v6 =	vadd.f32 v14, v6;
	v8 =	vsub.f32 v0, v8;
	v9 =	vld [tilespmem:s1+$0x80];
	vm0 =	vlt.f32 v12, v7;
	s1 =	sadd.s32 $0x1, s29  }
0x413: {  	v14 =	vmul.f32 v15, v4;
	v15 =	vld [tilespmem:s17+$0x100];
	v7 =	vsel vm0, v12, v7;
	v3 =	vsel vm0, s1, v3  }
0x414: {  	s20 =	sshra.s32 s31, $0x2;
	s1 =	sadd.s32 $0x2, s29;
	v8 =	vadd.f32 v8, v2;
	v12 =	vmul.f32 v17, v5;
	v17 =	vld [tilespmem:s16+$0x80];
	vm0 =	vlt.f32 v6, v7  }
0x415: {  	s0 =	sadd.s32 $0x40, s0;
	s31 =	sadd.s32 $0x100, s31;
	v13 =	vmul.f32 v13, v4;
	v2 =	vld [tilespmem:s20+$0x8230];
	v7 =	vsel vm0, v6, v7;
	v3 =	vsel vm0, s1, v3  }
0x416: {  	s19 =	sadd.s32 $0x20, s0;
	s1 =	sand.u32 $0x7E00, s31;
	v12 =	vadd.f32 v12, v14;
	v14 =	vmul.f32 v16, v5;
	v16 =	vld [tilespmem:s16+$0x100];
	vm0 =	vlt.f32 v8, v7;
	s16 =	sadd.s32 $0x3, s29  }
0x417: {  	s17 =	sadd.s32 $0x200, s1;
	s1 =	sand.u32 $0x60, s19;
	s29 =	smov.u32 s30;
	v6 =	vld [tilespmem:s20+$0x8220];
	v20 =	vmul.f32 v9, v5;
	v7 =	vsel vm0, v8, v7;
	v3 =	vsel vm0, s16, v3  }
.Ltmp15:
0x418: {  	s30 =	smov.u32 s15;
	s1 =	sor.u32 s1, s17;
	v9 =	vld [tilespmem:s20+$0x8200];
	v11 =	vadd.f32 v11, v12;
	v12 =	vadd.f32 v14, v13;
	v13 =	vmul.f32 v15, v1;
	(pc) =	sbr.rel @p0 .LBB2_33-.Ltmp15, $4  }
0x419: {  	v15 =	vmul.f32 v18, v4;
	v8 =	vld [tilespmem:s1+$0x100];
	v14 =	vadd.f32 v20, v10;
	v17 =	vmul.f32 v17, v5  }
0x41a: {  	s21 =	sadd.s32 $0x30, s0;
	s16 =	sand.u32 $0x40, s0;
	v10 =	vld [tilespmem:s1+$0x0];
	v18 =	vadd.f32 v11, v11;
	v20 =	vadd.f32 v13, v12  }
0x41b: {  	s19 =	sor.u32 s16, s17;
	s16 =	sand.u32 $0x70, s21;
	v12 =	vld [tilespmem:s20+$0x8210];
	v14 =	vadd.f32 v19, v14;
	v13 =	vadd.f32 v17, v15;
	v15 =	vmul.f32 v16, v1  }
0x41c: {  	s15 =	sadd.s32 $0x4, s15;
	s16 =	sor.u32 s16, s17;
	v11 =	vld [tilespmem:s19+$0x100];
	v17 =	vsub.f32 v0, v18;
	v16 =	vadd.f32 v20, v20  }
0x41d: {  	s0 =	sadd.s32 $0x10, s0;
	v18 =	vld [tilespmem:s19+$0x0]  }
0x41e: {  	v19 =	vld [tilespmem:s19+$0x80];
	s0 =	sand.u32 $0x50, s0  }
0x41f: {  	v20 =	vld [tilespmem:s16+$0x0];
	s0 =	sor.u32 s0, s17  }
0x420: {  	v14 =	vadd.f32 v14, v14;
	v13 =	vadd.f32 v15, v13;
	v38 =	vld [tilespmem:s0+$0x0]  }
0x421: {  	v9 =	vadd.f32 v17, v9;
	v16 =	vsub.f32 v0, v16;
	v39 =	vld [tilespmem:s0+$0x80]  }
0x422: {  	v21 =	vld [tilespmem:s1+$0x80];
	v8 =	vmul.f32 v8, v1;
	v13 =	vadd.f32 v13, v13;
	v14 =	vsub.f32 v0, v14  }
0x423: {  	v10 =	vmul.f32 v10, v4;
	vm0 =	vlt.f32 v9, v7;
	v12 =	vadd.f32 v16, v12;
	v41 =	vld [tilespmem:s0+$0x100]  }
0x424: {  	v43 =	vld [tilespmem:s16+$0x80];
	v7 =	vsel vm0, v9, v7;
	v40 =	vmul.f32 v18, v4;
	v19 =	vmul.f32 v19, v5  }
0x425: {  	v47 =	vld [tilespmem:s16+$0x100];
	v6 =	vadd.f32 v14, v6;
	v42 =	vsub.f32 v0, v13;
	v11 =	vmul.f32 v11, v1  }
0x426: {  	v44 =	vadd.f32 v19, v40;
	v45 =	vmul.f32 v38, v4;
	v46 =	vmul.f32 v39, v5  }
0x427: {  	v48 =	vmul.f32 v21, v5;
	vm1 =	vlt.f32 v12, v7;
	v51 =	vmul.f32 v20, v4  }
0x428: {  	s16 =	sshra.s32 s31, $0x2;
	v49 =	vmul.f32 v41, v1;
	v11 =	vadd.f32 v11, v44;
	v9 =	vadd.f32 v46, v45  }
0x429: {  	v50 =	vld [tilespmem:s16+$0x8200];
	v52 =	vmul.f32 v43, v5;
	v2 =	vadd.f32 v42, v2;
	v10 =	vadd.f32 v48, v10  }
0x42a: {  	v54 =	vmul.f32 v47, v1;
	v11 =	vadd.f32 v11, v11;
	v9 =	vadd.f32 v49, v9  }
0x42b: {  	v53 =	vld [tilespmem:s16+$0x8210];
	v7 =	vsel vm1, v12, v7;
	v4 =	vadd.f32 v52, v51;
	v8 =	vadd.f32 v8, v10  }
0x42c: {  	vm2 =	vlt.f32 v6, v7;
	v55 =	vsub.f32 v0, v11;
	v9 =	vadd.f32 v9, v9  }
0x42d: {  	v56 =	vld [tilespmem:s16+$0x8220];
	v6 =	vsel vm2, v6, v7;
	v1 =	vadd.f32 v54, v4;
	v8 =	vadd.f32 v8, v8  }
0x42e: {  	vm3 =	vlt.f32 v2, v6;
	v57 =	vadd.f32 v55, v50;
	v58 =	vsub.f32 v0, v9  }
0x42f: {  	v59 =	vld [tilespmem:s16+$0x8230];
	v3 =	vsel vm0, s29, v3;
	v2 =	vsel vm3, v2, v6;
	v1 =	vadd.f32 v1, v1  }
0x430: {  	s17 =	sadd.s32 $0x1, s29;
	v60 =	vsub.f32 v0, v8;
	vm12 =	vlt.f32 v57, v2;
	v5 =	vadd.f32 v58, v53  }
0x431: {  	v3 =	vsel vm1, s17, v3;
	v2 =	vsel vm12, v57, v2  }
0x432: {  	s19 =	sadd.s32 $0x2, s29;
	v62 =	vsub.f32 v0, v1;
	v61 =	vadd.f32 v60, v56;
	vm13 =	vlt.f32 v5, v2  }
0x433: {  	s20 =	sadd.s32 $0x3, s29;
	s26 =	sadd.s32 $0x1, s26;
	v63 =	vsel vm2, s19, v3;
	v2 =	vsel vm13, v5, v2  }
0x434: {  	p0 =	sne.s32 s26, $0x4;
	v1 =	vsel vm3, s20, v63;
	v0 =	vadd.f32 v62, v59;
	vm14 =	vlt.f32 v61, v2  }
.Ltmp16:
0x435: {  	s21 =	sadd.s32 $0x1, s30;
	v1 =	vsel vm12, s30, v1;
	v2 =	vsel vm14, v61, v2;
	(pc) =	sbr.rel @p0 .LBB2_2-.Ltmp16, $4  }
0x436: {  	s29 =	sadd.s32 $0x2, s30;
	v1 =	vsel vm13, s21, v1;
	vm15 =	vlt.f32 v0, v2  }
0x437: {  	s31 =	sadd.s32 $0x3, s30;
	v1 =	vsel vm14, s29, v1;
	v0 =	vsel vm15, v0, v2  }
0x438: {  	v1 =	vsel vm15, s31, v1;
	[tilespmem:s28+$0xA2F0] =	vst v0  }
0x439: {  	[tilespmem:s28+$0xA6F0] =	vst v1  }
0x43a: {  	[hbm4b:s11+s18] =	stream.strided.scatter [tilespmem:s23], [sflag:$0x1], $0x400, s22, s18, $0x38;
	[tilespmem:$0xAA00] =	vst v63  }
0x43b: {  	s25 =	sadd.s32 $0x1, s25;
	_ =	swait.ge [sflag:s14], $0x400  }
0x43c: {  	p0 =	sne.s32 s25, s13;
	[sflag:s14] =	ssyncset.done $0x0  }
.Ltmp17:
0x43d: {  	[sflag:s14] =	ssyncadd.s32 $0xFFFFFC00;
	(pc) =	sbr.rel @p0 .LBB2_1-.Ltmp17, $4  }
0x43e: {  	[hbm4b:s12+s18] =	stream.strided.scatter [tilespmem:s24], [sflag:$0x1], $0x400, s22, s18, $0x38;
	[tilespmem:$0xAA00] =	vst v63  }
0x43f: {  	_ =	swait.ge [sflag:s14], $0x400  }
0x440: {  	[sflag:s14] =	ssyncset.done $0x0  }
0x441: {  	[sflag:s14] =	ssyncadd.s32 $0xFFFFFC00  }
0x442: {  	_ =	sfence.sel $0x180000  }
0x443: {  	[bflag:$0x0] =	sbarrier.arrive $0xFFFF  }
0x444: {  	_ =	strace $0x90000047  }
0x445: {  	s0 =	stileid.u32;
	[bflag:$0x2] =	sbarrier.arrive $0xFFFF  }
0x446: {  	p0 =	sne.s32 s0, $0x0;
	s0 =	rddreg [dreg:$0x2]  }
0x447: {  	s0 =	sadd.s32 @!p0 $0x100000, s0  }
0x448: {  	[sflag:s0] =	ssyncadd.tile.s32 @!p0 $0x1;
	_ =	shalt  }
.Lfunc_end2:
_tile_overlayer_lowered:
.L_overlay_start_2:
0x449: {  	(tag) =	ssettag $0x2  }
0x44a: {  	s0 =	rddreg [dreg:$0x0];
	s2 =	stileid.u32  }
0x44b: {  	s1 =	rddreg [dreg:$0x1];
	p0 =	sne.s32 s2, $0x0  }
0x44c: {  	s3 =	rddreg [dreg:$0x2];
	[bflag:$0x3] =	sbarrier.arrive $0xFFFF;
	s2 =	simm.s32 @!p0 $0x1C01  }
0x44d: {  	[timem:s3], [sflag:s2] =	dma.local @!p0 [hbm:s0], s1  }
0x44e: {  	s0 =	simm.s32 @!p0 $0x1  }
0x44f: {  	_ =	swait.ge @!p0 [sflag:s0], s1  }
0x450: {  	s1 =	ssub.s32 @!p0 $0x0, s1;
	[sflag:s0] =	ssyncset.done @!p0 $0x0  }
0x451: {  	[sflag:s0] =	ssyncadd.s32 @!p0 s1  }
0x452: {  	[bflag:$0x3] =	sbarrier.arrive $0xFFFF  }
0x453: {  	_ =	shalt  }

</sc_bundles>
